<compile_context>
chip_gen: v7x
topology: tpu7x:2x2x1
jax: 0.10.2.dev20260603
libtpu: 0.0.44.dev20260713+nightly
codegen_flags: <defaults>
</compile_context>

<pallas_src>
import functools

import jax
import jax.numpy as jnp
from jax import lax
from jax.experimental import pallas as pl
from jax.experimental.pallas import tpu as pltpu
from jax.experimental.pallas import tpu_sc as plsc

N = 100000
D = 128
C = 12800
NCHUNK = 8
NP = C * NCHUNK
NSC = 2
NTILE = 16
EB = 128
GR = NTILE * EB
ROWS_T = C // NTILE
E_TOT = 2 * (100000 + 50000 + 25000 + 12500 + 6250 + 3125) + 2 * 20000
E_CAP = (E_TOT // GR + 1 + NCHUNK) * GR
NSET = 15
RB = 2048
KPC = NCHUNK // NSC


def _gn_rows(x, g, b):
    mu = jnp.mean(x, axis=-1, keepdims=True)
    xc = x - mu
    var = jnp.mean(xc * xc, axis=-1, keepdims=True)
    return xc * lax.rsqrt(var + 1e-5) * g + b


def _input_body(ctr_ref, ft_ref, w1c, b1c, w2c, g1, bb1,
                w1f, b1f, w2f, g2, bb2, out_ref):
    hc = jnp.maximum(
        jnp.dot(ctr_ref[...], w1c[...], preferred_element_type=jnp.float32)
        + b1c[...], 0.0)
    fc = _gn_rows(jnp.dot(hc, w2c[...], preferred_element_type=jnp.float32),
                  g1[...], bb1[...])
    hf = jnp.maximum(
        jnp.dot(ft_ref[...], w1f[...], preferred_element_type=jnp.float32)
        + b1f[...], 0.0)
    ff = _gn_rows(jnp.dot(hf, w2f[...], preferred_element_type=jnp.float32),
                  g2[...], bb2[...])
    out_ref[...] = jnp.maximum(fc + ff, 0.0)


def _input_call(ctr8, ft8, w1c, b1c, w2c, g1, bb1, w1f, b1f, w2f, g2, bb2):
    vec = pl.BlockSpec((1, D), lambda i: (0, 0))
    mat = pl.BlockSpec((D, D), lambda i: (0, 0))
    return pl.pallas_call(
        _input_body,
        grid=(NP // RB,),
        in_specs=[
            pl.BlockSpec((RB, 8), lambda i: (i, 0)),
            pl.BlockSpec((RB, 8), lambda i: (i, 0)),
            pl.BlockSpec((8, D), lambda i: (0, 0)), vec, mat, vec, vec,
            pl.BlockSpec((8, D), lambda i: (0, 0)), vec, mat, vec, vec,
        ],
        out_specs=pl.BlockSpec((RB, D), lambda i: (i, 0)),
        out_shape=jax.ShapeDtypeStruct((NP, D), jnp.float32),
    )(ctr8, ft8, w1c, b1c, w2c, g1, bb1, w1f, b1f, w2f, g2, bb2)


def _y_body(f_ref, w_ref, out_ref):
    out_ref[...] = jnp.dot(f_ref[...], w_ref[0],
                           preferred_element_type=jnp.float32)[None]


def _y_call(feat, w_all):
    return pl.pallas_call(
        _y_body,
        grid=(NP // RB, NSET),
        in_specs=[
            pl.BlockSpec((RB, D), lambda i, s: (i, 0)),
            pl.BlockSpec((1, D, D), lambda i, s: (s, 0, 0)),
        ],
        out_specs=pl.BlockSpec((1, RB, D), lambda i, s: (s, i, 0)),
        out_shape=jax.ShapeDtypeStruct((NSET, NP, D), jnp.float32),
    )(feat, w_all)


def _post_body(t_ref, id_ref, w2, g1, b1, g2, b2, out_ref):
    t = jnp.maximum(_gn_rows(t_ref[...], g1[...], b1[...]), 0.0)
    h = _gn_rows(jnp.dot(t, w2[...], preferred_element_type=jnp.float32),
                 g2[...], b2[...])
    out_ref[...] = jnp.maximum(h + id_ref[...], 0.0)


def _post_call(temp, identity, w2, g1, b1, g2, b2):
    vec = pl.BlockSpec((1, D), lambda i: (0, 0))
    return pl.pallas_call(
        _post_body,
        grid=(NP // RB,),
        in_specs=[
            pl.BlockSpec((RB, D), lambda i: (i, 0)),
            pl.BlockSpec((RB, D), lambda i: (i, 0)),
            pl.BlockSpec((D, D), lambda i: (0, 0)), vec, vec, vec, vec,
        ],
        out_specs=pl.BlockSpec((RB, D), lambda i: (i, 0)),
        out_shape=jax.ShapeDtypeStruct((NP, D), jnp.float32),
    )(temp, identity, w2, g1, b1, g2, b2)



def _sc_body(y_ref, src_ref, u_ref, scal_ref, out_ref,
             shared, rows, idxv, uidx, scal_vmem, sem):
    cid = lax.axis_index("c")
    sid = lax.axis_index("s")
    pltpu.sync_copy(scal_ref, scal_vmem)
    for kk in range(KPC):
        k = cid * KPC + kk
        off = scal_vmem[k][0]
        nbat = scal_vmem[NCHUNK + k][0]
        row0 = k * C + sid * ROWS_T
        pltpu.sync_copy(y_ref.at[pl.ds(row0, ROWS_T)],
                        shared.at[pl.ds(sid * ROWS_T, ROWS_T)])
        plsc.subcore_barrier()
        base = off + sid * nbat * EB

        def body(j, carry):
            e = pl.multiple_of(base + j * EB, EB)
            pltpu.sync_copy(src_ref.at[pl.ds(e, EB)], idxv)
            pltpu.sync_copy(u_ref.at[pl.ds(e, EB)], uidx)
            pltpu.async_copy(y_ref.at[idxv], rows, sem).wait()
            pltpu.sync_copy(rows, shared.at[uidx], add=True)
            return carry

        lax.fori_loop(0, nbat, body, 0)
        plsc.subcore_barrier()
        pltpu.sync_copy(shared.at[pl.ds(sid * ROWS_T, ROWS_T)],
                        out_ref.at[pl.ds(row0, ROWS_T)])
        plsc.subcore_barrier()


_sc_call = functools.partial(
    pl.kernel,
    out_type=jax.ShapeDtypeStruct((NP, D), jnp.float32),
    mesh=plsc.VectorSubcoreMesh(core_axis_name="c", subcore_axis_name="s",
                                num_cores=NSC, num_subcores=NTILE),
    scratch_types=[
        pltpu.VMEM_SHARED((C + 8, D), jnp.float32),
        pltpu.VMEM((EB, D), jnp.float32),
        pltpu.VMEM((EB,), jnp.int32),
        pltpu.VMEM((EB,), jnp.int32),
        pltpu.VMEM((2 * NCHUNK, 16), jnp.int32),
        pltpu.SemaphoreType.DMA,
    ],
)(_sc_body)


def kernel(graph_ctrs, graph_feats,
           pre_u0, pre_v0, suc_u0, suc_v0,
           pre_u1, pre_v1, suc_u1, suc_v1,
           pre_u2, pre_v2, suc_u2, suc_v2,
           pre_u3, pre_v3, suc_u3, suc_v3,
           pre_u4, pre_v4, suc_u4, suc_v4,
           pre_u5, pre_v5, suc_u5, suc_v5,
           left_u, left_v, right_u, right_v,
           W_ic1, b_ic1, W_ic2, g_ic, b_ic,
           W_if1, b_if1, W_if2, g_if, b_if,
           W_ctr, W_pre, W_suc, W_left, W_right,
           norm_g, norm_b, W_ctr2, ctr2_g, ctr2_b):
    f32 = jnp.float32
    i32 = jnp.int32

    ctr8 = jnp.zeros((NP, 8), f32).at[:N, :2].set(graph_ctrs)
    ft8 = jnp.zeros((NP, 8), f32).at[:N, :2].set(graph_feats)
    w1c = jnp.zeros((8, D), f32).at[:2].set(W_ic1)
    w1f = jnp.zeros((8, D), f32).at[:2].set(W_if1)
    feat = _input_call(ctr8, ft8,
                       w1c, b_ic1[None], W_ic2, g_ic[None], b_ic[None],
                       w1f, b_if1[None], W_if2, g_if[None], b_if[None])

    pre_u = [pre_u0, pre_u1, pre_u2, pre_u3, pre_u4, pre_u5]
    pre_v = [pre_v0, pre_v1, pre_v2, pre_v3, pre_v4, pre_v5]
    suc_u = [suc_u0, suc_u1, suc_u2, suc_u3, suc_u4, suc_u5]
    suc_v = [suc_v0, suc_v1, suc_v2, suc_v3, suc_v4, suc_v5]
    u_all = jnp.concatenate(
        [x.astype(i32) for x in (pre_u + suc_u + [left_u, right_u])])
    src_parts = (
        [(1 + s) * NP + pre_v[s].astype(i32) for s in range(6)]
        + [(7 + s) * NP + suc_v[s].astype(i32) for s in range(6)]
        + [13 * NP + left_v.astype(i32), 14 * NP + right_v.astype(i32)])
    src_all = jnp.concatenate(src_parts)

    chunk = u_all // C
    u_loc = u_all - chunk * C
    ch_s, src_s, ul_s = lax.sort([chunk, src_all, u_loc], num_keys=1)
    bound = jnp.searchsorted(ch_s, jnp.arange(NCHUNK + 1, dtype=i32))
    cnt = (bound[1:] - bound[:-1]).astype(i32)
    start = bound[:-1].astype(i32)
    cnt_pad = ((cnt + GR - 1) // GR) * GR
    off_p = jnp.concatenate(
        [jnp.zeros((1,), i32), jnp.cumsum(cnt_pad).astype(i32)])[:NCHUNK]
    t = jnp.arange(E_CAP, dtype=i32)
    k_of_t = jnp.sum(
        (t[:, None] >= off_p[None, :]).astype(i32), axis=1) - 1
    j = t - off_p[k_of_t]
    valid = j < cnt[k_of_t]
    src_idx = start[k_of_t] + jnp.where(valid, j, 0)
    srcP = jnp.where(valid, src_s[src_idx], 0)
    uP = jnp.where(valid, ul_s[src_idx], C)
    mb = (cnt_pad // GR).astype(i32)
    scal = jnp.broadcast_to(
        jnp.concatenate([off_p, mb]).astype(i32)[:, None], (2 * NCHUNK, 16))

    identity = feat
    for i in range(4):
        w_all = jnp.concatenate(
            [W_ctr[i][None], W_pre[i], W_suc[i],
             W_left[i][None], W_right[i][None]], axis=0)
        y = _y_call(feat, w_all)
        temp = _sc_call(y.reshape(NSET * NP, D), srcP, uP, scal)
        feat = _post_call(temp, identity, W_ctr2[i],
                          norm_g[i][None], norm_b[i][None],
                          ctr2_g[i][None], ctr2_b[i][None])
        identity = feat
    return feat[:N]

# --- scband reference (transcript-rebuilt; emitter-appended) ---
"""Pipeline reference for scband-map-net-52776558133729 (READ-ONLY COPY).

The authoritative reference and input builder live on the scoring server;
editing this copy changes nothing except your own understanding.
"""

import jax, jax.numpy as jnp
import numpy as np

N = 100000
D = 128
E_SCALES = [100000, 50000, 25000, 12500, 6250, 3125]
E_SIDE = 20000
NUM_BLOCKS = 4

def _k(i):
    return jax.random.fold_in(jax.random.key(0), i)

def _gn(x, g, b):
    # GroupNorm with num_groups=1 over channel dim (affine), eps=1e-5, biased variance
    mu = jnp.mean(x, axis=-1, keepdims=True)
    var = jnp.var(x, axis=-1, keepdims=True)
    return (x - mu) / jnp.sqrt(var + 1e-5) * g + b

def setup_inputs() -> dict:
    inp = {}
    inp["graph_ctrs"] = jax.random.normal(_k(1), (N, 2), dtype=jnp.float32)
    inp["graph_feats"] = jax.random.normal(_k(2), (N, 2), dtype=jnp.float32)
    c = 10
    for s, e in enumerate(E_SCALES):
        for pref in ("pre", "suc"):
            inp[pref + "_u" + str(s)] = jax.random.randint(_k(c), (e,), 0, N); c += 1
            inp[pref + "_v" + str(s)] = jax.random.randint(_k(c), (e,), 0, N); c += 1
    for name in ("left_u", "left_v", "right_u", "right_v"):
        inp[name] = jax.random.randint(_k(c), (E_SIDE,), 0, N); c += 1
    sc = 0.05
    inp["W_ic1"] = jax.random.normal(_k(100), (2, D), dtype=jnp.float32) * sc
    inp["b_ic1"] = jnp.zeros((D,), dtype=jnp.float32)
    inp["W_ic2"] = jax.random.normal(_k(101), (D, D), dtype=jnp.float32) * sc
    inp["g_ic"] = jnp.ones((D,), dtype=jnp.float32)
    inp["b_ic"] = jnp.zeros((D,), dtype=jnp.float32)
    inp["W_if1"] = jax.random.normal(_k(102), (2, D), dtype=jnp.float32) * sc
    inp["b_if1"] = jnp.zeros((D,), dtype=jnp.float32)
    inp["W_if2"] = jax.random.normal(_k(103), (D, D), dtype=jnp.float32) * sc
    inp["g_if"] = jnp.ones((D,), dtype=jnp.float32)
    inp["b_if"] = jnp.zeros((D,), dtype=jnp.float32)
    inp["W_ctr"] = jax.random.normal(_k(110), (NUM_BLOCKS, D, D), dtype=jnp.float32) * sc
    inp["W_pre"] = jax.random.normal(_k(111), (NUM_BLOCKS, 6, D, D), dtype=jnp.float32) * sc
    inp["W_suc"] = jax.random.normal(_k(112), (NUM_BLOCKS, 6, D, D), dtype=jnp.float32) * sc
    inp["W_left"] = jax.random.normal(_k(113), (NUM_BLOCKS, D, D), dtype=jnp.float32) * sc
    inp["W_right"] = jax.random.normal(_k(114), (NUM_BLOCKS, D, D), dtype=jnp.float32) * sc
    inp["norm_g"] = jnp.ones((NUM_BLOCKS, D), dtype=jnp.float32)
    inp["norm_b"] = jnp.zeros((NUM_BLOCKS, D), dtype=jnp.float32)
    inp["W_ctr2"] = jax.random.normal(_k(115), (NUM_BLOCKS, D, D), dtype=jnp.float32) * sc
    inp["ctr2_g"] = jnp.ones((NUM_BLOCKS, D), dtype=jnp.float32)
    inp["ctr2_b"] = jnp.zeros((NUM_BLOCKS, D), dtype=jnp.float32)
    return inp

def _forward(d):
    # input_ctrs: Linear(2,D) + ReLU + MLP(Linear(D,D,bias=False) + GN)
    h = jax.nn.relu(d["graph_ctrs"] @ d["W_ic1"] + d["b_ic1"])
    feat = _gn(h @ d["W_ic2"], d["g_ic"], d["b_ic"])
    # input_feats
    h = jax.nn.relu(d["graph_feats"] @ d["W_if1"] + d["b_if1"])
    feat = feat + _gn(h @ d["W_if2"], d["g_if"], d["b_if"])
    feat = jax.nn.relu(feat)
    identity = feat
    for i in range(NUM_BLOCKS):
        temp = feat @ d["W_ctr"][i]
        for s in range(6):
            temp = temp.at[d["pre_u" + str(s)]].add(feat[d["pre_v" + str(s)]] @ d["W_pre"][i, s])
            temp = temp.at[d["suc_u" + str(s)]].add(feat[d["suc_v" + str(s)]] @ d["W_suc"][i, s])
        temp = temp.at[d["left_u"]].add(feat[d["left_v"]] @ d["W_left"][i])
        temp = temp.at[d["right_u"]].add(feat[d["right_v"]] @ d["W_right"][i])
        feat = jax.nn.relu(_gn(temp, d["norm_g"][i], d["norm_b"][i]))
        feat = _gn(feat @ d["W_ctr2"][i], d["ctr2_g"][i], d["ctr2_b"][i])
        feat = jax.nn.relu(feat + identity)
        identity = feat
    return feat

def reference(graph_ctrs, graph_feats,
              pre_u0, pre_v0, suc_u0, suc_v0,
              pre_u1, pre_v1, suc_u1, suc_v1,
              pre_u2, pre_v2, suc_u2, suc_v2,
              pre_u3, pre_v3, suc_u3, suc_v3,
              pre_u4, pre_v4, suc_u4, suc_v4,
              pre_u5, pre_v5, suc_u5, suc_v5,
              left_u, left_v, right_u, right_v,
              W_ic1, b_ic1, W_ic2, g_ic, b_ic,
              W_if1, b_if1, W_if2, g_if, b_if,
              W_ctr, W_pre, W_suc, W_left, W_right,
              norm_g, norm_b, W_ctr2, ctr2_g, ctr2_b):
    return _forward(dict(locals()))

if __name__ == "__main__":
    import jax
    _d = setup_inputs()
    print(jax.jit(kernel)(*tuple(_d.values())))

</pallas_src>

<mosaic_0001>
#map = affine_map<(d0, d1) -> (0, 0)>
#map1 = affine_map<(d0, d1) -> (0)>
module attributes {stable_mosaic.version = 14 : i64} {
  func.func @_sc_body(%arg0: i32, %arg1: i32, %arg2: memref<1536000x128xf32, #tpu.memory_space<hbm>>, %arg3: memref<450560xi32, #tpu.memory_space<hbm>>, %arg4: memref<450560xi32, #tpu.memory_space<hbm>>, %arg5: memref<16x16xi32, #tpu.memory_space<hbm>>, %arg6: memref<102400x128xf32, #tpu.memory_space<hbm>>, %arg7: memref<12808x128xf32, #tpu.memory_space<vmem_shared>>, %arg8: memref<128x128xf32, #tpu.memory_space<vmem>>, %arg9: memref<128xi32, #tpu.memory_space<vmem>>, %arg10: memref<128xi32, #tpu.memory_space<vmem>>, %arg11: memref<16x16xi32, #tpu.memory_space<vmem>>, %arg12: memref<!tpu.dma_semaphore, #tpu.memory_space<semaphore_mem>>) attributes {dimension_semantics = [#tpu.dimension_semantics<core_parallel>, #tpu.dimension_semantics<subcore_parallel>], iteration_bounds = array<i64: 2, 16>, scalar_prefetch = 0 : i64, scratch_operands = 6 : i64, tpu.core_type = #tpu.core_type<sc_vector_subcore>, window_params = [{transform_indices = #map}, {transform_indices = #map1}, {transform_indices = #map1}, {transform_indices = #map}, {transform_indices = #map}]} {
    "tpu.region"() ({
      %run_scoped3A = tpu.sem_alloc : memref<!tpu.dma_semaphore, #tpu.memory_space<semaphore_mem>>
      tpu.enqueue_dma source(%arg5 : memref<16x16xi32, #tpu.memory_space<hbm>>) target(%arg11 : memref<16x16xi32, #tpu.memory_space<vmem>>) target_semaphore(%run_scoped3A : memref<!tpu.dma_semaphore, #tpu.memory_space<semaphore_mem>>)
      tpu.wait_dma2 semaphore(%run_scoped3A : memref<!tpu.dma_semaphore, #tpu.memory_space<semaphore_mem>>) src(%arg5 : memref<16x16xi32, #tpu.memory_space<hbm>>) dst(%arg11 : memref<16x16xi32, #tpu.memory_space<vmem>>)
      tpu.yield
    }) : () -> ()
    %mul3A = arith.constant 4 : i32
    %mul3A_0 = arith.muli %arg0, %mul3A : i32
    %add3A = arith.constant 0 : i32
    %add3A_1 = arith.addi %mul3A_0, %add3A : i32
    %get3A = arith.index_cast %add3A_1 : i32 to index
    %get3A_2 = arith.constant 0 : index
    %get3A_3 = tpu.vector_load %arg11[%get3A, %get3A_2] {strides = array<i32>} : memref<16x16xi32, #tpu.memory_space<vmem>>, vector<1x16xi32>,
    %get3A_4 = vector.shape_cast %get3A_3 : vector<1x16xi32> to vector<16xi32>
    %slice3A = vector.extract_strided_slice %get3A_4 {offsets = [0], sizes = [1], strides = [1]} : vector<16xi32> to vector<1xi32>
    %squeeze3A = vector.extract %slice3A[0] : i32 from vector<1xi32>
    %add3A_5 = arith.constant 8 : i32
    %add3A_6 = arith.addi %add3A_5, %add3A_1 : i32
    %get3A_7 = arith.index_cast %add3A_6 : i32 to index
    %get3A_8 = arith.constant 0 : index
    %get3A_9 = tpu.vector_load %arg11[%get3A_7, %get3A_8] {strides = array<i32>} : memref<16x16xi32, #tpu.memory_space<vmem>>, vector<1x16xi32>,
    %get3A_10 = vector.shape_cast %get3A_9 : vector<1x16xi32> to vector<16xi32>
    %slice3A_11 = vector.extract_strided_slice %get3A_10 {offsets = [0], sizes = [1], strides = [1]} : vector<16xi32> to vector<1xi32>
    %squeeze3A_12 = vector.extract %slice3A_11[0] : i32 from vector<1xi32>
    %mul3A_13 = arith.constant 12800 : i32
    %mul3A_14 = arith.muli %add3A_1, %mul3A_13 : i32
    %mul3A_15 = arith.constant 800 : i32
    %mul3A_16 = arith.muli %arg1, %mul3A_15 : i32
    %add3A_17 = arith.addi %mul3A_14, %mul3A_16 : i32
    %mul3A_18 = arith.constant 800 : i32
    %mul3A_19 = arith.muli %arg1, %mul3A_18 : i32
    "tpu.region"() ({
      %run_scoped3A = tpu.sem_alloc : memref<!tpu.dma_semaphore, #tpu.memory_space<semaphore_mem>>
      %dma_start3A = arith.constant 0 : i32
      %dma_start3A_169 = tpu.memref_slice %arg7[%mul3A_19, %dma_start3A] : memref<12808x128xf32, #tpu.memory_space<vmem_shared>> -> memref<800x128xf32, #tpu.memory_space<vmem_shared>>
      %dma_start3A_170 = arith.constant 0 : i32
      %dma_start3A_171 = tpu.memref_slice %arg2[%add3A_17, %dma_start3A_170] : memref<1536000x128xf32, #tpu.memory_space<hbm>> -> memref<800x128xf32, #tpu.memory_space<hbm>>
      tpu.enqueue_dma source(%dma_start3A_171 : memref<800x128xf32, #tpu.memory_space<hbm>>) target(%dma_start3A_169 : memref<800x128xf32, #tpu.memory_space<vmem_shared>>) target_semaphore(%run_scoped3A : memref<!tpu.dma_semaphore, #tpu.memory_space<semaphore_mem>>)
      %dma_wait3A = arith.constant 0 : i32
      %dma_wait3A_172 = tpu.memref_slice %arg7[%mul3A_19, %dma_wait3A] : memref<12808x128xf32, #tpu.memory_space<vmem_shared>> -> memref<800x128xf32, #tpu.memory_space<vmem_shared>>
      %dma_wait3A_173 = arith.constant 0 : i32
      %dma_wait3A_174 = tpu.memref_slice %arg2[%add3A_17, %dma_wait3A_173] : memref<1536000x128xf32, #tpu.memory_space<hbm>> -> memref<800x128xf32, #tpu.memory_space<hbm>>
      tpu.wait_dma2 semaphore(%run_scoped3A : memref<!tpu.dma_semaphore, #tpu.memory_space<semaphore_mem>>) src(%dma_wait3A_174 : memref<800x128xf32, #tpu.memory_space<hbm>>) dst(%dma_wait3A_172 : memref<800x128xf32, #tpu.memory_space<vmem_shared>>)
      tpu.yield
    }) : () -> ()
    %barrier3A = arith.constant 0 : index
    tpu.barrier barrier_id(%barrier3A)
    %mul3A_20 = arith.muli %arg1, %squeeze3A_12 : i32
    %mul3A_21 = arith.constant 128 : i32
    %mul3A_22 = arith.muli %mul3A_20, %mul3A_21 : i32
    %add3A_23 = arith.addi %squeeze3A, %mul3A_22 : i32
    %while3A = arith.constant 0 : i32
    %while3A_24 = arith.constant 0 : i32
    %while3A_25 = arith.subi %squeeze3A_12, %while3A_24 : i32
    %while3A_26 = arith.addi %while3A_24, %while3A_25 : i32
    %while3A_27 = arith.constant 1 : i32
    %while3A_28 = arith.divsi %while3A_25, %while3A_27 : i32
    %while3A_29 = arith.muli %while3A_28, %while3A_27 : i32
    %while3A_30 = arith.addi %while3A_24, %while3A_29 : i32
    %while3A_31 = arith.constant 1 : i32
    scf.for %while3A_169 = %while3A_24 to %while3A_30 step %while3A_31  : i32 {
      %mul3A_170 = arith.constant 128 : i32
      %mul3A_171 = arith.muli %while3A_169, %mul3A_170 : i32
      %add3A_172 = arith.addi %add3A_23, %mul3A_171 : i32
      %multiple_of3A = tpu.assume_multiple %add3A_172, 128 : i32
      "tpu.region"() ({
        %run_scoped3A = tpu.sem_alloc : memref<!tpu.dma_semaphore, #tpu.memory_space<semaphore_mem>>
        %dma_start3A_177 = tpu.memref_slice %arg3[%multiple_of3A] : memref<450560xi32, #tpu.memory_space<hbm>> -> memref<128xi32, #tpu.memory_space<hbm>>
        %dma_start3A_178 = tpu.memref_slice %arg3[%multiple_of3A] : memref<450560xi32, #tpu.memory_space<hbm>> -> memref<128xi32, #tpu.memory_space<hbm>>
        tpu.enqueue_dma source(%dma_start3A_178 : memref<128xi32, #tpu.memory_space<hbm>>) target(%arg9 : memref<128xi32, #tpu.memory_space<vmem>>) target_semaphore(%run_scoped3A : memref<!tpu.dma_semaphore, #tpu.memory_space<semaphore_mem>>)
        %dma_wait3A_179 = tpu.memref_slice %arg3[%multiple_of3A] : memref<450560xi32, #tpu.memory_space<hbm>> -> memref<128xi32, #tpu.memory_space<hbm>>
        %dma_wait3A_180 = tpu.memref_slice %arg3[%multiple_of3A] : memref<450560xi32, #tpu.memory_space<hbm>> -> memref<128xi32, #tpu.memory_space<hbm>>
        tpu.wait_dma2 semaphore(%run_scoped3A : memref<!tpu.dma_semaphore, #tpu.memory_space<semaphore_mem>>) src(%dma_wait3A_180 : memref<128xi32, #tpu.memory_space<hbm>>) dst(%arg9 : memref<128xi32, #tpu.memory_space<vmem>>)
        tpu.yield
      }) : () -> ()
      "tpu.region"() ({
        %run_scoped3A = tpu.sem_alloc : memref<!tpu.dma_semaphore, #tpu.memory_space<semaphore_mem>>
        %dma_start3A_177 = tpu.memref_slice %arg4[%multiple_of3A] : memref<450560xi32, #tpu.memory_space<hbm>> -> memref<128xi32, #tpu.memory_space<hbm>>
        %dma_start3A_178 = tpu.memref_slice %arg4[%multiple_of3A] : memref<450560xi32, #tpu.memory_space<hbm>> -> memref<128xi32, #tpu.memory_space<hbm>>
        tpu.enqueue_dma source(%dma_start3A_178 : memref<128xi32, #tpu.memory_space<hbm>>) target(%arg10 : memref<128xi32, #tpu.memory_space<vmem>>) target_semaphore(%run_scoped3A : memref<!tpu.dma_semaphore, #tpu.memory_space<semaphore_mem>>)
        %dma_wait3A_179 = tpu.memref_slice %arg4[%multiple_of3A] : memref<450560xi32, #tpu.memory_space<hbm>> -> memref<128xi32, #tpu.memory_space<hbm>>
        %dma_wait3A_180 = tpu.memref_slice %arg4[%multiple_of3A] : memref<450560xi32, #tpu.memory_space<hbm>> -> memref<128xi32, #tpu.memory_space<hbm>>
        tpu.wait_dma2 semaphore(%run_scoped3A : memref<!tpu.dma_semaphore, #tpu.memory_space<semaphore_mem>>) src(%dma_wait3A_180 : memref<128xi32, #tpu.memory_space<hbm>>) dst(%arg10 : memref<128xi32, #tpu.memory_space<vmem>>)
        tpu.yield
      }) : () -> ()
      %dma_start3A = arith.constant 0 : i32
      %dma_start3A_173 = arith.constant 0 : i32
      %dma_start3A_174 = tpu.memref_slice %arg2[%dma_start3A, %dma_start3A_173] : memref<1536000x128xf32, #tpu.memory_space<hbm>> -> memref<1536000x128xf32, #tpu.memory_space<hbm>>
      tpu.enqueue_indirect_dma source(%dma_start3A_174 : memref<1536000x128xf32, #tpu.memory_space<hbm>>) target(%arg8 : memref<128x128xf32, #tpu.memory_space<vmem>>) offsets(%arg9 : memref<128xi32, #tpu.memory_space<vmem>>) semaphore(%arg12 : memref<!tpu.dma_semaphore, #tpu.memory_space<semaphore_mem>>)
      %dma_wait3A = arith.constant 0 : i32
      %dma_wait3A_175 = arith.constant 0 : i32
      %dma_wait3A_176 = tpu.memref_slice %arg2[%dma_wait3A, %dma_wait3A_175] : memref<1536000x128xf32, #tpu.memory_space<hbm>> -> memref<1536000x128xf32, #tpu.memory_space<hbm>>
      tpu.wait_indirect_dma semaphore(%arg12 : memref<!tpu.dma_semaphore, #tpu.memory_space<semaphore_mem>>) src(%dma_wait3A_176 : memref<1536000x128xf32, #tpu.memory_space<hbm>>) dst(%arg8 : memref<128x128xf32, #tpu.memory_space<vmem>>)
      "tpu.region"() ({
        %run_scoped3A = tpu.sem_alloc : memref<!tpu.dma_semaphore, #tpu.memory_space<semaphore_mem>>
        %dma_start3A_177 = arith.constant 0 : i32
        %dma_start3A_178 = arith.constant 0 : i32
        %dma_start3A_179 = tpu.memref_slice %arg7[%dma_start3A_177, %dma_start3A_178] : memref<12808x128xf32, #tpu.memory_space<vmem_shared>> -> memref<12808x128xf32, #tpu.memory_space<vmem_shared>>
        tpu.enqueue_indirect_dma source(%arg8 : memref<128x128xf32, #tpu.memory_space<vmem>>) target(%dma_start3A_179 : memref<12808x128xf32, #tpu.memory_space<vmem_shared>>) offsets(%arg10 : memref<128xi32, #tpu.memory_space<vmem>>) semaphore(%run_scoped3A : memref<!tpu.dma_semaphore, #tpu.memory_space<semaphore_mem>>) {add = true}
        %dma_wait3A_180 = arith.constant 0 : i32
        %dma_wait3A_181 = arith.constant 0 : i32
        %dma_wait3A_182 = tpu.memref_slice %arg7[%dma_wait3A_180, %dma_wait3A_181] : memref<12808x128xf32, #tpu.memory_space<vmem_shared>> -> memref<12808x128xf32, #tpu.memory_space<vmem_shared>>
        tpu.wait_indirect_dma semaphore(%run_scoped3A : memref<!tpu.dma_semaphore, #tpu.memory_space<semaphore_mem>>) src(%arg8 : memref<128x128xf32, #tpu.memory_space<vmem>>) dst(%dma_wait3A_182 : memref<12808x128xf32, #tpu.memory_space<vmem_shared>>)
        tpu.yield
      }) : () -> ()
    }
    %while3A_32 = arith.constant 1 : i32
    scf.for %while3A_169 = %while3A_30 to %while3A_26 step %while3A_32  : i32 {
      %mul3A_170 = arith.constant 128 : i32
      %mul3A_171 = arith.muli %while3A_169, %mul3A_170 : i32
      %add3A_172 = arith.addi %add3A_23, %mul3A_171 : i32
      %multiple_of3A = tpu.assume_multiple %add3A_172, 128 : i32
      "tpu.region"() ({
        %run_scoped3A = tpu.sem_alloc : memref<!tpu.dma_semaphore, #tpu.memory_space<semaphore_mem>>
        %dma_start3A_177 = tpu.memref_slice %arg3[%multiple_of3A] : memref<450560xi32, #tpu.memory_space<hbm>> -> memref<128xi32, #tpu.memory_space<hbm>>
        %dma_start3A_178 = tpu.memref_slice %arg3[%multiple_of3A] : memref<450560xi32, #tpu.memory_space<hbm>> -> memref<128xi32, #tpu.memory_space<hbm>>
        tpu.enqueue_dma source(%dma_start3A_178 : memref<128xi32, #tpu.memory_space<hbm>>) target(%arg9 : memref<128xi32, #tpu.memory_space<vmem>>) target_semaphore(%run_scoped3A : memref<!tpu.dma_semaphore, #tpu.memory_space<semaphore_mem>>)
        %dma_wait3A_179 = tpu.memref_slice %arg3[%multiple_of3A] : memref<450560xi32, #tpu.memory_space<hbm>> -> memref<128xi32, #tpu.memory_space<hbm>>
        %dma_wait3A_180 = tpu.memref_slice %arg3[%multiple_of3A] : memref<450560xi32, #tpu.memory_space<hbm>> -> memref<128xi32, #tpu.memory_space<hbm>>
        tpu.wait_dma2 semaphore(%run_scoped3A : memref<!tpu.dma_semaphore, #tpu.memory_space<semaphore_mem>>) src(%dma_wait3A_180 : memref<128xi32, #tpu.memory_space<hbm>>) dst(%arg9 : memref<128xi32, #tpu.memory_space<vmem>>)
        tpu.yield
      }) : () -> ()
      "tpu.region"() ({
        %run_scoped3A = tpu.sem_alloc : memref<!tpu.dma_semaphore, #tpu.memory_space<semaphore_mem>>
        %dma_start3A_177 = tpu.memref_slice %arg4[%multiple_of3A] : memref<450560xi32, #tpu.memory_space<hbm>> -> memref<128xi32, #tpu.memory_space<hbm>>
        %dma_start3A_178 = tpu.memref_slice %arg4[%multiple_of3A] : memref<450560xi32, #tpu.memory_space<hbm>> -> memref<128xi32, #tpu.memory_space<hbm>>
        tpu.enqueue_dma source(%dma_start3A_178 : memref<128xi32, #tpu.memory_space<hbm>>) target(%arg10 : memref<128xi32, #tpu.memory_space<vmem>>) target_semaphore(%run_scoped3A : memref<!tpu.dma_semaphore, #tpu.memory_space<semaphore_mem>>)
        %dma_wait3A_179 = tpu.memref_slice %arg4[%multiple_of3A] : memref<450560xi32, #tpu.memory_space<hbm>> -> memref<128xi32, #tpu.memory_space<hbm>>
        %dma_wait3A_180 = tpu.memref_slice %arg4[%multiple_of3A] : memref<450560xi32, #tpu.memory_space<hbm>> -> memref<128xi32, #tpu.memory_space<hbm>>
        tpu.wait_dma2 semaphore(%run_scoped3A : memref<!tpu.dma_semaphore, #tpu.memory_space<semaphore_mem>>) src(%dma_wait3A_180 : memref<128xi32, #tpu.memory_space<hbm>>) dst(%arg10 : memref<128xi32, #tpu.memory_space<vmem>>)
        tpu.yield
      }) : () -> ()
      %dma_start3A = arith.constant 0 : i32
      %dma_start3A_173 = arith.constant 0 : i32
      %dma_start3A_174 = tpu.memref_slice %arg2[%dma_start3A, %dma_start3A_173] : memref<1536000x128xf32, #tpu.memory_space<hbm>> -> memref<1536000x128xf32, #tpu.memory_space<hbm>>
      tpu.enqueue_indirect_dma source(%dma_start3A_174 : memref<1536000x128xf32, #tpu.memory_space<hbm>>) target(%arg8 : memref<128x128xf32, #tpu.memory_space<vmem>>) offsets(%arg9 : memref<128xi32, #tpu.memory_space<vmem>>) semaphore(%arg12 : memref<!tpu.dma_semaphore, #tpu.memory_space<semaphore_mem>>)
      %dma_wait3A = arith.constant 0 : i32
      %dma_wait3A_175 = arith.constant 0 : i32
      %dma_wait3A_176 = tpu.memref_slice %arg2[%dma_wait3A, %dma_wait3A_175] : memref<1536000x128xf32, #tpu.memory_space<hbm>> -> memref<1536000x128xf32, #tpu.memory_space<hbm>>
      tpu.wait_indirect_dma semaphore(%arg12 : memref<!tpu.dma_semaphore, #tpu.memory_space<semaphore_mem>>) src(%dma_wait3A_176 : memref<1536000x128xf32, #tpu.memory_space<hbm>>) dst(%arg8 : memref<128x128xf32, #tpu.memory_space<vmem>>)
      "tpu.region"() ({
        %run_scoped3A = tpu.sem_alloc : memref<!tpu.dma_semaphore, #tpu.memory_space<semaphore_mem>>
        %dma_start3A_177 = arith.constant 0 : i32
        %dma_start3A_178 = arith.constant 0 : i32
        %dma_start3A_179 = tpu.memref_slice %arg7[%dma_start3A_177, %dma_start3A_178] : memref<12808x128xf32, #tpu.memory_space<vmem_shared>> -> memref<12808x128xf32, #tpu.memory_space<vmem_shared>>
        tpu.enqueue_indirect_dma source(%arg8 : memref<128x128xf32, #tpu.memory_space<vmem>>) target(%dma_start3A_179 : memref<12808x128xf32, #tpu.memory_space<vmem_shared>>) offsets(%arg10 : memref<128xi32, #tpu.memory_space<vmem>>) semaphore(%run_scoped3A : memref<!tpu.dma_semaphore, #tpu.memory_space<semaphore_mem>>) {add = true}
        %dma_wait3A_180 = arith.constant 0 : i32
        %dma_wait3A_181 = arith.constant 0 : i32
        %dma_wait3A_182 = tpu.memref_slice %arg7[%dma_wait3A_180, %dma_wait3A_181] : memref<12808x128xf32, #tpu.memory_space<vmem_shared>> -> memref<12808x128xf32, #tpu.memory_space<vmem_shared>>
        tpu.wait_indirect_dma semaphore(%run_scoped3A : memref<!tpu.dma_semaphore, #tpu.memory_space<semaphore_mem>>) src(%arg8 : memref<128x128xf32, #tpu.memory_space<vmem>>) dst(%dma_wait3A_182 : memref<12808x128xf32, #tpu.memory_space<vmem_shared>>)
        tpu.yield
      }) : () -> ()
    }
    %barrier3A_33 = arith.constant 0 : index
    tpu.barrier barrier_id(%barrier3A_33)
    %mul3A_34 = arith.constant 800 : i32
    %mul3A_35 = arith.muli %arg1, %mul3A_34 : i32
    "tpu.region"() ({
      %run_scoped3A = tpu.sem_alloc : memref<!tpu.dma_semaphore, #tpu.memory_space<semaphore_mem>>
      %dma_start3A = arith.constant 0 : i32
      %dma_start3A_169 = tpu.memref_slice %arg6[%add3A_17, %dma_start3A] : memref<102400x128xf32, #tpu.memory_space<hbm>> -> memref<800x128xf32, #tpu.memory_space<hbm>>
      %dma_start3A_170 = arith.constant 0 : i32
      %dma_start3A_171 = tpu.memref_slice %arg7[%mul3A_35, %dma_start3A_170] : memref<12808x128xf32, #tpu.memory_space<vmem_shared>> -> memref<800x128xf32, #tpu.memory_space<vmem_shared>>
      tpu.enqueue_dma source(%dma_start3A_171 : memref<800x128xf32, #tpu.memory_space<vmem_shared>>) target(%dma_start3A_169 : memref<800x128xf32, #tpu.memory_space<hbm>>) target_semaphore(%run_scoped3A : memref<!tpu.dma_semaphore, #tpu.memory_space<semaphore_mem>>)
      %dma_wait3A = arith.constant 0 : i32
      %dma_wait3A_172 = tpu.memref_slice %arg6[%add3A_17, %dma_wait3A] : memref<102400x128xf32, #tpu.memory_space<hbm>> -> memref<800x128xf32, #tpu.memory_space<hbm>>
      %dma_wait3A_173 = arith.constant 0 : i32
      %dma_wait3A_174 = tpu.memref_slice %arg7[%mul3A_35, %dma_wait3A_173] : memref<12808x128xf32, #tpu.memory_space<vmem_shared>> -> memref<800x128xf32, #tpu.memory_space<vmem_shared>>
      tpu.wait_dma2 semaphore(%run_scoped3A : memref<!tpu.dma_semaphore, #tpu.memory_space<semaphore_mem>>) src(%dma_wait3A_174 : memref<800x128xf32, #tpu.memory_space<vmem_shared>>) dst(%dma_wait3A_172 : memref<800x128xf32, #tpu.memory_space<hbm>>)
      tpu.yield
    }) : () -> ()
    %barrier3A_36 = arith.constant 0 : index
    tpu.barrier barrier_id(%barrier3A_36)
    %mul3A_37 = arith.constant 4 : i32
    %mul3A_38 = arith.muli %arg0, %mul3A_37 : i32
    %add3A_39 = arith.constant 1 : i32
    %add3A_40 = arith.addi %mul3A_38, %add3A_39 : i32
    %get3A_41 = arith.index_cast %add3A_40 : i32 to index
    %get3A_42 = arith.constant 0 : index
    %get3A_43 = tpu.vector_load %arg11[%get3A_41, %get3A_42] {strides = array<i32>} : memref<16x16xi32, #tpu.memory_space<vmem>>, vector<1x16xi32>,
    %get3A_44 = vector.shape_cast %get3A_43 : vector<1x16xi32> to vector<16xi32>
    %slice3A_45 = vector.extract_strided_slice %get3A_44 {offsets = [0], sizes = [1], strides = [1]} : vector<16xi32> to vector<1xi32>
    %squeeze3A_46 = vector.extract %slice3A_45[0] : i32 from vector<1xi32>
    %add3A_47 = arith.constant 8 : i32
    %add3A_48 = arith.addi %add3A_47, %add3A_40 : i32
    %get3A_49 = arith.index_cast %add3A_48 : i32 to index
    %get3A_50 = arith.constant 0 : index
    %get3A_51 = tpu.vector_load %arg11[%get3A_49, %get3A_50] {strides = array<i32>} : memref<16x16xi32, #tpu.memory_space<vmem>>, vector<1x16xi32>,
    %get3A_52 = vector.shape_cast %get3A_51 : vector<1x16xi32> to vector<16xi32>
    %slice3A_53 = vector.extract_strided_slice %get3A_52 {offsets = [0], sizes = [1], strides = [1]} : vector<16xi32> to vector<1xi32>
    %squeeze3A_54 = vector.extract %slice3A_53[0] : i32 from vector<1xi32>
    %mul3A_55 = arith.constant 12800 : i32
    %mul3A_56 = arith.muli %add3A_40, %mul3A_55 : i32
    %mul3A_57 = arith.constant 800 : i32
    %mul3A_58 = arith.muli %arg1, %mul3A_57 : i32
    %add3A_59 = arith.addi %mul3A_56, %mul3A_58 : i32
    %mul3A_60 = arith.constant 800 : i32
    %mul3A_61 = arith.muli %arg1, %mul3A_60 : i32
    "tpu.region"() ({
      %run_scoped3A = tpu.sem_alloc : memref<!tpu.dma_semaphore, #tpu.memory_space<semaphore_mem>>
      %dma_start3A = arith.constant 0 : i32
      %dma_start3A_169 = tpu.memref_slice %arg7[%mul3A_61, %dma_start3A] : memref<12808x128xf32, #tpu.memory_space<vmem_shared>> -> memref<800x128xf32, #tpu.memory_space<vmem_shared>>
      %dma_start3A_170 = arith.constant 0 : i32
      %dma_start3A_171 = tpu.memref_slice %arg2[%add3A_59, %dma_start3A_170] : memref<1536000x128xf32, #tpu.memory_space<hbm>> -> memref<800x128xf32, #tpu.memory_space<hbm>>
      tpu.enqueue_dma source(%dma_start3A_171 : memref<800x128xf32, #tpu.memory_space<hbm>>) target(%dma_start3A_169 : memref<800x128xf32, #tpu.memory_space<vmem_shared>>) target_semaphore(%run_scoped3A : memref<!tpu.dma_semaphore, #tpu.memory_space<semaphore_mem>>)
      %dma_wait3A = arith.constant 0 : i32
      %dma_wait3A_172 = tpu.memref_slice %arg7[%mul3A_61, %dma_wait3A] : memref<12808x128xf32, #tpu.memory_space<vmem_shared>> -> memref<800x128xf32, #tpu.memory_space<vmem_shared>>
      %dma_wait3A_173 = arith.constant 0 : i32
      %dma_wait3A_174 = tpu.memref_slice %arg2[%add3A_59, %dma_wait3A_173] : memref<1536000x128xf32, #tpu.memory_space<hbm>> -> memref<800x128xf32, #tpu.memory_space<hbm>>
      tpu.wait_dma2 semaphore(%run_scoped3A : memref<!tpu.dma_semaphore, #tpu.memory_space<semaphore_mem>>) src(%dma_wait3A_174 : memref<800x128xf32, #tpu.memory_space<hbm>>) dst(%dma_wait3A_172 : memref<800x128xf32, #tpu.memory_space<vmem_shared>>)
      tpu.yield
    }) : () -> ()
    %barrier3A_62 = arith.constant 0 : index
    tpu.barrier barrier_id(%barrier3A_62)
    %mul3A_63 = arith.muli %arg1, %squeeze3A_54 : i32
    %mul3A_64 = arith.constant 128 : i32
    %mul3A_65 = arith.muli %mul3A_63, %mul3A_64 : i32
    %add3A_66 = arith.addi %squeeze3A_46, %mul3A_65 : i32
    %while3A_67 = arith.constant 0 : i32
    %while3A_68 = arith.constant 0 : i32
    %while3A_69 = arith.subi %squeeze3A_54, %while3A_68 : i32
    %while3A_70 = arith.addi %while3A_68, %while3A_69 : i32
    %while3A_71 = arith.constant 1 : i32
    %while3A_72 = arith.divsi %while3A_69, %while3A_71 : i32
    %while3A_73 = arith.muli %while3A_72, %while3A_71 : i32
    %while3A_74 = arith.addi %while3A_68, %while3A_73 : i32
    %while3A_75 = arith.constant 1 : i32
    scf.for %while3A_169 = %while3A_68 to %while3A_74 step %while3A_75  : i32 {
      %mul3A_170 = arith.constant 128 : i32
      %mul3A_171 = arith.muli %while3A_169, %mul3A_170 : i32
      %add3A_172 = arith.addi %add3A_66, %mul3A_171 : i32
      %multiple_of3A = tpu.assume_multiple %add3A_172, 128 : i32
      "tpu.region"() ({
        %run_scoped3A = tpu.sem_alloc : memref<!tpu.dma_semaphore, #tpu.memory_space<semaphore_mem>>
        %dma_start3A_177 = tpu.memref_slice %arg3[%multiple_of3A] : memref<450560xi32, #tpu.memory_space<hbm>> -> memref<128xi32, #tpu.memory_space<hbm>>
        %dma_start3A_178 = tpu.memref_slice %arg3[%multiple_of3A] : memref<450560xi32, #tpu.memory_space<hbm>> -> memref<128xi32, #tpu.memory_space<hbm>>
        tpu.enqueue_dma source(%dma_start3A_178 : memref<128xi32, #tpu.memory_space<hbm>>) target(%arg9 : memref<128xi32, #tpu.memory_space<vmem>>) target_semaphore(%run_scoped3A : memref<!tpu.dma_semaphore, #tpu.memory_space<semaphore_mem>>)
        %dma_wait3A_179 = tpu.memref_slice %arg3[%multiple_of3A] : memref<450560xi32, #tpu.memory_space<hbm>> -> memref<128xi32, #tpu.memory_space<hbm>>
        %dma_wait3A_180 = tpu.memref_slice %arg3[%multiple_of3A] : memref<450560xi32, #tpu.memory_space<hbm>> -> memref<128xi32, #tpu.memory_space<hbm>>
        tpu.wait_dma2 semaphore(%run_scoped3A : memref<!tpu.dma_semaphore, #tpu.memory_space<semaphore_mem>>) src(%dma_wait3A_180 : memref<128xi32, #tpu.memory_space<hbm>>) dst(%arg9 : memref<128xi32, #tpu.memory_space<vmem>>)
        tpu.yield
      }) : () -> ()
      "tpu.region"() ({
        %run_scoped3A = tpu.sem_alloc : memref<!tpu.dma_semaphore, #tpu.memory_space<semaphore_mem>>
        %dma_start3A_177 = tpu.memref_slice %arg4[%multiple_of3A] : memref<450560xi32, #tpu.memory_space<hbm>> -> memref<128xi32, #tpu.memory_space<hbm>>
        %dma_start3A_178 = tpu.memref_slice %arg4[%multiple_of3A] : memref<450560xi32, #tpu.memory_space<hbm>> -> memref<128xi32, #tpu.memory_space<hbm>>
        tpu.enqueue_dma source(%dma_start3A_178 : memref<128xi32, #tpu.memory_space<hbm>>) target(%arg10 : memref<128xi32, #tpu.memory_space<vmem>>) target_semaphore(%run_scoped3A : memref<!tpu.dma_semaphore, #tpu.memory_space<semaphore_mem>>)
        %dma_wait3A_179 = tpu.memref_slice %arg4[%multiple_of3A] : memref<450560xi32, #tpu.memory_space<hbm>> -> memref<128xi32, #tpu.memory_space<hbm>>
        %dma_wait3A_180 = tpu.memref_slice %arg4[%multiple_of3A] : memref<450560xi32, #tpu.memory_space<hbm>> -> memref<128xi32, #tpu.memory_space<hbm>>
        tpu.wait_dma2 semaphore(%run_scoped3A : memref<!tpu.dma_semaphore, #tpu.memory_space<semaphore_mem>>) src(%dma_wait3A_180 : memref<128xi32, #tpu.memory_space<hbm>>) dst(%arg10 : memref<128xi32, #tpu.memory_space<vmem>>)
        tpu.yield
      }) : () -> ()
      %dma_start3A = arith.constant 0 : i32
      %dma_start3A_173 = arith.constant 0 : i32
      %dma_start3A_174 = tpu.memref_slice %arg2[%dma_start3A, %dma_start3A_173] : memref<1536000x128xf32, #tpu.memory_space<hbm>> -> memref<1536000x128xf32, #tpu.memory_space<hbm>>
      tpu.enqueue_indirect_dma source(%dma_start3A_174 : memref<1536000x128xf32, #tpu.memory_space<hbm>>) target(%arg8 : memref<128x128xf32, #tpu.memory_space<vmem>>) offsets(%arg9 : memref<128xi32, #tpu.memory_space<vmem>>) semaphore(%arg12 : memref<!tpu.dma_semaphore, #tpu.memory_space<semaphore_mem>>)
      %dma_wait3A = arith.constant 0 : i32
      %dma_wait3A_175 = arith.constant 0 : i32
      %dma_wait3A_176 = tpu.memref_slice %arg2[%dma_wait3A, %dma_wait3A_175] : memref<1536000x128xf32, #tpu.memory_space<hbm>> -> memref<1536000x128xf32, #tpu.memory_space<hbm>>
      tpu.wait_indirect_dma semaphore(%arg12 : memref<!tpu.dma_semaphore, #tpu.memory_space<semaphore_mem>>) src(%dma_wait3A_176 : memref<1536000x128xf32, #tpu.memory_space<hbm>>) dst(%arg8 : memref<128x128xf32, #tpu.memory_space<vmem>>)
      "tpu.region"() ({
        %run_scoped3A = tpu.sem_alloc : memref<!tpu.dma_semaphore, #tpu.memory_space<semaphore_mem>>
        %dma_start3A_177 = arith.constant 0 : i32
        %dma_start3A_178 = arith.constant 0 : i32
        %dma_start3A_179 = tpu.memref_slice %arg7[%dma_start3A_177, %dma_start3A_178] : memref<12808x128xf32, #tpu.memory_space<vmem_shared>> -> memref<12808x128xf32, #tpu.memory_space<vmem_shared>>
        tpu.enqueue_indirect_dma source(%arg8 : memref<128x128xf32, #tpu.memory_space<vmem>>) target(%dma_start3A_179 : memref<12808x128xf32, #tpu.memory_space<vmem_shared>>) offsets(%arg10 : memref<128xi32, #tpu.memory_space<vmem>>) semaphore(%run_scoped3A : memref<!tpu.dma_semaphore, #tpu.memory_space<semaphore_mem>>) {add = true}
        %dma_wait3A_180 = arith.constant 0 : i32
        %dma_wait3A_181 = arith.constant 0 : i32
        %dma_wait3A_182 = tpu.memref_slice %arg7[%dma_wait3A_180, %dma_wait3A_181] : memref<12808x128xf32, #tpu.memory_space<vmem_shared>> -> memref<12808x128xf32, #tpu.memory_space<vmem_shared>>
        tpu.wait_indirect_dma semaphore(%run_scoped3A : memref<!tpu.dma_semaphore, #tpu.memory_space<semaphore_mem>>) src(%arg8 : memref<128x128xf32, #tpu.memory_space<vmem>>) dst(%dma_wait3A_182 : memref<12808x128xf32, #tpu.memory_space<vmem_shared>>)
        tpu.yield
      }) : () -> ()
    }
    %while3A_76 = arith.constant 1 : i32
    scf.for %while3A_169 = %while3A_74 to %while3A_70 step %while3A_76  : i32 {
      %mul3A_170 = arith.constant 128 : i32
      %mul3A_171 = arith.muli %while3A_169, %mul3A_170 : i32
      %add3A_172 = arith.addi %add3A_66, %mul3A_171 : i32
      %multiple_of3A = tpu.assume_multiple %add3A_172, 128 : i32
      "tpu.region"() ({
        %run_scoped3A = tpu.sem_alloc : memref<!tpu.dma_semaphore, #tpu.memory_space<semaphore_mem>>
        %dma_start3A_177 = tpu.memref_slice %arg3[%multiple_of3A] : memref<450560xi32, #tpu.memory_space<hbm>> -> memref<128xi32, #tpu.memory_space<hbm>>
        %dma_start3A_178 = tpu.memref_slice %arg3[%multiple_of3A] : memref<450560xi32, #tpu.memory_space<hbm>> -> memref<128xi32, #tpu.memory_space<hbm>>
        tpu.enqueue_dma source(%dma_start3A_178 : memref<128xi32, #tpu.memory_space<hbm>>) target(%arg9 : memref<128xi32, #tpu.memory_space<vmem>>) target_semaphore(%run_scoped3A : memref<!tpu.dma_semaphore, #tpu.memory_space<semaphore_mem>>)
        %dma_wait3A_179 = tpu.memref_slice %arg3[%multiple_of3A] : memref<450560xi32, #tpu.memory_space<hbm>> -> memref<128xi32, #tpu.memory_space<hbm>>
        %dma_wait3A_180 = tpu.memref_slice %arg3[%multiple_of3A] : memref<450560xi32, #tpu.memory_space<hbm>> -> memref<128xi32, #tpu.memory_space<hbm>>
        tpu.wait_dma2 semaphore(%run_scoped3A : memref<!tpu.dma_semaphore, #tpu.memory_space<semaphore_mem>>) src(%dma_wait3A_180 : memref<128xi32, #tpu.memory_space<hbm>>) dst(%arg9 : memref<128xi32, #tpu.memory_space<vmem>>)
        tpu.yield
      }) : () -> ()
      "tpu.region"() ({
        %run_scoped3A = tpu.sem_alloc : memref<!tpu.dma_semaphore, #tpu.memory_space<semaphore_mem>>
        %dma_start3A_177 = tpu.memref_slice %arg4[%multiple_of3A] : memref<450560xi32, #tpu.memory_space<hbm>> -> memref<128xi32, #tpu.memory_space<hbm>>
        %dma_start3A_178 = tpu.memref_slice %arg4[%multiple_of3A] : memref<450560xi32, #tpu.memory_space<hbm>> -> memref<128xi32, #tpu.memory_space<hbm>>
        tpu.enqueue_dma source(%dma_start3A_178 : memref<128xi32, #tpu.memory_space<hbm>>) target(%arg10 : memref<128xi32, #tpu.memory_space<vmem>>) target_semaphore(%run_scoped3A : memref<!tpu.dma_semaphore, #tpu.memory_space<semaphore_mem>>)
        %dma_wait3A_179 = tpu.memref_slice %arg4[%multiple_of3A] : memref<450560xi32, #tpu.memory_space<hbm>> -> memref<128xi32, #tpu.memory_space<hbm>>
        %dma_wait3A_180 = tpu.memref_slice %arg4[%multiple_of3A] : memref<450560xi32, #tpu.memory_space<hbm>> -> memref<128xi32, #tpu.memory_space<hbm>>
        tpu.wait_dma2 semaphore(%run_scoped3A : memref<!tpu.dma_semaphore, #tpu.memory_space<semaphore_mem>>) src(%dma_wait3A_180 : memref<128xi32, #tpu.memory_space<hbm>>) dst(%arg10 : memref<128xi32, #tpu.memory_space<vmem>>)
        tpu.yield
      }) : () -> ()
      %dma_start3A = arith.constant 0 : i32
      %dma_start3A_173 = arith.constant 0 : i32
      %dma_start3A_174 = tpu.memref_slice %arg2[%dma_start3A, %dma_start3A_173] : memref<1536000x128xf32, #tpu.memory_space<hbm>> -> memref<1536000x128xf32, #tpu.memory_space<hbm>>
      tpu.enqueue_indirect_dma source(%dma_start3A_174 : memref<1536000x128xf32, #tpu.memory_space<hbm>>) target(%arg8 : memref<128x128xf32, #tpu.memory_space<vmem>>) offsets(%arg9 : memref<128xi32, #tpu.memory_space<vmem>>) semaphore(%arg12 : memref<!tpu.dma_semaphore, #tpu.memory_space<semaphore_mem>>)
      %dma_wait3A = arith.constant 0 : i32
      %dma_wait3A_175 = arith.constant 0 : i32
      %dma_wait3A_176 = tpu.memref_slice %arg2[%dma_wait3A, %dma_wait3A_175] : memref<1536000x128xf32, #tpu.memory_space<hbm>> -> memref<1536000x128xf32, #tpu.memory_space<hbm>>
      tpu.wait_indirect_dma semaphore(%arg12 : memref<!tpu.dma_semaphore, #tpu.memory_space<semaphore_mem>>) src(%dma_wait3A_176 : memref<1536000x128xf32, #tpu.memory_space<hbm>>) dst(%arg8 : memref<128x128xf32, #tpu.memory_space<vmem>>)
      "tpu.region"() ({
        %run_scoped3A = tpu.sem_alloc : memref<!tpu.dma_semaphore, #tpu.memory_space<semaphore_mem>>
        %dma_start3A_177 = arith.constant 0 : i32
        %dma_start3A_178 = arith.constant 0 : i32
        %dma_start3A_179 = tpu.memref_slice %arg7[%dma_start3A_177, %dma_start3A_178] : memref<12808x128xf32, #tpu.memory_space<vmem_shared>> -> memref<12808x128xf32, #tpu.memory_space<vmem_shared>>
        tpu.enqueue_indirect_dma source(%arg8 : memref<128x128xf32, #tpu.memory_space<vmem>>) target(%dma_start3A_179 : memref<12808x128xf32, #tpu.memory_space<vmem_shared>>) offsets(%arg10 : memref<128xi32, #tpu.memory_space<vmem>>) semaphore(%run_scoped3A : memref<!tpu.dma_semaphore, #tpu.memory_space<semaphore_mem>>) {add = true}
        %dma_wait3A_180 = arith.constant 0 : i32
        %dma_wait3A_181 = arith.constant 0 : i32
        %dma_wait3A_182 = tpu.memref_slice %arg7[%dma_wait3A_180, %dma_wait3A_181] : memref<12808x128xf32, #tpu.memory_space<vmem_shared>> -> memref<12808x128xf32, #tpu.memory_space<vmem_shared>>
        tpu.wait_indirect_dma semaphore(%run_scoped3A : memref<!tpu.dma_semaphore, #tpu.memory_space<semaphore_mem>>) src(%arg8 : memref<128x128xf32, #tpu.memory_space<vmem>>) dst(%dma_wait3A_182 : memref<12808x128xf32, #tpu.memory_space<vmem_shared>>)
        tpu.yield
      }) : () -> ()
    }
    %barrier3A_77 = arith.constant 0 : index
    tpu.barrier barrier_id(%barrier3A_77)
    %mul3A_78 = arith.constant 800 : i32
    %mul3A_79 = arith.muli %arg1, %mul3A_78 : i32
    "tpu.region"() ({
      %run_scoped3A = tpu.sem_alloc : memref<!tpu.dma_semaphore, #tpu.memory_space<semaphore_mem>>
      %dma_start3A = arith.constant 0 : i32
      %dma_start3A_169 = tpu.memref_slice %arg6[%add3A_59, %dma_start3A] : memref<102400x128xf32, #tpu.memory_space<hbm>> -> memref<800x128xf32, #tpu.memory_space<hbm>>
      %dma_start3A_170 = arith.constant 0 : i32
      %dma_start3A_171 = tpu.memref_slice %arg7[%mul3A_79, %dma_start3A_170] : memref<12808x128xf32, #tpu.memory_space<vmem_shared>> -> memref<800x128xf32, #tpu.memory_space<vmem_shared>>
      tpu.enqueue_dma source(%dma_start3A_171 : memref<800x128xf32, #tpu.memory_space<vmem_shared>>) target(%dma_start3A_169 : memref<800x128xf32, #tpu.memory_space<hbm>>) target_semaphore(%run_scoped3A : memref<!tpu.dma_semaphore, #tpu.memory_space<semaphore_mem>>)
      %dma_wait3A = arith.constant 0 : i32
      %dma_wait3A_172 = tpu.memref_slice %arg6[%add3A_59, %dma_wait3A] : memref<102400x128xf32, #tpu.memory_space<hbm>> -> memref<800x128xf32, #tpu.memory_space<hbm>>
      %dma_wait3A_173 = arith.constant 0 : i32
      %dma_wait3A_174 = tpu.memref_slice %arg7[%mul3A_79, %dma_wait3A_173] : memref<12808x128xf32, #tpu.memory_space<vmem_shared>> -> memref<800x128xf32, #tpu.memory_space<vmem_shared>>
      tpu.wait_dma2 semaphore(%run_scoped3A : memref<!tpu.dma_semaphore, #tpu.memory_space<semaphore_mem>>) src(%dma_wait3A_174 : memref<800x128xf32, #tpu.memory_space<vmem_shared>>) dst(%dma_wait3A_172 : memref<800x128xf32, #tpu.memory_space<hbm>>)
      tpu.yield
    }) : () -> ()
    %barrier3A_80 = arith.constant 0 : index
    tpu.barrier barrier_id(%barrier3A_80)
    %mul3A_81 = arith.constant 4 : i32
    %mul3A_82 = arith.muli %arg0, %mul3A_81 : i32
    %add3A_83 = arith.constant 2 : i32
    %add3A_84 = arith.addi %mul3A_82, %add3A_83 : i32
    %get3A_85 = arith.index_cast %add3A_84 : i32 to index
    %get3A_86 = arith.constant 0 : index
    %get3A_87 = tpu.vector_load %arg11[%get3A_85, %get3A_86] {strides = array<i32>} : memref<16x16xi32, #tpu.memory_space<vmem>>, vector<1x16xi32>,
    %get3A_88 = vector.shape_cast %get3A_87 : vector<1x16xi32> to vector<16xi32>
    %slice3A_89 = vector.extract_strided_slice %get3A_88 {offsets = [0], sizes = [1], strides = [1]} : vector<16xi32> to vector<1xi32>
    %squeeze3A_90 = vector.extract %slice3A_89[0] : i32 from vector<1xi32>
    %add3A_91 = arith.constant 8 : i32
    %add3A_92 = arith.addi %add3A_91, %add3A_84 : i32
    %get3A_93 = arith.index_cast %add3A_92 : i32 to index
    %get3A_94 = arith.constant 0 : index
    %get3A_95 = tpu.vector_load %arg11[%get3A_93, %get3A_94] {strides = array<i32>} : memref<16x16xi32, #tpu.memory_space<vmem>>, vector<1x16xi32>,
    %get3A_96 = vector.shape_cast %get3A_95 : vector<1x16xi32> to vector<16xi32>
    %slice3A_97 = vector.extract_strided_slice %get3A_96 {offsets = [0], sizes = [1], strides = [1]} : vector<16xi32> to vector<1xi32>
    %squeeze3A_98 = vector.extract %slice3A_97[0] : i32 from vector<1xi32>
    %mul3A_99 = arith.constant 12800 : i32
    %mul3A_100 = arith.muli %add3A_84, %mul3A_99 : i32
    %mul3A_101 = arith.constant 800 : i32
    %mul3A_102 = arith.muli %arg1, %mul3A_101 : i32
    %add3A_103 = arith.addi %mul3A_100, %mul3A_102 : i32
    %mul3A_104 = arith.constant 800 : i32
    %mul3A_105 = arith.muli %arg1, %mul3A_104 : i32
    "tpu.region"() ({
      %run_scoped3A = tpu.sem_alloc : memref<!tpu.dma_semaphore, #tpu.memory_space<semaphore_mem>>
      %dma_start3A = arith.constant 0 : i32
      %dma_start3A_169 = tpu.memref_slice %arg7[%mul3A_105, %dma_start3A] : memref<12808x128xf32, #tpu.memory_space<vmem_shared>> -> memref<800x128xf32, #tpu.memory_space<vmem_shared>>
      %dma_start3A_170 = arith.constant 0 : i32
      %dma_start3A_171 = tpu.memref_slice %arg2[%add3A_103, %dma_start3A_170] : memref<1536000x128xf32, #tpu.memory_space<hbm>> -> memref<800x128xf32, #tpu.memory_space<hbm>>
      tpu.enqueue_dma source(%dma_start3A_171 : memref<800x128xf32, #tpu.memory_space<hbm>>) target(%dma_start3A_169 : memref<800x128xf32, #tpu.memory_space<vmem_shared>>) target_semaphore(%run_scoped3A : memref<!tpu.dma_semaphore, #tpu.memory_space<semaphore_mem>>)
      %dma_wait3A = arith.constant 0 : i32
      %dma_wait3A_172 = tpu.memref_slice %arg7[%mul3A_105, %dma_wait3A] : memref<12808x128xf32, #tpu.memory_space<vmem_shared>> -> memref<800x128xf32, #tpu.memory_space<vmem_shared>>
      %dma_wait3A_173 = arith.constant 0 : i32
      %dma_wait3A_174 = tpu.memref_slice %arg2[%add3A_103, %dma_wait3A_173] : memref<1536000x128xf32, #tpu.memory_space<hbm>> -> memref<800x128xf32, #tpu.memory_space<hbm>>
      tpu.wait_dma2 semaphore(%run_scoped3A : memref<!tpu.dma_semaphore, #tpu.memory_space<semaphore_mem>>) src(%dma_wait3A_174 : memref<800x128xf32, #tpu.memory_space<hbm>>) dst(%dma_wait3A_172 : memref<800x128xf32, #tpu.memory_space<vmem_shared>>)
      tpu.yield
    }) : () -> ()
    %barrier3A_106 = arith.constant 0 : index
    tpu.barrier barrier_id(%barrier3A_106)
    %mul3A_107 = arith.muli %arg1, %squeeze3A_98 : i32
    %mul3A_108 = arith.constant 128 : i32
    %mul3A_109 = arith.muli %mul3A_107, %mul3A_108 : i32
    %add3A_110 = arith.addi %squeeze3A_90, %mul3A_109 : i32
    %while3A_111 = arith.constant 0 : i32
    %while3A_112 = arith.constant 0 : i32
    %while3A_113 = arith.subi %squeeze3A_98, %while3A_112 : i32
    %while3A_114 = arith.addi %while3A_112, %while3A_113 : i32
    %while3A_115 = arith.constant 1 : i32
    %while3A_116 = arith.divsi %while3A_113, %while3A_115 : i32
    %while3A_117 = arith.muli %while3A_116, %while3A_115 : i32
    %while3A_118 = arith.addi %while3A_112, %while3A_117 : i32
    %while3A_119 = arith.constant 1 : i32
    scf.for %while3A_169 = %while3A_112 to %while3A_118 step %while3A_119  : i32 {
      %mul3A_170 = arith.constant 128 : i32
      %mul3A_171 = arith.muli %while3A_169, %mul3A_170 : i32
      %add3A_172 = arith.addi %add3A_110, %mul3A_171 : i32
      %multiple_of3A = tpu.assume_multiple %add3A_172, 128 : i32
      "tpu.region"() ({
        %run_scoped3A = tpu.sem_alloc : memref<!tpu.dma_semaphore, #tpu.memory_space<semaphore_mem>>
        %dma_start3A_177 = tpu.memref_slice %arg3[%multiple_of3A] : memref<450560xi32, #tpu.memory_space<hbm>> -> memref<128xi32, #tpu.memory_space<hbm>>
        %dma_start3A_178 = tpu.memref_slice %arg3[%multiple_of3A] : memref<450560xi32, #tpu.memory_space<hbm>> -> memref<128xi32, #tpu.memory_space<hbm>>
        tpu.enqueue_dma source(%dma_start3A_178 : memref<128xi32, #tpu.memory_space<hbm>>) target(%arg9 : memref<128xi32, #tpu.memory_space<vmem>>) target_semaphore(%run_scoped3A : memref<!tpu.dma_semaphore, #tpu.memory_space<semaphore_mem>>)
        %dma_wait3A_179 = tpu.memref_slice %arg3[%multiple_of3A] : memref<450560xi32, #tpu.memory_space<hbm>> -> memref<128xi32, #tpu.memory_space<hbm>>
        %dma_wait3A_180 = tpu.memref_slice %arg3[%multiple_of3A] : memref<450560xi32, #tpu.memory_space<hbm>> -> memref<128xi32, #tpu.memory_space<hbm>>
        tpu.wait_dma2 semaphore(%run_scoped3A : memref<!tpu.dma_semaphore, #tpu.memory_space<semaphore_mem>>) src(%dma_wait3A_180 : memref<128xi32, #tpu.memory_space<hbm>>) dst(%arg9 : memref<128xi32, #tpu.memory_space<vmem>>)
        tpu.yield
      }) : () -> ()
      "tpu.region"() ({
        %run_scoped3A = tpu.sem_alloc : memref<!tpu.dma_semaphore, #tpu.memory_space<semaphore_mem>>
        %dma_start3A_177 = tpu.memref_slice %arg4[%multiple_of3A] : memref<450560xi32, #tpu.memory_space<hbm>> -> memref<128xi32, #tpu.memory_space<hbm>>
        %dma_start3A_178 = tpu.memref_slice %arg4[%multiple_of3A] : memref<450560xi32, #tpu.memory_space<hbm>> -> memref<128xi32, #tpu.memory_space<hbm>>
        tpu.enqueue_dma source(%dma_start3A_178 : memref<128xi32, #tpu.memory_space<hbm>>) target(%arg10 : memref<128xi32, #tpu.memory_space<vmem>>) target_semaphore(%run_scoped3A : memref<!tpu.dma_semaphore, #tpu.memory_space<semaphore_mem>>)
        %dma_wait3A_179 = tpu.memref_slice %arg4[%multiple_of3A] : memref<450560xi32, #tpu.memory_space<hbm>> -> memref<128xi32, #tpu.memory_space<hbm>>
        %dma_wait3A_180 = tpu.memref_slice %arg4[%multiple_of3A] : memref<450560xi32, #tpu.memory_space<hbm>> -> memref<128xi32, #tpu.memory_space<hbm>>
        tpu.wait_dma2 semaphore(%run_scoped3A : memref<!tpu.dma_semaphore, #tpu.memory_space<semaphore_mem>>) src(%dma_wait3A_180 : memref<128xi32, #tpu.memory_space<hbm>>) dst(%arg10 : memref<128xi32, #tpu.memory_space<vmem>>)
        tpu.yield
      }) : () -> ()
      %dma_start3A = arith.constant 0 : i32
      %dma_start3A_173 = arith.constant 0 : i32
      %dma_start3A_174 = tpu.memref_slice %arg2[%dma_start3A, %dma_start3A_173] : memref<1536000x128xf32, #tpu.memory_space<hbm>> -> memref<1536000x128xf32, #tpu.memory_space<hbm>>
      tpu.enqueue_indirect_dma source(%dma_start3A_174 : memref<1536000x128xf32, #tpu.memory_space<hbm>>) target(%arg8 : memref<128x128xf32, #tpu.memory_space<vmem>>) offsets(%arg9 : memref<128xi32, #tpu.memory_space<vmem>>) semaphore(%arg12 : memref<!tpu.dma_semaphore, #tpu.memory_space<semaphore_mem>>)
      %dma_wait3A = arith.constant 0 : i32
      %dma_wait3A_175 = arith.constant 0 : i32
      %dma_wait3A_176 = tpu.memref_slice %arg2[%dma_wait3A, %dma_wait3A_175] : memref<1536000x128xf32, #tpu.memory_space<hbm>> -> memref<1536000x128xf32, #tpu.memory_space<hbm>>
      tpu.wait_indirect_dma semaphore(%arg12 : memref<!tpu.dma_semaphore, #tpu.memory_space<semaphore_mem>>) src(%dma_wait3A_176 : memref<1536000x128xf32, #tpu.memory_space<hbm>>) dst(%arg8 : memref<128x128xf32, #tpu.memory_space<vmem>>)
      "tpu.region"() ({
        %run_scoped3A = tpu.sem_alloc : memref<!tpu.dma_semaphore, #tpu.memory_space<semaphore_mem>>
        %dma_start3A_177 = arith.constant 0 : i32
        %dma_start3A_178 = arith.constant 0 : i32
        %dma_start3A_179 = tpu.memref_slice %arg7[%dma_start3A_177, %dma_start3A_178] : memref<12808x128xf32, #tpu.memory_space<vmem_shared>> -> memref<12808x128xf32, #tpu.memory_space<vmem_shared>>
        tpu.enqueue_indirect_dma source(%arg8 : memref<128x128xf32, #tpu.memory_space<vmem>>) target(%dma_start3A_179 : memref<12808x128xf32, #tpu.memory_space<vmem_shared>>) offsets(%arg10 : memref<128xi32, #tpu.memory_space<vmem>>) semaphore(%run_scoped3A : memref<!tpu.dma_semaphore, #tpu.memory_space<semaphore_mem>>) {add = true}
        %dma_wait3A_180 = arith.constant 0 : i32
        %dma_wait3A_181 = arith.constant 0 : i32
        %dma_wait3A_182 = tpu.memref_slice %arg7[%dma_wait3A_180, %dma_wait3A_181] : memref<12808x128xf32, #tpu.memory_space<vmem_shared>> -> memref<12808x128xf32, #tpu.memory_space<vmem_shared>>
        tpu.wait_indirect_dma semaphore(%run_scoped3A : memref<!tpu.dma_semaphore, #tpu.memory_space<semaphore_mem>>) src(%arg8 : memref<128x128xf32, #tpu.memory_space<vmem>>) dst(%dma_wait3A_182 : memref<12808x128xf32, #tpu.memory_space<vmem_shared>>)
        tpu.yield
      }) : () -> ()
    }
    %while3A_120 = arith.constant 1 : i32
    scf.for %while3A_169 = %while3A_118 to %while3A_114 step %while3A_120  : i32 {
      %mul3A_170 = arith.constant 128 : i32
      %mul3A_171 = arith.muli %while3A_169, %mul3A_170 : i32
      %add3A_172 = arith.addi %add3A_110, %mul3A_171 : i32
      %multiple_of3A = tpu.assume_multiple %add3A_172, 128 : i32
      "tpu.region"() ({
        %run_scoped3A = tpu.sem_alloc : memref<!tpu.dma_semaphore, #tpu.memory_space<semaphore_mem>>
        %dma_start3A_177 = tpu.memref_slice %arg3[%multiple_of3A] : memref<450560xi32, #tpu.memory_space<hbm>> -> memref<128xi32, #tpu.memory_space<hbm>>
        %dma_start3A_178 = tpu.memref_slice %arg3[%multiple_of3A] : memref<450560xi32, #tpu.memory_space<hbm>> -> memref<128xi32, #tpu.memory_space<hbm>>
        tpu.enqueue_dma source(%dma_start3A_178 : memref<128xi32, #tpu.memory_space<hbm>>) target(%arg9 : memref<128xi32, #tpu.memory_space<vmem>>) target_semaphore(%run_scoped3A : memref<!tpu.dma_semaphore, #tpu.memory_space<semaphore_mem>>)
        %dma_wait3A_179 = tpu.memref_slice %arg3[%multiple_of3A] : memref<450560xi32, #tpu.memory_space<hbm>> -> memref<128xi32, #tpu.memory_space<hbm>>
        %dma_wait3A_180 = tpu.memref_slice %arg3[%multiple_of3A] : memref<450560xi32, #tpu.memory_space<hbm>> -> memref<128xi32, #tpu.memory_space<hbm>>
        tpu.wait_dma2 semaphore(%run_scoped3A : memref<!tpu.dma_semaphore, #tpu.memory_space<semaphore_mem>>) src(%dma_wait3A_180 : memref<128xi32, #tpu.memory_space<hbm>>) dst(%arg9 : memref<128xi32, #tpu.memory_space<vmem>>)
        tpu.yield
      }) : () -> ()
      "tpu.region"() ({
        %run_scoped3A = tpu.sem_alloc : memref<!tpu.dma_semaphore, #tpu.memory_space<semaphore_mem>>
        %dma_start3A_177 = tpu.memref_slice %arg4[%multiple_of3A] : memref<450560xi32, #tpu.memory_space<hbm>> -> memref<128xi32, #tpu.memory_space<hbm>>
        %dma_start3A_178 = tpu.memref_slice %arg4[%multiple_of3A] : memref<450560xi32, #tpu.memory_space<hbm>> -> memref<128xi32, #tpu.memory_space<hbm>>
        tpu.enqueue_dma source(%dma_start3A_178 : memref<128xi32, #tpu.memory_space<hbm>>) target(%arg10 : memref<128xi32, #tpu.memory_space<vmem>>) target_semaphore(%run_scoped3A : memref<!tpu.dma_semaphore, #tpu.memory_space<semaphore_mem>>)
        %dma_wait3A_179 = tpu.memref_slice %arg4[%multiple_of3A] : memref<450560xi32, #tpu.memory_space<hbm>> -> memref<128xi32, #tpu.memory_space<hbm>>
        %dma_wait3A_180 = tpu.memref_slice %arg4[%multiple_of3A] : memref<450560xi32, #tpu.memory_space<hbm>> -> memref<128xi32, #tpu.memory_space<hbm>>
        tpu.wait_dma2 semaphore(%run_scoped3A : memref<!tpu.dma_semaphore, #tpu.memory_space<semaphore_mem>>) src(%dma_wait3A_180 : memref<128xi32, #tpu.memory_space<hbm>>) dst(%arg10 : memref<128xi32, #tpu.memory_space<vmem>>)
        tpu.yield
      }) : () -> ()
      %dma_start3A = arith.constant 0 : i32
      %dma_start3A_173 = arith.constant 0 : i32
      %dma_start3A_174 = tpu.memref_slice %arg2[%dma_start3A, %dma_start3A_173] : memref<1536000x128xf32, #tpu.memory_space<hbm>> -> memref<1536000x128xf32, #tpu.memory_space<hbm>>
      tpu.enqueue_indirect_dma source(%dma_start3A_174 : memref<1536000x128xf32, #tpu.memory_space<hbm>>) target(%arg8 : memref<128x128xf32, #tpu.memory_space<vmem>>) offsets(%arg9 : memref<128xi32, #tpu.memory_space<vmem>>) semaphore(%arg12 : memref<!tpu.dma_semaphore, #tpu.memory_space<semaphore_mem>>)
      %dma_wait3A = arith.constant 0 : i32
      %dma_wait3A_175 = arith.constant 0 : i32
      %dma_wait3A_176 = tpu.memref_slice %arg2[%dma_wait3A, %dma_wait3A_175] : memref<1536000x128xf32, #tpu.memory_space<hbm>> -> memref<1536000x128xf32, #tpu.memory_space<hbm>>
      tpu.wait_indirect_dma semaphore(%arg12 : memref<!tpu.dma_semaphore, #tpu.memory_space<semaphore_mem>>) src(%dma_wait3A_176 : memref<1536000x128xf32, #tpu.memory_space<hbm>>) dst(%arg8 : memref<128x128xf32, #tpu.memory_space<vmem>>)
      "tpu.region"() ({
        %run_scoped3A = tpu.sem_alloc : memref<!tpu.dma_semaphore, #tpu.memory_space<semaphore_mem>>
        %dma_start3A_177 = arith.constant 0 : i32
        %dma_start3A_178 = arith.constant 0 : i32
        %dma_start3A_179 = tpu.memref_slice %arg7[%dma_start3A_177, %dma_start3A_178] : memref<12808x128xf32, #tpu.memory_space<vmem_shared>> -> memref<12808x128xf32, #tpu.memory_space<vmem_shared>>
        tpu.enqueue_indirect_dma source(%arg8 : memref<128x128xf32, #tpu.memory_space<vmem>>) target(%dma_start3A_179 : memref<12808x128xf32, #tpu.memory_space<vmem_shared>>) offsets(%arg10 : memref<128xi32, #tpu.memory_space<vmem>>) semaphore(%run_scoped3A : memref<!tpu.dma_semaphore, #tpu.memory_space<semaphore_mem>>) {add = true}
        %dma_wait3A_180 = arith.constant 0 : i32
        %dma_wait3A_181 = arith.constant 0 : i32
        %dma_wait3A_182 = tpu.memref_slice %arg7[%dma_wait3A_180, %dma_wait3A_181] : memref<12808x128xf32, #tpu.memory_space<vmem_shared>> -> memref<12808x128xf32, #tpu.memory_space<vmem_shared>>
        tpu.wait_indirect_dma semaphore(%run_scoped3A : memref<!tpu.dma_semaphore, #tpu.memory_space<semaphore_mem>>) src(%arg8 : memref<128x128xf32, #tpu.memory_space<vmem>>) dst(%dma_wait3A_182 : memref<12808x128xf32, #tpu.memory_space<vmem_shared>>)
        tpu.yield
      }) : () -> ()
    }
    %barrier3A_121 = arith.constant 0 : index
    tpu.barrier barrier_id(%barrier3A_121)
    %mul3A_122 = arith.constant 800 : i32
    %mul3A_123 = arith.muli %arg1, %mul3A_122 : i32
    "tpu.region"() ({
      %run_scoped3A = tpu.sem_alloc : memref<!tpu.dma_semaphore, #tpu.memory_space<semaphore_mem>>
      %dma_start3A = arith.constant 0 : i32
      %dma_start3A_169 = tpu.memref_slice %arg6[%add3A_103, %dma_start3A] : memref<102400x128xf32, #tpu.memory_space<hbm>> -> memref<800x128xf32, #tpu.memory_space<hbm>>
      %dma_start3A_170 = arith.constant 0 : i32
      %dma_start3A_171 = tpu.memref_slice %arg7[%mul3A_123, %dma_start3A_170] : memref<12808x128xf32, #tpu.memory_space<vmem_shared>> -> memref<800x128xf32, #tpu.memory_space<vmem_shared>>
      tpu.enqueue_dma source(%dma_start3A_171 : memref<800x128xf32, #tpu.memory_space<vmem_shared>>) target(%dma_start3A_169 : memref<800x128xf32, #tpu.memory_space<hbm>>) target_semaphore(%run_scoped3A : memref<!tpu.dma_semaphore, #tpu.memory_space<semaphore_mem>>)
      %dma_wait3A = arith.constant 0 : i32
      %dma_wait3A_172 = tpu.memref_slice %arg6[%add3A_103, %dma_wait3A] : memref<102400x128xf32, #tpu.memory_space<hbm>> -> memref<800x128xf32, #tpu.memory_space<hbm>>
      %dma_wait3A_173 = arith.constant 0 : i32
      %dma_wait3A_174 = tpu.memref_slice %arg7[%mul3A_123, %dma_wait3A_173] : memref<12808x128xf32, #tpu.memory_space<vmem_shared>> -> memref<800x128xf32, #tpu.memory_space<vmem_shared>>
      tpu.wait_dma2 semaphore(%run_scoped3A : memref<!tpu.dma_semaphore, #tpu.memory_space<semaphore_mem>>) src(%dma_wait3A_174 : memref<800x128xf32, #tpu.memory_space<vmem_shared>>) dst(%dma_wait3A_172 : memref<800x128xf32, #tpu.memory_space<hbm>>)
      tpu.yield
    }) : () -> ()
    %barrier3A_124 = arith.constant 0 : index
    tpu.barrier barrier_id(%barrier3A_124)
    %mul3A_125 = arith.constant 4 : i32
    %mul3A_126 = arith.muli %arg0, %mul3A_125 : i32
    %add3A_127 = arith.constant 3 : i32
    %add3A_128 = arith.addi %mul3A_126, %add3A_127 : i32
    %get3A_129 = arith.index_cast %add3A_128 : i32 to index
    %get3A_130 = arith.constant 0 : index
    %get3A_131 = tpu.vector_load %arg11[%get3A_129, %get3A_130] {strides = array<i32>} : memref<16x16xi32, #tpu.memory_space<vmem>>, vector<1x16xi32>,
    %get3A_132 = vector.shape_cast %get3A_131 : vector<1x16xi32> to vector<16xi32>
    %slice3A_133 = vector.extract_strided_slice %get3A_132 {offsets = [0], sizes = [1], strides = [1]} : vector<16xi32> to vector<1xi32>
    %squeeze3A_134 = vector.extract %slice3A_133[0] : i32 from vector<1xi32>
    %add3A_135 = arith.constant 8 : i32
    %add3A_136 = arith.addi %add3A_135, %add3A_128 : i32
    %get3A_137 = arith.index_cast %add3A_136 : i32 to index
    %get3A_138 = arith.constant 0 : index
    %get3A_139 = tpu.vector_load %arg11[%get3A_137, %get3A_138] {strides = array<i32>} : memref<16x16xi32, #tpu.memory_space<vmem>>, vector<1x16xi32>,
    %get3A_140 = vector.shape_cast %get3A_139 : vector<1x16xi32> to vector<16xi32>
    %slice3A_141 = vector.extract_strided_slice %get3A_140 {offsets = [0], sizes = [1], strides = [1]} : vector<16xi32> to vector<1xi32>
    %squeeze3A_142 = vector.extract %slice3A_141[0] : i32 from vector<1xi32>
    %mul3A_143 = arith.constant 12800 : i32
    %mul3A_144 = arith.muli %add3A_128, %mul3A_143 : i32
    %mul3A_145 = arith.constant 800 : i32
    %mul3A_146 = arith.muli %arg1, %mul3A_145 : i32
    %add3A_147 = arith.addi %mul3A_144, %mul3A_146 : i32
    %mul3A_148 = arith.constant 800 : i32
    %mul3A_149 = arith.muli %arg1, %mul3A_148 : i32
    "tpu.region"() ({
      %run_scoped3A = tpu.sem_alloc : memref<!tpu.dma_semaphore, #tpu.memory_space<semaphore_mem>>
      %dma_start3A = arith.constant 0 : i32
      %dma_start3A_169 = tpu.memref_slice %arg7[%mul3A_149, %dma_start3A] : memref<12808x128xf32, #tpu.memory_space<vmem_shared>> -> memref<800x128xf32, #tpu.memory_space<vmem_shared>>
      %dma_start3A_170 = arith.constant 0 : i32
      %dma_start3A_171 = tpu.memref_slice %arg2[%add3A_147, %dma_start3A_170] : memref<1536000x128xf32, #tpu.memory_space<hbm>> -> memref<800x128xf32, #tpu.memory_space<hbm>>
      tpu.enqueue_dma source(%dma_start3A_171 : memref<800x128xf32, #tpu.memory_space<hbm>>) target(%dma_start3A_169 : memref<800x128xf32, #tpu.memory_space<vmem_shared>>) target_semaphore(%run_scoped3A : memref<!tpu.dma_semaphore, #tpu.memory_space<semaphore_mem>>)
      %dma_wait3A = arith.constant 0 : i32
      %dma_wait3A_172 = tpu.memref_slice %arg7[%mul3A_149, %dma_wait3A] : memref<12808x128xf32, #tpu.memory_space<vmem_shared>> -> memref<800x128xf32, #tpu.memory_space<vmem_shared>>
      %dma_wait3A_173 = arith.constant 0 : i32
      %dma_wait3A_174 = tpu.memref_slice %arg2[%add3A_147, %dma_wait3A_173] : memref<1536000x128xf32, #tpu.memory_space<hbm>> -> memref<800x128xf32, #tpu.memory_space<hbm>>
      tpu.wait_dma2 semaphore(%run_scoped3A : memref<!tpu.dma_semaphore, #tpu.memory_space<semaphore_mem>>) src(%dma_wait3A_174 : memref<800x128xf32, #tpu.memory_space<hbm>>) dst(%dma_wait3A_172 : memref<800x128xf32, #tpu.memory_space<vmem_shared>>)
      tpu.yield
    }) : () -> ()
    %barrier3A_150 = arith.constant 0 : index
    tpu.barrier barrier_id(%barrier3A_150)
    %mul3A_151 = arith.muli %arg1, %squeeze3A_142 : i32
    %mul3A_152 = arith.constant 128 : i32
    %mul3A_153 = arith.muli %mul3A_151, %mul3A_152 : i32
    %add3A_154 = arith.addi %squeeze3A_134, %mul3A_153 : i32
    %while3A_155 = arith.constant 0 : i32
    %while3A_156 = arith.constant 0 : i32
    %while3A_157 = arith.subi %squeeze3A_142, %while3A_156 : i32
    %while3A_158 = arith.addi %while3A_156, %while3A_157 : i32
    %while3A_159 = arith.constant 1 : i32
    %while3A_160 = arith.divsi %while3A_157, %while3A_159 : i32
    %while3A_161 = arith.muli %while3A_160, %while3A_159 : i32
    %while3A_162 = arith.addi %while3A_156, %while3A_161 : i32
    %while3A_163 = arith.constant 1 : i32
    scf.for %while3A_169 = %while3A_156 to %while3A_162 step %while3A_163  : i32 {
      %mul3A_170 = arith.constant 128 : i32
      %mul3A_171 = arith.muli %while3A_169, %mul3A_170 : i32
      %add3A_172 = arith.addi %add3A_154, %mul3A_171 : i32
      %multiple_of3A = tpu.assume_multiple %add3A_172, 128 : i32
      "tpu.region"() ({
        %run_scoped3A = tpu.sem_alloc : memref<!tpu.dma_semaphore, #tpu.memory_space<semaphore_mem>>
        %dma_start3A_177 = tpu.memref_slice %arg3[%multiple_of3A] : memref<450560xi32, #tpu.memory_space<hbm>> -> memref<128xi32, #tpu.memory_space<hbm>>
        %dma_start3A_178 = tpu.memref_slice %arg3[%multiple_of3A] : memref<450560xi32, #tpu.memory_space<hbm>> -> memref<128xi32, #tpu.memory_space<hbm>>
        tpu.enqueue_dma source(%dma_start3A_178 : memref<128xi32, #tpu.memory_space<hbm>>) target(%arg9 : memref<128xi32, #tpu.memory_space<vmem>>) target_semaphore(%run_scoped3A : memref<!tpu.dma_semaphore, #tpu.memory_space<semaphore_mem>>)
        %dma_wait3A_179 = tpu.memref_slice %arg3[%multiple_of3A] : memref<450560xi32, #tpu.memory_space<hbm>> -> memref<128xi32, #tpu.memory_space<hbm>>
        %dma_wait3A_180 = tpu.memref_slice %arg3[%multiple_of3A] : memref<450560xi32, #tpu.memory_space<hbm>> -> memref<128xi32, #tpu.memory_space<hbm>>
        tpu.wait_dma2 semaphore(%run_scoped3A : memref<!tpu.dma_semaphore, #tpu.memory_space<semaphore_mem>>) src(%dma_wait3A_180 : memref<128xi32, #tpu.memory_space<hbm>>) dst(%arg9 : memref<128xi32, #tpu.memory_space<vmem>>)
        tpu.yield
      }) : () -> ()
      "tpu.region"() ({
        %run_scoped3A = tpu.sem_alloc : memref<!tpu.dma_semaphore, #tpu.memory_space<semaphore_mem>>
        %dma_start3A_177 = tpu.memref_slice %arg4[%multiple_of3A] : memref<450560xi32, #tpu.memory_space<hbm>> -> memref<128xi32, #tpu.memory_space<hbm>>
        %dma_start3A_178 = tpu.memref_slice %arg4[%multiple_of3A] : memref<450560xi32, #tpu.memory_space<hbm>> -> memref<128xi32, #tpu.memory_space<hbm>>
        tpu.enqueue_dma source(%dma_start3A_178 : memref<128xi32, #tpu.memory_space<hbm>>) target(%arg10 : memref<128xi32, #tpu.memory_space<vmem>>) target_semaphore(%run_scoped3A : memref<!tpu.dma_semaphore, #tpu.memory_space<semaphore_mem>>)
        %dma_wait3A_179 = tpu.memref_slice %arg4[%multiple_of3A] : memref<450560xi32, #tpu.memory_space<hbm>> -> memref<128xi32, #tpu.memory_space<hbm>>
        %dma_wait3A_180 = tpu.memref_slice %arg4[%multiple_of3A] : memref<450560xi32, #tpu.memory_space<hbm>> -> memref<128xi32, #tpu.memory_space<hbm>>
        tpu.wait_dma2 semaphore(%run_scoped3A : memref<!tpu.dma_semaphore, #tpu.memory_space<semaphore_mem>>) src(%dma_wait3A_180 : memref<128xi32, #tpu.memory_space<hbm>>) dst(%arg10 : memref<128xi32, #tpu.memory_space<vmem>>)
        tpu.yield
      }) : () -> ()
      %dma_start3A = arith.constant 0 : i32
      %dma_start3A_173 = arith.constant 0 : i32
      %dma_start3A_174 = tpu.memref_slice %arg2[%dma_start3A, %dma_start3A_173] : memref<1536000x128xf32, #tpu.memory_space<hbm>> -> memref<1536000x128xf32, #tpu.memory_space<hbm>>
      tpu.enqueue_indirect_dma source(%dma_start3A_174 : memref<1536000x128xf32, #tpu.memory_space<hbm>>) target(%arg8 : memref<128x128xf32, #tpu.memory_space<vmem>>) offsets(%arg9 : memref<128xi32, #tpu.memory_space<vmem>>) semaphore(%arg12 : memref<!tpu.dma_semaphore, #tpu.memory_space<semaphore_mem>>)
      %dma_wait3A = arith.constant 0 : i32
      %dma_wait3A_175 = arith.constant 0 : i32
      %dma_wait3A_176 = tpu.memref_slice %arg2[%dma_wait3A, %dma_wait3A_175] : memref<1536000x128xf32, #tpu.memory_space<hbm>> -> memref<1536000x128xf32, #tpu.memory_space<hbm>>
      tpu.wait_indirect_dma semaphore(%arg12 : memref<!tpu.dma_semaphore, #tpu.memory_space<semaphore_mem>>) src(%dma_wait3A_176 : memref<1536000x128xf32, #tpu.memory_space<hbm>>) dst(%arg8 : memref<128x128xf32, #tpu.memory_space<vmem>>)
      "tpu.region"() ({
        %run_scoped3A = tpu.sem_alloc : memref<!tpu.dma_semaphore, #tpu.memory_space<semaphore_mem>>
        %dma_start3A_177 = arith.constant 0 : i32
        %dma_start3A_178 = arith.constant 0 : i32
        %dma_start3A_179 = tpu.memref_slice %arg7[%dma_start3A_177, %dma_start3A_178] : memref<12808x128xf32, #tpu.memory_space<vmem_shared>> -> memref<12808x128xf32, #tpu.memory_space<vmem_shared>>
        tpu.enqueue_indirect_dma source(%arg8 : memref<128x128xf32, #tpu.memory_space<vmem>>) target(%dma_start3A_179 : memref<12808x128xf32, #tpu.memory_space<vmem_shared>>) offsets(%arg10 : memref<128xi32, #tpu.memory_space<vmem>>) semaphore(%run_scoped3A : memref<!tpu.dma_semaphore, #tpu.memory_space<semaphore_mem>>) {add = true}
        %dma_wait3A_180 = arith.constant 0 : i32
        %dma_wait3A_181 = arith.constant 0 : i32
        %dma_wait3A_182 = tpu.memref_slice %arg7[%dma_wait3A_180, %dma_wait3A_181] : memref<12808x128xf32, #tpu.memory_space<vmem_shared>> -> memref<12808x128xf32, #tpu.memory_space<vmem_shared>>
        tpu.wait_indirect_dma semaphore(%run_scoped3A : memref<!tpu.dma_semaphore, #tpu.memory_space<semaphore_mem>>) src(%arg8 : memref<128x128xf32, #tpu.memory_space<vmem>>) dst(%dma_wait3A_182 : memref<12808x128xf32, #tpu.memory_space<vmem_shared>>)
        tpu.yield
      }) : () -> ()
    }
    %while3A_164 = arith.constant 1 : i32
    scf.for %while3A_169 = %while3A_162 to %while3A_158 step %while3A_164  : i32 {
      %mul3A_170 = arith.constant 128 : i32
      %mul3A_171 = arith.muli %while3A_169, %mul3A_170 : i32
      %add3A_172 = arith.addi %add3A_154, %mul3A_171 : i32
      %multiple_of3A = tpu.assume_multiple %add3A_172, 128 : i32
      "tpu.region"() ({
        %run_scoped3A = tpu.sem_alloc : memref<!tpu.dma_semaphore, #tpu.memory_space<semaphore_mem>>
        %dma_start3A_177 = tpu.memref_slice %arg3[%multiple_of3A] : memref<450560xi32, #tpu.memory_space<hbm>> -> memref<128xi32, #tpu.memory_space<hbm>>
        %dma_start3A_178 = tpu.memref_slice %arg3[%multiple_of3A] : memref<450560xi32, #tpu.memory_space<hbm>> -> memref<128xi32, #tpu.memory_space<hbm>>
        tpu.enqueue_dma source(%dma_start3A_178 : memref<128xi32, #tpu.memory_space<hbm>>) target(%arg9 : memref<128xi32, #tpu.memory_space<vmem>>) target_semaphore(%run_scoped3A : memref<!tpu.dma_semaphore, #tpu.memory_space<semaphore_mem>>)
        %dma_wait3A_179 = tpu.memref_slice %arg3[%multiple_of3A] : memref<450560xi32, #tpu.memory_space<hbm>> -> memref<128xi32, #tpu.memory_space<hbm>>
        %dma_wait3A_180 = tpu.memref_slice %arg3[%multiple_of3A] : memref<450560xi32, #tpu.memory_space<hbm>> -> memref<128xi32, #tpu.memory_space<hbm>>
        tpu.wait_dma2 semaphore(%run_scoped3A : memref<!tpu.dma_semaphore, #tpu.memory_space<semaphore_mem>>) src(%dma_wait3A_180 : memref<128xi32, #tpu.memory_space<hbm>>) dst(%arg9 : memref<128xi32, #tpu.memory_space<vmem>>)
        tpu.yield
      }) : () -> ()
      "tpu.region"() ({
        %run_scoped3A = tpu.sem_alloc : memref<!tpu.dma_semaphore, #tpu.memory_space<semaphore_mem>>
        %dma_start3A_177 = tpu.memref_slice %arg4[%multiple_of3A] : memref<450560xi32, #tpu.memory_space<hbm>> -> memref<128xi32, #tpu.memory_space<hbm>>
        %dma_start3A_178 = tpu.memref_slice %arg4[%multiple_of3A] : memref<450560xi32, #tpu.memory_space<hbm>> -> memref<128xi32, #tpu.memory_space<hbm>>
        tpu.enqueue_dma source(%dma_start3A_178 : memref<128xi32, #tpu.memory_space<hbm>>) target(%arg10 : memref<128xi32, #tpu.memory_space<vmem>>) target_semaphore(%run_scoped3A : memref<!tpu.dma_semaphore, #tpu.memory_space<semaphore_mem>>)
        %dma_wait3A_179 = tpu.memref_slice %arg4[%multiple_of3A] : memref<450560xi32, #tpu.memory_space<hbm>> -> memref<128xi32, #tpu.memory_space<hbm>>
        %dma_wait3A_180 = tpu.memref_slice %arg4[%multiple_of3A] : memref<450560xi32, #tpu.memory_space<hbm>> -> memref<128xi32, #tpu.memory_space<hbm>>
        tpu.wait_dma2 semaphore(%run_scoped3A : memref<!tpu.dma_semaphore, #tpu.memory_space<semaphore_mem>>) src(%dma_wait3A_180 : memref<128xi32, #tpu.memory_space<hbm>>) dst(%arg10 : memref<128xi32, #tpu.memory_space<vmem>>)
        tpu.yield
      }) : () -> ()
      %dma_start3A = arith.constant 0 : i32
      %dma_start3A_173 = arith.constant 0 : i32
      %dma_start3A_174 = tpu.memref_slice %arg2[%dma_start3A, %dma_start3A_173] : memref<1536000x128xf32, #tpu.memory_space<hbm>> -> memref<1536000x128xf32, #tpu.memory_space<hbm>>
      tpu.enqueue_indirect_dma source(%dma_start3A_174 : memref<1536000x128xf32, #tpu.memory_space<hbm>>) target(%arg8 : memref<128x128xf32, #tpu.memory_space<vmem>>) offsets(%arg9 : memref<128xi32, #tpu.memory_space<vmem>>) semaphore(%arg12 : memref<!tpu.dma_semaphore, #tpu.memory_space<semaphore_mem>>)
      %dma_wait3A = arith.constant 0 : i32
      %dma_wait3A_175 = arith.constant 0 : i32
      %dma_wait3A_176 = tpu.memref_slice %arg2[%dma_wait3A, %dma_wait3A_175] : memref<1536000x128xf32, #tpu.memory_space<hbm>> -> memref<1536000x128xf32, #tpu.memory_space<hbm>>
      tpu.wait_indirect_dma semaphore(%arg12 : memref<!tpu.dma_semaphore, #tpu.memory_space<semaphore_mem>>) src(%dma_wait3A_176 : memref<1536000x128xf32, #tpu.memory_space<hbm>>) dst(%arg8 : memref<128x128xf32, #tpu.memory_space<vmem>>)
      "tpu.region"() ({
        %run_scoped3A = tpu.sem_alloc : memref<!tpu.dma_semaphore, #tpu.memory_space<semaphore_mem>>
        %dma_start3A_177 = arith.constant 0 : i32
        %dma_start3A_178 = arith.constant 0 : i32
        %dma_start3A_179 = tpu.memref_slice %arg7[%dma_start3A_177, %dma_start3A_178] : memref<12808x128xf32, #tpu.memory_space<vmem_shared>> -> memref<12808x128xf32, #tpu.memory_space<vmem_shared>>
        tpu.enqueue_indirect_dma source(%arg8 : memref<128x128xf32, #tpu.memory_space<vmem>>) target(%dma_start3A_179 : memref<12808x128xf32, #tpu.memory_space<vmem_shared>>) offsets(%arg10 : memref<128xi32, #tpu.memory_space<vmem>>) semaphore(%run_scoped3A : memref<!tpu.dma_semaphore, #tpu.memory_space<semaphore_mem>>) {add = true}
        %dma_wait3A_180 = arith.constant 0 : i32
        %dma_wait3A_181 = arith.constant 0 : i32
        %dma_wait3A_182 = tpu.memref_slice %arg7[%dma_wait3A_180, %dma_wait3A_181] : memref<12808x128xf32, #tpu.memory_space<vmem_shared>> -> memref<12808x128xf32, #tpu.memory_space<vmem_shared>>
        tpu.wait_indirect_dma semaphore(%run_scoped3A : memref<!tpu.dma_semaphore, #tpu.memory_space<semaphore_mem>>) src(%arg8 : memref<128x128xf32, #tpu.memory_space<vmem>>) dst(%dma_wait3A_182 : memref<12808x128xf32, #tpu.memory_space<vmem_shared>>)
        tpu.yield
      }) : () -> ()
    }
    %barrier3A_165 = arith.constant 0 : index
    tpu.barrier barrier_id(%barrier3A_165)
    %mul3A_166 = arith.constant 800 : i32
    %mul3A_167 = arith.muli %arg1, %mul3A_166 : i32
    "tpu.region"() ({
      %run_scoped3A = tpu.sem_alloc : memref<!tpu.dma_semaphore, #tpu.memory_space<semaphore_mem>>
      %dma_start3A = arith.constant 0 : i32
      %dma_start3A_169 = tpu.memref_slice %arg6[%add3A_147, %dma_start3A] : memref<102400x128xf32, #tpu.memory_space<hbm>> -> memref<800x128xf32, #tpu.memory_space<hbm>>
      %dma_start3A_170 = arith.constant 0 : i32
      %dma_start3A_171 = tpu.memref_slice %arg7[%mul3A_167, %dma_start3A_170] : memref<12808x128xf32, #tpu.memory_space<vmem_shared>> -> memref<800x128xf32, #tpu.memory_space<vmem_shared>>
      tpu.enqueue_dma source(%dma_start3A_171 : memref<800x128xf32, #tpu.memory_space<vmem_shared>>) target(%dma_start3A_169 : memref<800x128xf32, #tpu.memory_space<hbm>>) target_semaphore(%run_scoped3A : memref<!tpu.dma_semaphore, #tpu.memory_space<semaphore_mem>>)
      %dma_wait3A = arith.constant 0 : i32
      %dma_wait3A_172 = tpu.memref_slice %arg6[%add3A_147, %dma_wait3A] : memref<102400x128xf32, #tpu.memory_space<hbm>> -> memref<800x128xf32, #tpu.memory_space<hbm>>
      %dma_wait3A_173 = arith.constant 0 : i32
      %dma_wait3A_174 = tpu.memref_slice %arg7[%mul3A_167, %dma_wait3A_173] : memref<12808x128xf32, #tpu.memory_space<vmem_shared>> -> memref<800x128xf32, #tpu.memory_space<vmem_shared>>
      tpu.wait_dma2 semaphore(%run_scoped3A : memref<!tpu.dma_semaphore, #tpu.memory_space<semaphore_mem>>) src(%dma_wait3A_174 : memref<800x128xf32, #tpu.memory_space<vmem_shared>>) dst(%dma_wait3A_172 : memref<800x128xf32, #tpu.memory_space<hbm>>)
      tpu.yield
    }) : () -> ()
    %barrier3A_168 = arith.constant 0 : index
    tpu.barrier barrier_id(%barrier3A_168)
    return
  }
}

#map = affine_map<(d0, d1) -> (0, 0)>
#map1 = affine_map<(d0, d1) -> (0)>
module attributes {stable_mosaic.version = 14 : i64} {
  func.func @_sc_body(%arg0: i32, %arg1: i32, %arg2: memref<1536000x128xf32, #tpu.memory_space<hbm>>, %arg3: memref<450560xi32, #tpu.memory_space<hbm>>, %arg4: memref<450560xi32, #tpu.memory_space<hbm>>, %arg5: memref<16x16xi32, #tpu.memory_space<hbm>>, %arg6: memref<102400x128xf32, #tpu.memory_space<hbm>>, %arg7: memref<12808x128xf32, #tpu.memory_space<vmem_shared>>, %arg8: memref<128x128xf32, #tpu.memory_space<vmem>>, %arg9: memref<128xi32, #tpu.memory_space<vmem>>, %arg10: memref<128xi32, #tpu.memory_space<vmem>>, %arg11: memref<16x16xi32, #tpu.memory_space<vmem>>, %arg12: memref<!tpu.dma_semaphore, #tpu.memory_space<semaphore_mem>>) attributes {dimension_semantics = [#tpu.dimension_semantics<core_parallel>, #tpu.dimension_semantics<subcore_parallel>], iteration_bounds = array<i64: 2, 16>, scalar_prefetch = 0 : i64, scratch_operands = 6 : i64, tpu.core_type = #tpu.core_type<sc_vector_subcore>, window_params = [{transform_indices = #map}, {transform_indices = #map1}, {transform_indices = #map1}, {transform_indices = #map}, {transform_indices = #map}]} {
    "tpu.region"() ({
      %run_scoped3A = tpu.sem_alloc : memref<!tpu.dma_semaphore, #tpu.memory_space<semaphore_mem>>
      tpu.enqueue_dma source(%arg5 : memref<16x16xi32, #tpu.memory_space<hbm>>) target(%arg11 : memref<16x16xi32, #tpu.memory_space<vmem>>) target_semaphore(%run_scoped3A : memref<!tpu.dma_semaphore, #tpu.memory_space<semaphore_mem>>)
      tpu.wait_dma2 semaphore(%run_scoped3A : memref<!tpu.dma_semaphore, #tpu.memory_space<semaphore_mem>>) src(%arg5 : memref<16x16xi32, #tpu.memory_space<hbm>>) dst(%arg11 : memref<16x16xi32, #tpu.memory_space<vmem>>)
      tpu.yield
    }) : () -> ()
    %mul3A = arith.constant 4 : i32
    %mul3A_0 = arith.muli %arg0, %mul3A : i32
    %add3A = arith.constant 0 : i32
    %add3A_1 = arith.addi %mul3A_0, %add3A : i32
    %get3A = arith.index_cast %add3A_1 : i32 to index
    %get3A_2 = arith.constant 0 : index
    %get3A_3 = tpu.vector_load %arg11[%get3A, %get3A_2] {strides = array<i32>} : memref<16x16xi32, #tpu.memory_space<vmem>>, vector<1x16xi32>,
    %get3A_4 = vector.shape_cast %get3A_3 : vector<1x16xi32> to vector<16xi32>
    %slice3A = vector.extract_strided_slice %get3A_4 {offsets = [0], sizes = [1], strides = [1]} : vector<16xi32> to vector<1xi32>
    %squeeze3A = vector.extract %slice3A[0] : i32 from vector<1xi32>
    %add3A_5 = arith.constant 8 : i32
    %add3A_6 = arith.addi %add3A_5, %add3A_1 : i32
    %get3A_7 = arith.index_cast %add3A_6 : i32 to index
    %get3A_8 = arith.constant 0 : index
    %get3A_9 = tpu.vector_load %arg11[%get3A_7, %get3A_8] {strides = array<i32>} : memref<16x16xi32, #tpu.memory_space<vmem>>, vector<1x16xi32>,
    %get3A_10 = vector.shape_cast %get3A_9 : vector<1x16xi32> to vector<16xi32>
    %slice3A_11 = vector.extract_strided_slice %get3A_10 {offsets = [0], sizes = [1], strides = [1]} : vector<16xi32> to vector<1xi32>
    %squeeze3A_12 = vector.extract %slice3A_11[0] : i32 from vector<1xi32>
    %mul3A_13 = arith.constant 12800 : i32
    %mul3A_14 = arith.muli %add3A_1, %mul3A_13 : i32
    %mul3A_15 = arith.constant 800 : i32
    %mul3A_16 = arith.muli %arg1, %mul3A_15 : i32
    %add3A_17 = arith.addi %mul3A_14, %mul3A_16 : i32
    %mul3A_18 = arith.constant 800 : i32
    %mul3A_19 = arith.muli %arg1, %mul3A_18 : i32
    "tpu.region"() ({
      %run_scoped3A = tpu.sem_alloc : memref<!tpu.dma_semaphore, #tpu.memory_space<semaphore_mem>>
      %dma_start3A = arith.constant 0 : i32
      %dma_start3A_169 = tpu.memref_slice %arg7[%mul3A_19, %dma_start3A] : memref<12808x128xf32, #tpu.memory_space<vmem_shared>> -> memref<800x128xf32, #tpu.memory_space<vmem_shared>>
      %dma_start3A_170 = arith.constant 0 : i32
      %dma_start3A_171 = tpu.memref_slice %arg2[%add3A_17, %dma_start3A_170] : memref<1536000x128xf32, #tpu.memory_space<hbm>> -> memref<800x128xf32, #tpu.memory_space<hbm>>
      tpu.enqueue_dma source(%dma_start3A_171 : memref<800x128xf32, #tpu.memory_space<hbm>>) target(%dma_start3A_169 : memref<800x128xf32, #tpu.memory_space<vmem_shared>>) target_semaphore(%run_scoped3A : memref<!tpu.dma_semaphore, #tpu.memory_space<semaphore_mem>>)
      %dma_wait3A = arith.constant 0 : i32
      %dma_wait3A_172 = tpu.memref_slice %arg7[%mul3A_19, %dma_wait3A] : memref<12808x128xf32, #tpu.memory_space<vmem_shared>> -> memref<800x128xf32, #tpu.memory_space<vmem_shared>>
      %dma_wait3A_173 = arith.constant 0 : i32
      %dma_wait3A_174 = tpu.memref_slice %arg2[%add3A_17, %dma_wait3A_173] : memref<1536000x128xf32, #tpu.memory_space<hbm>> -> memref<800x128xf32, #tpu.memory_space<hbm>>
      tpu.wait_dma2 semaphore(%run_scoped3A : memref<!tpu.dma_semaphore, #tpu.memory_space<semaphore_mem>>) src(%dma_wait3A_174 : memref<800x128xf32, #tpu.memory_space<hbm>>) dst(%dma_wait3A_172 : memref<800x128xf32, #tpu.memory_space<vmem_shared>>)
      tpu.yield
    }) : () -> ()
    %barrier3A = arith.constant 0 : index
    tpu.barrier barrier_id(%barrier3A)
    %mul3A_20 = arith.muli %arg1, %squeeze3A_12 : i32
    %mul3A_21 = arith.constant 128 : i32
    %mul3A_22 = arith.muli %mul3A_20, %mul3A_21 : i32
    %add3A_23 = arith.addi %squeeze3A, %mul3A_22 : i32
    %while3A = arith.constant 0 : i32
    %while3A_24 = arith.constant 0 : i32
    %while3A_25 = arith.subi %squeeze3A_12, %while3A_24 : i32
    %while3A_26 = arith.addi %while3A_24, %while3A_25 : i32
    %while3A_27 = arith.constant 1 : i32
    %while3A_28 = arith.divsi %while3A_25, %while3A_27 : i32
    %while3A_29 = arith.muli %while3A_28, %while3A_27 : i32
    %while3A_30 = arith.addi %while3A_24, %while3A_29 : i32
    %while3A_31 = arith.constant 1 : i32
    scf.for %while3A_169 = %while3A_24 to %while3A_30 step %while3A_31  : i32 {
      %mul3A_170 = arith.constant 128 : i32
      %mul3A_171 = arith.muli %while3A_169, %mul3A_170 : i32
      %add3A_172 = arith.addi %add3A_23, %mul3A_171 : i32
      %multiple_of3A = tpu.assume_multiple %add3A_172, 128 : i32
      "tpu.region"() ({
        %run_scoped3A = tpu.sem_alloc : memref<!tpu.dma_semaphore, #tpu.memory_space<semaphore_mem>>
        %dma_start3A_177 = tpu.memref_slice %arg3[%multiple_of3A] : memref<450560xi32, #tpu.memory_space<hbm>> -> memref<128xi32, #tpu.memory_space<hbm>>
        %dma_start3A_178 = tpu.memref_slice %arg3[%multiple_of3A] : memref<450560xi32, #tpu.memory_space<hbm>> -> memref<128xi32, #tpu.memory_space<hbm>>
        tpu.enqueue_dma source(%dma_start3A_178 : memref<128xi32, #tpu.memory_space<hbm>>) target(%arg9 : memref<128xi32, #tpu.memory_space<vmem>>) target_semaphore(%run_scoped3A : memref<!tpu.dma_semaphore, #tpu.memory_space<semaphore_mem>>)
        %dma_wait3A_179 = tpu.memref_slice %arg3[%multiple_of3A] : memref<450560xi32, #tpu.memory_space<hbm>> -> memref<128xi32, #tpu.memory_space<hbm>>
        %dma_wait3A_180 = tpu.memref_slice %arg3[%multiple_of3A] : memref<450560xi32, #tpu.memory_space<hbm>> -> memref<128xi32, #tpu.memory_space<hbm>>
        tpu.wait_dma2 semaphore(%run_scoped3A : memref<!tpu.dma_semaphore, #tpu.memory_space<semaphore_mem>>) src(%dma_wait3A_180 : memref<128xi32, #tpu.memory_space<hbm>>) dst(%arg9 : memref<128xi32, #tpu.memory_space<vmem>>)
        tpu.yield
      }) : () -> ()
      "tpu.region"() ({
        %run_scoped3A = tpu.sem_alloc : memref<!tpu.dma_semaphore, #tpu.memory_space<semaphore_mem>>
        %dma_start3A_177 = tpu.memref_slice %arg4[%multiple_of3A] : memref<450560xi32, #tpu.memory_space<hbm>> -> memref<128xi32, #tpu.memory_space<hbm>>
        %dma_start3A_178 = tpu.memref_slice %arg4[%multiple_of3A] : memref<450560xi32, #tpu.memory_space<hbm>> -> memref<128xi32, #tpu.memory_space<hbm>>
        tpu.enqueue_dma source(%dma_start3A_178 : memref<128xi32, #tpu.memory_space<hbm>>) target(%arg10 : memref<128xi32, #tpu.memory_space<vmem>>) target_semaphore(%run_scoped3A : memref<!tpu.dma_semaphore, #tpu.memory_space<semaphore_mem>>)
        %dma_wait3A_179 = tpu.memref_slice %arg4[%multiple_of3A] : memref<450560xi32, #tpu.memory_space<hbm>> -> memref<128xi32, #tpu.memory_space<hbm>>
        %dma_wait3A_180 = tpu.memref_slice %arg4[%multiple_of3A] : memref<450560xi32, #tpu.memory_space<hbm>> -> memref<128xi32, #tpu.memory_space<hbm>>
        tpu.wait_dma2 semaphore(%run_scoped3A : memref<!tpu.dma_semaphore, #tpu.memory_space<semaphore_mem>>) src(%dma_wait3A_180 : memref<128xi32, #tpu.memory_space<hbm>>) dst(%arg10 : memref<128xi32, #tpu.memory_space<vmem>>)
        tpu.yield
      }) : () -> ()
      %dma_start3A = arith.constant 0 : i32
      %dma_start3A_173 = arith.constant 0 : i32
      %dma_start3A_174 = tpu.memref_slice %arg2[%dma_start3A, %dma_start3A_173] : memref<1536000x128xf32, #tpu.memory_space<hbm>> -> memref<1536000x128xf32, #tpu.memory_space<hbm>>
      tpu.enqueue_indirect_dma source(%dma_start3A_174 : memref<1536000x128xf32, #tpu.memory_space<hbm>>) target(%arg8 : memref<128x128xf32, #tpu.memory_space<vmem>>) offsets(%arg9 : memref<128xi32, #tpu.memory_space<vmem>>) semaphore(%arg12 : memref<!tpu.dma_semaphore, #tpu.memory_space<semaphore_mem>>)
      %dma_wait3A = arith.constant 0 : i32
      %dma_wait3A_175 = arith.constant 0 : i32
      %dma_wait3A_176 = tpu.memref_slice %arg2[%dma_wait3A, %dma_wait3A_175] : memref<1536000x128xf32, #tpu.memory_space<hbm>> -> memref<1536000x128xf32, #tpu.memory_space<hbm>>
      tpu.wait_indirect_dma semaphore(%arg12 : memref<!tpu.dma_semaphore, #tpu.memory_space<semaphore_mem>>) src(%dma_wait3A_176 : memref<1536000x128xf32, #tpu.memory_space<hbm>>) dst(%arg8 : memref<128x128xf32, #tpu.memory_space<vmem>>)
      "tpu.region"() ({
        %run_scoped3A = tpu.sem_alloc : memref<!tpu.dma_semaphore, #tpu.memory_space<semaphore_mem>>
        %dma_start3A_177 = arith.constant 0 : i32
        %dma_start3A_178 = arith.constant 0 : i32
        %dma_start3A_179 = tpu.memref_slice %arg7[%dma_start3A_177, %dma_start3A_178] : memref<12808x128xf32, #tpu.memory_space<vmem_shared>> -> memref<12808x128xf32, #tpu.memory_space<vmem_shared>>
        tpu.enqueue_indirect_dma source(%arg8 : memref<128x128xf32, #tpu.memory_space<vmem>>) target(%dma_start3A_179 : memref<12808x128xf32, #tpu.memory_space<vmem_shared>>) offsets(%arg10 : memref<128xi32, #tpu.memory_space<vmem>>) semaphore(%run_scoped3A : memref<!tpu.dma_semaphore, #tpu.memory_space<semaphore_mem>>) {add = true}
        %dma_wait3A_180 = arith.constant 0 : i32
        %dma_wait3A_181 = arith.constant 0 : i32
        %dma_wait3A_182 = tpu.memref_slice %arg7[%dma_wait3A_180, %dma_wait3A_181] : memref<12808x128xf32, #tpu.memory_space<vmem_shared>> -> memref<12808x128xf32, #tpu.memory_space<vmem_shared>>
        tpu.wait_indirect_dma semaphore(%run_scoped3A : memref<!tpu.dma_semaphore, #tpu.memory_space<semaphore_mem>>) src(%arg8 : memref<128x128xf32, #tpu.memory_space<vmem>>) dst(%dma_wait3A_182 : memref<12808x128xf32, #tpu.memory_space<vmem_shared>>)
        tpu.yield
      }) : () -> ()
    }
    %while3A_32 = arith.constant 1 : i32
    scf.for %while3A_169 = %while3A_30 to %while3A_26 step %while3A_32  : i32 {
      %mul3A_170 = arith.constant 128 : i32
      %mul3A_171 = arith.muli %while3A_169, %mul3A_170 : i32
      %add3A_172 = arith.addi %add3A_23, %mul3A_171 : i32
      %multiple_of3A = tpu.assume_multiple %add3A_172, 128 : i32
      "tpu.region"() ({
        %run_scoped3A = tpu.sem_alloc : memref<!tpu.dma_semaphore, #tpu.memory_space<semaphore_mem>>
        %dma_start3A_177 = tpu.memref_slice %arg3[%multiple_of3A] : memref<450560xi32, #tpu.memory_space<hbm>> -> memref<128xi32, #tpu.memory_space<hbm>>
        %dma_start3A_178 = tpu.memref_slice %arg3[%multiple_of3A] : memref<450560xi32, #tpu.memory_space<hbm>> -> memref<128xi32, #tpu.memory_space<hbm>>
        tpu.enqueue_dma source(%dma_start3A_178 : memref<128xi32, #tpu.memory_space<hbm>>) target(%arg9 : memref<128xi32, #tpu.memory_space<vmem>>) target_semaphore(%run_scoped3A : memref<!tpu.dma_semaphore, #tpu.memory_space<semaphore_mem>>)
        %dma_wait3A_179 = tpu.memref_slice %arg3[%multiple_of3A] : memref<450560xi32, #tpu.memory_space<hbm>> -> memref<128xi32, #tpu.memory_space<hbm>>
        %dma_wait3A_180 = tpu.memref_slice %arg3[%multiple_of3A] : memref<450560xi32, #tpu.memory_space<hbm>> -> memref<128xi32, #tpu.memory_space<hbm>>
        tpu.wait_dma2 semaphore(%run_scoped3A : memref<!tpu.dma_semaphore, #tpu.memory_space<semaphore_mem>>) src(%dma_wait3A_180 : memref<128xi32, #tpu.memory_space<hbm>>) dst(%arg9 : memref<128xi32, #tpu.memory_space<vmem>>)
        tpu.yield
      }) : () -> ()
      "tpu.region"() ({
        %run_scoped3A = tpu.sem_alloc : memref<!tpu.dma_semaphore, #tpu.memory_space<semaphore_mem>>
        %dma_start3A_177 = tpu.memref_slice %arg4[%multiple_of3A] : memref<450560xi32, #tpu.memory_space<hbm>> -> memref<128xi32, #tpu.memory_space<hbm>>
        %dma_start3A_178 = tpu.memref_slice %arg4[%multiple_of3A] : memref<450560xi32, #tpu.memory_space<hbm>> -> memref<128xi32, #tpu.memory_space<hbm>>
        tpu.enqueue_dma source(%dma_start3A_178 : memref<128xi32, #tpu.memory_space<hbm>>) target(%arg10 : memref<128xi32, #tpu.memory_space<vmem>>) target_semaphore(%run_scoped3A : memref<!tpu.dma_semaphore, #tpu.memory_space<semaphore_mem>>)
        %dma_wait3A_179 = tpu.memref_slice %arg4[%multiple_of3A] : memref<450560xi32, #tpu.memory_space<hbm>> -> memref<128xi32, #tpu.memory_space<hbm>>
        %dma_wait3A_180 = tpu.memref_slice %arg4[%multiple_of3A] : memref<450560xi32, #tpu.memory_space<hbm>> -> memref<128xi32, #tpu.memory_space<hbm>>
        tpu.wait_dma2 semaphore(%run_scoped3A : memref<!tpu.dma_semaphore, #tpu.memory_space<semaphore_mem>>) src(%dma_wait3A_180 : memref<128xi32, #tpu.memory_space<hbm>>) dst(%arg10 : memref<128xi32, #tpu.memory_space<vmem>>)
        tpu.yield
      }) : () -> ()
      %dma_start3A = arith.constant 0 : i32
      %dma_start3A_173 = arith.constant 0 : i32
      %dma_start3A_174 = tpu.memref_slice %arg2[%dma_start3A, %dma_start3A_173] : memref<1536000x128xf32, #tpu.memory_space<hbm>> -> memref<1536000x128xf32, #tpu.memory_space<hbm>>
      tpu.enqueue_indirect_dma source(%dma_start3A_174 : memref<1536000x128xf32, #tpu.memory_space<hbm>>) target(%arg8 : memref<128x128xf32, #tpu.memory_space<vmem>>) offsets(%arg9 : memref<128xi32, #tpu.memory_space<vmem>>) semaphore(%arg12 : memref<!tpu.dma_semaphore, #tpu.memory_space<semaphore_mem>>)
      %dma_wait3A = arith.constant 0 : i32
      %dma_wait3A_175 = arith.constant 0 : i32
      %dma_wait3A_176 = tpu.memref_slice %arg2[%dma_wait3A, %dma_wait3A_175] : memref<1536000x128xf32, #tpu.memory_space<hbm>> -> memref<1536000x128xf32, #tpu.memory_space<hbm>>
      tpu.wait_indirect_dma semaphore(%arg12 : memref<!tpu.dma_semaphore, #tpu.memory_space<semaphore_mem>>) src(%dma_wait3A_176 : memref<1536000x128xf32, #tpu.memory_space<hbm>>) dst(%arg8 : memref<128x128xf32, #tpu.memory_space<vmem>>)
      "tpu.region"() ({
        %run_scoped3A = tpu.sem_alloc : memref<!tpu.dma_semaphore, #tpu.memory_space<semaphore_mem>>
        %dma_start3A_177 = arith.constant 0 : i32
        %dma_start3A_178 = arith.constant 0 : i32
        %dma_start3A_179 = tpu.memref_slice %arg7[%dma_start3A_177, %dma_start3A_178] : memref<12808x128xf32, #tpu.memory_space<vmem_shared>> -> memref<12808x128xf32, #tpu.memory_space<vmem_shared>>
        tpu.enqueue_indirect_dma source(%arg8 : memref<128x128xf32, #tpu.memory_space<vmem>>) target(%dma_start3A_179 : memref<12808x128xf32, #tpu.memory_space<vmem_shared>>) offsets(%arg10 : memref<128xi32, #tpu.memory_space<vmem>>) semaphore(%run_scoped3A : memref<!tpu.dma_semaphore, #tpu.memory_space<semaphore_mem>>) {add = true}
        %dma_wait3A_180 = arith.constant 0 : i32
        %dma_wait3A_181 = arith.constant 0 : i32
        %dma_wait3A_182 = tpu.memref_slice %arg7[%dma_wait3A_180, %dma_wait3A_181] : memref<12808x128xf32, #tpu.memory_space<vmem_shared>> -> memref<12808x128xf32, #tpu.memory_space<vmem_shared>>
        tpu.wait_indirect_dma semaphore(%run_scoped3A : memref<!tpu.dma_semaphore, #tpu.memory_space<semaphore_mem>>) src(%arg8 : memref<128x128xf32, #tpu.memory_space<vmem>>) dst(%dma_wait3A_182 : memref<12808x128xf32, #tpu.memory_space<vmem_shared>>)
        tpu.yield
      }) : () -> ()
    }
    %barrier3A_33 = arith.constant 0 : index
    tpu.barrier barrier_id(%barrier3A_33)
    %mul3A_34 = arith.constant 800 : i32
    %mul3A_35 = arith.muli %arg1, %mul3A_34 : i32
    "tpu.region"() ({
      %run_scoped3A = tpu.sem_alloc : memref<!tpu.dma_semaphore, #tpu.memory_space<semaphore_mem>>
      %dma_start3A = arith.constant 0 : i32
      %dma_start3A_169 = tpu.memref_slice %arg6[%add3A_17, %dma_start3A] : memref<102400x128xf32, #tpu.memory_space<hbm>> -> memref<800x128xf32, #tpu.memory_space<hbm>>
      %dma_start3A_170 = arith.constant 0 : i32
      %dma_start3A_171 = tpu.memref_slice %arg7[%mul3A_35, %dma_start3A_170] : memref<12808x128xf32, #tpu.memory_space<vmem_shared>> -> memref<800x128xf32, #tpu.memory_space<vmem_shared>>
      tpu.enqueue_dma source(%dma_start3A_171 : memref<800x128xf32, #tpu.memory_space<vmem_shared>>) target(%dma_start3A_169 : memref<800x128xf32, #tpu.memory_space<hbm>>) target_semaphore(%run_scoped3A : memref<!tpu.dma_semaphore, #tpu.memory_space<semaphore_mem>>)
      %dma_wait3A = arith.constant 0 : i32
      %dma_wait3A_172 = tpu.memref_slice %arg6[%add3A_17, %dma_wait3A] : memref<102400x128xf32, #tpu.memory_space<hbm>> -> memref<800x128xf32, #tpu.memory_space<hbm>>
      %dma_wait3A_173 = arith.constant 0 : i32
      %dma_wait3A_174 = tpu.memref_slice %arg7[%mul3A_35, %dma_wait3A_173] : memref<12808x128xf32, #tpu.memory_space<vmem_shared>> -> memref<800x128xf32, #tpu.memory_space<vmem_shared>>
      tpu.wait_dma2 semaphore(%run_scoped3A : memref<!tpu.dma_semaphore, #tpu.memory_space<semaphore_mem>>) src(%dma_wait3A_174 : memref<800x128xf32, #tpu.memory_space<vmem_shared>>) dst(%dma_wait3A_172 : memref<800x128xf32, #tpu.memory_space<hbm>>)
      tpu.yield
    }) : () -> ()
    %barrier3A_36 = arith.constant 0 : index
    tpu.barrier barrier_id(%barrier3A_36)
    %mul3A_37 = arith.constant 4 : i32
    %mul3A_38 = arith.muli %arg0, %mul3A_37 : i32
    %add3A_39 = arith.constant 1 : i32
    %add3A_40 = arith.addi %mul3A_38, %add3A_39 : i32
    %get3A_41 = arith.index_cast %add3A_40 : i32 to index
    %get3A_42 = arith.constant 0 : index
    %get3A_43 = tpu.vector_load %arg11[%get3A_41, %get3A_42] {strides = array<i32>} : memref<16x16xi32, #tpu.memory_space<vmem>>, vector<1x16xi32>,
    %get3A_44 = vector.shape_cast %get3A_43 : vector<1x16xi32> to vector<16xi32>
    %slice3A_45 = vector.extract_strided_slice %get3A_44 {offsets = [0], sizes = [1], strides = [1]} : vector<16xi32> to vector<1xi32>
    %squeeze3A_46 = vector.extract %slice3A_45[0] : i32 from vector<1xi32>
    %add3A_47 = arith.constant 8 : i32
    %add3A_48 = arith.addi %add3A_47, %add3A_40 : i32
    %get3A_49 = arith.index_cast %add3A_48 : i32 to index
    %get3A_50 = arith.constant 0 : index
    %get3A_51 = tpu.vector_load %arg11[%get3A_49, %get3A_50] {strides = array<i32>} : memref<16x16xi32, #tpu.memory_space<vmem>>, vector<1x16xi32>,
    %get3A_52 = vector.shape_cast %get3A_51 : vector<1x16xi32> to vector<16xi32>
    %slice3A_53 = vector.extract_strided_slice %get3A_52 {offsets = [0], sizes = [1], strides = [1]} : vector<16xi32> to vector<1xi32>
    %squeeze3A_54 = vector.extract %slice3A_53[0] : i32 from vector<1xi32>
    %mul3A_55 = arith.constant 12800 : i32
    %mul3A_56 = arith.muli %add3A_40, %mul3A_55 : i32
    %mul3A_57 = arith.constant 800 : i32
    %mul3A_58 = arith.muli %arg1, %mul3A_57 : i32
    %add3A_59 = arith.addi %mul3A_56, %mul3A_58 : i32
    %mul3A_60 = arith.constant 800 : i32
    %mul3A_61 = arith.muli %arg1, %mul3A_60 : i32
    "tpu.region"() ({
      %run_scoped3A = tpu.sem_alloc : memref<!tpu.dma_semaphore, #tpu.memory_space<semaphore_mem>>
      %dma_start3A = arith.constant 0 : i32
      %dma_start3A_169 = tpu.memref_slice %arg7[%mul3A_61, %dma_start3A] : memref<12808x128xf32, #tpu.memory_space<vmem_shared>> -> memref<800x128xf32, #tpu.memory_space<vmem_shared>>
      %dma_start3A_170 = arith.constant 0 : i32
      %dma_start3A_171 = tpu.memref_slice %arg2[%add3A_59, %dma_start3A_170] : memref<1536000x128xf32, #tpu.memory_space<hbm>> -> memref<800x128xf32, #tpu.memory_space<hbm>>
      tpu.enqueue_dma source(%dma_start3A_171 : memref<800x128xf32, #tpu.memory_space<hbm>>) target(%dma_start3A_169 : memref<800x128xf32, #tpu.memory_space<vmem_shared>>) target_semaphore(%run_scoped3A : memref<!tpu.dma_semaphore, #tpu.memory_space<semaphore_mem>>)
      %dma_wait3A = arith.constant 0 : i32
      %dma_wait3A_172 = tpu.memref_slice %arg7[%mul3A_61, %dma_wait3A] : memref<12808x128xf32, #tpu.memory_space<vmem_shared>> -> memref<800x128xf32, #tpu.memory_space<vmem_shared>>
      %dma_wait3A_173 = arith.constant 0 : i32
      %dma_wait3A_174 = tpu.memref_slice %arg2[%add3A_59, %dma_wait3A_173] : memref<1536000x128xf32, #tpu.memory_space<hbm>> -> memref<800x128xf32, #tpu.memory_space<hbm>>
      tpu.wait_dma2 semaphore(%run_scoped3A : memref<!tpu.dma_semaphore, #tpu.memory_space<semaphore_mem>>) src(%dma_wait3A_174 : memref<800x128xf32, #tpu.memory_space<hbm>>) dst(%dma_wait3A_172 : memref<800x128xf32, #tpu.memory_space<vmem_shared>>)
      tpu.yield
    }) : () -> ()
    %barrier3A_62 = arith.constant 0 : index
    tpu.barrier barrier_id(%barrier3A_62)
    %mul3A_63 = arith.muli %arg1, %squeeze3A_54 : i32
    %mul3A_64 = arith.constant 128 : i32
    %mul3A_65 = arith.muli %mul3A_63, %mul3A_64 : i32
    %add3A_66 = arith.addi %squeeze3A_46, %mul3A_65 : i32
    %while3A_67 = arith.constant 0 : i32
    %while3A_68 = arith.constant 0 : i32
    %while3A_69 = arith.subi %squeeze3A_54, %while3A_68 : i32
    %while3A_70 = arith.addi %while3A_68, %while3A_69 : i32
    %while3A_71 = arith.constant 1 : i32
    %while3A_72 = arith.divsi %while3A_69, %while3A_71 : i32
    %while3A_73 = arith.muli %while3A_72, %while3A_71 : i32
    %while3A_74 = arith.addi %while3A_68, %while3A_73 : i32
    %while3A_75 = arith.constant 1 : i32
    scf.for %while3A_169 = %while3A_68 to %while3A_74 step %while3A_75  : i32 {
      %mul3A_170 = arith.constant 128 : i32
      %mul3A_171 = arith.muli %while3A_169, %mul3A_170 : i32
      %add3A_172 = arith.addi %add3A_66, %mul3A_171 : i32
      %multiple_of3A = tpu.assume_multiple %add3A_172, 128 : i32
      "tpu.region"() ({
        %run_scoped3A = tpu.sem_alloc : memref<!tpu.dma_semaphore, #tpu.memory_space<semaphore_mem>>
        %dma_start3A_177 = tpu.memref_slice %arg3[%multiple_of3A] : memref<450560xi32, #tpu.memory_space<hbm>> -> memref<128xi32, #tpu.memory_space<hbm>>
        %dma_start3A_178 = tpu.memref_slice %arg3[%multiple_of3A] : memref<450560xi32, #tpu.memory_space<hbm>> -> memref<128xi32, #tpu.memory_space<hbm>>
        tpu.enqueue_dma source(%dma_start3A_178 : memref<128xi32, #tpu.memory_space<hbm>>) target(%arg9 : memref<128xi32, #tpu.memory_space<vmem>>) target_semaphore(%run_scoped3A : memref<!tpu.dma_semaphore, #tpu.memory_space<semaphore_mem>>)
        %dma_wait3A_179 = tpu.memref_slice %arg3[%multiple_of3A] : memref<450560xi32, #tpu.memory_space<hbm>> -> memref<128xi32, #tpu.memory_space<hbm>>
        %dma_wait3A_180 = tpu.memref_slice %arg3[%multiple_of3A] : memref<450560xi32, #tpu.memory_space<hbm>> -> memref<128xi32, #tpu.memory_space<hbm>>
        tpu.wait_dma2 semaphore(%run_scoped3A : memref<!tpu.dma_semaphore, #tpu.memory_space<semaphore_mem>>) src(%dma_wait3A_180 : memref<128xi32, #tpu.memory_space<hbm>>) dst(%arg9 : memref<128xi32, #tpu.memory_space<vmem>>)
        tpu.yield
      }) : () -> ()
      "tpu.region"() ({
        %run_scoped3A = tpu.sem_alloc : memref<!tpu.dma_semaphore, #tpu.memory_space<semaphore_mem>>
        %dma_start3A_177 = tpu.memref_slice %arg4[%multiple_of3A] : memref<450560xi32, #tpu.memory_space<hbm>> -> memref<128xi32, #tpu.memory_space<hbm>>
        %dma_start3A_178 = tpu.memref_slice %arg4[%multiple_of3A] : memref<450560xi32, #tpu.memory_space<hbm>> -> memref<128xi32, #tpu.memory_space<hbm>>
        tpu.enqueue_dma source(%dma_start3A_178 : memref<128xi32, #tpu.memory_space<hbm>>) target(%arg10 : memref<128xi32, #tpu.memory_space<vmem>>) target_semaphore(%run_scoped3A : memref<!tpu.dma_semaphore, #tpu.memory_space<semaphore_mem>>)
        %dma_wait3A_179 = tpu.memref_slice %arg4[%multiple_of3A] : memref<450560xi32, #tpu.memory_space<hbm>> -> memref<128xi32, #tpu.memory_space<hbm>>
        %dma_wait3A_180 = tpu.memref_slice %arg4[%multiple_of3A] : memref<450560xi32, #tpu.memory_space<hbm>> -> memref<128xi32, #tpu.memory_space<hbm>>
        tpu.wait_dma2 semaphore(%run_scoped3A : memref<!tpu.dma_semaphore, #tpu.memory_space<semaphore_mem>>) src(%dma_wait3A_180 : memref<128xi32, #tpu.memory_space<hbm>>) dst(%arg10 : memref<128xi32, #tpu.memory_space<vmem>>)
        tpu.yield
      }) : () -> ()
      %dma_start3A = arith.constant 0 : i32
      %dma_start3A_173 = arith.constant 0 : i32
      %dma_start3A_174 = tpu.memref_slice %arg2[%dma_start3A, %dma_start3A_173] : memref<1536000x128xf32, #tpu.memory_space<hbm>> -> memref<1536000x128xf32, #tpu.memory_space<hbm>>
      tpu.enqueue_indirect_dma source(%dma_start3A_174 : memref<1536000x128xf32, #tpu.memory_space<hbm>>) target(%arg8 : memref<128x128xf32, #tpu.memory_space<vmem>>) offsets(%arg9 : memref<128xi32, #tpu.memory_space<vmem>>) semaphore(%arg12 : memref<!tpu.dma_semaphore, #tpu.memory_space<semaphore_mem>>)
      %dma_wait3A = arith.constant 0 : i32
      %dma_wait3A_175 = arith.constant 0 : i32
      %dma_wait3A_176 = tpu.memref_slice %arg2[%dma_wait3A, %dma_wait3A_175] : memref<1536000x128xf32, #tpu.memory_space<hbm>> -> memref<1536000x128xf32, #tpu.memory_space<hbm>>
      tpu.wait_indirect_dma semaphore(%arg12 : memref<!tpu.dma_semaphore, #tpu.memory_space<semaphore_mem>>) src(%dma_wait3A_176 : memref<1536000x128xf32, #tpu.memory_space<hbm>>) dst(%arg8 : memref<128x128xf32, #tpu.memory_space<vmem>>)
      "tpu.region"() ({
        %run_scoped3A = tpu.sem_alloc : memref<!tpu.dma_semaphore, #tpu.memory_space<semaphore_mem>>
        %dma_start3A_177 = arith.constant 0 : i32
        %dma_start3A_178 = arith.constant 0 : i32
        %dma_start3A_179 = tpu.memref_slice %arg7[%dma_start3A_177, %dma_start3A_178] : memref<12808x128xf32, #tpu.memory_space<vmem_shared>> -> memref<12808x128xf32, #tpu.memory_space<vmem_shared>>
        tpu.enqueue_indirect_dma source(%arg8 : memref<128x128xf32, #tpu.memory_space<vmem>>) target(%dma_start3A_179 : memref<12808x128xf32, #tpu.memory_space<vmem_shared>>) offsets(%arg10 : memref<128xi32, #tpu.memory_space<vmem>>) semaphore(%run_scoped3A : memref<!tpu.dma_semaphore, #tpu.memory_space<semaphore_mem>>) {add = true}
        %dma_wait3A_180 = arith.constant 0 : i32
        %dma_wait3A_181 = arith.constant 0 : i32
        %dma_wait3A_182 = tpu.memref_slice %arg7[%dma_wait3A_180, %dma_wait3A_181] : memref<12808x128xf32, #tpu.memory_space<vmem_shared>> -> memref<12808x128xf32, #tpu.memory_space<vmem_shared>>
        tpu.wait_indirect_dma semaphore(%run_scoped3A : memref<!tpu.dma_semaphore, #tpu.memory_space<semaphore_mem>>) src(%arg8 : memref<128x128xf32, #tpu.memory_space<vmem>>) dst(%dma_wait3A_182 : memref<12808x128xf32, #tpu.memory_space<vmem_shared>>)
        tpu.yield
      }) : () -> ()
    }
    %while3A_76 = arith.constant 1 : i32
    scf.for %while3A_169 = %while3A_74 to %while3A_70 step %while3A_76  : i32 {
      %mul3A_170 = arith.constant 128 : i32
      %mul3A_171 = arith.muli %while3A_169, %mul3A_170 : i32
      %add3A_172 = arith.addi %add3A_66, %mul3A_171 : i32
      %multiple_of3A = tpu.assume_multiple %add3A_172, 128 : i32
      "tpu.region"() ({
        %run_scoped3A = tpu.sem_alloc : memref<!tpu.dma_semaphore, #tpu.memory_space<semaphore_mem>>
        %dma_start3A_177 = tpu.memref_slice %arg3[%multiple_of3A] : memref<450560xi32, #tpu.memory_space<hbm>> -> memref<128xi32, #tpu.memory_space<hbm>>
        %dma_start3A_178 = tpu.memref_slice %arg3[%multiple_of3A] : memref<450560xi32, #tpu.memory_space<hbm>> -> memref<128xi32, #tpu.memory_space<hbm>>
        tpu.enqueue_dma source(%dma_start3A_178 : memref<128xi32, #tpu.memory_space<hbm>>) target(%arg9 : memref<128xi32, #tpu.memory_space<vmem>>) target_semaphore(%run_scoped3A : memref<!tpu.dma_semaphore, #tpu.memory_space<semaphore_mem>>)
        %dma_wait3A_179 = tpu.memref_slice %arg3[%multiple_of3A] : memref<450560xi32, #tpu.memory_space<hbm>> -> memref<128xi32, #tpu.memory_space<hbm>>
        %dma_wait3A_180 = tpu.memref_slice %arg3[%multiple_of3A] : memref<450560xi32, #tpu.memory_space<hbm>> -> memref<128xi32, #tpu.memory_space<hbm>>
        tpu.wait_dma2 semaphore(%run_scoped3A : memref<!tpu.dma_semaphore, #tpu.memory_space<semaphore_mem>>) src(%dma_wait3A_180 : memref<128xi32, #tpu.memory_space<hbm>>) dst(%arg9 : memref<128xi32, #tpu.memory_space<vmem>>)
        tpu.yield
      }) : () -> ()
      "tpu.region"() ({
        %run_scoped3A = tpu.sem_alloc : memref<!tpu.dma_semaphore, #tpu.memory_space<semaphore_mem>>
        %dma_start3A_177 = tpu.memref_slice %arg4[%multiple_of3A] : memref<450560xi32, #tpu.memory_space<hbm>> -> memref<128xi32, #tpu.memory_space<hbm>>
        %dma_start3A_178 = tpu.memref_slice %arg4[%multiple_of3A] : memref<450560xi32, #tpu.memory_space<hbm>> -> memref<128xi32, #tpu.memory_space<hbm>>
        tpu.enqueue_dma source(%dma_start3A_178 : memref<128xi32, #tpu.memory_space<hbm>>) target(%arg10 : memref<128xi32, #tpu.memory_space<vmem>>) target_semaphore(%run_scoped3A : memref<!tpu.dma_semaphore, #tpu.memory_space<semaphore_mem>>)
        %dma_wait3A_179 = tpu.memref_slice %arg4[%multiple_of3A] : memref<450560xi32, #tpu.memory_space<hbm>> -> memref<128xi32, #tpu.memory_space<hbm>>
        %dma_wait3A_180 = tpu.memref_slice %arg4[%multiple_of3A] : memref<450560xi32, #tpu.memory_space<hbm>> -> memref<128xi32, #tpu.memory_space<hbm>>
        tpu.wait_dma2 semaphore(%run_scoped3A : memref<!tpu.dma_semaphore, #tpu.memory_space<semaphore_mem>>) src(%dma_wait3A_180 : memref<128xi32, #tpu.memory_space<hbm>>) dst(%arg10 : memref<128xi32, #tpu.memory_space<vmem>>)
        tpu.yield
      }) : () -> ()
      %dma_start3A = arith.constant 0 : i32
      %dma_start3A_173 = arith.constant 0 : i32
      %dma_start3A_174 = tpu.memref_slice %arg2[%dma_start3A, %dma_start3A_173] : memref<1536000x128xf32, #tpu.memory_space<hbm>> -> memref<1536000x128xf32, #tpu.memory_space<hbm>>
      tpu.enqueue_indirect_dma source(%dma_start3A_174 : memref<1536000x128xf32, #tpu.memory_space<hbm>>) target(%arg8 : memref<128x128xf32, #tpu.memory_space<vmem>>) offsets(%arg9 : memref<128xi32, #tpu.memory_space<vmem>>) semaphore(%arg12 : memref<!tpu.dma_semaphore, #tpu.memory_space<semaphore_mem>>)
      %dma_wait3A = arith.constant 0 : i32
      %dma_wait3A_175 = arith.constant 0 : i32
      %dma_wait3A_176 = tpu.memref_slice %arg2[%dma_wait3A, %dma_wait3A_175] : memref<1536000x128xf32, #tpu.memory_space<hbm>> -> memref<1536000x128xf32, #tpu.memory_space<hbm>>
      tpu.wait_indirect_dma semaphore(%arg12 : memref<!tpu.dma_semaphore, #tpu.memory_space<semaphore_mem>>) src(%dma_wait3A_176 : memref<1536000x128xf32, #tpu.memory_space<hbm>>) dst(%arg8 : memref<128x128xf32, #tpu.memory_space<vmem>>)
      "tpu.region"() ({
        %run_scoped3A = tpu.sem_alloc : memref<!tpu.dma_semaphore, #tpu.memory_space<semaphore_mem>>
        %dma_start3A_177 = arith.constant 0 : i32
        %dma_start3A_178 = arith.constant 0 : i32
        %dma_start3A_179 = tpu.memref_slice %arg7[%dma_start3A_177, %dma_start3A_178] : memref<12808x128xf32, #tpu.memory_space<vmem_shared>> -> memref<12808x128xf32, #tpu.memory_space<vmem_shared>>
        tpu.enqueue_indirect_dma source(%arg8 : memref<128x128xf32, #tpu.memory_space<vmem>>) target(%dma_start3A_179 : memref<12808x128xf32, #tpu.memory_space<vmem_shared>>) offsets(%arg10 : memref<128xi32, #tpu.memory_space<vmem>>) semaphore(%run_scoped3A : memref<!tpu.dma_semaphore, #tpu.memory_space<semaphore_mem>>) {add = true}
        %dma_wait3A_180 = arith.constant 0 : i32
        %dma_wait3A_181 = arith.constant 0 : i32
        %dma_wait3A_182 = tpu.memref_slice %arg7[%dma_wait3A_180, %dma_wait3A_181] : memref<12808x128xf32, #tpu.memory_space<vmem_shared>> -> memref<12808x128xf32, #tpu.memory_space<vmem_shared>>
        tpu.wait_indirect_dma semaphore(%run_scoped3A : memref<!tpu.dma_semaphore, #tpu.memory_space<semaphore_mem>>) src(%arg8 : memref<128x128xf32, #tpu.memory_space<vmem>>) dst(%dma_wait3A_182 : memref<12808x128xf32, #tpu.memory_space<vmem_shared>>)
        tpu.yield
      }) : () -> ()
    }
    %barrier3A_77 = arith.constant 0 : index
    tpu.barrier barrier_id(%barrier3A_77)
    %mul3A_78 = arith.constant 800 : i32
    %mul3A_79 = arith.muli %arg1, %mul3A_78 : i32
    "tpu.region"() ({
      %run_scoped3A = tpu.sem_alloc : memref<!tpu.dma_semaphore, #tpu.memory_space<semaphore_mem>>
      %dma_start3A = arith.constant 0 : i32
      %dma_start3A_169 = tpu.memref_slice %arg6[%add3A_59, %dma_start3A] : memref<102400x128xf32, #tpu.memory_space<hbm>> -> memref<800x128xf32, #tpu.memory_space<hbm>>
      %dma_start3A_170 = arith.constant 0 : i32
      %dma_start3A_171 = tpu.memref_slice %arg7[%mul3A_79, %dma_start3A_170] : memref<12808x128xf32, #tpu.memory_space<vmem_shared>> -> memref<800x128xf32, #tpu.memory_space<vmem_shared>>
      tpu.enqueue_dma source(%dma_start3A_171 : memref<800x128xf32, #tpu.memory_space<vmem_shared>>) target(%dma_start3A_169 : memref<800x128xf32, #tpu.memory_space<hbm>>) target_semaphore(%run_scoped3A : memref<!tpu.dma_semaphore, #tpu.memory_space<semaphore_mem>>)
      %dma_wait3A = arith.constant 0 : i32
      %dma_wait3A_172 = tpu.memref_slice %arg6[%add3A_59, %dma_wait3A] : memref<102400x128xf32, #tpu.memory_space<hbm>> -> memref<800x128xf32, #tpu.memory_space<hbm>>
      %dma_wait3A_173 = arith.constant 0 : i32
      %dma_wait3A_174 = tpu.memref_slice %arg7[%mul3A_79, %dma_wait3A_173] : memref<12808x128xf32, #tpu.memory_space<vmem_shared>> -> memref<800x128xf32, #tpu.memory_space<vmem_shared>>
      tpu.wait_dma2 semaphore(%run_scoped3A : memref<!tpu.dma_semaphore, #tpu.memory_space<semaphore_mem>>) src(%dma_wait3A_174 : memref<800x128xf32, #tpu.memory_space<vmem_shared>>) dst(%dma_wait3A_172 : memref<800x128xf32, #tpu.memory_space<hbm>>)
      tpu.yield
    }) : () -> ()
    %barrier3A_80 = arith.constant 0 : index
    tpu.barrier barrier_id(%barrier3A_80)
    %mul3A_81 = arith.constant 4 : i32
    %mul3A_82 = arith.muli %arg0, %mul3A_81 : i32
    %add3A_83 = arith.constant 2 : i32
    %add3A_84 = arith.addi %mul3A_82, %add3A_83 : i32
    %get3A_85 = arith.index_cast %add3A_84 : i32 to index
    %get3A_86 = arith.constant 0 : index
    %get3A_87 = tpu.vector_load %arg11[%get3A_85, %get3A_86] {strides = array<i32>} : memref<16x16xi32, #tpu.memory_space<vmem>>, vector<1x16xi32>,
    %get3A_88 = vector.shape_cast %get3A_87 : vector<1x16xi32> to vector<16xi32>
    %slice3A_89 = vector.extract_strided_slice %get3A_88 {offsets = [0], sizes = [1], strides = [1]} : vector<16xi32> to vector<1xi32>
    %squeeze3A_90 = vector.extract %slice3A_89[0] : i32 from vector<1xi32>
    %add3A_91 = arith.constant 8 : i32
    %add3A_92 = arith.addi %add3A_91, %add3A_84 : i32
    %get3A_93 = arith.index_cast %add3A_92 : i32 to index
    %get3A_94 = arith.constant 0 : index
    %get3A_95 = tpu.vector_load %arg11[%get3A_93, %get3A_94] {strides = array<i32>} : memref<16x16xi32, #tpu.memory_space<vmem>>, vector<1x16xi32>,
    %get3A_96 = vector.shape_cast %get3A_95 : vector<1x16xi32> to vector<16xi32>
    %slice3A_97 = vector.extract_strided_slice %get3A_96 {offsets = [0], sizes = [1], strides = [1]} : vector<16xi32> to vector<1xi32>
    %squeeze3A_98 = vector.extract %slice3A_97[0] : i32 from vector<1xi32>
    %mul3A_99 = arith.constant 12800 : i32
    %mul3A_100 = arith.muli %add3A_84, %mul3A_99 : i32
    %mul3A_101 = arith.constant 800 : i32
    %mul3A_102 = arith.muli %arg1, %mul3A_101 : i32
    %add3A_103 = arith.addi %mul3A_100, %mul3A_102 : i32
    %mul3A_104 = arith.constant 800 : i32
    %mul3A_105 = arith.muli %arg1, %mul3A_104 : i32
    "tpu.region"() ({
      %run_scoped3A = tpu.sem_alloc : memref<!tpu.dma_semaphore, #tpu.memory_space<semaphore_mem>>
      %dma_start3A = arith.constant 0 : i32
      %dma_start3A_169 = tpu.memref_slice %arg7[%mul3A_105, %dma_start3A] : memref<12808x128xf32, #tpu.memory_space<vmem_shared>> -> memref<800x128xf32, #tpu.memory_space<vmem_shared>>
      %dma_start3A_170 = arith.constant 0 : i32
      %dma_start3A_171 = tpu.memref_slice %arg2[%add3A_103, %dma_start3A_170] : memref<1536000x128xf32, #tpu.memory_space<hbm>> -> memref<800x128xf32, #tpu.memory_space<hbm>>
      tpu.enqueue_dma source(%dma_start3A_171 : memref<800x128xf32, #tpu.memory_space<hbm>>) target(%dma_start3A_169 : memref<800x128xf32, #tpu.memory_space<vmem_shared>>) target_semaphore(%run_scoped3A : memref<!tpu.dma_semaphore, #tpu.memory_space<semaphore_mem>>)
      %dma_wait3A = arith.constant 0 : i32
      %dma_wait3A_172 = tpu.memref_slice %arg7[%mul3A_105, %dma_wait3A] : memref<12808x128xf32, #tpu.memory_space<vmem_shared>> -> memref<800x128xf32, #tpu.memory_space<vmem_shared>>
      %dma_wait3A_173 = arith.constant 0 : i32
      %dma_wait3A_174 = tpu.memref_slice %arg2[%add3A_103, %dma_wait3A_173] : memref<1536000x128xf32, #tpu.memory_space<hbm>> -> memref<800x128xf32, #tpu.memory_space<hbm>>
      tpu.wait_dma2 semaphore(%run_scoped3A : memref<!tpu.dma_semaphore, #tpu.memory_space<semaphore_mem>>) src(%dma_wait3A_174 : memref<800x128xf32, #tpu.memory_space<hbm>>) dst(%dma_wait3A_172 : memref<800x128xf32, #tpu.memory_space<vmem_shared>>)
      tpu.yield
    }) : () -> ()
    %barrier3A_106 = arith.constant 0 : index
    tpu.barrier barrier_id(%barrier3A_106)
    %mul3A_107 = arith.muli %arg1, %squeeze3A_98 : i32
    %mul3A_108 = arith.constant 128 : i32
    %mul3A_109 = arith.muli %mul3A_107, %mul3A_108 : i32
    %add3A_110 = arith.addi %squeeze3A_90, %mul3A_109 : i32
    %while3A_111 = arith.constant 0 : i32
    %while3A_112 = arith.constant 0 : i32
    %while3A_113 = arith.subi %squeeze3A_98, %while3A_112 : i32
    %while3A_114 = arith.addi %while3A_112, %while3A_113 : i32
    %while3A_115 = arith.constant 1 : i32
    %while3A_116 = arith.divsi %while3A_113, %while3A_115 : i32
    %while3A_117 = arith.muli %while3A_116, %while3A_115 : i32
    %while3A_118 = arith.addi %while3A_112, %while3A_117 : i32
    %while3A_119 = arith.constant 1 : i32
    scf.for %while3A_169 = %while3A_112 to %while3A_118 step %while3A_119  : i32 {
      %mul3A_170 = arith.constant 128 : i32
      %mul3A_171 = arith.muli %while3A_169, %mul3A_170 : i32
      %add3A_172 = arith.addi %add3A_110, %mul3A_171 : i32
      %multiple_of3A = tpu.assume_multiple %add3A_172, 128 : i32
      "tpu.region"() ({
        %run_scoped3A = tpu.sem_alloc : memref<!tpu.dma_semaphore, #tpu.memory_space<semaphore_mem>>
        %dma_start3A_177 = tpu.memref_slice %arg3[%multiple_of3A] : memref<450560xi32, #tpu.memory_space<hbm>> -> memref<128xi32, #tpu.memory_space<hbm>>
        %dma_start3A_178 = tpu.memref_slice %arg3[%multiple_of3A] : memref<450560xi32, #tpu.memory_space<hbm>> -> memref<128xi32, #tpu.memory_space<hbm>>
        tpu.enqueue_dma source(%dma_start3A_178 : memref<128xi32, #tpu.memory_space<hbm>>) target(%arg9 : memref<128xi32, #tpu.memory_space<vmem>>) target_semaphore(%run_scoped3A : memref<!tpu.dma_semaphore, #tpu.memory_space<semaphore_mem>>)
        %dma_wait3A_179 = tpu.memref_slice %arg3[%multiple_of3A] : memref<450560xi32, #tpu.memory_space<hbm>> -> memref<128xi32, #tpu.memory_space<hbm>>
        %dma_wait3A_180 = tpu.memref_slice %arg3[%multiple_of3A] : memref<450560xi32, #tpu.memory_space<hbm>> -> memref<128xi32, #tpu.memory_space<hbm>>
        tpu.wait_dma2 semaphore(%run_scoped3A : memref<!tpu.dma_semaphore, #tpu.memory_space<semaphore_mem>>) src(%dma_wait3A_180 : memref<128xi32, #tpu.memory_space<hbm>>) dst(%arg9 : memref<128xi32, #tpu.memory_space<vmem>>)
        tpu.yield
      }) : () -> ()
      "tpu.region"() ({
        %run_scoped3A = tpu.sem_alloc : memref<!tpu.dma_semaphore, #tpu.memory_space<semaphore_mem>>
        %dma_start3A_177 = tpu.memref_slice %arg4[%multiple_of3A] : memref<450560xi32, #tpu.memory_space<hbm>> -> memref<128xi32, #tpu.memory_space<hbm>>
        %dma_start3A_178 = tpu.memref_slice %arg4[%multiple_of3A] : memref<450560xi32, #tpu.memory_space<hbm>> -> memref<128xi32, #tpu.memory_space<hbm>>
        tpu.enqueue_dma source(%dma_start3A_178 : memref<128xi32, #tpu.memory_space<hbm>>) target(%arg10 : memref<128xi32, #tpu.memory_space<vmem>>) target_semaphore(%run_scoped3A : memref<!tpu.dma_semaphore, #tpu.memory_space<semaphore_mem>>)
        %dma_wait3A_179 = tpu.memref_slice %arg4[%multiple_of3A] : memref<450560xi32, #tpu.memory_space<hbm>> -> memref<128xi32, #tpu.memory_space<hbm>>
        %dma_wait3A_180 = tpu.memref_slice %arg4[%multiple_of3A] : memref<450560xi32, #tpu.memory_space<hbm>> -> memref<128xi32, #tpu.memory_space<hbm>>
        tpu.wait_dma2 semaphore(%run_scoped3A : memref<!tpu.dma_semaphore, #tpu.memory_space<semaphore_mem>>) src(%dma_wait3A_180 : memref<128xi32, #tpu.memory_space<hbm>>) dst(%arg10 : memref<128xi32, #tpu.memory_space<vmem>>)
        tpu.yield
      }) : () -> ()
      %dma_start3A = arith.constant 0 : i32
      %dma_start3A_173 = arith.constant 0 : i32
      %dma_start3A_174 = tpu.memref_slice %arg2[%dma_start3A, %dma_start3A_173] : memref<1536000x128xf32, #tpu.memory_space<hbm>> -> memref<1536000x128xf32, #tpu.memory_space<hbm>>
      tpu.enqueue_indirect_dma source(%dma_start3A_174 : memref<1536000x128xf32, #tpu.memory_space<hbm>>) target(%arg8 : memref<128x128xf32, #tpu.memory_space<vmem>>) offsets(%arg9 : memref<128xi32, #tpu.memory_space<vmem>>) semaphore(%arg12 : memref<!tpu.dma_semaphore, #tpu.memory_space<semaphore_mem>>)
      %dma_wait3A = arith.constant 0 : i32
      %dma_wait3A_175 = arith.constant 0 : i32
      %dma_wait3A_176 = tpu.memref_slice %arg2[%dma_wait3A, %dma_wait3A_175] : memref<1536000x128xf32, #tpu.memory_space<hbm>> -> memref<1536000x128xf32, #tpu.memory_space<hbm>>
      tpu.wait_indirect_dma semaphore(%arg12 : memref<!tpu.dma_semaphore, #tpu.memory_space<semaphore_mem>>) src(%dma_wait3A_176 : memref<1536000x128xf32, #tpu.memory_space<hbm>>) dst(%arg8 : memref<128x128xf32, #tpu.memory_space<vmem>>)
      "tpu.region"() ({
        %run_scoped3A = tpu.sem_alloc : memref<!tpu.dma_semaphore, #tpu.memory_space<semaphore_mem>>
        %dma_start3A_177 = arith.constant 0 : i32
        %dma_start3A_178 = arith.constant 0 : i32
        %dma_start3A_179 = tpu.memref_slice %arg7[%dma_start3A_177, %dma_start3A_178] : memref<12808x128xf32, #tpu.memory_space<vmem_shared>> -> memref<12808x128xf32, #tpu.memory_space<vmem_shared>>
        tpu.enqueue_indirect_dma source(%arg8 : memref<128x128xf32, #tpu.memory_space<vmem>>) target(%dma_start3A_179 : memref<12808x128xf32, #tpu.memory_space<vmem_shared>>) offsets(%arg10 : memref<128xi32, #tpu.memory_space<vmem>>) semaphore(%run_scoped3A : memref<!tpu.dma_semaphore, #tpu.memory_space<semaphore_mem>>) {add = true}
        %dma_wait3A_180 = arith.constant 0 : i32
        %dma_wait3A_181 = arith.constant 0 : i32
        %dma_wait3A_182 = tpu.memref_slice %arg7[%dma_wait3A_180, %dma_wait3A_181] : memref<12808x128xf32, #tpu.memory_space<vmem_shared>> -> memref<12808x128xf32, #tpu.memory_space<vmem_shared>>
        tpu.wait_indirect_dma semaphore(%run_scoped3A : memref<!tpu.dma_semaphore, #tpu.memory_space<semaphore_mem>>) src(%arg8 : memref<128x128xf32, #tpu.memory_space<vmem>>) dst(%dma_wait3A_182 : memref<12808x128xf32, #tpu.memory_space<vmem_shared>>)
        tpu.yield
      }) : () -> ()
    }
    %while3A_120 = arith.constant 1 : i32
    scf.for %while3A_169 = %while3A_118 to %while3A_114 step %while3A_120  : i32 {
      %mul3A_170 = arith.constant 128 : i32
      %mul3A_171 = arith.muli %while3A_169, %mul3A_170 : i32
      %add3A_172 = arith.addi %add3A_110, %mul3A_171 : i32
      %multiple_of3A = tpu.assume_multiple %add3A_172, 128 : i32
      "tpu.region"() ({
        %run_scoped3A = tpu.sem_alloc : memref<!tpu.dma_semaphore, #tpu.memory_space<semaphore_mem>>
        %dma_start3A_177 = tpu.memref_slice %arg3[%multiple_of3A] : memref<450560xi32, #tpu.memory_space<hbm>> -> memref<128xi32, #tpu.memory_space<hbm>>
        %dma_start3A_178 = tpu.memref_slice %arg3[%multiple_of3A] : memref<450560xi32, #tpu.memory_space<hbm>> -> memref<128xi32, #tpu.memory_space<hbm>>
        tpu.enqueue_dma source(%dma_start3A_178 : memref<128xi32, #tpu.memory_space<hbm>>) target(%arg9 : memref<128xi32, #tpu.memory_space<vmem>>) target_semaphore(%run_scoped3A : memref<!tpu.dma_semaphore, #tpu.memory_space<semaphore_mem>>)
        %dma_wait3A_179 = tpu.memref_slice %arg3[%multiple_of3A] : memref<450560xi32, #tpu.memory_space<hbm>> -> memref<128xi32, #tpu.memory_space<hbm>>
        %dma_wait3A_180 = tpu.memref_slice %arg3[%multiple_of3A] : memref<450560xi32, #tpu.memory_space<hbm>> -> memref<128xi32, #tpu.memory_space<hbm>>
        tpu.wait_dma2 semaphore(%run_scoped3A : memref<!tpu.dma_semaphore, #tpu.memory_space<semaphore_mem>>) src(%dma_wait3A_180 : memref<128xi32, #tpu.memory_space<hbm>>) dst(%arg9 : memref<128xi32, #tpu.memory_space<vmem>>)
        tpu.yield
      }) : () -> ()
      "tpu.region"() ({
        %run_scoped3A = tpu.sem_alloc : memref<!tpu.dma_semaphore, #tpu.memory_space<semaphore_mem>>
        %dma_start3A_177 = tpu.memref_slice %arg4[%multiple_of3A] : memref<450560xi32, #tpu.memory_space<hbm>> -> memref<128xi32, #tpu.memory_space<hbm>>
        %dma_start3A_178 = tpu.memref_slice %arg4[%multiple_of3A] : memref<450560xi32, #tpu.memory_space<hbm>> -> memref<128xi32, #tpu.memory_space<hbm>>
        tpu.enqueue_dma source(%dma_start3A_178 : memref<128xi32, #tpu.memory_space<hbm>>) target(%arg10 : memref<128xi32, #tpu.memory_space<vmem>>) target_semaphore(%run_scoped3A : memref<!tpu.dma_semaphore, #tpu.memory_space<semaphore_mem>>)
        %dma_wait3A_179 = tpu.memref_slice %arg4[%multiple_of3A] : memref<450560xi32, #tpu.memory_space<hbm>> -> memref<128xi32, #tpu.memory_space<hbm>>
        %dma_wait3A_180 = tpu.memref_slice %arg4[%multiple_of3A] : memref<450560xi32, #tpu.memory_space<hbm>> -> memref<128xi32, #tpu.memory_space<hbm>>
        tpu.wait_dma2 semaphore(%run_scoped3A : memref<!tpu.dma_semaphore, #tpu.memory_space<semaphore_mem>>) src(%dma_wait3A_180 : memref<128xi32, #tpu.memory_space<hbm>>) dst(%arg10 : memref<128xi32, #tpu.memory_space<vmem>>)
        tpu.yield
      }) : () -> ()
      %dma_start3A = arith.constant 0 : i32
      %dma_start3A_173 = arith.constant 0 : i32
      %dma_start3A_174 = tpu.memref_slice %arg2[%dma_start3A, %dma_start3A_173] : memref<1536000x128xf32, #tpu.memory_space<hbm>> -> memref<1536000x128xf32, #tpu.memory_space<hbm>>
      tpu.enqueue_indirect_dma source(%dma_start3A_174 : memref<1536000x128xf32, #tpu.memory_space<hbm>>) target(%arg8 : memref<128x128xf32, #tpu.memory_space<vmem>>) offsets(%arg9 : memref<128xi32, #tpu.memory_space<vmem>>) semaphore(%arg12 : memref<!tpu.dma_semaphore, #tpu.memory_space<semaphore_mem>>)
      %dma_wait3A = arith.constant 0 : i32
      %dma_wait3A_175 = arith.constant 0 : i32
      %dma_wait3A_176 = tpu.memref_slice %arg2[%dma_wait3A, %dma_wait3A_175] : memref<1536000x128xf32, #tpu.memory_space<hbm>> -> memref<1536000x128xf32, #tpu.memory_space<hbm>>
      tpu.wait_indirect_dma semaphore(%arg12 : memref<!tpu.dma_semaphore, #tpu.memory_space<semaphore_mem>>) src(%dma_wait3A_176 : memref<1536000x128xf32, #tpu.memory_space<hbm>>) dst(%arg8 : memref<128x128xf32, #tpu.memory_space<vmem>>)
      "tpu.region"() ({
        %run_scoped3A = tpu.sem_alloc : memref<!tpu.dma_semaphore, #tpu.memory_space<semaphore_mem>>
        %dma_start3A_177 = arith.constant 0 : i32
        %dma_start3A_178 = arith.constant 0 : i32
        %dma_start3A_179 = tpu.memref_slice %arg7[%dma_start3A_177, %dma_start3A_178] : memref<12808x128xf32, #tpu.memory_space<vmem_shared>> -> memref<12808x128xf32, #tpu.memory_space<vmem_shared>>
        tpu.enqueue_indirect_dma source(%arg8 : memref<128x128xf32, #tpu.memory_space<vmem>>) target(%dma_start3A_179 : memref<12808x128xf32, #tpu.memory_space<vmem_shared>>) offsets(%arg10 : memref<128xi32, #tpu.memory_space<vmem>>) semaphore(%run_scoped3A : memref<!tpu.dma_semaphore, #tpu.memory_space<semaphore_mem>>) {add = true}
        %dma_wait3A_180 = arith.constant 0 : i32
        %dma_wait3A_181 = arith.constant 0 : i32
        %dma_wait3A_182 = tpu.memref_slice %arg7[%dma_wait3A_180, %dma_wait3A_181] : memref<12808x128xf32, #tpu.memory_space<vmem_shared>> -> memref<12808x128xf32, #tpu.memory_space<vmem_shared>>
        tpu.wait_indirect_dma semaphore(%run_scoped3A : memref<!tpu.dma_semaphore, #tpu.memory_space<semaphore_mem>>) src(%arg8 : memref<128x128xf32, #tpu.memory_space<vmem>>) dst(%dma_wait3A_182 : memref<12808x128xf32, #tpu.memory_space<vmem_shared>>)
        tpu.yield
      }) : () -> ()
    }
    %barrier3A_121 = arith.constant 0 : index
    tpu.barrier barrier_id(%barrier3A_121)
    %mul3A_122 = arith.constant 800 : i32
    %mul3A_123 = arith.muli %arg1, %mul3A_122 : i32
    "tpu.region"() ({
      %run_scoped3A = tpu.sem_alloc : memref<!tpu.dma_semaphore, #tpu.memory_space<semaphore_mem>>
      %dma_start3A = arith.constant 0 : i32
      %dma_start3A_169 = tpu.memref_slice %arg6[%add3A_103, %dma_start3A] : memref<102400x128xf32, #tpu.memory_space<hbm>> -> memref<800x128xf32, #tpu.memory_space<hbm>>
      %dma_start3A_170 = arith.constant 0 : i32
      %dma_start3A_171 = tpu.memref_slice %arg7[%mul3A_123, %dma_start3A_170] : memref<12808x128xf32, #tpu.memory_space<vmem_shared>> -> memref<800x128xf32, #tpu.memory_space<vmem_shared>>
      tpu.enqueue_dma source(%dma_start3A_171 : memref<800x128xf32, #tpu.memory_space<vmem_shared>>) target(%dma_start3A_169 : memref<800x128xf32, #tpu.memory_space<hbm>>) target_semaphore(%run_scoped3A : memref<!tpu.dma_semaphore, #tpu.memory_space<semaphore_mem>>)
      %dma_wait3A = arith.constant 0 : i32
      %dma_wait3A_172 = tpu.memref_slice %arg6[%add3A_103, %dma_wait3A] : memref<102400x128xf32, #tpu.memory_space<hbm>> -> memref<800x128xf32, #tpu.memory_space<hbm>>
      %dma_wait3A_173 = arith.constant 0 : i32
      %dma_wait3A_174 = tpu.memref_slice %arg7[%mul3A_123, %dma_wait3A_173] : memref<12808x128xf32, #tpu.memory_space<vmem_shared>> -> memref<800x128xf32, #tpu.memory_space<vmem_shared>>
      tpu.wait_dma2 semaphore(%run_scoped3A : memref<!tpu.dma_semaphore, #tpu.memory_space<semaphore_mem>>) src(%dma_wait3A_174 : memref<800x128xf32, #tpu.memory_space<vmem_shared>>) dst(%dma_wait3A_172 : memref<800x128xf32, #tpu.memory_space<hbm>>)
      tpu.yield
    }) : () -> ()
    %barrier3A_124 = arith.constant 0 : index
    tpu.barrier barrier_id(%barrier3A_124)
    %mul3A_125 = arith.constant 4 : i32
    %mul3A_126 = arith.muli %arg0, %mul3A_125 : i32
    %add3A_127 = arith.constant 3 : i32
    %add3A_128 = arith.addi %mul3A_126, %add3A_127 : i32
    %get3A_129 = arith.index_cast %add3A_128 : i32 to index
    %get3A_130 = arith.constant 0 : index
    %get3A_131 = tpu.vector_load %arg11[%get3A_129, %get3A_130] {strides = array<i32>} : memref<16x16xi32, #tpu.memory_space<vmem>>, vector<1x16xi32>,
    %get3A_132 = vector.shape_cast %get3A_131 : vector<1x16xi32> to vector<16xi32>
    %slice3A_133 = vector.extract_strided_slice %get3A_132 {offsets = [0], sizes = [1], strides = [1]} : vector<16xi32> to vector<1xi32>
    %squeeze3A_134 = vector.extract %slice3A_133[0] : i32 from vector<1xi32>
    %add3A_135 = arith.constant 8 : i32
    %add3A_136 = arith.addi %add3A_135, %add3A_128 : i32
    %get3A_137 = arith.index_cast %add3A_136 : i32 to index
    %get3A_138 = arith.constant 0 : index
    %get3A_139 = tpu.vector_load %arg11[%get3A_137, %get3A_138] {strides = array<i32>} : memref<16x16xi32, #tpu.memory_space<vmem>>, vector<1x16xi32>,
    %get3A_140 = vector.shape_cast %get3A_139 : vector<1x16xi32> to vector<16xi32>
    %slice3A_141 = vector.extract_strided_slice %get3A_140 {offsets = [0], sizes = [1], strides = [1]} : vector<16xi32> to vector<1xi32>
    %squeeze3A_142 = vector.extract %slice3A_141[0] : i32 from vector<1xi32>
    %mul3A_143 = arith.constant 12800 : i32
    %mul3A_144 = arith.muli %add3A_128, %mul3A_143 : i32
    %mul3A_145 = arith.constant 800 : i32
    %mul3A_146 = arith.muli %arg1, %mul3A_145 : i32
    %add3A_147 = arith.addi %mul3A_144, %mul3A_146 : i32
    %mul3A_148 = arith.constant 800 : i32
    %mul3A_149 = arith.muli %arg1, %mul3A_148 : i32
    "tpu.region"() ({
      %run_scoped3A = tpu.sem_alloc : memref<!tpu.dma_semaphore, #tpu.memory_space<semaphore_mem>>
      %dma_start3A = arith.constant 0 : i32
      %dma_start3A_169 = tpu.memref_slice %arg7[%mul3A_149, %dma_start3A] : memref<12808x128xf32, #tpu.memory_space<vmem_shared>> -> memref<800x128xf32, #tpu.memory_space<vmem_shared>>
      %dma_start3A_170 = arith.constant 0 : i32
      %dma_start3A_171 = tpu.memref_slice %arg2[%add3A_147, %dma_start3A_170] : memref<1536000x128xf32, #tpu.memory_space<hbm>> -> memref<800x128xf32, #tpu.memory_space<hbm>>
      tpu.enqueue_dma source(%dma_start3A_171 : memref<800x128xf32, #tpu.memory_space<hbm>>) target(%dma_start3A_169 : memref<800x128xf32, #tpu.memory_space<vmem_shared>>) target_semaphore(%run_scoped3A : memref<!tpu.dma_semaphore, #tpu.memory_space<semaphore_mem>>)
      %dma_wait3A = arith.constant 0 : i32
      %dma_wait3A_172 = tpu.memref_slice %arg7[%mul3A_149, %dma_wait3A] : memref<12808x128xf32, #tpu.memory_space<vmem_shared>> -> memref<800x128xf32, #tpu.memory_space<vmem_shared>>
      %dma_wait3A_173 = arith.constant 0 : i32
      %dma_wait3A_174 = tpu.memref_slice %arg2[%add3A_147, %dma_wait3A_173] : memref<1536000x128xf32, #tpu.memory_space<hbm>> -> memref<800x128xf32, #tpu.memory_space<hbm>>
      tpu.wait_dma2 semaphore(%run_scoped3A : memref<!tpu.dma_semaphore, #tpu.memory_space<semaphore_mem>>) src(%dma_wait3A_174 : memref<800x128xf32, #tpu.memory_space<hbm>>) dst(%dma_wait3A_172 : memref<800x128xf32, #tpu.memory_space<vmem_shared>>)
      tpu.yield
    }) : () -> ()
    %barrier3A_150 = arith.constant 0 : index
    tpu.barrier barrier_id(%barrier3A_150)
    %mul3A_151 = arith.muli %arg1, %squeeze3A_142 : i32
    %mul3A_152 = arith.constant 128 : i32
    %mul3A_153 = arith.muli %mul3A_151, %mul3A_152 : i32
    %add3A_154 = arith.addi %squeeze3A_134, %mul3A_153 : i32
    %while3A_155 = arith.constant 0 : i32
    %while3A_156 = arith.constant 0 : i32
    %while3A_157 = arith.subi %squeeze3A_142, %while3A_156 : i32
    %while3A_158 = arith.addi %while3A_156, %while3A_157 : i32
    %while3A_159 = arith.constant 1 : i32
    %while3A_160 = arith.divsi %while3A_157, %while3A_159 : i32
    %while3A_161 = arith.muli %while3A_160, %while3A_159 : i32
    %while3A_162 = arith.addi %while3A_156, %while3A_161 : i32
    %while3A_163 = arith.constant 1 : i32
    scf.for %while3A_169 = %while3A_156 to %while3A_162 step %while3A_163  : i32 {
      %mul3A_170 = arith.constant 128 : i32
      %mul3A_171 = arith.muli %while3A_169, %mul3A_170 : i32
      %add3A_172 = arith.addi %add3A_154, %mul3A_171 : i32
      %multiple_of3A = tpu.assume_multiple %add3A_172, 128 : i32
      "tpu.region"() ({
        %run_scoped3A = tpu.sem_alloc : memref<!tpu.dma_semaphore, #tpu.memory_space<semaphore_mem>>
        %dma_start3A_177 = tpu.memref_slice %arg3[%multiple_of3A] : memref<450560xi32, #tpu.memory_space<hbm>> -> memref<128xi32, #tpu.memory_space<hbm>>
        %dma_start3A_178 = tpu.memref_slice %arg3[%multiple_of3A] : memref<450560xi32, #tpu.memory_space<hbm>> -> memref<128xi32, #tpu.memory_space<hbm>>
        tpu.enqueue_dma source(%dma_start3A_178 : memref<128xi32, #tpu.memory_space<hbm>>) target(%arg9 : memref<128xi32, #tpu.memory_space<vmem>>) target_semaphore(%run_scoped3A : memref<!tpu.dma_semaphore, #tpu.memory_space<semaphore_mem>>)
        %dma_wait3A_179 = tpu.memref_slice %arg3[%multiple_of3A] : memref<450560xi32, #tpu.memory_space<hbm>> -> memref<128xi32, #tpu.memory_space<hbm>>
        %dma_wait3A_180 = tpu.memref_slice %arg3[%multiple_of3A] : memref<450560xi32, #tpu.memory_space<hbm>> -> memref<128xi32, #tpu.memory_space<hbm>>
        tpu.wait_dma2 semaphore(%run_scoped3A : memref<!tpu.dma_semaphore, #tpu.memory_space<semaphore_mem>>) src(%dma_wait3A_180 : memref<128xi32, #tpu.memory_space<hbm>>) dst(%arg9 : memref<128xi32, #tpu.memory_space<vmem>>)
        tpu.yield
      }) : () -> ()
      "tpu.region"() ({
        %run_scoped3A = tpu.sem_alloc : memref<!tpu.dma_semaphore, #tpu.memory_space<semaphore_mem>>
        %dma_start3A_177 = tpu.memref_slice %arg4[%multiple_of3A] : memref<450560xi32, #tpu.memory_space<hbm>> -> memref<128xi32, #tpu.memory_space<hbm>>
        %dma_start3A_178 = tpu.memref_slice %arg4[%multiple_of3A] : memref<450560xi32, #tpu.memory_space<hbm>> -> memref<128xi32, #tpu.memory_space<hbm>>
        tpu.enqueue_dma source(%dma_start3A_178 : memref<128xi32, #tpu.memory_space<hbm>>) target(%arg10 : memref<128xi32, #tpu.memory_space<vmem>>) target_semaphore(%run_scoped3A : memref<!tpu.dma_semaphore, #tpu.memory_space<semaphore_mem>>)
        %dma_wait3A_179 = tpu.memref_slice %arg4[%multiple_of3A] : memref<450560xi32, #tpu.memory_space<hbm>> -> memref<128xi32, #tpu.memory_space<hbm>>
        %dma_wait3A_180 = tpu.memref_slice %arg4[%multiple_of3A] : memref<450560xi32, #tpu.memory_space<hbm>> -> memref<128xi32, #tpu.memory_space<hbm>>
        tpu.wait_dma2 semaphore(%run_scoped3A : memref<!tpu.dma_semaphore, #tpu.memory_space<semaphore_mem>>) src(%dma_wait3A_180 : memref<128xi32, #tpu.memory_space<hbm>>) dst(%arg10 : memref<128xi32, #tpu.memory_space<vmem>>)
        tpu.yield
      }) : () -> ()
      %dma_start3A = arith.constant 0 : i32
      %dma_start3A_173 = arith.constant 0 : i32
      %dma_start3A_174 = tpu.memref_slice %arg2[%dma_start3A, %dma_start3A_173] : memref<1536000x128xf32, #tpu.memory_space<hbm>> -> memref<1536000x128xf32, #tpu.memory_space<hbm>>
      tpu.enqueue_indirect_dma source(%dma_start3A_174 : memref<1536000x128xf32, #tpu.memory_space<hbm>>) target(%arg8 : memref<128x128xf32, #tpu.memory_space<vmem>>) offsets(%arg9 : memref<128xi32, #tpu.memory_space<vmem>>) semaphore(%arg12 : memref<!tpu.dma_semaphore, #tpu.memory_space<semaphore_mem>>)
      %dma_wait3A = arith.constant 0 : i32
      %dma_wait3A_175 = arith.constant 0 : i32
      %dma_wait3A_176 = tpu.memref_slice %arg2[%dma_wait3A, %dma_wait3A_175] : memref<1536000x128xf32, #tpu.memory_space<hbm>> -> memref<1536000x128xf32, #tpu.memory_space<hbm>>
      tpu.wait_indirect_dma semaphore(%arg12 : memref<!tpu.dma_semaphore, #tpu.memory_space<semaphore_mem>>) src(%dma_wait3A_176 : memref<1536000x128xf32, #tpu.memory_space<hbm>>) dst(%arg8 : memref<128x128xf32, #tpu.memory_space<vmem>>)
      "tpu.region"() ({
        %run_scoped3A = tpu.sem_alloc : memref<!tpu.dma_semaphore, #tpu.memory_space<semaphore_mem>>
        %dma_start3A_177 = arith.constant 0 : i32
        %dma_start3A_178 = arith.constant 0 : i32
        %dma_start3A_179 = tpu.memref_slice %arg7[%dma_start3A_177, %dma_start3A_178] : memref<12808x128xf32, #tpu.memory_space<vmem_shared>> -> memref<12808x128xf32, #tpu.memory_space<vmem_shared>>
        tpu.enqueue_indirect_dma source(%arg8 : memref<128x128xf32, #tpu.memory_space<vmem>>) target(%dma_start3A_179 : memref<12808x128xf32, #tpu.memory_space<vmem_shared>>) offsets(%arg10 : memref<128xi32, #tpu.memory_space<vmem>>) semaphore(%run_scoped3A : memref<!tpu.dma_semaphore, #tpu.memory_space<semaphore_mem>>) {add = true}
        %dma_wait3A_180 = arith.constant 0 : i32
        %dma_wait3A_181 = arith.constant 0 : i32
        %dma_wait3A_182 = tpu.memref_slice %arg7[%dma_wait3A_180, %dma_wait3A_181] : memref<12808x128xf32, #tpu.memory_space<vmem_shared>> -> memref<12808x128xf32, #tpu.memory_space<vmem_shared>>
        tpu.wait_indirect_dma semaphore(%run_scoped3A : memref<!tpu.dma_semaphore, #tpu.memory_space<semaphore_mem>>) src(%arg8 : memref<128x128xf32, #tpu.memory_space<vmem>>) dst(%dma_wait3A_182 : memref<12808x128xf32, #tpu.memory_space<vmem_shared>>)
        tpu.yield
      }) : () -> ()
    }
    %while3A_164 = arith.constant 1 : i32
    scf.for %while3A_169 = %while3A_162 to %while3A_158 step %while3A_164  : i32 {
      %mul3A_170 = arith.constant 128 : i32
      %mul3A_171 = arith.muli %while3A_169, %mul3A_170 : i32
      %add3A_172 = arith.addi %add3A_154, %mul3A_171 : i32
      %multiple_of3A = tpu.assume_multiple %add3A_172, 128 : i32
      "tpu.region"() ({
        %run_scoped3A = tpu.sem_alloc : memref<!tpu.dma_semaphore, #tpu.memory_space<semaphore_mem>>
        %dma_start3A_177 = tpu.memref_slice %arg3[%multiple_of3A] : memref<450560xi32, #tpu.memory_space<hbm>> -> memref<128xi32, #tpu.memory_space<hbm>>
        %dma_start3A_178 = tpu.memref_slice %arg3[%multiple_of3A] : memref<450560xi32, #tpu.memory_space<hbm>> -> memref<128xi32, #tpu.memory_space<hbm>>
        tpu.enqueue_dma source(%dma_start3A_178 : memref<128xi32, #tpu.memory_space<hbm>>) target(%arg9 : memref<128xi32, #tpu.memory_space<vmem>>) target_semaphore(%run_scoped3A : memref<!tpu.dma_semaphore, #tpu.memory_space<semaphore_mem>>)
        %dma_wait3A_179 = tpu.memref_slice %arg3[%multiple_of3A] : memref<450560xi32, #tpu.memory_space<hbm>> -> memref<128xi32, #tpu.memory_space<hbm>>
        %dma_wait3A_180 = tpu.memref_slice %arg3[%multiple_of3A] : memref<450560xi32, #tpu.memory_space<hbm>> -> memref<128xi32, #tpu.memory_space<hbm>>
        tpu.wait_dma2 semaphore(%run_scoped3A : memref<!tpu.dma_semaphore, #tpu.memory_space<semaphore_mem>>) src(%dma_wait3A_180 : memref<128xi32, #tpu.memory_space<hbm>>) dst(%arg9 : memref<128xi32, #tpu.memory_space<vmem>>)
        tpu.yield
      }) : () -> ()
      "tpu.region"() ({
        %run_scoped3A = tpu.sem_alloc : memref<!tpu.dma_semaphore, #tpu.memory_space<semaphore_mem>>
        %dma_start3A_177 = tpu.memref_slice %arg4[%multiple_of3A] : memref<450560xi32, #tpu.memory_space<hbm>> -> memref<128xi32, #tpu.memory_space<hbm>>
        %dma_start3A_178 = tpu.memref_slice %arg4[%multiple_of3A] : memref<450560xi32, #tpu.memory_space<hbm>> -> memref<128xi32, #tpu.memory_space<hbm>>
        tpu.enqueue_dma source(%dma_start3A_178 : memref<128xi32, #tpu.memory_space<hbm>>) target(%arg10 : memref<128xi32, #tpu.memory_space<vmem>>) target_semaphore(%run_scoped3A : memref<!tpu.dma_semaphore, #tpu.memory_space<semaphore_mem>>)
        %dma_wait3A_179 = tpu.memref_slice %arg4[%multiple_of3A] : memref<450560xi32, #tpu.memory_space<hbm>> -> memref<128xi32, #tpu.memory_space<hbm>>
        %dma_wait3A_180 = tpu.memref_slice %arg4[%multiple_of3A] : memref<450560xi32, #tpu.memory_space<hbm>> -> memref<128xi32, #tpu.memory_space<hbm>>
        tpu.wait_dma2 semaphore(%run_scoped3A : memref<!tpu.dma_semaphore, #tpu.memory_space<semaphore_mem>>) src(%dma_wait3A_180 : memref<128xi32, #tpu.memory_space<hbm>>) dst(%arg10 : memref<128xi32, #tpu.memory_space<vmem>>)
        tpu.yield
      }) : () -> ()
      %dma_start3A = arith.constant 0 : i32
      %dma_start3A_173 = arith.constant 0 : i32
      %dma_start3A_174 = tpu.memref_slice %arg2[%dma_start3A, %dma_start3A_173] : memref<1536000x128xf32, #tpu.memory_space<hbm>> -> memref<1536000x128xf32, #tpu.memory_space<hbm>>
      tpu.enqueue_indirect_dma source(%dma_start3A_174 : memref<1536000x128xf32, #tpu.memory_space<hbm>>) target(%arg8 : memref<128x128xf32, #tpu.memory_space<vmem>>) offsets(%arg9 : memref<128xi32, #tpu.memory_space<vmem>>) semaphore(%arg12 : memref<!tpu.dma_semaphore, #tpu.memory_space<semaphore_mem>>)
      %dma_wait3A = arith.constant 0 : i32
      %dma_wait3A_175 = arith.constant 0 : i32
      %dma_wait3A_176 = tpu.memref_slice %arg2[%dma_wait3A, %dma_wait3A_175] : memref<1536000x128xf32, #tpu.memory_space<hbm>> -> memref<1536000x128xf32, #tpu.memory_space<hbm>>
      tpu.wait_indirect_dma semaphore(%arg12 : memref<!tpu.dma_semaphore, #tpu.memory_space<semaphore_mem>>) src(%dma_wait3A_176 : memref<1536000x128xf32, #tpu.memory_space<hbm>>) dst(%arg8 : memref<128x128xf32, #tpu.memory_space<vmem>>)
      "tpu.region"() ({
        %run_scoped3A = tpu.sem_alloc : memref<!tpu.dma_semaphore, #tpu.memory_space<semaphore_mem>>
        %dma_start3A_177 = arith.constant 0 : i32
        %dma_start3A_178 = arith.constant 0 : i32
        %dma_start3A_179 = tpu.memref_slice %arg7[%dma_start3A_177, %dma_start3A_178] : memref<12808x128xf32, #tpu.memory_space<vmem_shared>> -> memref<12808x128xf32, #tpu.memory_space<vmem_shared>>
        tpu.enqueue_indirect_dma source(%arg8 : memref<128x128xf32, #tpu.memory_space<vmem>>) target(%dma_start3A_179 : memref<12808x128xf32, #tpu.memory_space<vmem_shared>>) offsets(%arg10 : memref<128xi32, #tpu.memory_space<vmem>>) semaphore(%run_scoped3A : memref<!tpu.dma_semaphore, #tpu.memory_space<semaphore_mem>>) {add = true}
        %dma_wait3A_180 = arith.constant 0 : i32
        %dma_wait3A_181 = arith.constant 0 : i32
        %dma_wait3A_182 = tpu.memref_slice %arg7[%dma_wait3A_180, %dma_wait3A_181] : memref<12808x128xf32, #tpu.memory_space<vmem_shared>> -> memref<12808x128xf32, #tpu.memory_space<vmem_shared>>
        tpu.wait_indirect_dma semaphore(%run_scoped3A : memref<!tpu.dma_semaphore, #tpu.memory_space<semaphore_mem>>) src(%arg8 : memref<128x128xf32, #tpu.memory_space<vmem>>) dst(%dma_wait3A_182 : memref<12808x128xf32, #tpu.memory_space<vmem_shared>>)
        tpu.yield
      }) : () -> ()
    }
    %barrier3A_165 = arith.constant 0 : index
    tpu.barrier barrier_id(%barrier3A_165)
    %mul3A_166 = arith.constant 800 : i32
    %mul3A_167 = arith.muli %arg1, %mul3A_166 : i32
    "tpu.region"() ({
      %run_scoped3A = tpu.sem_alloc : memref<!tpu.dma_semaphore, #tpu.memory_space<semaphore_mem>>
      %dma_start3A = arith.constant 0 : i32
      %dma_start3A_169 = tpu.memref_slice %arg6[%add3A_147, %dma_start3A] : memref<102400x128xf32, #tpu.memory_space<hbm>> -> memref<800x128xf32, #tpu.memory_space<hbm>>
      %dma_start3A_170 = arith.constant 0 : i32
      %dma_start3A_171 = tpu.memref_slice %arg7[%mul3A_167, %dma_start3A_170] : memref<12808x128xf32, #tpu.memory_space<vmem_shared>> -> memref<800x128xf32, #tpu.memory_space<vmem_shared>>
      tpu.enqueue_dma source(%dma_start3A_171 : memref<800x128xf32, #tpu.memory_space<vmem_shared>>) target(%dma_start3A_169 : memref<800x128xf32, #tpu.memory_space<hbm>>) target_semaphore(%run_scoped3A : memref<!tpu.dma_semaphore, #tpu.memory_space<semaphore_mem>>)
      %dma_wait3A = arith.constant 0 : i32
      %dma_wait3A_172 = tpu.memref_slice %arg6[%add3A_147, %dma_wait3A] : memref<102400x128xf32, #tpu.memory_space<hbm>> -> memref<800x128xf32, #tpu.memory_space<hbm>>
      %dma_wait3A_173 = arith.constant 0 : i32
      %dma_wait3A_174 = tpu.memref_slice %arg7[%mul3A_167, %dma_wait3A_173] : memref<12808x128xf32, #tpu.memory_space<vmem_shared>> -> memref<800x128xf32, #tpu.memory_space<vmem_shared>>
      tpu.wait_dma2 semaphore(%run_scoped3A : memref<!tpu.dma_semaphore, #tpu.memory_space<semaphore_mem>>) src(%dma_wait3A_174 : memref<800x128xf32, #tpu.memory_space<vmem_shared>>) dst(%dma_wait3A_172 : memref<800x128xf32, #tpu.memory_space<hbm>>)
      tpu.yield
    }) : () -> ()
    %barrier3A_168 = arith.constant 0 : index
    tpu.barrier barrier_id(%barrier3A_168)
    return
  }
}

#map = affine_map<(d0, d1) -> (0, 0)>
#map1 = affine_map<(d0, d1) -> (0)>
module attributes {stable_mosaic.version = 14 : i64} {
  func.func @_sc_body(%arg0: i32, %arg1: i32, %arg2: memref<1536000x128xf32, #tpu.memory_space<hbm>>, %arg3: memref<450560xi32, #tpu.memory_space<hbm>>, %arg4: memref<450560xi32, #tpu.memory_space<hbm>>, %arg5: memref<16x16xi32, #tpu.memory_space<hbm>>, %arg6: memref<102400x128xf32, #tpu.memory_space<hbm>>, %arg7: memref<12808x128xf32, #tpu.memory_space<vmem_shared>>, %arg8: memref<128x128xf32, #tpu.memory_space<vmem>>, %arg9: memref<128xi32, #tpu.memory_space<vmem>>, %arg10: memref<128xi32, #tpu.memory_space<vmem>>, %arg11: memref<16x16xi32, #tpu.memory_space<vmem>>, %arg12: memref<!tpu.dma_semaphore, #tpu.memory_space<semaphore_mem>>) attributes {dimension_semantics = [#tpu.dimension_semantics<core_parallel>, #tpu.dimension_semantics<subcore_parallel>], iteration_bounds = array<i64: 2, 16>, scalar_prefetch = 0 : i64, scratch_operands = 6 : i64, tpu.core_type = #tpu.core_type<sc_vector_subcore>, window_params = [{transform_indices = #map}, {transform_indices = #map1}, {transform_indices = #map1}, {transform_indices = #map}, {transform_indices = #map}]} {
    "tpu.region"() ({
      %run_scoped3A = tpu.sem_alloc : memref<!tpu.dma_semaphore, #tpu.memory_space<semaphore_mem>>
      tpu.enqueue_dma source(%arg5 : memref<16x16xi32, #tpu.memory_space<hbm>>) target(%arg11 : memref<16x16xi32, #tpu.memory_space<vmem>>) target_semaphore(%run_scoped3A : memref<!tpu.dma_semaphore, #tpu.memory_space<semaphore_mem>>)
      tpu.wait_dma2 semaphore(%run_scoped3A : memref<!tpu.dma_semaphore, #tpu.memory_space<semaphore_mem>>) src(%arg5 : memref<16x16xi32, #tpu.memory_space<hbm>>) dst(%arg11 : memref<16x16xi32, #tpu.memory_space<vmem>>)
      tpu.yield
    }) : () -> ()
    %mul3A = arith.constant 4 : i32
    %mul3A_0 = arith.muli %arg0, %mul3A : i32
    %add3A = arith.constant 0 : i32
    %add3A_1 = arith.addi %mul3A_0, %add3A : i32
    %get3A = arith.index_cast %add3A_1 : i32 to index
    %get3A_2 = arith.constant 0 : index
    %get3A_3 = tpu.vector_load %arg11[%get3A, %get3A_2] {strides = array<i32>} : memref<16x16xi32, #tpu.memory_space<vmem>>, vector<1x16xi32>,
    %get3A_4 = vector.shape_cast %get3A_3 : vector<1x16xi32> to vector<16xi32>
    %slice3A = vector.extract_strided_slice %get3A_4 {offsets = [0], sizes = [1], strides = [1]} : vector<16xi32> to vector<1xi32>
    %squeeze3A = vector.extract %slice3A[0] : i32 from vector<1xi32>
    %add3A_5 = arith.constant 8 : i32
    %add3A_6 = arith.addi %add3A_5, %add3A_1 : i32
    %get3A_7 = arith.index_cast %add3A_6 : i32 to index
    %get3A_8 = arith.constant 0 : index
    %get3A_9 = tpu.vector_load %arg11[%get3A_7, %get3A_8] {strides = array<i32>} : memref<16x16xi32, #tpu.memory_space<vmem>>, vector<1x16xi32>,
    %get3A_10 = vector.shape_cast %get3A_9 : vector<1x16xi32> to vector<16xi32>
    %slice3A_11 = vector.extract_strided_slice %get3A_10 {offsets = [0], sizes = [1], strides = [1]} : vector<16xi32> to vector<1xi32>
    %squeeze3A_12 = vector.extract %slice3A_11[0] : i32 from vector<1xi32>
    %mul3A_13 = arith.constant 12800 : i32
    %mul3A_14 = arith.muli %add3A_1, %mul3A_13 : i32
    %mul3A_15 = arith.constant 800 : i32
    %mul3A_16 = arith.muli %arg1, %mul3A_15 : i32
    %add3A_17 = arith.addi %mul3A_14, %mul3A_16 : i32
    %mul3A_18 = arith.constant 800 : i32
    %mul3A_19 = arith.muli %arg1, %mul3A_18 : i32
    "tpu.region"() ({
      %run_scoped3A = tpu.sem_alloc : memref<!tpu.dma_semaphore, #tpu.memory_space<semaphore_mem>>
      %dma_start3A = arith.constant 0 : i32
      %dma_start3A_169 = tpu.memref_slice %arg7[%mul3A_19, %dma_start3A] : memref<12808x128xf32, #tpu.memory_space<vmem_shared>> -> memref<800x128xf32, #tpu.memory_space<vmem_shared>>
      %dma_start3A_170 = arith.constant 0 : i32
      %dma_start3A_171 = tpu.memref_slice %arg2[%add3A_17, %dma_start3A_170] : memref<1536000x128xf32, #tpu.memory_space<hbm>> -> memref<800x128xf32, #tpu.memory_space<hbm>>
      tpu.enqueue_dma source(%dma_start3A_171 : memref<800x128xf32, #tpu.memory_space<hbm>>) target(%dma_start3A_169 : memref<800x128xf32, #tpu.memory_space<vmem_shared>>) target_semaphore(%run_scoped3A : memref<!tpu.dma_semaphore, #tpu.memory_space<semaphore_mem>>)
      %dma_wait3A = arith.constant 0 : i32
      %dma_wait3A_172 = tpu.memref_slice %arg7[%mul3A_19, %dma_wait3A] : memref<12808x128xf32, #tpu.memory_space<vmem_shared>> -> memref<800x128xf32, #tpu.memory_space<vmem_shared>>
      %dma_wait3A_173 = arith.constant 0 : i32
      %dma_wait3A_174 = tpu.memref_slice %arg2[%add3A_17, %dma_wait3A_173] : memref<1536000x128xf32, #tpu.memory_space<hbm>> -> memref<800x128xf32, #tpu.memory_space<hbm>>
      tpu.wait_dma2 semaphore(%run_scoped3A : memref<!tpu.dma_semaphore, #tpu.memory_space<semaphore_mem>>) src(%dma_wait3A_174 : memref<800x128xf32, #tpu.memory_space<hbm>>) dst(%dma_wait3A_172 : memref<800x128xf32, #tpu.memory_space<vmem_shared>>)
      tpu.yield
    }) : () -> ()
    %barrier3A = arith.constant 0 : index
    tpu.barrier barrier_id(%barrier3A)
    %mul3A_20 = arith.muli %arg1, %squeeze3A_12 : i32
    %mul3A_21 = arith.constant 128 : i32
    %mul3A_22 = arith.muli %mul3A_20, %mul3A_21 : i32
    %add3A_23 = arith.addi %squeeze3A, %mul3A_22 : i32
    %while3A = arith.constant 0 : i32
    %while3A_24 = arith.constant 0 : i32
    %while3A_25 = arith.subi %squeeze3A_12, %while3A_24 : i32
    %while3A_26 = arith.addi %while3A_24, %while3A_25 : i32
    %while3A_27 = arith.constant 1 : i32
    %while3A_28 = arith.divsi %while3A_25, %while3A_27 : i32
    %while3A_29 = arith.muli %while3A_28, %while3A_27 : i32
    %while3A_30 = arith.addi %while3A_24, %while3A_29 : i32
    %while3A_31 = arith.constant 1 : i32
    scf.for %while3A_169 = %while3A_24 to %while3A_30 step %while3A_31  : i32 {
      %mul3A_170 = arith.constant 128 : i32
      %mul3A_171 = arith.muli %while3A_169, %mul3A_170 : i32
      %add3A_172 = arith.addi %add3A_23, %mul3A_171 : i32
      %multiple_of3A = tpu.assume_multiple %add3A_172, 128 : i32
      "tpu.region"() ({
        %run_scoped3A = tpu.sem_alloc : memref<!tpu.dma_semaphore, #tpu.memory_space<semaphore_mem>>
        %dma_start3A_177 = tpu.memref_slice %arg3[%multiple_of3A] : memref<450560xi32, #tpu.memory_space<hbm>> -> memref<128xi32, #tpu.memory_space<hbm>>
        %dma_start3A_178 = tpu.memref_slice %arg3[%multiple_of3A] : memref<450560xi32, #tpu.memory_space<hbm>> -> memref<128xi32, #tpu.memory_space<hbm>>
        tpu.enqueue_dma source(%dma_start3A_178 : memref<128xi32, #tpu.memory_space<hbm>>) target(%arg9 : memref<128xi32, #tpu.memory_space<vmem>>) target_semaphore(%run_scoped3A : memref<!tpu.dma_semaphore, #tpu.memory_space<semaphore_mem>>)
        %dma_wait3A_179 = tpu.memref_slice %arg3[%multiple_of3A] : memref<450560xi32, #tpu.memory_space<hbm>> -> memref<128xi32, #tpu.memory_space<hbm>>
        %dma_wait3A_180 = tpu.memref_slice %arg3[%multiple_of3A] : memref<450560xi32, #tpu.memory_space<hbm>> -> memref<128xi32, #tpu.memory_space<hbm>>
        tpu.wait_dma2 semaphore(%run_scoped3A : memref<!tpu.dma_semaphore, #tpu.memory_space<semaphore_mem>>) src(%dma_wait3A_180 : memref<128xi32, #tpu.memory_space<hbm>>) dst(%arg9 : memref<128xi32, #tpu.memory_space<vmem>>)
        tpu.yield
      }) : () -> ()
      "tpu.region"() ({
        %run_scoped3A = tpu.sem_alloc : memref<!tpu.dma_semaphore, #tpu.memory_space<semaphore_mem>>
        %dma_start3A_177 = tpu.memref_slice %arg4[%multiple_of3A] : memref<450560xi32, #tpu.memory_space<hbm>> -> memref<128xi32, #tpu.memory_space<hbm>>
        %dma_start3A_178 = tpu.memref_slice %arg4[%multiple_of3A] : memref<450560xi32, #tpu.memory_space<hbm>> -> memref<128xi32, #tpu.memory_space<hbm>>
        tpu.enqueue_dma source(%dma_start3A_178 : memref<128xi32, #tpu.memory_space<hbm>>) target(%arg10 : memref<128xi32, #tpu.memory_space<vmem>>) target_semaphore(%run_scoped3A : memref<!tpu.dma_semaphore, #tpu.memory_space<semaphore_mem>>)
        %dma_wait3A_179 = tpu.memref_slice %arg4[%multiple_of3A] : memref<450560xi32, #tpu.memory_space<hbm>> -> memref<128xi32, #tpu.memory_space<hbm>>
        %dma_wait3A_180 = tpu.memref_slice %arg4[%multiple_of3A] : memref<450560xi32, #tpu.memory_space<hbm>> -> memref<128xi32, #tpu.memory_space<hbm>>
        tpu.wait_dma2 semaphore(%run_scoped3A : memref<!tpu.dma_semaphore, #tpu.memory_space<semaphore_mem>>) src(%dma_wait3A_180 : memref<128xi32, #tpu.memory_space<hbm>>) dst(%arg10 : memref<128xi32, #tpu.memory_space<vmem>>)
        tpu.yield
      }) : () -> ()
      %dma_start3A = arith.constant 0 : i32
      %dma_start3A_173 = arith.constant 0 : i32
      %dma_start3A_174 = tpu.memref_slice %arg2[%dma_start3A, %dma_start3A_173] : memref<1536000x128xf32, #tpu.memory_space<hbm>> -> memref<1536000x128xf32, #tpu.memory_space<hbm>>
      tpu.enqueue_indirect_dma source(%dma_start3A_174 : memref<1536000x128xf32, #tpu.memory_space<hbm>>) target(%arg8 : memref<128x128xf32, #tpu.memory_space<vmem>>) offsets(%arg9 : memref<128xi32, #tpu.memory_space<vmem>>) semaphore(%arg12 : memref<!tpu.dma_semaphore, #tpu.memory_space<semaphore_mem>>)
      %dma_wait3A = arith.constant 0 : i32
      %dma_wait3A_175 = arith.constant 0 : i32
      %dma_wait3A_176 = tpu.memref_slice %arg2[%dma_wait3A, %dma_wait3A_175] : memref<1536000x128xf32, #tpu.memory_space<hbm>> -> memref<1536000x128xf32, #tpu.memory_space<hbm>>
      tpu.wait_indirect_dma semaphore(%arg12 : memref<!tpu.dma_semaphore, #tpu.memory_space<semaphore_mem>>) src(%dma_wait3A_176 : memref<1536000x128xf32, #tpu.memory_space<hbm>>) dst(%arg8 : memref<128x128xf32, #tpu.memory_space<vmem>>)
      "tpu.region"() ({
        %run_scoped3A = tpu.sem_alloc : memref<!tpu.dma_semaphore, #tpu.memory_space<semaphore_mem>>
        %dma_start3A_177 = arith.constant 0 : i32
        %dma_start3A_178 = arith.constant 0 : i32
        %dma_start3A_179 = tpu.memref_slice %arg7[%dma_start3A_177, %dma_start3A_178] : memref<12808x128xf32, #tpu.memory_space<vmem_shared>> -> memref<12808x128xf32, #tpu.memory_space<vmem_shared>>
        tpu.enqueue_indirect_dma source(%arg8 : memref<128x128xf32, #tpu.memory_space<vmem>>) target(%dma_start3A_179 : memref<12808x128xf32, #tpu.memory_space<vmem_shared>>) offsets(%arg10 : memref<128xi32, #tpu.memory_space<vmem>>) semaphore(%run_scoped3A : memref<!tpu.dma_semaphore, #tpu.memory_space<semaphore_mem>>) {add = true}
        %dma_wait3A_180 = arith.constant 0 : i32
        %dma_wait3A_181 = arith.constant 0 : i32
        %dma_wait3A_182 = tpu.memref_slice %arg7[%dma_wait3A_180, %dma_wait3A_181] : memref<12808x128xf32, #tpu.memory_space<vmem_shared>> -> memref<12808x128xf32, #tpu.memory_space<vmem_shared>>
        tpu.wait_indirect_dma semaphore(%run_scoped3A : memref<!tpu.dma_semaphore, #tpu.memory_space<semaphore_mem>>) src(%arg8 : memref<128x128xf32, #tpu.memory_space<vmem>>) dst(%dma_wait3A_182 : memref<12808x128xf32, #tpu.memory_space<vmem_shared>>)
        tpu.yield
      }) : () -> ()
    }
    %while3A_32 = arith.constant 1 : i32
    scf.for %while3A_169 = %while3A_30 to %while3A_26 step %while3A_32  : i32 {
      %mul3A_170 = arith.constant 128 : i32
      %mul3A_171 = arith.muli %while3A_169, %mul3A_170 : i32
      %add3A_172 = arith.addi %add3A_23, %mul3A_171 : i32
      %multiple_of3A = tpu.assume_multiple %add3A_172, 128 : i32
      "tpu.region"() ({
        %run_scoped3A = tpu.sem_alloc : memref<!tpu.dma_semaphore, #tpu.memory_space<semaphore_mem>>
        %dma_start3A_177 = tpu.memref_slice %arg3[%multiple_of3A] : memref<450560xi32, #tpu.memory_space<hbm>> -> memref<128xi32, #tpu.memory_space<hbm>>
        %dma_start3A_178 = tpu.memref_slice %arg3[%multiple_of3A] : memref<450560xi32, #tpu.memory_space<hbm>> -> memref<128xi32, #tpu.memory_space<hbm>>
        tpu.enqueue_dma source(%dma_start3A_178 : memref<128xi32, #tpu.memory_space<hbm>>) target(%arg9 : memref<128xi32, #tpu.memory_space<vmem>>) target_semaphore(%run_scoped3A : memref<!tpu.dma_semaphore, #tpu.memory_space<semaphore_mem>>)
        %dma_wait3A_179 = tpu.memref_slice %arg3[%multiple_of3A] : memref<450560xi32, #tpu.memory_space<hbm>> -> memref<128xi32, #tpu.memory_space<hbm>>
        %dma_wait3A_180 = tpu.memref_slice %arg3[%multiple_of3A] : memref<450560xi32, #tpu.memory_space<hbm>> -> memref<128xi32, #tpu.memory_space<hbm>>
        tpu.wait_dma2 semaphore(%run_scoped3A : memref<!tpu.dma_semaphore, #tpu.memory_space<semaphore_mem>>) src(%dma_wait3A_180 : memref<128xi32, #tpu.memory_space<hbm>>) dst(%arg9 : memref<128xi32, #tpu.memory_space<vmem>>)
        tpu.yield
      }) : () -> ()
      "tpu.region"() ({
        %run_scoped3A = tpu.sem_alloc : memref<!tpu.dma_semaphore, #tpu.memory_space<semaphore_mem>>
        %dma_start3A_177 = tpu.memref_slice %arg4[%multiple_of3A] : memref<450560xi32, #tpu.memory_space<hbm>> -> memref<128xi32, #tpu.memory_space<hbm>>
        %dma_start3A_178 = tpu.memref_slice %arg4[%multiple_of3A] : memref<450560xi32, #tpu.memory_space<hbm>> -> memref<128xi32, #tpu.memory_space<hbm>>
        tpu.enqueue_dma source(%dma_start3A_178 : memref<128xi32, #tpu.memory_space<hbm>>) target(%arg10 : memref<128xi32, #tpu.memory_space<vmem>>) target_semaphore(%run_scoped3A : memref<!tpu.dma_semaphore, #tpu.memory_space<semaphore_mem>>)
        %dma_wait3A_179 = tpu.memref_slice %arg4[%multiple_of3A] : memref<450560xi32, #tpu.memory_space<hbm>> -> memref<128xi32, #tpu.memory_space<hbm>>
        %dma_wait3A_180 = tpu.memref_slice %arg4[%multiple_of3A] : memref<450560xi32, #tpu.memory_space<hbm>> -> memref<128xi32, #tpu.memory_space<hbm>>
        tpu.wait_dma2 semaphore(%run_scoped3A : memref<!tpu.dma_semaphore, #tpu.memory_space<semaphore_mem>>) src(%dma_wait3A_180 : memref<128xi32, #tpu.memory_space<hbm>>) dst(%arg10 : memref<128xi32, #tpu.memory_space<vmem>>)
        tpu.yield
      }) : () -> ()
      %dma_start3A = arith.constant 0 : i32
      %dma_start3A_173 = arith.constant 0 : i32
      %dma_start3A_174 = tpu.memref_slice %arg2[%dma_start3A, %dma_start3A_173] : memref<1536000x128xf32, #tpu.memory_space<hbm>> -> memref<1536000x128xf32, #tpu.memory_space<hbm>>
      tpu.enqueue_indirect_dma source(%dma_start3A_174 : memref<1536000x128xf32, #tpu.memory_space<hbm>>) target(%arg8 : memref<128x128xf32, #tpu.memory_space<vmem>>) offsets(%arg9 : memref<128xi32, #tpu.memory_space<vmem>>) semaphore(%arg12 : memref<!tpu.dma_semaphore, #tpu.memory_space<semaphore_mem>>)
      %dma_wait3A = arith.constant 0 : i32
      %dma_wait3A_175 = arith.constant 0 : i32
      %dma_wait3A_176 = tpu.memref_slice %arg2[%dma_wait3A, %dma_wait3A_175] : memref<1536000x128xf32, #tpu.memory_space<hbm>> -> memref<1536000x128xf32, #tpu.memory_space<hbm>>
      tpu.wait_indirect_dma semaphore(%arg12 : memref<!tpu.dma_semaphore, #tpu.memory_space<semaphore_mem>>) src(%dma_wait3A_176 : memref<1536000x128xf32, #tpu.memory_space<hbm>>) dst(%arg8 : memref<128x128xf32, #tpu.memory_space<vmem>>)
      "tpu.region"() ({
        %run_scoped3A = tpu.sem_alloc : memref<!tpu.dma_semaphore, #tpu.memory_space<semaphore_mem>>
        %dma_start3A_177 = arith.constant 0 : i32
        %dma_start3A_178 = arith.constant 0 : i32
        %dma_start3A_179 = tpu.memref_slice %arg7[%dma_start3A_177, %dma_start3A_178] : memref<12808x128xf32, #tpu.memory_space<vmem_shared>> -> memref<12808x128xf32, #tpu.memory_space<vmem_shared>>
        tpu.enqueue_indirect_dma source(%arg8 : memref<128x128xf32, #tpu.memory_space<vmem>>) target(%dma_start3A_179 : memref<12808x128xf32, #tpu.memory_space<vmem_shared>>) offsets(%arg10 : memref<128xi32, #tpu.memory_space<vmem>>) semaphore(%run_scoped3A : memref<!tpu.dma_semaphore, #tpu.memory_space<semaphore_mem>>) {add = true}
        %dma_wait3A_180 = arith.constant 0 : i32
        %dma_wait3A_181 = arith.constant 0 : i32
        %dma_wait3A_182 = tpu.memref_slice %arg7[%dma_wait3A_180, %dma_wait3A_181] : memref<12808x128xf32, #tpu.memory_space<vmem_shared>> -> memref<12808x128xf32, #tpu.memory_space<vmem_shared>>
        tpu.wait_indirect_dma semaphore(%run_scoped3A : memref<!tpu.dma_semaphore, #tpu.memory_space<semaphore_mem>>) src(%arg8 : memref<128x128xf32, #tpu.memory_space<vmem>>) dst(%dma_wait3A_182 : memref<12808x128xf32, #tpu.memory_space<vmem_shared>>)
        tpu.yield
      }) : () -> ()
    }
    %barrier3A_33 = arith.constant 0 : index
    tpu.barrier barrier_id(%barrier3A_33)
    %mul3A_34 = arith.constant 800 : i32
    %mul3A_35 = arith.muli %arg1, %mul3A_34 : i32
    "tpu.region"() ({
      %run_scoped3A = tpu.sem_alloc : memref<!tpu.dma_semaphore, #tpu.memory_space<semaphore_mem>>
      %dma_start3A = arith.constant 0 : i32
      %dma_start3A_169 = tpu.memref_slice %arg6[%add3A_17, %dma_start3A] : memref<102400x128xf32, #tpu.memory_space<hbm>> -> memref<800x128xf32, #tpu.memory_space<hbm>>
      %dma_start3A_170 = arith.constant 0 : i32
      %dma_start3A_171 = tpu.memref_slice %arg7[%mul3A_35, %dma_start3A_170] : memref<12808x128xf32, #tpu.memory_space<vmem_shared>> -> memref<800x128xf32, #tpu.memory_space<vmem_shared>>
      tpu.enqueue_dma source(%dma_start3A_171 : memref<800x128xf32, #tpu.memory_space<vmem_shared>>) target(%dma_start3A_169 : memref<800x128xf32, #tpu.memory_space<hbm>>) target_semaphore(%run_scoped3A : memref<!tpu.dma_semaphore, #tpu.memory_space<semaphore_mem>>)
      %dma_wait3A = arith.constant 0 : i32
      %dma_wait3A_172 = tpu.memref_slice %arg6[%add3A_17, %dma_wait3A] : memref<102400x128xf32, #tpu.memory_space<hbm>> -> memref<800x128xf32, #tpu.memory_space<hbm>>
      %dma_wait3A_173 = arith.constant 0 : i32
      %dma_wait3A_174 = tpu.memref_slice %arg7[%mul3A_35, %dma_wait3A_173] : memref<12808x128xf32, #tpu.memory_space<vmem_shared>> -> memref<800x128xf32, #tpu.memory_space<vmem_shared>>
      tpu.wait_dma2 semaphore(%run_scoped3A : memref<!tpu.dma_semaphore, #tpu.memory_space<semaphore_mem>>) src(%dma_wait3A_174 : memref<800x128xf32, #tpu.memory_space<vmem_shared>>) dst(%dma_wait3A_172 : memref<800x128xf32, #tpu.memory_space<hbm>>)
      tpu.yield
    }) : () -> ()
    %barrier3A_36 = arith.constant 0 : index
    tpu.barrier barrier_id(%barrier3A_36)
    %mul3A_37 = arith.constant 4 : i32
    %mul3A_38 = arith.muli %arg0, %mul3A_37 : i32
    %add3A_39 = arith.constant 1 : i32
    %add3A_40 = arith.addi %mul3A_38, %add3A_39 : i32
    %get3A_41 = arith.index_cast %add3A_40 : i32 to index
    %get3A_42 = arith.constant 0 : index
    %get3A_43 = tpu.vector_load %arg11[%get3A_41, %get3A_42] {strides = array<i32>} : memref<16x16xi32, #tpu.memory_space<vmem>>, vector<1x16xi32>,
    %get3A_44 = vector.shape_cast %get3A_43 : vector<1x16xi32> to vector<16xi32>
    %slice3A_45 = vector.extract_strided_slice %get3A_44 {offsets = [0], sizes = [1], strides = [1]} : vector<16xi32> to vector<1xi32>
    %squeeze3A_46 = vector.extract %slice3A_45[0] : i32 from vector<1xi32>
    %add3A_47 = arith.constant 8 : i32
    %add3A_48 = arith.addi %add3A_47, %add3A_40 : i32
    %get3A_49 = arith.index_cast %add3A_48 : i32 to index
    %get3A_50 = arith.constant 0 : index
    %get3A_51 = tpu.vector_load %arg11[%get3A_49, %get3A_50] {strides = array<i32>} : memref<16x16xi32, #tpu.memory_space<vmem>>, vector<1x16xi32>,
    %get3A_52 = vector.shape_cast %get3A_51 : vector<1x16xi32> to vector<16xi32>
    %slice3A_53 = vector.extract_strided_slice %get3A_52 {offsets = [0], sizes = [1], strides = [1]} : vector<16xi32> to vector<1xi32>
    %squeeze3A_54 = vector.extract %slice3A_53[0] : i32 from vector<1xi32>
    %mul3A_55 = arith.constant 12800 : i32
    %mul3A_56 = arith.muli %add3A_40, %mul3A_55 : i32
    %mul3A_57 = arith.constant 800 : i32
    %mul3A_58 = arith.muli %arg1, %mul3A_57 : i32
    %add3A_59 = arith.addi %mul3A_56, %mul3A_58 : i32
    %mul3A_60 = arith.constant 800 : i32
    %mul3A_61 = arith.muli %arg1, %mul3A_60 : i32
    "tpu.region"() ({
      %run_scoped3A = tpu.sem_alloc : memref<!tpu.dma_semaphore, #tpu.memory_space<semaphore_mem>>
      %dma_start3A = arith.constant 0 : i32
      %dma_start3A_169 = tpu.memref_slice %arg7[%mul3A_61, %dma_start3A] : memref<12808x128xf32, #tpu.memory_space<vmem_shared>> -> memref<800x128xf32, #tpu.memory_space<vmem_shared>>
      %dma_start3A_170 = arith.constant 0 : i32
      %dma_start3A_171 = tpu.memref_slice %arg2[%add3A_59, %dma_start3A_170] : memref<1536000x128xf32, #tpu.memory_space<hbm>> -> memref<800x128xf32, #tpu.memory_space<hbm>>
      tpu.enqueue_dma source(%dma_start3A_171 : memref<800x128xf32, #tpu.memory_space<hbm>>) target(%dma_start3A_169 : memref<800x128xf32, #tpu.memory_space<vmem_shared>>) target_semaphore(%run_scoped3A : memref<!tpu.dma_semaphore, #tpu.memory_space<semaphore_mem>>)
      %dma_wait3A = arith.constant 0 : i32
      %dma_wait3A_172 = tpu.memref_slice %arg7[%mul3A_61, %dma_wait3A] : memref<12808x128xf32, #tpu.memory_space<vmem_shared>> -> memref<800x128xf32, #tpu.memory_space<vmem_shared>>
      %dma_wait3A_173 = arith.constant 0 : i32
      %dma_wait3A_174 = tpu.memref_slice %arg2[%add3A_59, %dma_wait3A_173] : memref<1536000x128xf32, #tpu.memory_space<hbm>> -> memref<800x128xf32, #tpu.memory_space<hbm>>
      tpu.wait_dma2 semaphore(%run_scoped3A : memref<!tpu.dma_semaphore, #tpu.memory_space<semaphore_mem>>) src(%dma_wait3A_174 : memref<800x128xf32, #tpu.memory_space<hbm>>) dst(%dma_wait3A_172 : memref<800x128xf32, #tpu.memory_space<vmem_shared>>)
      tpu.yield
    }) : () -> ()
    %barrier3A_62 = arith.constant 0 : index
    tpu.barrier barrier_id(%barrier3A_62)
    %mul3A_63 = arith.muli %arg1, %squeeze3A_54 : i32
    %mul3A_64 = arith.constant 128 : i32
    %mul3A_65 = arith.muli %mul3A_63, %mul3A_64 : i32
    %add3A_66 = arith.addi %squeeze3A_46, %mul3A_65 : i32
    %while3A_67 = arith.constant 0 : i32
    %while3A_68 = arith.constant 0 : i32
    %while3A_69 = arith.subi %squeeze3A_54, %while3A_68 : i32
    %while3A_70 = arith.addi %while3A_68, %while3A_69 : i32
    %while3A_71 = arith.constant 1 : i32
    %while3A_72 = arith.divsi %while3A_69, %while3A_71 : i32
    %while3A_73 = arith.muli %while3A_72, %while3A_71 : i32
    %while3A_74 = arith.addi %while3A_68, %while3A_73 : i32
    %while3A_75 = arith.constant 1 : i32
    scf.for %while3A_169 = %while3A_68 to %while3A_74 step %while3A_75  : i32 {
      %mul3A_170 = arith.constant 128 : i32
      %mul3A_171 = arith.muli %while3A_169, %mul3A_170 : i32
      %add3A_172 = arith.addi %add3A_66, %mul3A_171 : i32
      %multiple_of3A = tpu.assume_multiple %add3A_172, 128 : i32
      "tpu.region"() ({
        %run_scoped3A = tpu.sem_alloc : memref<!tpu.dma_semaphore, #tpu.memory_space<semaphore_mem>>
        %dma_start3A_177 = tpu.memref_slice %arg3[%multiple_of3A] : memref<450560xi32, #tpu.memory_space<hbm>> -> memref<128xi32, #tpu.memory_space<hbm>>
        %dma_start3A_178 = tpu.memref_slice %arg3[%multiple_of3A] : memref<450560xi32, #tpu.memory_space<hbm>> -> memref<128xi32, #tpu.memory_space<hbm>>
        tpu.enqueue_dma source(%dma_start3A_178 : memref<128xi32, #tpu.memory_space<hbm>>) target(%arg9 : memref<128xi32, #tpu.memory_space<vmem>>) target_semaphore(%run_scoped3A : memref<!tpu.dma_semaphore, #tpu.memory_space<semaphore_mem>>)
        %dma_wait3A_179 = tpu.memref_slice %arg3[%multiple_of3A] : memref<450560xi32, #tpu.memory_space<hbm>> -> memref<128xi32, #tpu.memory_space<hbm>>
        %dma_wait3A_180 = tpu.memref_slice %arg3[%multiple_of3A] : memref<450560xi32, #tpu.memory_space<hbm>> -> memref<128xi32, #tpu.memory_space<hbm>>
        tpu.wait_dma2 semaphore(%run_scoped3A : memref<!tpu.dma_semaphore, #tpu.memory_space<semaphore_mem>>) src(%dma_wait3A_180 : memref<128xi32, #tpu.memory_space<hbm>>) dst(%arg9 : memref<128xi32, #tpu.memory_space<vmem>>)
        tpu.yield
      }) : () -> ()
      "tpu.region"() ({
        %run_scoped3A = tpu.sem_alloc : memref<!tpu.dma_semaphore, #tpu.memory_space<semaphore_mem>>
        %dma_start3A_177 = tpu.memref_slice %arg4[%multiple_of3A] : memref<450560xi32, #tpu.memory_space<hbm>> -> memref<128xi32, #tpu.memory_space<hbm>>
        %dma_start3A_178 = tpu.memref_slice %arg4[%multiple_of3A] : memref<450560xi32, #tpu.memory_space<hbm>> -> memref<128xi32, #tpu.memory_space<hbm>>
        tpu.enqueue_dma source(%dma_start3A_178 : memref<128xi32, #tpu.memory_space<hbm>>) target(%arg10 : memref<128xi32, #tpu.memory_space<vmem>>) target_semaphore(%run_scoped3A : memref<!tpu.dma_semaphore, #tpu.memory_space<semaphore_mem>>)
        %dma_wait3A_179 = tpu.memref_slice %arg4[%multiple_of3A] : memref<450560xi32, #tpu.memory_space<hbm>> -> memref<128xi32, #tpu.memory_space<hbm>>
        %dma_wait3A_180 = tpu.memref_slice %arg4[%multiple_of3A] : memref<450560xi32, #tpu.memory_space<hbm>> -> memref<128xi32, #tpu.memory_space<hbm>>
        tpu.wait_dma2 semaphore(%run_scoped3A : memref<!tpu.dma_semaphore, #tpu.memory_space<semaphore_mem>>) src(%dma_wait3A_180 : memref<128xi32, #tpu.memory_space<hbm>>) dst(%arg10 : memref<128xi32, #tpu.memory_space<vmem>>)
        tpu.yield
      }) : () -> ()
      %dma_start3A = arith.constant 0 : i32
      %dma_start3A_173 = arith.constant 0 : i32
      %dma_start3A_174 = tpu.memref_slice %arg2[%dma_start3A, %dma_start3A_173] : memref<1536000x128xf32, #tpu.memory_space<hbm>> -> memref<1536000x128xf32, #tpu.memory_space<hbm>>
      tpu.enqueue_indirect_dma source(%dma_start3A_174 : memref<1536000x128xf32, #tpu.memory_space<hbm>>) target(%arg8 : memref<128x128xf32, #tpu.memory_space<vmem>>) offsets(%arg9 : memref<128xi32, #tpu.memory_space<vmem>>) semaphore(%arg12 : memref<!tpu.dma_semaphore, #tpu.memory_space<semaphore_mem>>)
      %dma_wait3A = arith.constant 0 : i32
      %dma_wait3A_175 = arith.constant 0 : i32
      %dma_wait3A_176 = tpu.memref_slice %arg2[%dma_wait3A, %dma_wait3A_175] : memref<1536000x128xf32, #tpu.memory_space<hbm>> -> memref<1536000x128xf32, #tpu.memory_space<hbm>>
      tpu.wait_indirect_dma semaphore(%arg12 : memref<!tpu.dma_semaphore, #tpu.memory_space<semaphore_mem>>) src(%dma_wait3A_176 : memref<1536000x128xf32, #tpu.memory_space<hbm>>) dst(%arg8 : memref<128x128xf32, #tpu.memory_space<vmem>>)
      "tpu.region"() ({
        %run_scoped3A = tpu.sem_alloc : memref<!tpu.dma_semaphore, #tpu.memory_space<semaphore_mem>>
        %dma_start3A_177 = arith.constant 0 : i32
        %dma_start3A_178 = arith.constant 0 : i32
        %dma_start3A_179 = tpu.memref_slice %arg7[%dma_start3A_177, %dma_start3A_178] : memref<12808x128xf32, #tpu.memory_space<vmem_shared>> -> memref<12808x128xf32, #tpu.memory_space<vmem_shared>>
        tpu.enqueue_indirect_dma source(%arg8 : memref<128x128xf32, #tpu.memory_space<vmem>>) target(%dma_start3A_179 : memref<12808x128xf32, #tpu.memory_space<vmem_shared>>) offsets(%arg10 : memref<128xi32, #tpu.memory_space<vmem>>) semaphore(%run_scoped3A : memref<!tpu.dma_semaphore, #tpu.memory_space<semaphore_mem>>) {add = true}
        %dma_wait3A_180 = arith.constant 0 : i32
        %dma_wait3A_181 = arith.constant 0 : i32
        %dma_wait3A_182 = tpu.memref_slice %arg7[%dma_wait3A_180, %dma_wait3A_181] : memref<12808x128xf32, #tpu.memory_space<vmem_shared>> -> memref<12808x128xf32, #tpu.memory_space<vmem_shared>>
        tpu.wait_indirect_dma semaphore(%run_scoped3A : memref<!tpu.dma_semaphore, #tpu.memory_space<semaphore_mem>>) src(%arg8 : memref<128x128xf32, #tpu.memory_space<vmem>>) dst(%dma_wait3A_182 : memref<12808x128xf32, #tpu.memory_space<vmem_shared>>)
        tpu.yield
      }) : () -> ()
    }
    %while3A_76 = arith.constant 1 : i32
    scf.for %while3A_169 = %while3A_74 to %while3A_70 step %while3A_76  : i32 {
      %mul3A_170 = arith.constant 128 : i32
      %mul3A_171 = arith.muli %while3A_169, %mul3A_170 : i32
      %add3A_172 = arith.addi %add3A_66, %mul3A_171 : i32
      %multiple_of3A = tpu.assume_multiple %add3A_172, 128 : i32
      "tpu.region"() ({
        %run_scoped3A = tpu.sem_alloc : memref<!tpu.dma_semaphore, #tpu.memory_space<semaphore_mem>>
        %dma_start3A_177 = tpu.memref_slice %arg3[%multiple_of3A] : memref<450560xi32, #tpu.memory_space<hbm>> -> memref<128xi32, #tpu.memory_space<hbm>>
        %dma_start3A_178 = tpu.memref_slice %arg3[%multiple_of3A] : memref<450560xi32, #tpu.memory_space<hbm>> -> memref<128xi32, #tpu.memory_space<hbm>>
        tpu.enqueue_dma source(%dma_start3A_178 : memref<128xi32, #tpu.memory_space<hbm>>) target(%arg9 : memref<128xi32, #tpu.memory_space<vmem>>) target_semaphore(%run_scoped3A : memref<!tpu.dma_semaphore, #tpu.memory_space<semaphore_mem>>)
        %dma_wait3A_179 = tpu.memref_slice %arg3[%multiple_of3A] : memref<450560xi32, #tpu.memory_space<hbm>> -> memref<128xi32, #tpu.memory_space<hbm>>
        %dma_wait3A_180 = tpu.memref_slice %arg3[%multiple_of3A] : memref<450560xi32, #tpu.memory_space<hbm>> -> memref<128xi32, #tpu.memory_space<hbm>>
        tpu.wait_dma2 semaphore(%run_scoped3A : memref<!tpu.dma_semaphore, #tpu.memory_space<semaphore_mem>>) src(%dma_wait3A_180 : memref<128xi32, #tpu.memory_space<hbm>>) dst(%arg9 : memref<128xi32, #tpu.memory_space<vmem>>)
        tpu.yield
      }) : () -> ()
      "tpu.region"() ({
        %run_scoped3A = tpu.sem_alloc : memref<!tpu.dma_semaphore, #tpu.memory_space<semaphore_mem>>
        %dma_start3A_177 = tpu.memref_slice %arg4[%multiple_of3A] : memref<450560xi32, #tpu.memory_space<hbm>> -> memref<128xi32, #tpu.memory_space<hbm>>
        %dma_start3A_178 = tpu.memref_slice %arg4[%multiple_of3A] : memref<450560xi32, #tpu.memory_space<hbm>> -> memref<128xi32, #tpu.memory_space<hbm>>
        tpu.enqueue_dma source(%dma_start3A_178 : memref<128xi32, #tpu.memory_space<hbm>>) target(%arg10 : memref<128xi32, #tpu.memory_space<vmem>>) target_semaphore(%run_scoped3A : memref<!tpu.dma_semaphore, #tpu.memory_space<semaphore_mem>>)
        %dma_wait3A_179 = tpu.memref_slice %arg4[%multiple_of3A] : memref<450560xi32, #tpu.memory_space<hbm>> -> memref<128xi32, #tpu.memory_space<hbm>>
        %dma_wait3A_180 = tpu.memref_slice %arg4[%multiple_of3A] : memref<450560xi32, #tpu.memory_space<hbm>> -> memref<128xi32, #tpu.memory_space<hbm>>
        tpu.wait_dma2 semaphore(%run_scoped3A : memref<!tpu.dma_semaphore, #tpu.memory_space<semaphore_mem>>) src(%dma_wait3A_180 : memref<128xi32, #tpu.memory_space<hbm>>) dst(%arg10 : memref<128xi32, #tpu.memory_space<vmem>>)
        tpu.yield
      }) : () -> ()
      %dma_start3A = arith.constant 0 : i32
      %dma_start3A_173 = arith.constant 0 : i32
      %dma_start3A_174 = tpu.memref_slice %arg2[%dma_start3A, %dma_start3A_173] : memref<1536000x128xf32, #tpu.memory_space<hbm>> -> memref<1536000x128xf32, #tpu.memory_space<hbm>>
      tpu.enqueue_indirect_dma source(%dma_start3A_174 : memref<1536000x128xf32, #tpu.memory_space<hbm>>) target(%arg8 : memref<128x128xf32, #tpu.memory_space<vmem>>) offsets(%arg9 : memref<128xi32, #tpu.memory_space<vmem>>) semaphore(%arg12 : memref<!tpu.dma_semaphore, #tpu.memory_space<semaphore_mem>>)
      %dma_wait3A = arith.constant 0 : i32
      %dma_wait3A_175 = arith.constant 0 : i32
      %dma_wait3A_176 = tpu.memref_slice %arg2[%dma_wait3A, %dma_wait3A_175] : memref<1536000x128xf32, #tpu.memory_space<hbm>> -> memref<1536000x128xf32, #tpu.memory_space<hbm>>
      tpu.wait_indirect_dma semaphore(%arg12 : memref<!tpu.dma_semaphore, #tpu.memory_space<semaphore_mem>>) src(%dma_wait3A_176 : memref<1536000x128xf32, #tpu.memory_space<hbm>>) dst(%arg8 : memref<128x128xf32, #tpu.memory_space<vmem>>)
      "tpu.region"() ({
        %run_scoped3A = tpu.sem_alloc : memref<!tpu.dma_semaphore, #tpu.memory_space<semaphore_mem>>
        %dma_start3A_177 = arith.constant 0 : i32
        %dma_start3A_178 = arith.constant 0 : i32
        %dma_start3A_179 = tpu.memref_slice %arg7[%dma_start3A_177, %dma_start3A_178] : memref<12808x128xf32, #tpu.memory_space<vmem_shared>> -> memref<12808x128xf32, #tpu.memory_space<vmem_shared>>
        tpu.enqueue_indirect_dma source(%arg8 : memref<128x128xf32, #tpu.memory_space<vmem>>) target(%dma_start3A_179 : memref<12808x128xf32, #tpu.memory_space<vmem_shared>>) offsets(%arg10 : memref<128xi32, #tpu.memory_space<vmem>>) semaphore(%run_scoped3A : memref<!tpu.dma_semaphore, #tpu.memory_space<semaphore_mem>>) {add = true}
        %dma_wait3A_180 = arith.constant 0 : i32
        %dma_wait3A_181 = arith.constant 0 : i32
        %dma_wait3A_182 = tpu.memref_slice %arg7[%dma_wait3A_180, %dma_wait3A_181] : memref<12808x128xf32, #tpu.memory_space<vmem_shared>> -> memref<12808x128xf32, #tpu.memory_space<vmem_shared>>
        tpu.wait_indirect_dma semaphore(%run_scoped3A : memref<!tpu.dma_semaphore, #tpu.memory_space<semaphore_mem>>) src(%arg8 : memref<128x128xf32, #tpu.memory_space<vmem>>) dst(%dma_wait3A_182 : memref<12808x128xf32, #tpu.memory_space<vmem_shared>>)
        tpu.yield
      }) : () -> ()
    }
    %barrier3A_77 = arith.constant 0 : index
    tpu.barrier barrier_id(%barrier3A_77)
    %mul3A_78 = arith.constant 800 : i32
    %mul3A_79 = arith.muli %arg1, %mul3A_78 : i32
    "tpu.region"() ({
      %run_scoped3A = tpu.sem_alloc : memref<!tpu.dma_semaphore, #tpu.memory_space<semaphore_mem>>
      %dma_start3A = arith.constant 0 : i32
      %dma_start3A_169 = tpu.memref_slice %arg6[%add3A_59, %dma_start3A] : memref<102400x128xf32, #tpu.memory_space<hbm>> -> memref<800x128xf32, #tpu.memory_space<hbm>>
      %dma_start3A_170 = arith.constant 0 : i32
      %dma_start3A_171 = tpu.memref_slice %arg7[%mul3A_79, %dma_start3A_170] : memref<12808x128xf32, #tpu.memory_space<vmem_shared>> -> memref<800x128xf32, #tpu.memory_space<vmem_shared>>
      tpu.enqueue_dma source(%dma_start3A_171 : memref<800x128xf32, #tpu.memory_space<vmem_shared>>) target(%dma_start3A_169 : memref<800x128xf32, #tpu.memory_space<hbm>>) target_semaphore(%run_scoped3A : memref<!tpu.dma_semaphore, #tpu.memory_space<semaphore_mem>>)
      %dma_wait3A = arith.constant 0 : i32
      %dma_wait3A_172 = tpu.memref_slice %arg6[%add3A_59, %dma_wait3A] : memref<102400x128xf32, #tpu.memory_space<hbm>> -> memref<800x128xf32, #tpu.memory_space<hbm>>
      %dma_wait3A_173 = arith.constant 0 : i32
      %dma_wait3A_174 = tpu.memref_slice %arg7[%mul3A_79, %dma_wait3A_173] : memref<12808x128xf32, #tpu.memory_space<vmem_shared>> -> memref<800x128xf32, #tpu.memory_space<vmem_shared>>
      tpu.wait_dma2 semaphore(%run_scoped3A : memref<!tpu.dma_semaphore, #tpu.memory_space<semaphore_mem>>) src(%dma_wait3A_174 : memref<800x128xf32, #tpu.memory_space<vmem_shared>>) dst(%dma_wait3A_172 : memref<800x128xf32, #tpu.memory_space<hbm>>)
      tpu.yield
    }) : () -> ()
    %barrier3A_80 = arith.constant 0 : index
    tpu.barrier barrier_id(%barrier3A_80)
    %mul3A_81 = arith.constant 4 : i32
    %mul3A_82 = arith.muli %arg0, %mul3A_81 : i32
    %add3A_83 = arith.constant 2 : i32
    %add3A_84 = arith.addi %mul3A_82, %add3A_83 : i32
    %get3A_85 = arith.index_cast %add3A_84 : i32 to index
    %get3A_86 = arith.constant 0 : index
    %get3A_87 = tpu.vector_load %arg11[%get3A_85, %get3A_86] {strides = array<i32>} : memref<16x16xi32, #tpu.memory_space<vmem>>, vector<1x16xi32>,
    %get3A_88 = vector.shape_cast %get3A_87 : vector<1x16xi32> to vector<16xi32>
    %slice3A_89 = vector.extract_strided_slice %get3A_88 {offsets = [0], sizes = [1], strides = [1]} : vector<16xi32> to vector<1xi32>
    %squeeze3A_90 = vector.extract %slice3A_89[0] : i32 from vector<1xi32>
    %add3A_91 = arith.constant 8 : i32
    %add3A_92 = arith.addi %add3A_91, %add3A_84 : i32
    %get3A_93 = arith.index_cast %add3A_92 : i32 to index
    %get3A_94 = arith.constant 0 : index
    %get3A_95 = tpu.vector_load %arg11[%get3A_93, %get3A_94] {strides = array<i32>} : memref<16x16xi32, #tpu.memory_space<vmem>>, vector<1x16xi32>,
    %get3A_96 = vector.shape_cast %get3A_95 : vector<1x16xi32> to vector<16xi32>
    %slice3A_97 = vector.extract_strided_slice %get3A_96 {offsets = [0], sizes = [1], strides = [1]} : vector<16xi32> to vector<1xi32>
    %squeeze3A_98 = vector.extract %slice3A_97[0] : i32 from vector<1xi32>
    %mul3A_99 = arith.constant 12800 : i32
    %mul3A_100 = arith.muli %add3A_84, %mul3A_99 : i32
    %mul3A_101 = arith.constant 800 : i32
    %mul3A_102 = arith.muli %arg1, %mul3A_101 : i32
    %add3A_103 = arith.addi %mul3A_100, %mul3A_102 : i32
    %mul3A_104 = arith.constant 800 : i32
    %mul3A_105 = arith.muli %arg1, %mul3A_104 : i32
    "tpu.region"() ({
      %run_scoped3A = tpu.sem_alloc : memref<!tpu.dma_semaphore, #tpu.memory_space<semaphore_mem>>
      %dma_start3A = arith.constant 0 : i32
      %dma_start3A_169 = tpu.memref_slice %arg7[%mul3A_105, %dma_start3A] : memref<12808x128xf32, #tpu.memory_space<vmem_shared>> -> memref<800x128xf32, #tpu.memory_space<vmem_shared>>
      %dma_start3A_170 = arith.constant 0 : i32
      %dma_start3A_171 = tpu.memref_slice %arg2[%add3A_103, %dma_start3A_170] : memref<1536000x128xf32, #tpu.memory_space<hbm>> -> memref<800x128xf32, #tpu.memory_space<hbm>>
      tpu.enqueue_dma source(%dma_start3A_171 : memref<800x128xf32, #tpu.memory_space<hbm>>) target(%dma_start3A_169 : memref<800x128xf32, #tpu.memory_space<vmem_shared>>) target_semaphore(%run_scoped3A : memref<!tpu.dma_semaphore, #tpu.memory_space<semaphore_mem>>)
      %dma_wait3A = arith.constant 0 : i32
      %dma_wait3A_172 = tpu.memref_slice %arg7[%mul3A_105, %dma_wait3A] : memref<12808x128xf32, #tpu.memory_space<vmem_shared>> -> memref<800x128xf32, #tpu.memory_space<vmem_shared>>
      %dma_wait3A_173 = arith.constant 0 : i32
      %dma_wait3A_174 = tpu.memref_slice %arg2[%add3A_103, %dma_wait3A_173] : memref<1536000x128xf32, #tpu.memory_space<hbm>> -> memref<800x128xf32, #tpu.memory_space<hbm>>
      tpu.wait_dma2 semaphore(%run_scoped3A : memref<!tpu.dma_semaphore, #tpu.memory_space<semaphore_mem>>) src(%dma_wait3A_174 : memref<800x128xf32, #tpu.memory_space<hbm>>) dst(%dma_wait3A_172 : memref<800x128xf32, #tpu.memory_space<vmem_shared>>)
      tpu.yield
    }) : () -> ()
    %barrier3A_106 = arith.constant 0 : index
    tpu.barrier barrier_id(%barrier3A_106)
    %mul3A_107 = arith.muli %arg1, %squeeze3A_98 : i32
    %mul3A_108 = arith.constant 128 : i32
    %mul3A_109 = arith.muli %mul3A_107, %mul3A_108 : i32
    %add3A_110 = arith.addi %squeeze3A_90, %mul3A_109 : i32
    %while3A_111 = arith.constant 0 : i32
    %while3A_112 = arith.constant 0 : i32
    %while3A_113 = arith.subi %squeeze3A_98, %while3A_112 : i32
    %while3A_114 = arith.addi %while3A_112, %while3A_113 : i32
    %while3A_115 = arith.constant 1 : i32
    %while3A_116 = arith.divsi %while3A_113, %while3A_115 : i32
    %while3A_117 = arith.muli %while3A_116, %while3A_115 : i32
    %while3A_118 = arith.addi %while3A_112, %while3A_117 : i32
    %while3A_119 = arith.constant 1 : i32
    scf.for %while3A_169 = %while3A_112 to %while3A_118 step %while3A_119  : i32 {
      %mul3A_170 = arith.constant 128 : i32
      %mul3A_171 = arith.muli %while3A_169, %mul3A_170 : i32
      %add3A_172 = arith.addi %add3A_110, %mul3A_171 : i32
      %multiple_of3A = tpu.assume_multiple %add3A_172, 128 : i32
      "tpu.region"() ({
        %run_scoped3A = tpu.sem_alloc : memref<!tpu.dma_semaphore, #tpu.memory_space<semaphore_mem>>
        %dma_start3A_177 = tpu.memref_slice %arg3[%multiple_of3A] : memref<450560xi32, #tpu.memory_space<hbm>> -> memref<128xi32, #tpu.memory_space<hbm>>
        %dma_start3A_178 = tpu.memref_slice %arg3[%multiple_of3A] : memref<450560xi32, #tpu.memory_space<hbm>> -> memref<128xi32, #tpu.memory_space<hbm>>
        tpu.enqueue_dma source(%dma_start3A_178 : memref<128xi32, #tpu.memory_space<hbm>>) target(%arg9 : memref<128xi32, #tpu.memory_space<vmem>>) target_semaphore(%run_scoped3A : memref<!tpu.dma_semaphore, #tpu.memory_space<semaphore_mem>>)
        %dma_wait3A_179 = tpu.memref_slice %arg3[%multiple_of3A] : memref<450560xi32, #tpu.memory_space<hbm>> -> memref<128xi32, #tpu.memory_space<hbm>>
        %dma_wait3A_180 = tpu.memref_slice %arg3[%multiple_of3A] : memref<450560xi32, #tpu.memory_space<hbm>> -> memref<128xi32, #tpu.memory_space<hbm>>
        tpu.wait_dma2 semaphore(%run_scoped3A : memref<!tpu.dma_semaphore, #tpu.memory_space<semaphore_mem>>) src(%dma_wait3A_180 : memref<128xi32, #tpu.memory_space<hbm>>) dst(%arg9 : memref<128xi32, #tpu.memory_space<vmem>>)
        tpu.yield
      }) : () -> ()
      "tpu.region"() ({
        %run_scoped3A = tpu.sem_alloc : memref<!tpu.dma_semaphore, #tpu.memory_space<semaphore_mem>>
        %dma_start3A_177 = tpu.memref_slice %arg4[%multiple_of3A] : memref<450560xi32, #tpu.memory_space<hbm>> -> memref<128xi32, #tpu.memory_space<hbm>>
        %dma_start3A_178 = tpu.memref_slice %arg4[%multiple_of3A] : memref<450560xi32, #tpu.memory_space<hbm>> -> memref<128xi32, #tpu.memory_space<hbm>>
        tpu.enqueue_dma source(%dma_start3A_178 : memref<128xi32, #tpu.memory_space<hbm>>) target(%arg10 : memref<128xi32, #tpu.memory_space<vmem>>) target_semaphore(%run_scoped3A : memref<!tpu.dma_semaphore, #tpu.memory_space<semaphore_mem>>)
        %dma_wait3A_179 = tpu.memref_slice %arg4[%multiple_of3A] : memref<450560xi32, #tpu.memory_space<hbm>> -> memref<128xi32, #tpu.memory_space<hbm>>
        %dma_wait3A_180 = tpu.memref_slice %arg4[%multiple_of3A] : memref<450560xi32, #tpu.memory_space<hbm>> -> memref<128xi32, #tpu.memory_space<hbm>>
        tpu.wait_dma2 semaphore(%run_scoped3A : memref<!tpu.dma_semaphore, #tpu.memory_space<semaphore_mem>>) src(%dma_wait3A_180 : memref<128xi32, #tpu.memory_space<hbm>>) dst(%arg10 : memref<128xi32, #tpu.memory_space<vmem>>)
        tpu.yield
      }) : () -> ()
      %dma_start3A = arith.constant 0 : i32
      %dma_start3A_173 = arith.constant 0 : i32
      %dma_start3A_174 = tpu.memref_slice %arg2[%dma_start3A, %dma_start3A_173] : memref<1536000x128xf32, #tpu.memory_space<hbm>> -> memref<1536000x128xf32, #tpu.memory_space<hbm>>
      tpu.enqueue_indirect_dma source(%dma_start3A_174 : memref<1536000x128xf32, #tpu.memory_space<hbm>>) target(%arg8 : memref<128x128xf32, #tpu.memory_space<vmem>>) offsets(%arg9 : memref<128xi32, #tpu.memory_space<vmem>>) semaphore(%arg12 : memref<!tpu.dma_semaphore, #tpu.memory_space<semaphore_mem>>)
      %dma_wait3A = arith.constant 0 : i32
      %dma_wait3A_175 = arith.constant 0 : i32
      %dma_wait3A_176 = tpu.memref_slice %arg2[%dma_wait3A, %dma_wait3A_175] : memref<1536000x128xf32, #tpu.memory_space<hbm>> -> memref<1536000x128xf32, #tpu.memory_space<hbm>>
      tpu.wait_indirect_dma semaphore(%arg12 : memref<!tpu.dma_semaphore, #tpu.memory_space<semaphore_mem>>) src(%dma_wait3A_176 : memref<1536000x128xf32, #tpu.memory_space<hbm>>) dst(%arg8 : memref<128x128xf32, #tpu.memory_space<vmem>>)
      "tpu.region"() ({
        %run_scoped3A = tpu.sem_alloc : memref<!tpu.dma_semaphore, #tpu.memory_space<semaphore_mem>>
        %dma_start3A_177 = arith.constant 0 : i32
        %dma_start3A_178 = arith.constant 0 : i32
        %dma_start3A_179 = tpu.memref_slice %arg7[%dma_start3A_177, %dma_start3A_178] : memref<12808x128xf32, #tpu.memory_space<vmem_shared>> -> memref<12808x128xf32, #tpu.memory_space<vmem_shared>>
        tpu.enqueue_indirect_dma source(%arg8 : memref<128x128xf32, #tpu.memory_space<vmem>>) target(%dma_start3A_179 : memref<12808x128xf32, #tpu.memory_space<vmem_shared>>) offsets(%arg10 : memref<128xi32, #tpu.memory_space<vmem>>) semaphore(%run_scoped3A : memref<!tpu.dma_semaphore, #tpu.memory_space<semaphore_mem>>) {add = true}
        %dma_wait3A_180 = arith.constant 0 : i32
        %dma_wait3A_181 = arith.constant 0 : i32
        %dma_wait3A_182 = tpu.memref_slice %arg7[%dma_wait3A_180, %dma_wait3A_181] : memref<12808x128xf32, #tpu.memory_space<vmem_shared>> -> memref<12808x128xf32, #tpu.memory_space<vmem_shared>>
        tpu.wait_indirect_dma semaphore(%run_scoped3A : memref<!tpu.dma_semaphore, #tpu.memory_space<semaphore_mem>>) src(%arg8 : memref<128x128xf32, #tpu.memory_space<vmem>>) dst(%dma_wait3A_182 : memref<12808x128xf32, #tpu.memory_space<vmem_shared>>)
        tpu.yield
      }) : () -> ()
    }
    %while3A_120 = arith.constant 1 : i32
    scf.for %while3A_169 = %while3A_118 to %while3A_114 step %while3A_120  : i32 {
      %mul3A_170 = arith.constant 128 : i32
      %mul3A_171 = arith.muli %while3A_169, %mul3A_170 : i32
      %add3A_172 = arith.addi %add3A_110, %mul3A_171 : i32
      %multiple_of3A = tpu.assume_multiple %add3A_172, 128 : i32
      "tpu.region"() ({
        %run_scoped3A = tpu.sem_alloc : memref<!tpu.dma_semaphore, #tpu.memory_space<semaphore_mem>>
        %dma_start3A_177 = tpu.memref_slice %arg3[%multiple_of3A] : memref<450560xi32, #tpu.memory_space<hbm>> -> memref<128xi32, #tpu.memory_space<hbm>>
        %dma_start3A_178 = tpu.memref_slice %arg3[%multiple_of3A] : memref<450560xi32, #tpu.memory_space<hbm>> -> memref<128xi32, #tpu.memory_space<hbm>>
        tpu.enqueue_dma source(%dma_start3A_178 : memref<128xi32, #tpu.memory_space<hbm>>) target(%arg9 : memref<128xi32, #tpu.memory_space<vmem>>) target_semaphore(%run_scoped3A : memref<!tpu.dma_semaphore, #tpu.memory_space<semaphore_mem>>)
        %dma_wait3A_179 = tpu.memref_slice %arg3[%multiple_of3A] : memref<450560xi32, #tpu.memory_space<hbm>> -> memref<128xi32, #tpu.memory_space<hbm>>
        %dma_wait3A_180 = tpu.memref_slice %arg3[%multiple_of3A] : memref<450560xi32, #tpu.memory_space<hbm>> -> memref<128xi32, #tpu.memory_space<hbm>>
        tpu.wait_dma2 semaphore(%run_scoped3A : memref<!tpu.dma_semaphore, #tpu.memory_space<semaphore_mem>>) src(%dma_wait3A_180 : memref<128xi32, #tpu.memory_space<hbm>>) dst(%arg9 : memref<128xi32, #tpu.memory_space<vmem>>)
        tpu.yield
      }) : () -> ()
      "tpu.region"() ({
        %run_scoped3A = tpu.sem_alloc : memref<!tpu.dma_semaphore, #tpu.memory_space<semaphore_mem>>
        %dma_start3A_177 = tpu.memref_slice %arg4[%multiple_of3A] : memref<450560xi32, #tpu.memory_space<hbm>> -> memref<128xi32, #tpu.memory_space<hbm>>
        %dma_start3A_178 = tpu.memref_slice %arg4[%multiple_of3A] : memref<450560xi32, #tpu.memory_space<hbm>> -> memref<128xi32, #tpu.memory_space<hbm>>
        tpu.enqueue_dma source(%dma_start3A_178 : memref<128xi32, #tpu.memory_space<hbm>>) target(%arg10 : memref<128xi32, #tpu.memory_space<vmem>>) target_semaphore(%run_scoped3A : memref<!tpu.dma_semaphore, #tpu.memory_space<semaphore_mem>>)
        %dma_wait3A_179 = tpu.memref_slice %arg4[%multiple_of3A] : memref<450560xi32, #tpu.memory_space<hbm>> -> memref<128xi32, #tpu.memory_space<hbm>>
        %dma_wait3A_180 = tpu.memref_slice %arg4[%multiple_of3A] : memref<450560xi32, #tpu.memory_space<hbm>> -> memref<128xi32, #tpu.memory_space<hbm>>
        tpu.wait_dma2 semaphore(%run_scoped3A : memref<!tpu.dma_semaphore, #tpu.memory_space<semaphore_mem>>) src(%dma_wait3A_180 : memref<128xi32, #tpu.memory_space<hbm>>) dst(%arg10 : memref<128xi32, #tpu.memory_space<vmem>>)
        tpu.yield
      }) : () -> ()
      %dma_start3A = arith.constant 0 : i32
      %dma_start3A_173 = arith.constant 0 : i32
      %dma_start3A_174 = tpu.memref_slice %arg2[%dma_start3A, %dma_start3A_173] : memref<1536000x128xf32, #tpu.memory_space<hbm>> -> memref<1536000x128xf32, #tpu.memory_space<hbm>>
      tpu.enqueue_indirect_dma source(%dma_start3A_174 : memref<1536000x128xf32, #tpu.memory_space<hbm>>) target(%arg8 : memref<128x128xf32, #tpu.memory_space<vmem>>) offsets(%arg9 : memref<128xi32, #tpu.memory_space<vmem>>) semaphore(%arg12 : memref<!tpu.dma_semaphore, #tpu.memory_space<semaphore_mem>>)
      %dma_wait3A = arith.constant 0 : i32
      %dma_wait3A_175 = arith.constant 0 : i32
      %dma_wait3A_176 = tpu.memref_slice %arg2[%dma_wait3A, %dma_wait3A_175] : memref<1536000x128xf32, #tpu.memory_space<hbm>> -> memref<1536000x128xf32, #tpu.memory_space<hbm>>
      tpu.wait_indirect_dma semaphore(%arg12 : memref<!tpu.dma_semaphore, #tpu.memory_space<semaphore_mem>>) src(%dma_wait3A_176 : memref<1536000x128xf32, #tpu.memory_space<hbm>>) dst(%arg8 : memref<128x128xf32, #tpu.memory_space<vmem>>)
      "tpu.region"() ({
        %run_scoped3A = tpu.sem_alloc : memref<!tpu.dma_semaphore, #tpu.memory_space<semaphore_mem>>
        %dma_start3A_177 = arith.constant 0 : i32
        %dma_start3A_178 = arith.constant 0 : i32
        %dma_start3A_179 = tpu.memref_slice %arg7[%dma_start3A_177, %dma_start3A_178] : memref<12808x128xf32, #tpu.memory_space<vmem_shared>> -> memref<12808x128xf32, #tpu.memory_space<vmem_shared>>
        tpu.enqueue_indirect_dma source(%arg8 : memref<128x128xf32, #tpu.memory_space<vmem>>) target(%dma_start3A_179 : memref<12808x128xf32, #tpu.memory_space<vmem_shared>>) offsets(%arg10 : memref<128xi32, #tpu.memory_space<vmem>>) semaphore(%run_scoped3A : memref<!tpu.dma_semaphore, #tpu.memory_space<semaphore_mem>>) {add = true}
        %dma_wait3A_180 = arith.constant 0 : i32
        %dma_wait3A_181 = arith.constant 0 : i32
        %dma_wait3A_182 = tpu.memref_slice %arg7[%dma_wait3A_180, %dma_wait3A_181] : memref<12808x128xf32, #tpu.memory_space<vmem_shared>> -> memref<12808x128xf32, #tpu.memory_space<vmem_shared>>
        tpu.wait_indirect_dma semaphore(%run_scoped3A : memref<!tpu.dma_semaphore, #tpu.memory_space<semaphore_mem>>) src(%arg8 : memref<128x128xf32, #tpu.memory_space<vmem>>) dst(%dma_wait3A_182 : memref<12808x128xf32, #tpu.memory_space<vmem_shared>>)
        tpu.yield
      }) : () -> ()
    }
    %barrier3A_121 = arith.constant 0 : index
    tpu.barrier barrier_id(%barrier3A_121)
    %mul3A_122 = arith.constant 800 : i32
    %mul3A_123 = arith.muli %arg1, %mul3A_122 : i32
    "tpu.region"() ({
      %run_scoped3A = tpu.sem_alloc : memref<!tpu.dma_semaphore, #tpu.memory_space<semaphore_mem>>
      %dma_start3A = arith.constant 0 : i32
      %dma_start3A_169 = tpu.memref_slice %arg6[%add3A_103, %dma_start3A] : memref<102400x128xf32, #tpu.memory_space<hbm>> -> memref<800x128xf32, #tpu.memory_space<hbm>>
      %dma_start3A_170 = arith.constant 0 : i32
      %dma_start3A_171 = tpu.memref_slice %arg7[%mul3A_123, %dma_start3A_170] : memref<12808x128xf32, #tpu.memory_space<vmem_shared>> -> memref<800x128xf32, #tpu.memory_space<vmem_shared>>
      tpu.enqueue_dma source(%dma_start3A_171 : memref<800x128xf32, #tpu.memory_space<vmem_shared>>) target(%dma_start3A_169 : memref<800x128xf32, #tpu.memory_space<hbm>>) target_semaphore(%run_scoped3A : memref<!tpu.dma_semaphore, #tpu.memory_space<semaphore_mem>>)
      %dma_wait3A = arith.constant 0 : i32
      %dma_wait3A_172 = tpu.memref_slice %arg6[%add3A_103, %dma_wait3A] : memref<102400x128xf32, #tpu.memory_space<hbm>> -> memref<800x128xf32, #tpu.memory_space<hbm>>
      %dma_wait3A_173 = arith.constant 0 : i32
      %dma_wait3A_174 = tpu.memref_slice %arg7[%mul3A_123, %dma_wait3A_173] : memref<12808x128xf32, #tpu.memory_space<vmem_shared>> -> memref<800x128xf32, #tpu.memory_space<vmem_shared>>
      tpu.wait_dma2 semaphore(%run_scoped3A : memref<!tpu.dma_semaphore, #tpu.memory_space<semaphore_mem>>) src(%dma_wait3A_174 : memref<800x128xf32, #tpu.memory_space<vmem_shared>>) dst(%dma_wait3A_172 : memref<800x128xf32, #tpu.memory_space<hbm>>)
      tpu.yield
    }) : () -> ()
    %barrier3A_124 = arith.constant 0 : index
    tpu.barrier barrier_id(%barrier3A_124)
    %mul3A_125 = arith.constant 4 : i32
    %mul3A_126 = arith.muli %arg0, %mul3A_125 : i32
    %add3A_127 = arith.constant 3 : i32
    %add3A_128 = arith.addi %mul3A_126, %add3A_127 : i32
    %get3A_129 = arith.index_cast %add3A_128 : i32 to index
    %get3A_130 = arith.constant 0 : index
    %get3A_131 = tpu.vector_load %arg11[%get3A_129, %get3A_130] {strides = array<i32>} : memref<16x16xi32, #tpu.memory_space<vmem>>, vector<1x16xi32>,
    %get3A_132 = vector.shape_cast %get3A_131 : vector<1x16xi32> to vector<16xi32>
    %slice3A_133 = vector.extract_strided_slice %get3A_132 {offsets = [0], sizes = [1], strides = [1]} : vector<16xi32> to vector<1xi32>
    %squeeze3A_134 = vector.extract %slice3A_133[0] : i32 from vector<1xi32>
    %add3A_135 = arith.constant 8 : i32
    %add3A_136 = arith.addi %add3A_135, %add3A_128 : i32
    %get3A_137 = arith.index_cast %add3A_136 : i32 to index
    %get3A_138 = arith.constant 0 : index
    %get3A_139 = tpu.vector_load %arg11[%get3A_137, %get3A_138] {strides = array<i32>} : memref<16x16xi32, #tpu.memory_space<vmem>>, vector<1x16xi32>,
    %get3A_140 = vector.shape_cast %get3A_139 : vector<1x16xi32> to vector<16xi32>
    %slice3A_141 = vector.extract_strided_slice %get3A_140 {offsets = [0], sizes = [1], strides = [1]} : vector<16xi32> to vector<1xi32>
    %squeeze3A_142 = vector.extract %slice3A_141[0] : i32 from vector<1xi32>
    %mul3A_143 = arith.constant 12800 : i32
    %mul3A_144 = arith.muli %add3A_128, %mul3A_143 : i32
    %mul3A_145 = arith.constant 800 : i32
    %mul3A_146 = arith.muli %arg1, %mul3A_145 : i32
    %add3A_147 = arith.addi %mul3A_144, %mul3A_146 : i32
    %mul3A_148 = arith.constant 800 : i32
    %mul3A_149 = arith.muli %arg1, %mul3A_148 : i32
    "tpu.region"() ({
      %run_scoped3A = tpu.sem_alloc : memref<!tpu.dma_semaphore, #tpu.memory_space<semaphore_mem>>
      %dma_start3A = arith.constant 0 : i32
      %dma_start3A_169 = tpu.memref_slice %arg7[%mul3A_149, %dma_start3A] : memref<12808x128xf32, #tpu.memory_space<vmem_shared>> -> memref<800x128xf32, #tpu.memory_space<vmem_shared>>
      %dma_start3A_170 = arith.constant 0 : i32
      %dma_start3A_171 = tpu.memref_slice %arg2[%add3A_147, %dma_start3A_170] : memref<1536000x128xf32, #tpu.memory_space<hbm>> -> memref<800x128xf32, #tpu.memory_space<hbm>>
      tpu.enqueue_dma source(%dma_start3A_171 : memref<800x128xf32, #tpu.memory_space<hbm>>) target(%dma_start3A_169 : memref<800x128xf32, #tpu.memory_space<vmem_shared>>) target_semaphore(%run_scoped3A : memref<!tpu.dma_semaphore, #tpu.memory_space<semaphore_mem>>)
      %dma_wait3A = arith.constant 0 : i32
      %dma_wait3A_172 = tpu.memref_slice %arg7[%mul3A_149, %dma_wait3A] : memref<12808x128xf32, #tpu.memory_space<vmem_shared>> -> memref<800x128xf32, #tpu.memory_space<vmem_shared>>
      %dma_wait3A_173 = arith.constant 0 : i32
      %dma_wait3A_174 = tpu.memref_slice %arg2[%add3A_147, %dma_wait3A_173] : memref<1536000x128xf32, #tpu.memory_space<hbm>> -> memref<800x128xf32, #tpu.memory_space<hbm>>
      tpu.wait_dma2 semaphore(%run_scoped3A : memref<!tpu.dma_semaphore, #tpu.memory_space<semaphore_mem>>) src(%dma_wait3A_174 : memref<800x128xf32, #tpu.memory_space<hbm>>) dst(%dma_wait3A_172 : memref<800x128xf32, #tpu.memory_space<vmem_shared>>)
      tpu.yield
    }) : () -> ()
    %barrier3A_150 = arith.constant 0 : index
    tpu.barrier barrier_id(%barrier3A_150)
    %mul3A_151 = arith.muli %arg1, %squeeze3A_142 : i32
    %mul3A_152 = arith.constant 128 : i32
    %mul3A_153 = arith.muli %mul3A_151, %mul3A_152 : i32
    %add3A_154 = arith.addi %squeeze3A_134, %mul3A_153 : i32
    %while3A_155 = arith.constant 0 : i32
    %while3A_156 = arith.constant 0 : i32
    %while3A_157 = arith.subi %squeeze3A_142, %while3A_156 : i32
    %while3A_158 = arith.addi %while3A_156, %while3A_157 : i32
    %while3A_159 = arith.constant 1 : i32
    %while3A_160 = arith.divsi %while3A_157, %while3A_159 : i32
    %while3A_161 = arith.muli %while3A_160, %while3A_159 : i32
    %while3A_162 = arith.addi %while3A_156, %while3A_161 : i32
    %while3A_163 = arith.constant 1 : i32
    scf.for %while3A_169 = %while3A_156 to %while3A_162 step %while3A_163  : i32 {
      %mul3A_170 = arith.constant 128 : i32
      %mul3A_171 = arith.muli %while3A_169, %mul3A_170 : i32
      %add3A_172 = arith.addi %add3A_154, %mul3A_171 : i32
      %multiple_of3A = tpu.assume_multiple %add3A_172, 128 : i32
      "tpu.region"() ({
        %run_scoped3A = tpu.sem_alloc : memref<!tpu.dma_semaphore, #tpu.memory_space<semaphore_mem>>
        %dma_start3A_177 = tpu.memref_slice %arg3[%multiple_of3A] : memref<450560xi32, #tpu.memory_space<hbm>> -> memref<128xi32, #tpu.memory_space<hbm>>
        %dma_start3A_178 = tpu.memref_slice %arg3[%multiple_of3A] : memref<450560xi32, #tpu.memory_space<hbm>> -> memref<128xi32, #tpu.memory_space<hbm>>
        tpu.enqueue_dma source(%dma_start3A_178 : memref<128xi32, #tpu.memory_space<hbm>>) target(%arg9 : memref<128xi32, #tpu.memory_space<vmem>>) target_semaphore(%run_scoped3A : memref<!tpu.dma_semaphore, #tpu.memory_space<semaphore_mem>>)
        %dma_wait3A_179 = tpu.memref_slice %arg3[%multiple_of3A] : memref<450560xi32, #tpu.memory_space<hbm>> -> memref<128xi32, #tpu.memory_space<hbm>>
        %dma_wait3A_180 = tpu.memref_slice %arg3[%multiple_of3A] : memref<450560xi32, #tpu.memory_space<hbm>> -> memref<128xi32, #tpu.memory_space<hbm>>
        tpu.wait_dma2 semaphore(%run_scoped3A : memref<!tpu.dma_semaphore, #tpu.memory_space<semaphore_mem>>) src(%dma_wait3A_180 : memref<128xi32, #tpu.memory_space<hbm>>) dst(%arg9 : memref<128xi32, #tpu.memory_space<vmem>>)
        tpu.yield
      }) : () -> ()
      "tpu.region"() ({
        %run_scoped3A = tpu.sem_alloc : memref<!tpu.dma_semaphore, #tpu.memory_space<semaphore_mem>>
        %dma_start3A_177 = tpu.memref_slice %arg4[%multiple_of3A] : memref<450560xi32, #tpu.memory_space<hbm>> -> memref<128xi32, #tpu.memory_space<hbm>>
        %dma_start3A_178 = tpu.memref_slice %arg4[%multiple_of3A] : memref<450560xi32, #tpu.memory_space<hbm>> -> memref<128xi32, #tpu.memory_space<hbm>>
        tpu.enqueue_dma source(%dma_start3A_178 : memref<128xi32, #tpu.memory_space<hbm>>) target(%arg10 : memref<128xi32, #tpu.memory_space<vmem>>) target_semaphore(%run_scoped3A : memref<!tpu.dma_semaphore, #tpu.memory_space<semaphore_mem>>)
        %dma_wait3A_179 = tpu.memref_slice %arg4[%multiple_of3A] : memref<450560xi32, #tpu.memory_space<hbm>> -> memref<128xi32, #tpu.memory_space<hbm>>
        %dma_wait3A_180 = tpu.memref_slice %arg4[%multiple_of3A] : memref<450560xi32, #tpu.memory_space<hbm>> -> memref<128xi32, #tpu.memory_space<hbm>>
        tpu.wait_dma2 semaphore(%run_scoped3A : memref<!tpu.dma_semaphore, #tpu.memory_space<semaphore_mem>>) src(%dma_wait3A_180 : memref<128xi32, #tpu.memory_space<hbm>>) dst(%arg10 : memref<128xi32, #tpu.memory_space<vmem>>)
        tpu.yield
      }) : () -> ()
      %dma_start3A = arith.constant 0 : i32
      %dma_start3A_173 = arith.constant 0 : i32
      %dma_start3A_174 = tpu.memref_slice %arg2[%dma_start3A, %dma_start3A_173] : memref<1536000x128xf32, #tpu.memory_space<hbm>> -> memref<1536000x128xf32, #tpu.memory_space<hbm>>
      tpu.enqueue_indirect_dma source(%dma_start3A_174 : memref<1536000x128xf32, #tpu.memory_space<hbm>>) target(%arg8 : memref<128x128xf32, #tpu.memory_space<vmem>>) offsets(%arg9 : memref<128xi32, #tpu.memory_space<vmem>>) semaphore(%arg12 : memref<!tpu.dma_semaphore, #tpu.memory_space<semaphore_mem>>)
      %dma_wait3A = arith.constant 0 : i32
      %dma_wait3A_175 = arith.constant 0 : i32
      %dma_wait3A_176 = tpu.memref_slice %arg2[%dma_wait3A, %dma_wait3A_175] : memref<1536000x128xf32, #tpu.memory_space<hbm>> -> memref<1536000x128xf32, #tpu.memory_space<hbm>>
      tpu.wait_indirect_dma semaphore(%arg12 : memref<!tpu.dma_semaphore, #tpu.memory_space<semaphore_mem>>) src(%dma_wait3A_176 : memref<1536000x128xf32, #tpu.memory_space<hbm>>) dst(%arg8 : memref<128x128xf32, #tpu.memory_space<vmem>>)
      "tpu.region"() ({
        %run_scoped3A = tpu.sem_alloc : memref<!tpu.dma_semaphore, #tpu.memory_space<semaphore_mem>>
        %dma_start3A_177 = arith.constant 0 : i32
        %dma_start3A_178 = arith.constant 0 : i32
        %dma_start3A_179 = tpu.memref_slice %arg7[%dma_start3A_177, %dma_start3A_178] : memref<12808x128xf32, #tpu.memory_space<vmem_shared>> -> memref<12808x128xf32, #tpu.memory_space<vmem_shared>>
        tpu.enqueue_indirect_dma source(%arg8 : memref<128x128xf32, #tpu.memory_space<vmem>>) target(%dma_start3A_179 : memref<12808x128xf32, #tpu.memory_space<vmem_shared>>) offsets(%arg10 : memref<128xi32, #tpu.memory_space<vmem>>) semaphore(%run_scoped3A : memref<!tpu.dma_semaphore, #tpu.memory_space<semaphore_mem>>) {add = true}
        %dma_wait3A_180 = arith.constant 0 : i32
        %dma_wait3A_181 = arith.constant 0 : i32
        %dma_wait3A_182 = tpu.memref_slice %arg7[%dma_wait3A_180, %dma_wait3A_181] : memref<12808x128xf32, #tpu.memory_space<vmem_shared>> -> memref<12808x128xf32, #tpu.memory_space<vmem_shared>>
        tpu.wait_indirect_dma semaphore(%run_scoped3A : memref<!tpu.dma_semaphore, #tpu.memory_space<semaphore_mem>>) src(%arg8 : memref<128x128xf32, #tpu.memory_space<vmem>>) dst(%dma_wait3A_182 : memref<12808x128xf32, #tpu.memory_space<vmem_shared>>)
        tpu.yield
      }) : () -> ()
    }
    %while3A_164 = arith.constant 1 : i32
    scf.for %while3A_169 = %while3A_162 to %while3A_158 step %while3A_164  : i32 {
      %mul3A_170 = arith.constant 128 : i32
      %mul3A_171 = arith.muli %while3A_169, %mul3A_170 : i32
      %add3A_172 = arith.addi %add3A_154, %mul3A_171 : i32
      %multiple_of3A = tpu.assume_multiple %add3A_172, 128 : i32
      "tpu.region"() ({
        %run_scoped3A = tpu.sem_alloc : memref<!tpu.dma_semaphore, #tpu.memory_space<semaphore_mem>>
        %dma_start3A_177 = tpu.memref_slice %arg3[%multiple_of3A] : memref<450560xi32, #tpu.memory_space<hbm>> -> memref<128xi32, #tpu.memory_space<hbm>>
        %dma_start3A_178 = tpu.memref_slice %arg3[%multiple_of3A] : memref<450560xi32, #tpu.memory_space<hbm>> -> memref<128xi32, #tpu.memory_space<hbm>>
        tpu.enqueue_dma source(%dma_start3A_178 : memref<128xi32, #tpu.memory_space<hbm>>) target(%arg9 : memref<128xi32, #tpu.memory_space<vmem>>) target_semaphore(%run_scoped3A : memref<!tpu.dma_semaphore, #tpu.memory_space<semaphore_mem>>)
        %dma_wait3A_179 = tpu.memref_slice %arg3[%multiple_of3A] : memref<450560xi32, #tpu.memory_space<hbm>> -> memref<128xi32, #tpu.memory_space<hbm>>
        %dma_wait3A_180 = tpu.memref_slice %arg3[%multiple_of3A] : memref<450560xi32, #tpu.memory_space<hbm>> -> memref<128xi32, #tpu.memory_space<hbm>>
        tpu.wait_dma2 semaphore(%run_scoped3A : memref<!tpu.dma_semaphore, #tpu.memory_space<semaphore_mem>>) src(%dma_wait3A_180 : memref<128xi32, #tpu.memory_space<hbm>>) dst(%arg9 : memref<128xi32, #tpu.memory_space<vmem>>)
        tpu.yield
      }) : () -> ()
      "tpu.region"() ({
        %run_scoped3A = tpu.sem_alloc : memref<!tpu.dma_semaphore, #tpu.memory_space<semaphore_mem>>
        %dma_start3A_177 = tpu.memref_slice %arg4[%multiple_of3A] : memref<450560xi32, #tpu.memory_space<hbm>> -> memref<128xi32, #tpu.memory_space<hbm>>
        %dma_start3A_178 = tpu.memref_slice %arg4[%multiple_of3A] : memref<450560xi32, #tpu.memory_space<hbm>> -> memref<128xi32, #tpu.memory_space<hbm>>
        tpu.enqueue_dma source(%dma_start3A_178 : memref<128xi32, #tpu.memory_space<hbm>>) target(%arg10 : memref<128xi32, #tpu.memory_space<vmem>>) target_semaphore(%run_scoped3A : memref<!tpu.dma_semaphore, #tpu.memory_space<semaphore_mem>>)
        %dma_wait3A_179 = tpu.memref_slice %arg4[%multiple_of3A] : memref<450560xi32, #tpu.memory_space<hbm>> -> memref<128xi32, #tpu.memory_space<hbm>>
        %dma_wait3A_180 = tpu.memref_slice %arg4[%multiple_of3A] : memref<450560xi32, #tpu.memory_space<hbm>> -> memref<128xi32, #tpu.memory_space<hbm>>
        tpu.wait_dma2 semaphore(%run_scoped3A : memref<!tpu.dma_semaphore, #tpu.memory_space<semaphore_mem>>) src(%dma_wait3A_180 : memref<128xi32, #tpu.memory_space<hbm>>) dst(%arg10 : memref<128xi32, #tpu.memory_space<vmem>>)
        tpu.yield
      }) : () -> ()
      %dma_start3A = arith.constant 0 : i32
      %dma_start3A_173 = arith.constant 0 : i32
      %dma_start3A_174 = tpu.memref_slice %arg2[%dma_start3A, %dma_start3A_173] : memref<1536000x128xf32, #tpu.memory_space<hbm>> -> memref<1536000x128xf32, #tpu.memory_space<hbm>>
      tpu.enqueue_indirect_dma source(%dma_start3A_174 : memref<1536000x128xf32, #tpu.memory_space<hbm>>) target(%arg8 : memref<128x128xf32, #tpu.memory_space<vmem>>) offsets(%arg9 : memref<128xi32, #tpu.memory_space<vmem>>) semaphore(%arg12 : memref<!tpu.dma_semaphore, #tpu.memory_space<semaphore_mem>>)
      %dma_wait3A = arith.constant 0 : i32
      %dma_wait3A_175 = arith.constant 0 : i32
      %dma_wait3A_176 = tpu.memref_slice %arg2[%dma_wait3A, %dma_wait3A_175] : memref<1536000x128xf32, #tpu.memory_space<hbm>> -> memref<1536000x128xf32, #tpu.memory_space<hbm>>
      tpu.wait_indirect_dma semaphore(%arg12 : memref<!tpu.dma_semaphore, #tpu.memory_space<semaphore_mem>>) src(%dma_wait3A_176 : memref<1536000x128xf32, #tpu.memory_space<hbm>>) dst(%arg8 : memref<128x128xf32, #tpu.memory_space<vmem>>)
      "tpu.region"() ({
        %run_scoped3A = tpu.sem_alloc : memref<!tpu.dma_semaphore, #tpu.memory_space<semaphore_mem>>
        %dma_start3A_177 = arith.constant 0 : i32
        %dma_start3A_178 = arith.constant 0 : i32
        %dma_start3A_179 = tpu.memref_slice %arg7[%dma_start3A_177, %dma_start3A_178] : memref<12808x128xf32, #tpu.memory_space<vmem_shared>> -> memref<12808x128xf32, #tpu.memory_space<vmem_shared>>
        tpu.enqueue_indirect_dma source(%arg8 : memref<128x128xf32, #tpu.memory_space<vmem>>) target(%dma_start3A_179 : memref<12808x128xf32, #tpu.memory_space<vmem_shared>>) offsets(%arg10 : memref<128xi32, #tpu.memory_space<vmem>>) semaphore(%run_scoped3A : memref<!tpu.dma_semaphore, #tpu.memory_space<semaphore_mem>>) {add = true}
        %dma_wait3A_180 = arith.constant 0 : i32
        %dma_wait3A_181 = arith.constant 0 : i32
        %dma_wait3A_182 = tpu.memref_slice %arg7[%dma_wait3A_180, %dma_wait3A_181] : memref<12808x128xf32, #tpu.memory_space<vmem_shared>> -> memref<12808x128xf32, #tpu.memory_space<vmem_shared>>
        tpu.wait_indirect_dma semaphore(%run_scoped3A : memref<!tpu.dma_semaphore, #tpu.memory_space<semaphore_mem>>) src(%arg8 : memref<128x128xf32, #tpu.memory_space<vmem>>) dst(%dma_wait3A_182 : memref<12808x128xf32, #tpu.memory_space<vmem_shared>>)
        tpu.yield
      }) : () -> ()
    }
    %barrier3A_165 = arith.constant 0 : index
    tpu.barrier barrier_id(%barrier3A_165)
    %mul3A_166 = arith.constant 800 : i32
    %mul3A_167 = arith.muli %arg1, %mul3A_166 : i32
    "tpu.region"() ({
      %run_scoped3A = tpu.sem_alloc : memref<!tpu.dma_semaphore, #tpu.memory_space<semaphore_mem>>
      %dma_start3A = arith.constant 0 : i32
      %dma_start3A_169 = tpu.memref_slice %arg6[%add3A_147, %dma_start3A] : memref<102400x128xf32, #tpu.memory_space<hbm>> -> memref<800x128xf32, #tpu.memory_space<hbm>>
      %dma_start3A_170 = arith.constant 0 : i32
      %dma_start3A_171 = tpu.memref_slice %arg7[%mul3A_167, %dma_start3A_170] : memref<12808x128xf32, #tpu.memory_space<vmem_shared>> -> memref<800x128xf32, #tpu.memory_space<vmem_shared>>
      tpu.enqueue_dma source(%dma_start3A_171 : memref<800x128xf32, #tpu.memory_space<vmem_shared>>) target(%dma_start3A_169 : memref<800x128xf32, #tpu.memory_space<hbm>>) target_semaphore(%run_scoped3A : memref<!tpu.dma_semaphore, #tpu.memory_space<semaphore_mem>>)
      %dma_wait3A = arith.constant 0 : i32
      %dma_wait3A_172 = tpu.memref_slice %arg6[%add3A_147, %dma_wait3A] : memref<102400x128xf32, #tpu.memory_space<hbm>> -> memref<800x128xf32, #tpu.memory_space<hbm>>
      %dma_wait3A_173 = arith.constant 0 : i32
      %dma_wait3A_174 = tpu.memref_slice %arg7[%mul3A_167, %dma_wait3A_173] : memref<12808x128xf32, #tpu.memory_space<vmem_shared>> -> memref<800x128xf32, #tpu.memory_space<vmem_shared>>
      tpu.wait_dma2 semaphore(%run_scoped3A : memref<!tpu.dma_semaphore, #tpu.memory_space<semaphore_mem>>) src(%dma_wait3A_174 : memref<800x128xf32, #tpu.memory_space<vmem_shared>>) dst(%dma_wait3A_172 : memref<800x128xf32, #tpu.memory_space<hbm>>)
      tpu.yield
    }) : () -> ()
    %barrier3A_168 = arith.constant 0 : index
    tpu.barrier barrier_id(%barrier3A_168)
    return
  }
}

#map = affine_map<(d0, d1) -> (0, 0)>
#map1 = affine_map<(d0, d1) -> (0)>
module attributes {stable_mosaic.version = 14 : i64} {
  func.func @_sc_body(%arg0: i32, %arg1: i32, %arg2: memref<1536000x128xf32, #tpu.memory_space<hbm>>, %arg3: memref<450560xi32, #tpu.memory_space<hbm>>, %arg4: memref<450560xi32, #tpu.memory_space<hbm>>, %arg5: memref<16x16xi32, #tpu.memory_space<hbm>>, %arg6: memref<102400x128xf32, #tpu.memory_space<hbm>>, %arg7: memref<12808x128xf32, #tpu.memory_space<vmem_shared>>, %arg8: memref<128x128xf32, #tpu.memory_space<vmem>>, %arg9: memref<128xi32, #tpu.memory_space<vmem>>, %arg10: memref<128xi32, #tpu.memory_space<vmem>>, %arg11: memref<16x16xi32, #tpu.memory_space<vmem>>, %arg12: memref<!tpu.dma_semaphore, #tpu.memory_space<semaphore_mem>>) attributes {dimension_semantics = [#tpu.dimension_semantics<core_parallel>, #tpu.dimension_semantics<subcore_parallel>], iteration_bounds = array<i64: 2, 16>, scalar_prefetch = 0 : i64, scratch_operands = 6 : i64, tpu.core_type = #tpu.core_type<sc_vector_subcore>, window_params = [{transform_indices = #map}, {transform_indices = #map1}, {transform_indices = #map1}, {transform_indices = #map}, {transform_indices = #map}]} {
    "tpu.region"() ({
      %run_scoped3A = tpu.sem_alloc : memref<!tpu.dma_semaphore, #tpu.memory_space<semaphore_mem>>
      tpu.enqueue_dma source(%arg5 : memref<16x16xi32, #tpu.memory_space<hbm>>) target(%arg11 : memref<16x16xi32, #tpu.memory_space<vmem>>) target_semaphore(%run_scoped3A : memref<!tpu.dma_semaphore, #tpu.memory_space<semaphore_mem>>)
      tpu.wait_dma2 semaphore(%run_scoped3A : memref<!tpu.dma_semaphore, #tpu.memory_space<semaphore_mem>>) src(%arg5 : memref<16x16xi32, #tpu.memory_space<hbm>>) dst(%arg11 : memref<16x16xi32, #tpu.memory_space<vmem>>)
      tpu.yield
    }) : () -> ()
    %mul3A = arith.constant 4 : i32
    %mul3A_0 = arith.muli %arg0, %mul3A : i32
    %add3A = arith.constant 0 : i32
    %add3A_1 = arith.addi %mul3A_0, %add3A : i32
    %get3A = arith.index_cast %add3A_1 : i32 to index
    %get3A_2 = arith.constant 0 : index
    %get3A_3 = tpu.vector_load %arg11[%get3A, %get3A_2] {strides = array<i32>} : memref<16x16xi32, #tpu.memory_space<vmem>>, vector<1x16xi32>,
    %get3A_4 = vector.shape_cast %get3A_3 : vector<1x16xi32> to vector<16xi32>
    %slice3A = vector.extract_strided_slice %get3A_4 {offsets = [0], sizes = [1], strides = [1]} : vector<16xi32> to vector<1xi32>
    %squeeze3A = vector.extract %slice3A[0] : i32 from vector<1xi32>
    %add3A_5 = arith.constant 8 : i32
    %add3A_6 = arith.addi %add3A_5, %add3A_1 : i32
    %get3A_7 = arith.index_cast %add3A_6 : i32 to index
    %get3A_8 = arith.constant 0 : index
    %get3A_9 = tpu.vector_load %arg11[%get3A_7, %get3A_8] {strides = array<i32>} : memref<16x16xi32, #tpu.memory_space<vmem>>, vector<1x16xi32>,
    %get3A_10 = vector.shape_cast %get3A_9 : vector<1x16xi32> to vector<16xi32>
    %slice3A_11 = vector.extract_strided_slice %get3A_10 {offsets = [0], sizes = [1], strides = [1]} : vector<16xi32> to vector<1xi32>
    %squeeze3A_12 = vector.extract %slice3A_11[0] : i32 from vector<1xi32>
    %mul3A_13 = arith.constant 12800 : i32
    %mul3A_14 = arith.muli %add3A_1, %mul3A_13 : i32
    %mul3A_15 = arith.constant 800 : i32
    %mul3A_16 = arith.muli %arg1, %mul3A_15 : i32
    %add3A_17 = arith.addi %mul3A_14, %mul3A_16 : i32
    %mul3A_18 = arith.constant 800 : i32
    %mul3A_19 = arith.muli %arg1, %mul3A_18 : i32
    "tpu.region"() ({
      %run_scoped3A = tpu.sem_alloc : memref<!tpu.dma_semaphore, #tpu.memory_space<semaphore_mem>>
      %dma_start3A = arith.constant 0 : i32
      %dma_start3A_169 = tpu.memref_slice %arg7[%mul3A_19, %dma_start3A] : memref<12808x128xf32, #tpu.memory_space<vmem_shared>> -> memref<800x128xf32, #tpu.memory_space<vmem_shared>>
      %dma_start3A_170 = arith.constant 0 : i32
      %dma_start3A_171 = tpu.memref_slice %arg2[%add3A_17, %dma_start3A_170] : memref<1536000x128xf32, #tpu.memory_space<hbm>> -> memref<800x128xf32, #tpu.memory_space<hbm>>
      tpu.enqueue_dma source(%dma_start3A_171 : memref<800x128xf32, #tpu.memory_space<hbm>>) target(%dma_start3A_169 : memref<800x128xf32, #tpu.memory_space<vmem_shared>>) target_semaphore(%run_scoped3A : memref<!tpu.dma_semaphore, #tpu.memory_space<semaphore_mem>>)
      %dma_wait3A = arith.constant 0 : i32
      %dma_wait3A_172 = tpu.memref_slice %arg7[%mul3A_19, %dma_wait3A] : memref<12808x128xf32, #tpu.memory_space<vmem_shared>> -> memref<800x128xf32, #tpu.memory_space<vmem_shared>>
      %dma_wait3A_173 = arith.constant 0 : i32
      %dma_wait3A_174 = tpu.memref_slice %arg2[%add3A_17, %dma_wait3A_173] : memref<1536000x128xf32, #tpu.memory_space<hbm>> -> memref<800x128xf32, #tpu.memory_space<hbm>>
      tpu.wait_dma2 semaphore(%run_scoped3A : memref<!tpu.dma_semaphore, #tpu.memory_space<semaphore_mem>>) src(%dma_wait3A_174 : memref<800x128xf32, #tpu.memory_space<hbm>>) dst(%dma_wait3A_172 : memref<800x128xf32, #tpu.memory_space<vmem_shared>>)
      tpu.yield
    }) : () -> ()
    %barrier3A = arith.constant 0 : index
    tpu.barrier barrier_id(%barrier3A)
    %mul3A_20 = arith.muli %arg1, %squeeze3A_12 : i32
    %mul3A_21 = arith.constant 128 : i32
    %mul3A_22 = arith.muli %mul3A_20, %mul3A_21 : i32
    %add3A_23 = arith.addi %squeeze3A, %mul3A_22 : i32
    %while3A = arith.constant 0 : i32
    %while3A_24 = arith.constant 0 : i32
    %while3A_25 = arith.subi %squeeze3A_12, %while3A_24 : i32
    %while3A_26 = arith.addi %while3A_24, %while3A_25 : i32
    %while3A_27 = arith.constant 1 : i32
    %while3A_28 = arith.divsi %while3A_25, %while3A_27 : i32
    %while3A_29 = arith.muli %while3A_28, %while3A_27 : i32
    %while3A_30 = arith.addi %while3A_24, %while3A_29 : i32
    %while3A_31 = arith.constant 1 : i32
    scf.for %while3A_169 = %while3A_24 to %while3A_30 step %while3A_31  : i32 {
      %mul3A_170 = arith.constant 128 : i32
      %mul3A_171 = arith.muli %while3A_169, %mul3A_170 : i32
      %add3A_172 = arith.addi %add3A_23, %mul3A_171 : i32
      %multiple_of3A = tpu.assume_multiple %add3A_172, 128 : i32
      "tpu.region"() ({
        %run_scoped3A = tpu.sem_alloc : memref<!tpu.dma_semaphore, #tpu.memory_space<semaphore_mem>>
        %dma_start3A_177 = tpu.memref_slice %arg3[%multiple_of3A] : memref<450560xi32, #tpu.memory_space<hbm>> -> memref<128xi32, #tpu.memory_space<hbm>>
        %dma_start3A_178 = tpu.memref_slice %arg3[%multiple_of3A] : memref<450560xi32, #tpu.memory_space<hbm>> -> memref<128xi32, #tpu.memory_space<hbm>>
        tpu.enqueue_dma source(%dma_start3A_178 : memref<128xi32, #tpu.memory_space<hbm>>) target(%arg9 : memref<128xi32, #tpu.memory_space<vmem>>) target_semaphore(%run_scoped3A : memref<!tpu.dma_semaphore, #tpu.memory_space<semaphore_mem>>)
        %dma_wait3A_179 = tpu.memref_slice %arg3[%multiple_of3A] : memref<450560xi32, #tpu.memory_space<hbm>> -> memref<128xi32, #tpu.memory_space<hbm>>
        %dma_wait3A_180 = tpu.memref_slice %arg3[%multiple_of3A] : memref<450560xi32, #tpu.memory_space<hbm>> -> memref<128xi32, #tpu.memory_space<hbm>>
        tpu.wait_dma2 semaphore(%run_scoped3A : memref<!tpu.dma_semaphore, #tpu.memory_space<semaphore_mem>>) src(%dma_wait3A_180 : memref<128xi32, #tpu.memory_space<hbm>>) dst(%arg9 : memref<128xi32, #tpu.memory_space<vmem>>)
        tpu.yield
      }) : () -> ()
      "tpu.region"() ({
        %run_scoped3A = tpu.sem_alloc : memref<!tpu.dma_semaphore, #tpu.memory_space<semaphore_mem>>
        %dma_start3A_177 = tpu.memref_slice %arg4[%multiple_of3A] : memref<450560xi32, #tpu.memory_space<hbm>> -> memref<128xi32, #tpu.memory_space<hbm>>
        %dma_start3A_178 = tpu.memref_slice %arg4[%multiple_of3A] : memref<450560xi32, #tpu.memory_space<hbm>> -> memref<128xi32, #tpu.memory_space<hbm>>
        tpu.enqueue_dma source(%dma_start3A_178 : memref<128xi32, #tpu.memory_space<hbm>>) target(%arg10 : memref<128xi32, #tpu.memory_space<vmem>>) target_semaphore(%run_scoped3A : memref<!tpu.dma_semaphore, #tpu.memory_space<semaphore_mem>>)
        %dma_wait3A_179 = tpu.memref_slice %arg4[%multiple_of3A] : memref<450560xi32, #tpu.memory_space<hbm>> -> memref<128xi32, #tpu.memory_space<hbm>>
        %dma_wait3A_180 = tpu.memref_slice %arg4[%multiple_of3A] : memref<450560xi32, #tpu.memory_space<hbm>> -> memref<128xi32, #tpu.memory_space<hbm>>
        tpu.wait_dma2 semaphore(%run_scoped3A : memref<!tpu.dma_semaphore, #tpu.memory_space<semaphore_mem>>) src(%dma_wait3A_180 : memref<128xi32, #tpu.memory_space<hbm>>) dst(%arg10 : memref<128xi32, #tpu.memory_space<vmem>>)
        tpu.yield
      }) : () -> ()
      %dma_start3A = arith.constant 0 : i32
      %dma_start3A_173 = arith.constant 0 : i32
      %dma_start3A_174 = tpu.memref_slice %arg2[%dma_start3A, %dma_start3A_173] : memref<1536000x128xf32, #tpu.memory_space<hbm>> -> memref<1536000x128xf32, #tpu.memory_space<hbm>>
      tpu.enqueue_indirect_dma source(%dma_start3A_174 : memref<1536000x128xf32, #tpu.memory_space<hbm>>) target(%arg8 : memref<128x128xf32, #tpu.memory_space<vmem>>) offsets(%arg9 : memref<128xi32, #tpu.memory_space<vmem>>) semaphore(%arg12 : memref<!tpu.dma_semaphore, #tpu.memory_space<semaphore_mem>>)
      %dma_wait3A = arith.constant 0 : i32
      %dma_wait3A_175 = arith.constant 0 : i32
      %dma_wait3A_176 = tpu.memref_slice %arg2[%dma_wait3A, %dma_wait3A_175] : memref<1536000x128xf32, #tpu.memory_space<hbm>> -> memref<1536000x128xf32, #tpu.memory_space<hbm>>
      tpu.wait_indirect_dma semaphore(%arg12 : memref<!tpu.dma_semaphore, #tpu.memory_space<semaphore_mem>>) src(%dma_wait3A_176 : memref<1536000x128xf32, #tpu.memory_space<hbm>>) dst(%arg8 : memref<128x128xf32, #tpu.memory_space<vmem>>)
      "tpu.region"() ({
        %run_scoped3A = tpu.sem_alloc : memref<!tpu.dma_semaphore, #tpu.memory_space<semaphore_mem>>
        %dma_start3A_177 = arith.constant 0 : i32
        %dma_start3A_178 = arith.constant 0 : i32
        %dma_start3A_179 = tpu.memref_slice %arg7[%dma_start3A_177, %dma_start3A_178] : memref<12808x128xf32, #tpu.memory_space<vmem_shared>> -> memref<12808x128xf32, #tpu.memory_space<vmem_shared>>
        tpu.enqueue_indirect_dma source(%arg8 : memref<128x128xf32, #tpu.memory_space<vmem>>) target(%dma_start3A_179 : memref<12808x128xf32, #tpu.memory_space<vmem_shared>>) offsets(%arg10 : memref<128xi32, #tpu.memory_space<vmem>>) semaphore(%run_scoped3A : memref<!tpu.dma_semaphore, #tpu.memory_space<semaphore_mem>>) {add = true}
        %dma_wait3A_180 = arith.constant 0 : i32
        %dma_wait3A_181 = arith.constant 0 : i32
        %dma_wait3A_182 = tpu.memref_slice %arg7[%dma_wait3A_180, %dma_wait3A_181] : memref<12808x128xf32, #tpu.memory_space<vmem_shared>> -> memref<12808x128xf32, #tpu.memory_space<vmem_shared>>
        tpu.wait_indirect_dma semaphore(%run_scoped3A : memref<!tpu.dma_semaphore, #tpu.memory_space<semaphore_mem>>) src(%arg8 : memref<128x128xf32, #tpu.memory_space<vmem>>) dst(%dma_wait3A_182 : memref<12808x128xf32, #tpu.memory_space<vmem_shared>>)
        tpu.yield
      }) : () -> ()
    }
    %while3A_32 = arith.constant 1 : i32
    scf.for %while3A_169 = %while3A_30 to %while3A_26 step %while3A_32  : i32 {
      %mul3A_170 = arith.constant 128 : i32
      %mul3A_171 = arith.muli %while3A_169, %mul3A_170 : i32
      %add3A_172 = arith.addi %add3A_23, %mul3A_171 : i32
      %multiple_of3A = tpu.assume_multiple %add3A_172, 128 : i32
      "tpu.region"() ({
        %run_scoped3A = tpu.sem_alloc : memref<!tpu.dma_semaphore, #tpu.memory_space<semaphore_mem>>
        %dma_start3A_177 = tpu.memref_slice %arg3[%multiple_of3A] : memref<450560xi32, #tpu.memory_space<hbm>> -> memref<128xi32, #tpu.memory_space<hbm>>
        %dma_start3A_178 = tpu.memref_slice %arg3[%multiple_of3A] : memref<450560xi32, #tpu.memory_space<hbm>> -> memref<128xi32, #tpu.memory_space<hbm>>
        tpu.enqueue_dma source(%dma_start3A_178 : memref<128xi32, #tpu.memory_space<hbm>>) target(%arg9 : memref<128xi32, #tpu.memory_space<vmem>>) target_semaphore(%run_scoped3A : memref<!tpu.dma_semaphore, #tpu.memory_space<semaphore_mem>>)
        %dma_wait3A_179 = tpu.memref_slice %arg3[%multiple_of3A] : memref<450560xi32, #tpu.memory_space<hbm>> -> memref<128xi32, #tpu.memory_space<hbm>>
        %dma_wait3A_180 = tpu.memref_slice %arg3[%multiple_of3A] : memref<450560xi32, #tpu.memory_space<hbm>> -> memref<128xi32, #tpu.memory_space<hbm>>
        tpu.wait_dma2 semaphore(%run_scoped3A : memref<!tpu.dma_semaphore, #tpu.memory_space<semaphore_mem>>) src(%dma_wait3A_180 : memref<128xi32, #tpu.memory_space<hbm>>) dst(%arg9 : memref<128xi32, #tpu.memory_space<vmem>>)
        tpu.yield
      }) : () -> ()
      "tpu.region"() ({
        %run_scoped3A = tpu.sem_alloc : memref<!tpu.dma_semaphore, #tpu.memory_space<semaphore_mem>>
        %dma_start3A_177 = tpu.memref_slice %arg4[%multiple_of3A] : memref<450560xi32, #tpu.memory_space<hbm>> -> memref<128xi32, #tpu.memory_space<hbm>>
        %dma_start3A_178 = tpu.memref_slice %arg4[%multiple_of3A] : memref<450560xi32, #tpu.memory_space<hbm>> -> memref<128xi32, #tpu.memory_space<hbm>>
        tpu.enqueue_dma source(%dma_start3A_178 : memref<128xi32, #tpu.memory_space<hbm>>) target(%arg10 : memref<128xi32, #tpu.memory_space<vmem>>) target_semaphore(%run_scoped3A : memref<!tpu.dma_semaphore, #tpu.memory_space<semaphore_mem>>)
        %dma_wait3A_179 = tpu.memref_slice %arg4[%multiple_of3A] : memref<450560xi32, #tpu.memory_space<hbm>> -> memref<128xi32, #tpu.memory_space<hbm>>
        %dma_wait3A_180 = tpu.memref_slice %arg4[%multiple_of3A] : memref<450560xi32, #tpu.memory_space<hbm>> -> memref<128xi32, #tpu.memory_space<hbm>>
        tpu.wait_dma2 semaphore(%run_scoped3A : memref<!tpu.dma_semaphore, #tpu.memory_space<semaphore_mem>>) src(%dma_wait3A_180 : memref<128xi32, #tpu.memory_space<hbm>>) dst(%arg10 : memref<128xi32, #tpu.memory_space<vmem>>)
        tpu.yield
      }) : () -> ()
      %dma_start3A = arith.constant 0 : i32
      %dma_start3A_173 = arith.constant 0 : i32
      %dma_start3A_174 = tpu.memref_slice %arg2[%dma_start3A, %dma_start3A_173] : memref<1536000x128xf32, #tpu.memory_space<hbm>> -> memref<1536000x128xf32, #tpu.memory_space<hbm>>
      tpu.enqueue_indirect_dma source(%dma_start3A_174 : memref<1536000x128xf32, #tpu.memory_space<hbm>>) target(%arg8 : memref<128x128xf32, #tpu.memory_space<vmem>>) offsets(%arg9 : memref<128xi32, #tpu.memory_space<vmem>>) semaphore(%arg12 : memref<!tpu.dma_semaphore, #tpu.memory_space<semaphore_mem>>)
      %dma_wait3A = arith.constant 0 : i32
      %dma_wait3A_175 = arith.constant 0 : i32
      %dma_wait3A_176 = tpu.memref_slice %arg2[%dma_wait3A, %dma_wait3A_175] : memref<1536000x128xf32, #tpu.memory_space<hbm>> -> memref<1536000x128xf32, #tpu.memory_space<hbm>>
      tpu.wait_indirect_dma semaphore(%arg12 : memref<!tpu.dma_semaphore, #tpu.memory_space<semaphore_mem>>) src(%dma_wait3A_176 : memref<1536000x128xf32, #tpu.memory_space<hbm>>) dst(%arg8 : memref<128x128xf32, #tpu.memory_space<vmem>>)
      "tpu.region"() ({
        %run_scoped3A = tpu.sem_alloc : memref<!tpu.dma_semaphore, #tpu.memory_space<semaphore_mem>>
        %dma_start3A_177 = arith.constant 0 : i32
        %dma_start3A_178 = arith.constant 0 : i32
        %dma_start3A_179 = tpu.memref_slice %arg7[%dma_start3A_177, %dma_start3A_178] : memref<12808x128xf32, #tpu.memory_space<vmem_shared>> -> memref<12808x128xf32, #tpu.memory_space<vmem_shared>>
        tpu.enqueue_indirect_dma source(%arg8 : memref<128x128xf32, #tpu.memory_space<vmem>>) target(%dma_start3A_179 : memref<12808x128xf32, #tpu.memory_space<vmem_shared>>) offsets(%arg10 : memref<128xi32, #tpu.memory_space<vmem>>) semaphore(%run_scoped3A : memref<!tpu.dma_semaphore, #tpu.memory_space<semaphore_mem>>) {add = true}
        %dma_wait3A_180 = arith.constant 0 : i32
        %dma_wait3A_181 = arith.constant 0 : i32
        %dma_wait3A_182 = tpu.memref_slice %arg7[%dma_wait3A_180, %dma_wait3A_181] : memref<12808x128xf32, #tpu.memory_space<vmem_shared>> -> memref<12808x128xf32, #tpu.memory_space<vmem_shared>>
        tpu.wait_indirect_dma semaphore(%run_scoped3A : memref<!tpu.dma_semaphore, #tpu.memory_space<semaphore_mem>>) src(%arg8 : memref<128x128xf32, #tpu.memory_space<vmem>>) dst(%dma_wait3A_182 : memref<12808x128xf32, #tpu.memory_space<vmem_shared>>)
        tpu.yield
      }) : () -> ()
    }
    %barrier3A_33 = arith.constant 0 : index
    tpu.barrier barrier_id(%barrier3A_33)
    %mul3A_34 = arith.constant 800 : i32
    %mul3A_35 = arith.muli %arg1, %mul3A_34 : i32
    "tpu.region"() ({
      %run_scoped3A = tpu.sem_alloc : memref<!tpu.dma_semaphore, #tpu.memory_space<semaphore_mem>>
      %dma_start3A = arith.constant 0 : i32
      %dma_start3A_169 = tpu.memref_slice %arg6[%add3A_17, %dma_start3A] : memref<102400x128xf32, #tpu.memory_space<hbm>> -> memref<800x128xf32, #tpu.memory_space<hbm>>
      %dma_start3A_170 = arith.constant 0 : i32
      %dma_start3A_171 = tpu.memref_slice %arg7[%mul3A_35, %dma_start3A_170] : memref<12808x128xf32, #tpu.memory_space<vmem_shared>> -> memref<800x128xf32, #tpu.memory_space<vmem_shared>>
      tpu.enqueue_dma source(%dma_start3A_171 : memref<800x128xf32, #tpu.memory_space<vmem_shared>>) target(%dma_start3A_169 : memref<800x128xf32, #tpu.memory_space<hbm>>) target_semaphore(%run_scoped3A : memref<!tpu.dma_semaphore, #tpu.memory_space<semaphore_mem>>)
      %dma_wait3A = arith.constant 0 : i32
      %dma_wait3A_172 = tpu.memref_slice %arg6[%add3A_17, %dma_wait3A] : memref<102400x128xf32, #tpu.memory_space<hbm>> -> memref<800x128xf32, #tpu.memory_space<hbm>>
      %dma_wait3A_173 = arith.constant 0 : i32
      %dma_wait3A_174 = tpu.memref_slice %arg7[%mul3A_35, %dma_wait3A_173] : memref<12808x128xf32, #tpu.memory_space<vmem_shared>> -> memref<800x128xf32, #tpu.memory_space<vmem_shared>>
      tpu.wait_dma2 semaphore(%run_scoped3A : memref<!tpu.dma_semaphore, #tpu.memory_space<semaphore_mem>>) src(%dma_wait3A_174 : memref<800x128xf32, #tpu.memory_space<vmem_shared>>) dst(%dma_wait3A_172 : memref<800x128xf32, #tpu.memory_space<hbm>>)
      tpu.yield
    }) : () -> ()
    %barrier3A_36 = arith.constant 0 : index
    tpu.barrier barrier_id(%barrier3A_36)
    %mul3A_37 = arith.constant 4 : i32
    %mul3A_38 = arith.muli %arg0, %mul3A_37 : i32
    %add3A_39 = arith.constant 1 : i32
    %add3A_40 = arith.addi %mul3A_38, %add3A_39 : i32
    %get3A_41 = arith.index_cast %add3A_40 : i32 to index
    %get3A_42 = arith.constant 0 : index
    %get3A_43 = tpu.vector_load %arg11[%get3A_41, %get3A_42] {strides = array<i32>} : memref<16x16xi32, #tpu.memory_space<vmem>>, vector<1x16xi32>,
    %get3A_44 = vector.shape_cast %get3A_43 : vector<1x16xi32> to vector<16xi32>
    %slice3A_45 = vector.extract_strided_slice %get3A_44 {offsets = [0], sizes = [1], strides = [1]} : vector<16xi32> to vector<1xi32>
    %squeeze3A_46 = vector.extract %slice3A_45[0] : i32 from vector<1xi32>
    %add3A_47 = arith.constant 8 : i32
    %add3A_48 = arith.addi %add3A_47, %add3A_40 : i32
    %get3A_49 = arith.index_cast %add3A_48 : i32 to index
    %get3A_50 = arith.constant 0 : index
    %get3A_51 = tpu.vector_load %arg11[%get3A_49, %get3A_50] {strides = array<i32>} : memref<16x16xi32, #tpu.memory_space<vmem>>, vector<1x16xi32>,
    %get3A_52 = vector.shape_cast %get3A_51 : vector<1x16xi32> to vector<16xi32>
    %slice3A_53 = vector.extract_strided_slice %get3A_52 {offsets = [0], sizes = [1], strides = [1]} : vector<16xi32> to vector<1xi32>
    %squeeze3A_54 = vector.extract %slice3A_53[0] : i32 from vector<1xi32>
    %mul3A_55 = arith.constant 12800 : i32
    %mul3A_56 = arith.muli %add3A_40, %mul3A_55 : i32
    %mul3A_57 = arith.constant 800 : i32
    %mul3A_58 = arith.muli %arg1, %mul3A_57 : i32
    %add3A_59 = arith.addi %mul3A_56, %mul3A_58 : i32
    %mul3A_60 = arith.constant 800 : i32
    %mul3A_61 = arith.muli %arg1, %mul3A_60 : i32
    "tpu.region"() ({
      %run_scoped3A = tpu.sem_alloc : memref<!tpu.dma_semaphore, #tpu.memory_space<semaphore_mem>>
      %dma_start3A = arith.constant 0 : i32
      %dma_start3A_169 = tpu.memref_slice %arg7[%mul3A_61, %dma_start3A] : memref<12808x128xf32, #tpu.memory_space<vmem_shared>> -> memref<800x128xf32, #tpu.memory_space<vmem_shared>>
      %dma_start3A_170 = arith.constant 0 : i32
      %dma_start3A_171 = tpu.memref_slice %arg2[%add3A_59, %dma_start3A_170] : memref<1536000x128xf32, #tpu.memory_space<hbm>> -> memref<800x128xf32, #tpu.memory_space<hbm>>
      tpu.enqueue_dma source(%dma_start3A_171 : memref<800x128xf32, #tpu.memory_space<hbm>>) target(%dma_start3A_169 : memref<800x128xf32, #tpu.memory_space<vmem_shared>>) target_semaphore(%run_scoped3A : memref<!tpu.dma_semaphore, #tpu.memory_space<semaphore_mem>>)
      %dma_wait3A = arith.constant 0 : i32
      %dma_wait3A_172 = tpu.memref_slice %arg7[%mul3A_61, %dma_wait3A] : memref<12808x128xf32, #tpu.memory_space<vmem_shared>> -> memref<800x128xf32, #tpu.memory_space<vmem_shared>>
      %dma_wait3A_173 = arith.constant 0 : i32
      %dma_wait3A_174 = tpu.memref_slice %arg2[%add3A_59, %dma_wait3A_173] : memref<1536000x128xf32, #tpu.memory_space<hbm>> -> memref<800x128xf32, #tpu.memory_space<hbm>>
      tpu.wait_dma2 semaphore(%run_scoped3A : memref<!tpu.dma_semaphore, #tpu.memory_space<semaphore_mem>>) src(%dma_wait3A_174 : memref<800x128xf32, #tpu.memory_space<hbm>>) dst(%dma_wait3A_172 : memref<800x128xf32, #tpu.memory_space<vmem_shared>>)
      tpu.yield
    }) : () -> ()
    %barrier3A_62 = arith.constant 0 : index
    tpu.barrier barrier_id(%barrier3A_62)
    %mul3A_63 = arith.muli %arg1, %squeeze3A_54 : i32
    %mul3A_64 = arith.constant 128 : i32
    %mul3A_65 = arith.muli %mul3A_63, %mul3A_64 : i32
    %add3A_66 = arith.addi %squeeze3A_46, %mul3A_65 : i32
    %while3A_67 = arith.constant 0 : i32
    %while3A_68 = arith.constant 0 : i32
    %while3A_69 = arith.subi %squeeze3A_54, %while3A_68 : i32
    %while3A_70 = arith.addi %while3A_68, %while3A_69 : i32
    %while3A_71 = arith.constant 1 : i32
    %while3A_72 = arith.divsi %while3A_69, %while3A_71 : i32
    %while3A_73 = arith.muli %while3A_72, %while3A_71 : i32
    %while3A_74 = arith.addi %while3A_68, %while3A_73 : i32
    %while3A_75 = arith.constant 1 : i32
    scf.for %while3A_169 = %while3A_68 to %while3A_74 step %while3A_75  : i32 {
      %mul3A_170 = arith.constant 128 : i32
      %mul3A_171 = arith.muli %while3A_169, %mul3A_170 : i32
      %add3A_172 = arith.addi %add3A_66, %mul3A_171 : i32
      %multiple_of3A = tpu.assume_multiple %add3A_172, 128 : i32
      "tpu.region"() ({
        %run_scoped3A = tpu.sem_alloc : memref<!tpu.dma_semaphore, #tpu.memory_space<semaphore_mem>>
        %dma_start3A_177 = tpu.memref_slice %arg3[%multiple_of3A] : memref<450560xi32, #tpu.memory_space<hbm>> -> memref<128xi32, #tpu.memory_space<hbm>>
        %dma_start3A_178 = tpu.memref_slice %arg3[%multiple_of3A] : memref<450560xi32, #tpu.memory_space<hbm>> -> memref<128xi32, #tpu.memory_space<hbm>>
        tpu.enqueue_dma source(%dma_start3A_178 : memref<128xi32, #tpu.memory_space<hbm>>) target(%arg9 : memref<128xi32, #tpu.memory_space<vmem>>) target_semaphore(%run_scoped3A : memref<!tpu.dma_semaphore, #tpu.memory_space<semaphore_mem>>)
        %dma_wait3A_179 = tpu.memref_slice %arg3[%multiple_of3A] : memref<450560xi32, #tpu.memory_space<hbm>> -> memref<128xi32, #tpu.memory_space<hbm>>
        %dma_wait3A_180 = tpu.memref_slice %arg3[%multiple_of3A] : memref<450560xi32, #tpu.memory_space<hbm>> -> memref<128xi32, #tpu.memory_space<hbm>>
        tpu.wait_dma2 semaphore(%run_scoped3A : memref<!tpu.dma_semaphore, #tpu.memory_space<semaphore_mem>>) src(%dma_wait3A_180 : memref<128xi32, #tpu.memory_space<hbm>>) dst(%arg9 : memref<128xi32, #tpu.memory_space<vmem>>)
        tpu.yield
      }) : () -> ()
      "tpu.region"() ({
        %run_scoped3A = tpu.sem_alloc : memref<!tpu.dma_semaphore, #tpu.memory_space<semaphore_mem>>
        %dma_start3A_177 = tpu.memref_slice %arg4[%multiple_of3A] : memref<450560xi32, #tpu.memory_space<hbm>> -> memref<128xi32, #tpu.memory_space<hbm>>
        %dma_start3A_178 = tpu.memref_slice %arg4[%multiple_of3A] : memref<450560xi32, #tpu.memory_space<hbm>> -> memref<128xi32, #tpu.memory_space<hbm>>
        tpu.enqueue_dma source(%dma_start3A_178 : memref<128xi32, #tpu.memory_space<hbm>>) target(%arg10 : memref<128xi32, #tpu.memory_space<vmem>>) target_semaphore(%run_scoped3A : memref<!tpu.dma_semaphore, #tpu.memory_space<semaphore_mem>>)
        %dma_wait3A_179 = tpu.memref_slice %arg4[%multiple_of3A] : memref<450560xi32, #tpu.memory_space<hbm>> -> memref<128xi32, #tpu.memory_space<hbm>>
        %dma_wait3A_180 = tpu.memref_slice %arg4[%multiple_of3A] : memref<450560xi32, #tpu.memory_space<hbm>> -> memref<128xi32, #tpu.memory_space<hbm>>
        tpu.wait_dma2 semaphore(%run_scoped3A : memref<!tpu.dma_semaphore, #tpu.memory_space<semaphore_mem>>) src(%dma_wait3A_180 : memref<128xi32, #tpu.memory_space<hbm>>) dst(%arg10 : memref<128xi32, #tpu.memory_space<vmem>>)
        tpu.yield
      }) : () -> ()
      %dma_start3A = arith.constant 0 : i32
      %dma_start3A_173 = arith.constant 0 : i32
      %dma_start3A_174 = tpu.memref_slice %arg2[%dma_start3A, %dma_start3A_173] : memref<1536000x128xf32, #tpu.memory_space<hbm>> -> memref<1536000x128xf32, #tpu.memory_space<hbm>>
      tpu.enqueue_indirect_dma source(%dma_start3A_174 : memref<1536000x128xf32, #tpu.memory_space<hbm>>) target(%arg8 : memref<128x128xf32, #tpu.memory_space<vmem>>) offsets(%arg9 : memref<128xi32, #tpu.memory_space<vmem>>) semaphore(%arg12 : memref<!tpu.dma_semaphore, #tpu.memory_space<semaphore_mem>>)
      %dma_wait3A = arith.constant 0 : i32
      %dma_wait3A_175 = arith.constant 0 : i32
      %dma_wait3A_176 = tpu.memref_slice %arg2[%dma_wait3A, %dma_wait3A_175] : memref<1536000x128xf32, #tpu.memory_space<hbm>> -> memref<1536000x128xf32, #tpu.memory_space<hbm>>
      tpu.wait_indirect_dma semaphore(%arg12 : memref<!tpu.dma_semaphore, #tpu.memory_space<semaphore_mem>>) src(%dma_wait3A_176 : memref<1536000x128xf32, #tpu.memory_space<hbm>>) dst(%arg8 : memref<128x128xf32, #tpu.memory_space<vmem>>)
      "tpu.region"() ({
        %run_scoped3A = tpu.sem_alloc : memref<!tpu.dma_semaphore, #tpu.memory_space<semaphore_mem>>
        %dma_start3A_177 = arith.constant 0 : i32
        %dma_start3A_178 = arith.constant 0 : i32
        %dma_start3A_179 = tpu.memref_slice %arg7[%dma_start3A_177, %dma_start3A_178] : memref<12808x128xf32, #tpu.memory_space<vmem_shared>> -> memref<12808x128xf32, #tpu.memory_space<vmem_shared>>
        tpu.enqueue_indirect_dma source(%arg8 : memref<128x128xf32, #tpu.memory_space<vmem>>) target(%dma_start3A_179 : memref<12808x128xf32, #tpu.memory_space<vmem_shared>>) offsets(%arg10 : memref<128xi32, #tpu.memory_space<vmem>>) semaphore(%run_scoped3A : memref<!tpu.dma_semaphore, #tpu.memory_space<semaphore_mem>>) {add = true}
        %dma_wait3A_180 = arith.constant 0 : i32
        %dma_wait3A_181 = arith.constant 0 : i32
        %dma_wait3A_182 = tpu.memref_slice %arg7[%dma_wait3A_180, %dma_wait3A_181] : memref<12808x128xf32, #tpu.memory_space<vmem_shared>> -> memref<12808x128xf32, #tpu.memory_space<vmem_shared>>
        tpu.wait_indirect_dma semaphore(%run_scoped3A : memref<!tpu.dma_semaphore, #tpu.memory_space<semaphore_mem>>) src(%arg8 : memref<128x128xf32, #tpu.memory_space<vmem>>) dst(%dma_wait3A_182 : memref<12808x128xf32, #tpu.memory_space<vmem_shared>>)
        tpu.yield
      }) : () -> ()
    }
    %while3A_76 = arith.constant 1 : i32
    scf.for %while3A_169 = %while3A_74 to %while3A_70 step %while3A_76  : i32 {
      %mul3A_170 = arith.constant 128 : i32
      %mul3A_171 = arith.muli %while3A_169, %mul3A_170 : i32
      %add3A_172 = arith.addi %add3A_66, %mul3A_171 : i32
      %multiple_of3A = tpu.assume_multiple %add3A_172, 128 : i32
      "tpu.region"() ({
        %run_scoped3A = tpu.sem_alloc : memref<!tpu.dma_semaphore, #tpu.memory_space<semaphore_mem>>
        %dma_start3A_177 = tpu.memref_slice %arg3[%multiple_of3A] : memref<450560xi32, #tpu.memory_space<hbm>> -> memref<128xi32, #tpu.memory_space<hbm>>
        %dma_start3A_178 = tpu.memref_slice %arg3[%multiple_of3A] : memref<450560xi32, #tpu.memory_space<hbm>> -> memref<128xi32, #tpu.memory_space<hbm>>
        tpu.enqueue_dma source(%dma_start3A_178 : memref<128xi32, #tpu.memory_space<hbm>>) target(%arg9 : memref<128xi32, #tpu.memory_space<vmem>>) target_semaphore(%run_scoped3A : memref<!tpu.dma_semaphore, #tpu.memory_space<semaphore_mem>>)
        %dma_wait3A_179 = tpu.memref_slice %arg3[%multiple_of3A] : memref<450560xi32, #tpu.memory_space<hbm>> -> memref<128xi32, #tpu.memory_space<hbm>>
        %dma_wait3A_180 = tpu.memref_slice %arg3[%multiple_of3A] : memref<450560xi32, #tpu.memory_space<hbm>> -> memref<128xi32, #tpu.memory_space<hbm>>
        tpu.wait_dma2 semaphore(%run_scoped3A : memref<!tpu.dma_semaphore, #tpu.memory_space<semaphore_mem>>) src(%dma_wait3A_180 : memref<128xi32, #tpu.memory_space<hbm>>) dst(%arg9 : memref<128xi32, #tpu.memory_space<vmem>>)
        tpu.yield
      }) : () -> ()
      "tpu.region"() ({
        %run_scoped3A = tpu.sem_alloc : memref<!tpu.dma_semaphore, #tpu.memory_space<semaphore_mem>>
        %dma_start3A_177 = tpu.memref_slice %arg4[%multiple_of3A] : memref<450560xi32, #tpu.memory_space<hbm>> -> memref<128xi32, #tpu.memory_space<hbm>>
        %dma_start3A_178 = tpu.memref_slice %arg4[%multiple_of3A] : memref<450560xi32, #tpu.memory_space<hbm>> -> memref<128xi32, #tpu.memory_space<hbm>>
        tpu.enqueue_dma source(%dma_start3A_178 : memref<128xi32, #tpu.memory_space<hbm>>) target(%arg10 : memref<128xi32, #tpu.memory_space<vmem>>) target_semaphore(%run_scoped3A : memref<!tpu.dma_semaphore, #tpu.memory_space<semaphore_mem>>)
        %dma_wait3A_179 = tpu.memref_slice %arg4[%multiple_of3A] : memref<450560xi32, #tpu.memory_space<hbm>> -> memref<128xi32, #tpu.memory_space<hbm>>
        %dma_wait3A_180 = tpu.memref_slice %arg4[%multiple_of3A] : memref<450560xi32, #tpu.memory_space<hbm>> -> memref<128xi32, #tpu.memory_space<hbm>>
        tpu.wait_dma2 semaphore(%run_scoped3A : memref<!tpu.dma_semaphore, #tpu.memory_space<semaphore_mem>>) src(%dma_wait3A_180 : memref<128xi32, #tpu.memory_space<hbm>>) dst(%arg10 : memref<128xi32, #tpu.memory_space<vmem>>)
        tpu.yield
      }) : () -> ()
      %dma_start3A = arith.constant 0 : i32
      %dma_start3A_173 = arith.constant 0 : i32
      %dma_start3A_174 = tpu.memref_slice %arg2[%dma_start3A, %dma_start3A_173] : memref<1536000x128xf32, #tpu.memory_space<hbm>> -> memref<1536000x128xf32, #tpu.memory_space<hbm>>
      tpu.enqueue_indirect_dma source(%dma_start3A_174 : memref<1536000x128xf32, #tpu.memory_space<hbm>>) target(%arg8 : memref<128x128xf32, #tpu.memory_space<vmem>>) offsets(%arg9 : memref<128xi32, #tpu.memory_space<vmem>>) semaphore(%arg12 : memref<!tpu.dma_semaphore, #tpu.memory_space<semaphore_mem>>)
      %dma_wait3A = arith.constant 0 : i32
      %dma_wait3A_175 = arith.constant 0 : i32
      %dma_wait3A_176 = tpu.memref_slice %arg2[%dma_wait3A, %dma_wait3A_175] : memref<1536000x128xf32, #tpu.memory_space<hbm>> -> memref<1536000x128xf32, #tpu.memory_space<hbm>>
      tpu.wait_indirect_dma semaphore(%arg12 : memref<!tpu.dma_semaphore, #tpu.memory_space<semaphore_mem>>) src(%dma_wait3A_176 : memref<1536000x128xf32, #tpu.memory_space<hbm>>) dst(%arg8 : memref<128x128xf32, #tpu.memory_space<vmem>>)
      "tpu.region"() ({
        %run_scoped3A = tpu.sem_alloc : memref<!tpu.dma_semaphore, #tpu.memory_space<semaphore_mem>>
        %dma_start3A_177 = arith.constant 0 : i32
        %dma_start3A_178 = arith.constant 0 : i32
        %dma_start3A_179 = tpu.memref_slice %arg7[%dma_start3A_177, %dma_start3A_178] : memref<12808x128xf32, #tpu.memory_space<vmem_shared>> -> memref<12808x128xf32, #tpu.memory_space<vmem_shared>>
        tpu.enqueue_indirect_dma source(%arg8 : memref<128x128xf32, #tpu.memory_space<vmem>>) target(%dma_start3A_179 : memref<12808x128xf32, #tpu.memory_space<vmem_shared>>) offsets(%arg10 : memref<128xi32, #tpu.memory_space<vmem>>) semaphore(%run_scoped3A : memref<!tpu.dma_semaphore, #tpu.memory_space<semaphore_mem>>) {add = true}
        %dma_wait3A_180 = arith.constant 0 : i32
        %dma_wait3A_181 = arith.constant 0 : i32
        %dma_wait3A_182 = tpu.memref_slice %arg7[%dma_wait3A_180, %dma_wait3A_181] : memref<12808x128xf32, #tpu.memory_space<vmem_shared>> -> memref<12808x128xf32, #tpu.memory_space<vmem_shared>>
        tpu.wait_indirect_dma semaphore(%run_scoped3A : memref<!tpu.dma_semaphore, #tpu.memory_space<semaphore_mem>>) src(%arg8 : memref<128x128xf32, #tpu.memory_space<vmem>>) dst(%dma_wait3A_182 : memref<12808x128xf32, #tpu.memory_space<vmem_shared>>)
        tpu.yield
      }) : () -> ()
    }
    %barrier3A_77 = arith.constant 0 : index
    tpu.barrier barrier_id(%barrier3A_77)
    %mul3A_78 = arith.constant 800 : i32
    %mul3A_79 = arith.muli %arg1, %mul3A_78 : i32
    "tpu.region"() ({
      %run_scoped3A = tpu.sem_alloc : memref<!tpu.dma_semaphore, #tpu.memory_space<semaphore_mem>>
      %dma_start3A = arith.constant 0 : i32
      %dma_start3A_169 = tpu.memref_slice %arg6[%add3A_59, %dma_start3A] : memref<102400x128xf32, #tpu.memory_space<hbm>> -> memref<800x128xf32, #tpu.memory_space<hbm>>
      %dma_start3A_170 = arith.constant 0 : i32
      %dma_start3A_171 = tpu.memref_slice %arg7[%mul3A_79, %dma_start3A_170] : memref<12808x128xf32, #tpu.memory_space<vmem_shared>> -> memref<800x128xf32, #tpu.memory_space<vmem_shared>>
      tpu.enqueue_dma source(%dma_start3A_171 : memref<800x128xf32, #tpu.memory_space<vmem_shared>>) target(%dma_start3A_169 : memref<800x128xf32, #tpu.memory_space<hbm>>) target_semaphore(%run_scoped3A : memref<!tpu.dma_semaphore, #tpu.memory_space<semaphore_mem>>)
      %dma_wait3A = arith.constant 0 : i32
      %dma_wait3A_172 = tpu.memref_slice %arg6[%add3A_59, %dma_wait3A] : memref<102400x128xf32, #tpu.memory_space<hbm>> -> memref<800x128xf32, #tpu.memory_space<hbm>>
      %dma_wait3A_173 = arith.constant 0 : i32
      %dma_wait3A_174 = tpu.memref_slice %arg7[%mul3A_79, %dma_wait3A_173] : memref<12808x128xf32, #tpu.memory_space<vmem_shared>> -> memref<800x128xf32, #tpu.memory_space<vmem_shared>>
      tpu.wait_dma2 semaphore(%run_scoped3A : memref<!tpu.dma_semaphore, #tpu.memory_space<semaphore_mem>>) src(%dma_wait3A_174 : memref<800x128xf32, #tpu.memory_space<vmem_shared>>) dst(%dma_wait3A_172 : memref<800x128xf32, #tpu.memory_space<hbm>>)
      tpu.yield
    }) : () -> ()
    %barrier3A_80 = arith.constant 0 : index
    tpu.barrier barrier_id(%barrier3A_80)
    %mul3A_81 = arith.constant 4 : i32
    %mul3A_82 = arith.muli %arg0, %mul3A_81 : i32
    %add3A_83 = arith.constant 2 : i32
    %add3A_84 = arith.addi %mul3A_82, %add3A_83 : i32
    %get3A_85 = arith.index_cast %add3A_84 : i32 to index
    %get3A_86 = arith.constant 0 : index
    %get3A_87 = tpu.vector_load %arg11[%get3A_85, %get3A_86] {strides = array<i32>} : memref<16x16xi32, #tpu.memory_space<vmem>>, vector<1x16xi32>,
    %get3A_88 = vector.shape_cast %get3A_87 : vector<1x16xi32> to vector<16xi32>
    %slice3A_89 = vector.extract_strided_slice %get3A_88 {offsets = [0], sizes = [1], strides = [1]} : vector<16xi32> to vector<1xi32>
    %squeeze3A_90 = vector.extract %slice3A_89[0] : i32 from vector<1xi32>
    %add3A_91 = arith.constant 8 : i32
    %add3A_92 = arith.addi %add3A_91, %add3A_84 : i32
    %get3A_93 = arith.index_cast %add3A_92 : i32 to index
    %get3A_94 = arith.constant 0 : index
    %get3A_95 = tpu.vector_load %arg11[%get3A_93, %get3A_94] {strides = array<i32>} : memref<16x16xi32, #tpu.memory_space<vmem>>, vector<1x16xi32>,
    %get3A_96 = vector.shape_cast %get3A_95 : vector<1x16xi32> to vector<16xi32>
    %slice3A_97 = vector.extract_strided_slice %get3A_96 {offsets = [0], sizes = [1], strides = [1]} : vector<16xi32> to vector<1xi32>
    %squeeze3A_98 = vector.extract %slice3A_97[0] : i32 from vector<1xi32>
    %mul3A_99 = arith.constant 12800 : i32
    %mul3A_100 = arith.muli %add3A_84, %mul3A_99 : i32
    %mul3A_101 = arith.constant 800 : i32
    %mul3A_102 = arith.muli %arg1, %mul3A_101 : i32
    %add3A_103 = arith.addi %mul3A_100, %mul3A_102 : i32
    %mul3A_104 = arith.constant 800 : i32
    %mul3A_105 = arith.muli %arg1, %mul3A_104 : i32
    "tpu.region"() ({
      %run_scoped3A = tpu.sem_alloc : memref<!tpu.dma_semaphore, #tpu.memory_space<semaphore_mem>>
      %dma_start3A = arith.constant 0 : i32
      %dma_start3A_169 = tpu.memref_slice %arg7[%mul3A_105, %dma_start3A] : memref<12808x128xf32, #tpu.memory_space<vmem_shared>> -> memref<800x128xf32, #tpu.memory_space<vmem_shared>>
      %dma_start3A_170 = arith.constant 0 : i32
      %dma_start3A_171 = tpu.memref_slice %arg2[%add3A_103, %dma_start3A_170] : memref<1536000x128xf32, #tpu.memory_space<hbm>> -> memref<800x128xf32, #tpu.memory_space<hbm>>
      tpu.enqueue_dma source(%dma_start3A_171 : memref<800x128xf32, #tpu.memory_space<hbm>>) target(%dma_start3A_169 : memref<800x128xf32, #tpu.memory_space<vmem_shared>>) target_semaphore(%run_scoped3A : memref<!tpu.dma_semaphore, #tpu.memory_space<semaphore_mem>>)
      %dma_wait3A = arith.constant 0 : i32
      %dma_wait3A_172 = tpu.memref_slice %arg7[%mul3A_105, %dma_wait3A] : memref<12808x128xf32, #tpu.memory_space<vmem_shared>> -> memref<800x128xf32, #tpu.memory_space<vmem_shared>>
      %dma_wait3A_173 = arith.constant 0 : i32
      %dma_wait3A_174 = tpu.memref_slice %arg2[%add3A_103, %dma_wait3A_173] : memref<1536000x128xf32, #tpu.memory_space<hbm>> -> memref<800x128xf32, #tpu.memory_space<hbm>>
      tpu.wait_dma2 semaphore(%run_scoped3A : memref<!tpu.dma_semaphore, #tpu.memory_space<semaphore_mem>>) src(%dma_wait3A_174 : memref<800x128xf32, #tpu.memory_space<hbm>>) dst(%dma_wait3A_172 : memref<800x128xf32, #tpu.memory_space<vmem_shared>>)
      tpu.yield
    }) : () -> ()
    %barrier3A_106 = arith.constant 0 : index
    tpu.barrier barrier_id(%barrier3A_106)
    %mul3A_107 = arith.muli %arg1, %squeeze3A_98 : i32
    %mul3A_108 = arith.constant 128 : i32
    %mul3A_109 = arith.muli %mul3A_107, %mul3A_108 : i32
    %add3A_110 = arith.addi %squeeze3A_90, %mul3A_109 : i32
    %while3A_111 = arith.constant 0 : i32
    %while3A_112 = arith.constant 0 : i32
    %while3A_113 = arith.subi %squeeze3A_98, %while3A_112 : i32
    %while3A_114 = arith.addi %while3A_112, %while3A_113 : i32
    %while3A_115 = arith.constant 1 : i32
    %while3A_116 = arith.divsi %while3A_113, %while3A_115 : i32
    %while3A_117 = arith.muli %while3A_116, %while3A_115 : i32
    %while3A_118 = arith.addi %while3A_112, %while3A_117 : i32
    %while3A_119 = arith.constant 1 : i32
    scf.for %while3A_169 = %while3A_112 to %while3A_118 step %while3A_119  : i32 {
      %mul3A_170 = arith.constant 128 : i32
      %mul3A_171 = arith.muli %while3A_169, %mul3A_170 : i32
      %add3A_172 = arith.addi %add3A_110, %mul3A_171 : i32
      %multiple_of3A = tpu.assume_multiple %add3A_172, 128 : i32
      "tpu.region"() ({
        %run_scoped3A = tpu.sem_alloc : memref<!tpu.dma_semaphore, #tpu.memory_space<semaphore_mem>>
        %dma_start3A_177 = tpu.memref_slice %arg3[%multiple_of3A] : memref<450560xi32, #tpu.memory_space<hbm>> -> memref<128xi32, #tpu.memory_space<hbm>>
        %dma_start3A_178 = tpu.memref_slice %arg3[%multiple_of3A] : memref<450560xi32, #tpu.memory_space<hbm>> -> memref<128xi32, #tpu.memory_space<hbm>>
        tpu.enqueue_dma source(%dma_start3A_178 : memref<128xi32, #tpu.memory_space<hbm>>) target(%arg9 : memref<128xi32, #tpu.memory_space<vmem>>) target_semaphore(%run_scoped3A : memref<!tpu.dma_semaphore, #tpu.memory_space<semaphore_mem>>)
        %dma_wait3A_179 = tpu.memref_slice %arg3[%multiple_of3A] : memref<450560xi32, #tpu.memory_space<hbm>> -> memref<128xi32, #tpu.memory_space<hbm>>
        %dma_wait3A_180 = tpu.memref_slice %arg3[%multiple_of3A] : memref<450560xi32, #tpu.memory_space<hbm>> -> memref<128xi32, #tpu.memory_space<hbm>>
        tpu.wait_dma2 semaphore(%run_scoped3A : memref<!tpu.dma_semaphore, #tpu.memory_space<semaphore_mem>>) src(%dma_wait3A_180 : memref<128xi32, #tpu.memory_space<hbm>>) dst(%arg9 : memref<128xi32, #tpu.memory_space<vmem>>)
        tpu.yield
      }) : () -> ()
      "tpu.region"() ({
        %run_scoped3A = tpu.sem_alloc : memref<!tpu.dma_semaphore, #tpu.memory_space<semaphore_mem>>
        %dma_start3A_177 = tpu.memref_slice %arg4[%multiple_of3A] : memref<450560xi32, #tpu.memory_space<hbm>> -> memref<128xi32, #tpu.memory_space<hbm>>
        %dma_start3A_178 = tpu.memref_slice %arg4[%multiple_of3A] : memref<450560xi32, #tpu.memory_space<hbm>> -> memref<128xi32, #tpu.memory_space<hbm>>
        tpu.enqueue_dma source(%dma_start3A_178 : memref<128xi32, #tpu.memory_space<hbm>>) target(%arg10 : memref<128xi32, #tpu.memory_space<vmem>>) target_semaphore(%run_scoped3A : memref<!tpu.dma_semaphore, #tpu.memory_space<semaphore_mem>>)
        %dma_wait3A_179 = tpu.memref_slice %arg4[%multiple_of3A] : memref<450560xi32, #tpu.memory_space<hbm>> -> memref<128xi32, #tpu.memory_space<hbm>>
        %dma_wait3A_180 = tpu.memref_slice %arg4[%multiple_of3A] : memref<450560xi32, #tpu.memory_space<hbm>> -> memref<128xi32, #tpu.memory_space<hbm>>
        tpu.wait_dma2 semaphore(%run_scoped3A : memref<!tpu.dma_semaphore, #tpu.memory_space<semaphore_mem>>) src(%dma_wait3A_180 : memref<128xi32, #tpu.memory_space<hbm>>) dst(%arg10 : memref<128xi32, #tpu.memory_space<vmem>>)
        tpu.yield
      }) : () -> ()
      %dma_start3A = arith.constant 0 : i32
      %dma_start3A_173 = arith.constant 0 : i32
      %dma_start3A_174 = tpu.memref_slice %arg2[%dma_start3A, %dma_start3A_173] : memref<1536000x128xf32, #tpu.memory_space<hbm>> -> memref<1536000x128xf32, #tpu.memory_space<hbm>>
      tpu.enqueue_indirect_dma source(%dma_start3A_174 : memref<1536000x128xf32, #tpu.memory_space<hbm>>) target(%arg8 : memref<128x128xf32, #tpu.memory_space<vmem>>) offsets(%arg9 : memref<128xi32, #tpu.memory_space<vmem>>) semaphore(%arg12 : memref<!tpu.dma_semaphore, #tpu.memory_space<semaphore_mem>>)
      %dma_wait3A = arith.constant 0 : i32
      %dma_wait3A_175 = arith.constant 0 : i32
      %dma_wait3A_176 = tpu.memref_slice %arg2[%dma_wait3A, %dma_wait3A_175] : memref<1536000x128xf32, #tpu.memory_space<hbm>> -> memref<1536000x128xf32, #tpu.memory_space<hbm>>
      tpu.wait_indirect_dma semaphore(%arg12 : memref<!tpu.dma_semaphore, #tpu.memory_space<semaphore_mem>>) src(%dma_wait3A_176 : memref<1536000x128xf32, #tpu.memory_space<hbm>>) dst(%arg8 : memref<128x128xf32, #tpu.memory_space<vmem>>)
      "tpu.region"() ({
        %run_scoped3A = tpu.sem_alloc : memref<!tpu.dma_semaphore, #tpu.memory_space<semaphore_mem>>
        %dma_start3A_177 = arith.constant 0 : i32
        %dma_start3A_178 = arith.constant 0 : i32
        %dma_start3A_179 = tpu.memref_slice %arg7[%dma_start3A_177, %dma_start3A_178] : memref<12808x128xf32, #tpu.memory_space<vmem_shared>> -> memref<12808x128xf32, #tpu.memory_space<vmem_shared>>
        tpu.enqueue_indirect_dma source(%arg8 : memref<128x128xf32, #tpu.memory_space<vmem>>) target(%dma_start3A_179 : memref<12808x128xf32, #tpu.memory_space<vmem_shared>>) offsets(%arg10 : memref<128xi32, #tpu.memory_space<vmem>>) semaphore(%run_scoped3A : memref<!tpu.dma_semaphore, #tpu.memory_space<semaphore_mem>>) {add = true}
        %dma_wait3A_180 = arith.constant 0 : i32
        %dma_wait3A_181 = arith.constant 0 : i32
        %dma_wait3A_182 = tpu.memref_slice %arg7[%dma_wait3A_180, %dma_wait3A_181] : memref<12808x128xf32, #tpu.memory_space<vmem_shared>> -> memref<12808x128xf32, #tpu.memory_space<vmem_shared>>
        tpu.wait_indirect_dma semaphore(%run_scoped3A : memref<!tpu.dma_semaphore, #tpu.memory_space<semaphore_mem>>) src(%arg8 : memref<128x128xf32, #tpu.memory_space<vmem>>) dst(%dma_wait3A_182 : memref<12808x128xf32, #tpu.memory_space<vmem_shared>>)
        tpu.yield
      }) : () -> ()
    }
    %while3A_120 = arith.constant 1 : i32
    scf.for %while3A_169 = %while3A_118 to %while3A_114 step %while3A_120  : i32 {
      %mul3A_170 = arith.constant 128 : i32
      %mul3A_171 = arith.muli %while3A_169, %mul3A_170 : i32
      %add3A_172 = arith.addi %add3A_110, %mul3A_171 : i32
      %multiple_of3A = tpu.assume_multiple %add3A_172, 128 : i32
      "tpu.region"() ({
        %run_scoped3A = tpu.sem_alloc : memref<!tpu.dma_semaphore, #tpu.memory_space<semaphore_mem>>
        %dma_start3A_177 = tpu.memref_slice %arg3[%multiple_of3A] : memref<450560xi32, #tpu.memory_space<hbm>> -> memref<128xi32, #tpu.memory_space<hbm>>
        %dma_start3A_178 = tpu.memref_slice %arg3[%multiple_of3A] : memref<450560xi32, #tpu.memory_space<hbm>> -> memref<128xi32, #tpu.memory_space<hbm>>
        tpu.enqueue_dma source(%dma_start3A_178 : memref<128xi32, #tpu.memory_space<hbm>>) target(%arg9 : memref<128xi32, #tpu.memory_space<vmem>>) target_semaphore(%run_scoped3A : memref<!tpu.dma_semaphore, #tpu.memory_space<semaphore_mem>>)
        %dma_wait3A_179 = tpu.memref_slice %arg3[%multiple_of3A] : memref<450560xi32, #tpu.memory_space<hbm>> -> memref<128xi32, #tpu.memory_space<hbm>>
        %dma_wait3A_180 = tpu.memref_slice %arg3[%multiple_of3A] : memref<450560xi32, #tpu.memory_space<hbm>> -> memref<128xi32, #tpu.memory_space<hbm>>
        tpu.wait_dma2 semaphore(%run_scoped3A : memref<!tpu.dma_semaphore, #tpu.memory_space<semaphore_mem>>) src(%dma_wait3A_180 : memref<128xi32, #tpu.memory_space<hbm>>) dst(%arg9 : memref<128xi32, #tpu.memory_space<vmem>>)
        tpu.yield
      }) : () -> ()
      "tpu.region"() ({
        %run_scoped3A = tpu.sem_alloc : memref<!tpu.dma_semaphore, #tpu.memory_space<semaphore_mem>>
        %dma_start3A_177 = tpu.memref_slice %arg4[%multiple_of3A] : memref<450560xi32, #tpu.memory_space<hbm>> -> memref<128xi32, #tpu.memory_space<hbm>>
        %dma_start3A_178 = tpu.memref_slice %arg4[%multiple_of3A] : memref<450560xi32, #tpu.memory_space<hbm>> -> memref<128xi32, #tpu.memory_space<hbm>>
        tpu.enqueue_dma source(%dma_start3A_178 : memref<128xi32, #tpu.memory_space<hbm>>) target(%arg10 : memref<128xi32, #tpu.memory_space<vmem>>) target_semaphore(%run_scoped3A : memref<!tpu.dma_semaphore, #tpu.memory_space<semaphore_mem>>)
        %dma_wait3A_179 = tpu.memref_slice %arg4[%multiple_of3A] : memref<450560xi32, #tpu.memory_space<hbm>> -> memref<128xi32, #tpu.memory_space<hbm>>
        %dma_wait3A_180 = tpu.memref_slice %arg4[%multiple_of3A] : memref<450560xi32, #tpu.memory_space<hbm>> -> memref<128xi32, #tpu.memory_space<hbm>>
        tpu.wait_dma2 semaphore(%run_scoped3A : memref<!tpu.dma_semaphore, #tpu.memory_space<semaphore_mem>>) src(%dma_wait3A_180 : memref<128xi32, #tpu.memory_space<hbm>>) dst(%arg10 : memref<128xi32, #tpu.memory_space<vmem>>)
        tpu.yield
      }) : () -> ()
      %dma_start3A = arith.constant 0 : i32
      %dma_start3A_173 = arith.constant 0 : i32
      %dma_start3A_174 = tpu.memref_slice %arg2[%dma_start3A, %dma_start3A_173] : memref<1536000x128xf32, #tpu.memory_space<hbm>> -> memref<1536000x128xf32, #tpu.memory_space<hbm>>
      tpu.enqueue_indirect_dma source(%dma_start3A_174 : memref<1536000x128xf32, #tpu.memory_space<hbm>>) target(%arg8 : memref<128x128xf32, #tpu.memory_space<vmem>>) offsets(%arg9 : memref<128xi32, #tpu.memory_space<vmem>>) semaphore(%arg12 : memref<!tpu.dma_semaphore, #tpu.memory_space<semaphore_mem>>)
      %dma_wait3A = arith.constant 0 : i32
      %dma_wait3A_175 = arith.constant 0 : i32
      %dma_wait3A_176 = tpu.memref_slice %arg2[%dma_wait3A, %dma_wait3A_175] : memref<1536000x128xf32, #tpu.memory_space<hbm>> -> memref<1536000x128xf32, #tpu.memory_space<hbm>>
      tpu.wait_indirect_dma semaphore(%arg12 : memref<!tpu.dma_semaphore, #tpu.memory_space<semaphore_mem>>) src(%dma_wait3A_176 : memref<1536000x128xf32, #tpu.memory_space<hbm>>) dst(%arg8 : memref<128x128xf32, #tpu.memory_space<vmem>>)
      "tpu.region"() ({
        %run_scoped3A = tpu.sem_alloc : memref<!tpu.dma_semaphore, #tpu.memory_space<semaphore_mem>>
        %dma_start3A_177 = arith.constant 0 : i32
        %dma_start3A_178 = arith.constant 0 : i32
        %dma_start3A_179 = tpu.memref_slice %arg7[%dma_start3A_177, %dma_start3A_178] : memref<12808x128xf32, #tpu.memory_space<vmem_shared>> -> memref<12808x128xf32, #tpu.memory_space<vmem_shared>>
        tpu.enqueue_indirect_dma source(%arg8 : memref<128x128xf32, #tpu.memory_space<vmem>>) target(%dma_start3A_179 : memref<12808x128xf32, #tpu.memory_space<vmem_shared>>) offsets(%arg10 : memref<128xi32, #tpu.memory_space<vmem>>) semaphore(%run_scoped3A : memref<!tpu.dma_semaphore, #tpu.memory_space<semaphore_mem>>) {add = true}
        %dma_wait3A_180 = arith.constant 0 : i32
        %dma_wait3A_181 = arith.constant 0 : i32
        %dma_wait3A_182 = tpu.memref_slice %arg7[%dma_wait3A_180, %dma_wait3A_181] : memref<12808x128xf32, #tpu.memory_space<vmem_shared>> -> memref<12808x128xf32, #tpu.memory_space<vmem_shared>>
        tpu.wait_indirect_dma semaphore(%run_scoped3A : memref<!tpu.dma_semaphore, #tpu.memory_space<semaphore_mem>>) src(%arg8 : memref<128x128xf32, #tpu.memory_space<vmem>>) dst(%dma_wait3A_182 : memref<12808x128xf32, #tpu.memory_space<vmem_shared>>)
        tpu.yield
      }) : () -> ()
    }
    %barrier3A_121 = arith.constant 0 : index
    tpu.barrier barrier_id(%barrier3A_121)
    %mul3A_122 = arith.constant 800 : i32
    %mul3A_123 = arith.muli %arg1, %mul3A_122 : i32
    "tpu.region"() ({
      %run_scoped3A = tpu.sem_alloc : memref<!tpu.dma_semaphore, #tpu.memory_space<semaphore_mem>>
      %dma_start3A = arith.constant 0 : i32
      %dma_start3A_169 = tpu.memref_slice %arg6[%add3A_103, %dma_start3A] : memref<102400x128xf32, #tpu.memory_space<hbm>> -> memref<800x128xf32, #tpu.memory_space<hbm>>
      %dma_start3A_170 = arith.constant 0 : i32
      %dma_start3A_171 = tpu.memref_slice %arg7[%mul3A_123, %dma_start3A_170] : memref<12808x128xf32, #tpu.memory_space<vmem_shared>> -> memref<800x128xf32, #tpu.memory_space<vmem_shared>>
      tpu.enqueue_dma source(%dma_start3A_171 : memref<800x128xf32, #tpu.memory_space<vmem_shared>>) target(%dma_start3A_169 : memref<800x128xf32, #tpu.memory_space<hbm>>) target_semaphore(%run_scoped3A : memref<!tpu.dma_semaphore, #tpu.memory_space<semaphore_mem>>)
      %dma_wait3A = arith.constant 0 : i32
      %dma_wait3A_172 = tpu.memref_slice %arg6[%add3A_103, %dma_wait3A] : memref<102400x128xf32, #tpu.memory_space<hbm>> -> memref<800x128xf32, #tpu.memory_space<hbm>>
      %dma_wait3A_173 = arith.constant 0 : i32
      %dma_wait3A_174 = tpu.memref_slice %arg7[%mul3A_123, %dma_wait3A_173] : memref<12808x128xf32, #tpu.memory_space<vmem_shared>> -> memref<800x128xf32, #tpu.memory_space<vmem_shared>>
      tpu.wait_dma2 semaphore(%run_scoped3A : memref<!tpu.dma_semaphore, #tpu.memory_space<semaphore_mem>>) src(%dma_wait3A_174 : memref<800x128xf32, #tpu.memory_space<vmem_shared>>) dst(%dma_wait3A_172 : memref<800x128xf32, #tpu.memory_space<hbm>>)
      tpu.yield
    }) : () -> ()
    %barrier3A_124 = arith.constant 0 : index
    tpu.barrier barrier_id(%barrier3A_124)
    %mul3A_125 = arith.constant 4 : i32
    %mul3A_126 = arith.muli %arg0, %mul3A_125 : i32
    %add3A_127 = arith.constant 3 : i32
    %add3A_128 = arith.addi %mul3A_126, %add3A_127 : i32
    %get3A_129 = arith.index_cast %add3A_128 : i32 to index
    %get3A_130 = arith.constant 0 : index
    %get3A_131 = tpu.vector_load %arg11[%get3A_129, %get3A_130] {strides = array<i32>} : memref<16x16xi32, #tpu.memory_space<vmem>>, vector<1x16xi32>,
    %get3A_132 = vector.shape_cast %get3A_131 : vector<1x16xi32> to vector<16xi32>
    %slice3A_133 = vector.extract_strided_slice %get3A_132 {offsets = [0], sizes = [1], strides = [1]} : vector<16xi32> to vector<1xi32>
    %squeeze3A_134 = vector.extract %slice3A_133[0] : i32 from vector<1xi32>
    %add3A_135 = arith.constant 8 : i32
    %add3A_136 = arith.addi %add3A_135, %add3A_128 : i32
    %get3A_137 = arith.index_cast %add3A_136 : i32 to index
    %get3A_138 = arith.constant 0 : index
    %get3A_139 = tpu.vector_load %arg11[%get3A_137, %get3A_138] {strides = array<i32>} : memref<16x16xi32, #tpu.memory_space<vmem>>, vector<1x16xi32>,
    %get3A_140 = vector.shape_cast %get3A_139 : vector<1x16xi32> to vector<16xi32>
    %slice3A_141 = vector.extract_strided_slice %get3A_140 {offsets = [0], sizes = [1], strides = [1]} : vector<16xi32> to vector<1xi32>
    %squeeze3A_142 = vector.extract %slice3A_141[0] : i32 from vector<1xi32>
    %mul3A_143 = arith.constant 12800 : i32
    %mul3A_144 = arith.muli %add3A_128, %mul3A_143 : i32
    %mul3A_145 = arith.constant 800 : i32
    %mul3A_146 = arith.muli %arg1, %mul3A_145 : i32
    %add3A_147 = arith.addi %mul3A_144, %mul3A_146 : i32
    %mul3A_148 = arith.constant 800 : i32
    %mul3A_149 = arith.muli %arg1, %mul3A_148 : i32
    "tpu.region"() ({
      %run_scoped3A = tpu.sem_alloc : memref<!tpu.dma_semaphore, #tpu.memory_space<semaphore_mem>>
      %dma_start3A = arith.constant 0 : i32
      %dma_start3A_169 = tpu.memref_slice %arg7[%mul3A_149, %dma_start3A] : memref<12808x128xf32, #tpu.memory_space<vmem_shared>> -> memref<800x128xf32, #tpu.memory_space<vmem_shared>>
      %dma_start3A_170 = arith.constant 0 : i32
      %dma_start3A_171 = tpu.memref_slice %arg2[%add3A_147, %dma_start3A_170] : memref<1536000x128xf32, #tpu.memory_space<hbm>> -> memref<800x128xf32, #tpu.memory_space<hbm>>
      tpu.enqueue_dma source(%dma_start3A_171 : memref<800x128xf32, #tpu.memory_space<hbm>>) target(%dma_start3A_169 : memref<800x128xf32, #tpu.memory_space<vmem_shared>>) target_semaphore(%run_scoped3A : memref<!tpu.dma_semaphore, #tpu.memory_space<semaphore_mem>>)
      %dma_wait3A = arith.constant 0 : i32
      %dma_wait3A_172 = tpu.memref_slice %arg7[%mul3A_149, %dma_wait3A] : memref<12808x128xf32, #tpu.memory_space<vmem_shared>> -> memref<800x128xf32, #tpu.memory_space<vmem_shared>>
      %dma_wait3A_173 = arith.constant 0 : i32
      %dma_wait3A_174 = tpu.memref_slice %arg2[%add3A_147, %dma_wait3A_173] : memref<1536000x128xf32, #tpu.memory_space<hbm>> -> memref<800x128xf32, #tpu.memory_space<hbm>>
      tpu.wait_dma2 semaphore(%run_scoped3A : memref<!tpu.dma_semaphore, #tpu.memory_space<semaphore_mem>>) src(%dma_wait3A_174 : memref<800x128xf32, #tpu.memory_space<hbm>>) dst(%dma_wait3A_172 : memref<800x128xf32, #tpu.memory_space<vmem_shared>>)
      tpu.yield
    }) : () -> ()
    %barrier3A_150 = arith.constant 0 : index
    tpu.barrier barrier_id(%barrier3A_150)
    %mul3A_151 = arith.muli %arg1, %squeeze3A_142 : i32
    %mul3A_152 = arith.constant 128 : i32
    %mul3A_153 = arith.muli %mul3A_151, %mul3A_152 : i32
    %add3A_154 = arith.addi %squeeze3A_134, %mul3A_153 : i32
    %while3A_155 = arith.constant 0 : i32
    %while3A_156 = arith.constant 0 : i32
    %while3A_157 = arith.subi %squeeze3A_142, %while3A_156 : i32
    %while3A_158 = arith.addi %while3A_156, %while3A_157 : i32
    %while3A_159 = arith.constant 1 : i32
    %while3A_160 = arith.divsi %while3A_157, %while3A_159 : i32
    %while3A_161 = arith.muli %while3A_160, %while3A_159 : i32
    %while3A_162 = arith.addi %while3A_156, %while3A_161 : i32
    %while3A_163 = arith.constant 1 : i32
    scf.for %while3A_169 = %while3A_156 to %while3A_162 step %while3A_163  : i32 {
      %mul3A_170 = arith.constant 128 : i32
      %mul3A_171 = arith.muli %while3A_169, %mul3A_170 : i32
      %add3A_172 = arith.addi %add3A_154, %mul3A_171 : i32
      %multiple_of3A = tpu.assume_multiple %add3A_172, 128 : i32
      "tpu.region"() ({
        %run_scoped3A = tpu.sem_alloc : memref<!tpu.dma_semaphore, #tpu.memory_space<semaphore_mem>>
        %dma_start3A_177 = tpu.memref_slice %arg3[%multiple_of3A] : memref<450560xi32, #tpu.memory_space<hbm>> -> memref<128xi32, #tpu.memory_space<hbm>>
        %dma_start3A_178 = tpu.memref_slice %arg3[%multiple_of3A] : memref<450560xi32, #tpu.memory_space<hbm>> -> memref<128xi32, #tpu.memory_space<hbm>>
        tpu.enqueue_dma source(%dma_start3A_178 : memref<128xi32, #tpu.memory_space<hbm>>) target(%arg9 : memref<128xi32, #tpu.memory_space<vmem>>) target_semaphore(%run_scoped3A : memref<!tpu.dma_semaphore, #tpu.memory_space<semaphore_mem>>)
        %dma_wait3A_179 = tpu.memref_slice %arg3[%multiple_of3A] : memref<450560xi32, #tpu.memory_space<hbm>> -> memref<128xi32, #tpu.memory_space<hbm>>
        %dma_wait3A_180 = tpu.memref_slice %arg3[%multiple_of3A] : memref<450560xi32, #tpu.memory_space<hbm>> -> memref<128xi32, #tpu.memory_space<hbm>>
        tpu.wait_dma2 semaphore(%run_scoped3A : memref<!tpu.dma_semaphore, #tpu.memory_space<semaphore_mem>>) src(%dma_wait3A_180 : memref<128xi32, #tpu.memory_space<hbm>>) dst(%arg9 : memref<128xi32, #tpu.memory_space<vmem>>)
        tpu.yield
      }) : () -> ()
      "tpu.region"() ({
        %run_scoped3A = tpu.sem_alloc : memref<!tpu.dma_semaphore, #tpu.memory_space<semaphore_mem>>
        %dma_start3A_177 = tpu.memref_slice %arg4[%multiple_of3A] : memref<450560xi32, #tpu.memory_space<hbm>> -> memref<128xi32, #tpu.memory_space<hbm>>
        %dma_start3A_178 = tpu.memref_slice %arg4[%multiple_of3A] : memref<450560xi32, #tpu.memory_space<hbm>> -> memref<128xi32, #tpu.memory_space<hbm>>
        tpu.enqueue_dma source(%dma_start3A_178 : memref<128xi32, #tpu.memory_space<hbm>>) target(%arg10 : memref<128xi32, #tpu.memory_space<vmem>>) target_semaphore(%run_scoped3A : memref<!tpu.dma_semaphore, #tpu.memory_space<semaphore_mem>>)
        %dma_wait3A_179 = tpu.memref_slice %arg4[%multiple_of3A] : memref<450560xi32, #tpu.memory_space<hbm>> -> memref<128xi32, #tpu.memory_space<hbm>>
        %dma_wait3A_180 = tpu.memref_slice %arg4[%multiple_of3A] : memref<450560xi32, #tpu.memory_space<hbm>> -> memref<128xi32, #tpu.memory_space<hbm>>
        tpu.wait_dma2 semaphore(%run_scoped3A : memref<!tpu.dma_semaphore, #tpu.memory_space<semaphore_mem>>) src(%dma_wait3A_180 : memref<128xi32, #tpu.memory_space<hbm>>) dst(%arg10 : memref<128xi32, #tpu.memory_space<vmem>>)
        tpu.yield
      }) : () -> ()
      %dma_start3A = arith.constant 0 : i32
      %dma_start3A_173 = arith.constant 0 : i32
      %dma_start3A_174 = tpu.memref_slice %arg2[%dma_start3A, %dma_start3A_173] : memref<1536000x128xf32, #tpu.memory_space<hbm>> -> memref<1536000x128xf32, #tpu.memory_space<hbm>>
      tpu.enqueue_indirect_dma source(%dma_start3A_174 : memref<1536000x128xf32, #tpu.memory_space<hbm>>) target(%arg8 : memref<128x128xf32, #tpu.memory_space<vmem>>) offsets(%arg9 : memref<128xi32, #tpu.memory_space<vmem>>) semaphore(%arg12 : memref<!tpu.dma_semaphore, #tpu.memory_space<semaphore_mem>>)
      %dma_wait3A = arith.constant 0 : i32
      %dma_wait3A_175 = arith.constant 0 : i32
      %dma_wait3A_176 = tpu.memref_slice %arg2[%dma_wait3A, %dma_wait3A_175] : memref<1536000x128xf32, #tpu.memory_space<hbm>> -> memref<1536000x128xf32, #tpu.memory_space<hbm>>
      tpu.wait_indirect_dma semaphore(%arg12 : memref<!tpu.dma_semaphore, #tpu.memory_space<semaphore_mem>>) src(%dma_wait3A_176 : memref<1536000x128xf32, #tpu.memory_space<hbm>>) dst(%arg8 : memref<128x128xf32, #tpu.memory_space<vmem>>)
      "tpu.region"() ({
        %run_scoped3A = tpu.sem_alloc : memref<!tpu.dma_semaphore, #tpu.memory_space<semaphore_mem>>
        %dma_start3A_177 = arith.constant 0 : i32
        %dma_start3A_178 = arith.constant 0 : i32
        %dma_start3A_179 = tpu.memref_slice %arg7[%dma_start3A_177, %dma_start3A_178] : memref<12808x128xf32, #tpu.memory_space<vmem_shared>> -> memref<12808x128xf32, #tpu.memory_space<vmem_shared>>
        tpu.enqueue_indirect_dma source(%arg8 : memref<128x128xf32, #tpu.memory_space<vmem>>) target(%dma_start3A_179 : memref<12808x128xf32, #tpu.memory_space<vmem_shared>>) offsets(%arg10 : memref<128xi32, #tpu.memory_space<vmem>>) semaphore(%run_scoped3A : memref<!tpu.dma_semaphore, #tpu.memory_space<semaphore_mem>>) {add = true}
        %dma_wait3A_180 = arith.constant 0 : i32
        %dma_wait3A_181 = arith.constant 0 : i32
        %dma_wait3A_182 = tpu.memref_slice %arg7[%dma_wait3A_180, %dma_wait3A_181] : memref<12808x128xf32, #tpu.memory_space<vmem_shared>> -> memref<12808x128xf32, #tpu.memory_space<vmem_shared>>
        tpu.wait_indirect_dma semaphore(%run_scoped3A : memref<!tpu.dma_semaphore, #tpu.memory_space<semaphore_mem>>) src(%arg8 : memref<128x128xf32, #tpu.memory_space<vmem>>) dst(%dma_wait3A_182 : memref<12808x128xf32, #tpu.memory_space<vmem_shared>>)
        tpu.yield
      }) : () -> ()
    }
    %while3A_164 = arith.constant 1 : i32
    scf.for %while3A_169 = %while3A_162 to %while3A_158 step %while3A_164  : i32 {
      %mul3A_170 = arith.constant 128 : i32
      %mul3A_171 = arith.muli %while3A_169, %mul3A_170 : i32
      %add3A_172 = arith.addi %add3A_154, %mul3A_171 : i32
      %multiple_of3A = tpu.assume_multiple %add3A_172, 128 : i32
      "tpu.region"() ({
        %run_scoped3A = tpu.sem_alloc : memref<!tpu.dma_semaphore, #tpu.memory_space<semaphore_mem>>
        %dma_start3A_177 = tpu.memref_slice %arg3[%multiple_of3A] : memref<450560xi32, #tpu.memory_space<hbm>> -> memref<128xi32, #tpu.memory_space<hbm>>
        %dma_start3A_178 = tpu.memref_slice %arg3[%multiple_of3A] : memref<450560xi32, #tpu.memory_space<hbm>> -> memref<128xi32, #tpu.memory_space<hbm>>
        tpu.enqueue_dma source(%dma_start3A_178 : memref<128xi32, #tpu.memory_space<hbm>>) target(%arg9 : memref<128xi32, #tpu.memory_space<vmem>>) target_semaphore(%run_scoped3A : memref<!tpu.dma_semaphore, #tpu.memory_space<semaphore_mem>>)
        %dma_wait3A_179 = tpu.memref_slice %arg3[%multiple_of3A] : memref<450560xi32, #tpu.memory_space<hbm>> -> memref<128xi32, #tpu.memory_space<hbm>>
        %dma_wait3A_180 = tpu.memref_slice %arg3[%multiple_of3A] : memref<450560xi32, #tpu.memory_space<hbm>> -> memref<128xi32, #tpu.memory_space<hbm>>
        tpu.wait_dma2 semaphore(%run_scoped3A : memref<!tpu.dma_semaphore, #tpu.memory_space<semaphore_mem>>) src(%dma_wait3A_180 : memref<128xi32, #tpu.memory_space<hbm>>) dst(%arg9 : memref<128xi32, #tpu.memory_space<vmem>>)
        tpu.yield
      }) : () -> ()
      "tpu.region"() ({
        %run_scoped3A = tpu.sem_alloc : memref<!tpu.dma_semaphore, #tpu.memory_space<semaphore_mem>>
        %dma_start3A_177 = tpu.memref_slice %arg4[%multiple_of3A] : memref<450560xi32, #tpu.memory_space<hbm>> -> memref<128xi32, #tpu.memory_space<hbm>>
        %dma_start3A_178 = tpu.memref_slice %arg4[%multiple_of3A] : memref<450560xi32, #tpu.memory_space<hbm>> -> memref<128xi32, #tpu.memory_space<hbm>>
        tpu.enqueue_dma source(%dma_start3A_178 : memref<128xi32, #tpu.memory_space<hbm>>) target(%arg10 : memref<128xi32, #tpu.memory_space<vmem>>) target_semaphore(%run_scoped3A : memref<!tpu.dma_semaphore, #tpu.memory_space<semaphore_mem>>)
        %dma_wait3A_179 = tpu.memref_slice %arg4[%multiple_of3A] : memref<450560xi32, #tpu.memory_space<hbm>> -> memref<128xi32, #tpu.memory_space<hbm>>
        %dma_wait3A_180 = tpu.memref_slice %arg4[%multiple_of3A] : memref<450560xi32, #tpu.memory_space<hbm>> -> memref<128xi32, #tpu.memory_space<hbm>>
        tpu.wait_dma2 semaphore(%run_scoped3A : memref<!tpu.dma_semaphore, #tpu.memory_space<semaphore_mem>>) src(%dma_wait3A_180 : memref<128xi32, #tpu.memory_space<hbm>>) dst(%arg10 : memref<128xi32, #tpu.memory_space<vmem>>)
        tpu.yield
      }) : () -> ()
      %dma_start3A = arith.constant 0 : i32
      %dma_start3A_173 = arith.constant 0 : i32
      %dma_start3A_174 = tpu.memref_slice %arg2[%dma_start3A, %dma_start3A_173] : memref<1536000x128xf32, #tpu.memory_space<hbm>> -> memref<1536000x128xf32, #tpu.memory_space<hbm>>
      tpu.enqueue_indirect_dma source(%dma_start3A_174 : memref<1536000x128xf32, #tpu.memory_space<hbm>>) target(%arg8 : memref<128x128xf32, #tpu.memory_space<vmem>>) offsets(%arg9 : memref<128xi32, #tpu.memory_space<vmem>>) semaphore(%arg12 : memref<!tpu.dma_semaphore, #tpu.memory_space<semaphore_mem>>)
      %dma_wait3A = arith.constant 0 : i32
      %dma_wait3A_175 = arith.constant 0 : i32
      %dma_wait3A_176 = tpu.memref_slice %arg2[%dma_wait3A, %dma_wait3A_175] : memref<1536000x128xf32, #tpu.memory_space<hbm>> -> memref<1536000x128xf32, #tpu.memory_space<hbm>>
      tpu.wait_indirect_dma semaphore(%arg12 : memref<!tpu.dma_semaphore, #tpu.memory_space<semaphore_mem>>) src(%dma_wait3A_176 : memref<1536000x128xf32, #tpu.memory_space<hbm>>) dst(%arg8 : memref<128x128xf32, #tpu.memory_space<vmem>>)
      "tpu.region"() ({
        %run_scoped3A = tpu.sem_alloc : memref<!tpu.dma_semaphore, #tpu.memory_space<semaphore_mem>>
        %dma_start3A_177 = arith.constant 0 : i32
        %dma_start3A_178 = arith.constant 0 : i32
        %dma_start3A_179 = tpu.memref_slice %arg7[%dma_start3A_177, %dma_start3A_178] : memref<12808x128xf32, #tpu.memory_space<vmem_shared>> -> memref<12808x128xf32, #tpu.memory_space<vmem_shared>>
        tpu.enqueue_indirect_dma source(%arg8 : memref<128x128xf32, #tpu.memory_space<vmem>>) target(%dma_start3A_179 : memref<12808x128xf32, #tpu.memory_space<vmem_shared>>) offsets(%arg10 : memref<128xi32, #tpu.memory_space<vmem>>) semaphore(%run_scoped3A : memref<!tpu.dma_semaphore, #tpu.memory_space<semaphore_mem>>) {add = true}
        %dma_wait3A_180 = arith.constant 0 : i32
        %dma_wait3A_181 = arith.constant 0 : i32
        %dma_wait3A_182 = tpu.memref_slice %arg7[%dma_wait3A_180, %dma_wait3A_181] : memref<12808x128xf32, #tpu.memory_space<vmem_shared>> -> memref<12808x128xf32, #tpu.memory_space<vmem_shared>>
        tpu.wait_indirect_dma semaphore(%run_scoped3A : memref<!tpu.dma_semaphore, #tpu.memory_space<semaphore_mem>>) src(%arg8 : memref<128x128xf32, #tpu.memory_space<vmem>>) dst(%dma_wait3A_182 : memref<12808x128xf32, #tpu.memory_space<vmem_shared>>)
        tpu.yield
      }) : () -> ()
    }
    %barrier3A_165 = arith.constant 0 : index
    tpu.barrier barrier_id(%barrier3A_165)
    %mul3A_166 = arith.constant 800 : i32
    %mul3A_167 = arith.muli %arg1, %mul3A_166 : i32
    "tpu.region"() ({
      %run_scoped3A = tpu.sem_alloc : memref<!tpu.dma_semaphore, #tpu.memory_space<semaphore_mem>>
      %dma_start3A = arith.constant 0 : i32
      %dma_start3A_169 = tpu.memref_slice %arg6[%add3A_147, %dma_start3A] : memref<102400x128xf32, #tpu.memory_space<hbm>> -> memref<800x128xf32, #tpu.memory_space<hbm>>
      %dma_start3A_170 = arith.constant 0 : i32
      %dma_start3A_171 = tpu.memref_slice %arg7[%mul3A_167, %dma_start3A_170] : memref<12808x128xf32, #tpu.memory_space<vmem_shared>> -> memref<800x128xf32, #tpu.memory_space<vmem_shared>>
      tpu.enqueue_dma source(%dma_start3A_171 : memref<800x128xf32, #tpu.memory_space<vmem_shared>>) target(%dma_start3A_169 : memref<800x128xf32, #tpu.memory_space<hbm>>) target_semaphore(%run_scoped3A : memref<!tpu.dma_semaphore, #tpu.memory_space<semaphore_mem>>)
      %dma_wait3A = arith.constant 0 : i32
      %dma_wait3A_172 = tpu.memref_slice %arg6[%add3A_147, %dma_wait3A] : memref<102400x128xf32, #tpu.memory_space<hbm>> -> memref<800x128xf32, #tpu.memory_space<hbm>>
      %dma_wait3A_173 = arith.constant 0 : i32
      %dma_wait3A_174 = tpu.memref_slice %arg7[%mul3A_167, %dma_wait3A_173] : memref<12808x128xf32, #tpu.memory_space<vmem_shared>> -> memref<800x128xf32, #tpu.memory_space<vmem_shared>>
      tpu.wait_dma2 semaphore(%run_scoped3A : memref<!tpu.dma_semaphore, #tpu.memory_space<semaphore_mem>>) src(%dma_wait3A_174 : memref<800x128xf32, #tpu.memory_space<vmem_shared>>) dst(%dma_wait3A_172 : memref<800x128xf32, #tpu.memory_space<hbm>>)
      tpu.yield
    }) : () -> ()
    %barrier3A_168 = arith.constant 0 : index
    tpu.barrier barrier_id(%barrier3A_168)
    return
  }
}

module attributes {stable_mosaic.version = 14 : i64} {
  func.func @_input_body(%arg0: i32, %arg1: memref<2048x8xf32, #tpu.memory_space<vmem>>, %arg2: memref<2048x8xf32, #tpu.memory_space<vmem>>, %arg3: memref<8x128xf32, #tpu.memory_space<vmem>>, %arg4: memref<1x128xf32, #tpu.memory_space<vmem>>, %arg5: memref<128x128xf32, #tpu.memory_space<vmem>>, %arg6: memref<1x128xf32, #tpu.memory_space<vmem>>, %arg7: memref<1x128xf32, #tpu.memory_space<vmem>>, %arg8: memref<8x128xf32, #tpu.memory_space<vmem>>, %arg9: memref<1x128xf32, #tpu.memory_space<vmem>>, %arg10: memref<128x128xf32, #tpu.memory_space<vmem>>, %arg11: memref<1x128xf32, #tpu.memory_space<vmem>>, %arg12: memref<1x128xf32, #tpu.memory_space<vmem>>, %arg13: memref<2048x128xf32, #tpu.memory_space<vmem>>) attributes {dimension_semantics = [#tpu.dimension_semantics<arbitrary>], iteration_bounds = array<i64: 50>, scalar_prefetch = 0 : i64, scratch_operands = 0 : i64, tpu.core_type = #tpu.core_type<tc>, window_params = [{transform_indices = @transform_0, window_bounds = array<i64: 2048, 8>}, {transform_indices = @transform_1, window_bounds = array<i64: 2048, 8>}, {pipeline_mode = #tpu.pipeline_mode<synchronous>, transform_indices = @transform_2, window_bounds = array<i64: 8, 128>}, {pipeline_mode = #tpu.pipeline_mode<synchronous>, transform_indices = @transform_3, window_bounds = array<i64: 1, 128>}, {pipeline_mode = #tpu.pipeline_mode<synchronous>, transform_indices = @transform_4, window_bounds = array<i64: 128, 128>}, {pipeline_mode = #tpu.pipeline_mode<synchronous>, transform_indices = @transform_5, window_bounds = array<i64: 1, 128>}, {pipeline_mode = #tpu.pipeline_mode<synchronous>, transform_indices = @transform_6, window_bounds = array<i64: 1, 128>}, {pipeline_mode = #tpu.pipeline_mode<synchronous>, transform_indices = @transform_7, window_bounds = array<i64: 8, 128>}, {pipeline_mode = #tpu.pipeline_mode<synchronous>, transform_indices = @transform_8, window_bounds = array<i64: 1, 128>}, {pipeline_mode = #tpu.pipeline_mode<synchronous>, transform_indices = @transform_9, window_bounds = array<i64: 128, 128>}, {pipeline_mode = #tpu.pipeline_mode<synchronous>, transform_indices = @transform_10, window_bounds = array<i64: 1, 128>}, {pipeline_mode = #tpu.pipeline_mode<synchronous>, transform_indices = @transform_11, window_bounds = array<i64: 1, 128>}, {transform_indices = @transform_12, window_bounds = array<i64: 2048, 128>}]} {
    %get3A = arith.constant 0 : index
    %get3A_0 = arith.constant 0 : index
    %get3A_1 = vector.load %arg1[%get3A, %get3A_0] : memref<2048x8xf32, #tpu.memory_space<vmem>>, vector<2048x8xf32>
    %get3A_2 = arith.constant 0 : index
    %get3A_3 = arith.constant 0 : index
    %get3A_4 = vector.load %arg3[%get3A_2, %get3A_3] : memref<8x128xf32, #tpu.memory_space<vmem>>, vector<8x128xf32>
    %dot_general3A = arith.constant dense<0.000000e+00> : vector<2048x128xf32>
    %dot_general3A_5 = tpu.matmul %get3A_1, %get3A_4, %dot_general3A {dimension_numbers = #tpu.dot_dimension_numbers<[1], [0], [0], [1], [0, 0, 1, 1], [], []>, transpose_lhs_hint = false} : vector<2048x8xf32>, vector<8x128xf32>, vector<2048x128xf32> -> vector<2048x128xf32>
    %get3A_6 = arith.constant 0 : index
    %get3A_7 = arith.constant 0 : index
    %get3A_8 = vector.load %arg4[%get3A_6, %get3A_7] : memref<1x128xf32, #tpu.memory_space<vmem>>, vector<1x128xf32>
    %add3A = vector.broadcast %get3A_8 : vector<1x128xf32> to vector<2048x128xf32>
    %add3A_9 = arith.addf %dot_general3A_5, %add3A : vector<2048x128xf32>
    %max3A = arith.constant 0.000000e+00 : f32
    %max3A_10 = vector.broadcast %max3A : f32 to vector<2048x128xf32>
    %max3A_11 = arith.maximumf %add3A_9, %max3A_10 : vector<2048x128xf32>
    %get3A_12 = arith.constant 0 : index
    %get3A_13 = arith.constant 0 : index
    %get3A_14 = vector.load %arg5[%get3A_12, %get3A_13] : memref<128x128xf32, #tpu.memory_space<vmem>>, vector<128x128xf32>
    %dot_general3A_15 = arith.constant dense<0.000000e+00> : vector<2048x128xf32>
    %dot_general3A_16 = tpu.matmul %max3A_11, %get3A_14, %dot_general3A_15 {dimension_numbers = #tpu.dot_dimension_numbers<[1], [0], [0], [1], [0, 0, 1, 1], [], []>, transpose_lhs_hint = false} : vector<2048x128xf32>, vector<128x128xf32>, vector<2048x128xf32> -> vector<2048x128xf32>
    %get3A_17 = arith.constant 0 : index
    %get3A_18 = arith.constant 0 : index
    %get3A_19 = vector.load %arg6[%get3A_17, %get3A_18] : memref<1x128xf32, #tpu.memory_space<vmem>>, vector<1x128xf32>
    %get3A_20 = arith.constant 0 : index
    %get3A_21 = arith.constant 0 : index
    %get3A_22 = vector.load %arg7[%get3A_20, %get3A_21] : memref<1x128xf32, #tpu.memory_space<vmem>>, vector<1x128xf32>
    %reduce_sum3A = arith.constant dense<0.000000e+00> : vector<2048xf32>
    %reduce_sum3A_23 = vector.multi_reduction <add>, %dot_general3A_16, %reduce_sum3A [1] : vector<2048x128xf32> to vector<2048xf32>
    %broadcast_in_dim3A = vector.shape_cast %reduce_sum3A_23 : vector<2048xf32> to vector<2048x1xf32>
    %div3A = arith.constant 1.280000e+02 : f32
    %div3A_24 = vector.broadcast %div3A : f32 to vector<2048x1xf32>
    %div3A_25 = arith.divf %broadcast_in_dim3A, %div3A_24 : vector<2048x1xf32>
    %sub3A = vector.broadcast %div3A_25 : vector<2048x1xf32> to vector<2048x128xf32>
    %sub3A_26 = arith.subf %dot_general3A_16, %sub3A : vector<2048x128xf32>
    %mul3A = arith.mulf %sub3A_26, %sub3A_26 : vector<2048x128xf32>
    %reduce_sum3A_27 = arith.constant dense<0.000000e+00> : vector<2048xf32>
    %reduce_sum3A_28 = vector.multi_reduction <add>, %mul3A, %reduce_sum3A_27 [1] : vector<2048x128xf32> to vector<2048xf32>
    %broadcast_in_dim3A_29 = vector.shape_cast %reduce_sum3A_28 : vector<2048xf32> to vector<2048x1xf32>
    %div3A_30 = arith.constant 1.280000e+02 : f32
    %div3A_31 = vector.broadcast %div3A_30 : f32 to vector<2048x1xf32>
    %div3A_32 = arith.divf %broadcast_in_dim3A_29, %div3A_31 : vector<2048x1xf32>
    %add3A_33 = arith.constant 9.99999974E-6 : f32
    %add3A_34 = vector.broadcast %add3A_33 : f32 to vector<2048x1xf32>
    %add3A_35 = arith.addf %div3A_32, %add3A_34 : vector<2048x1xf32>
    %rsqrt3A = math.rsqrt %add3A_35 : vector<2048x1xf32>
    %mul3A_36 = vector.broadcast %rsqrt3A : vector<2048x1xf32> to vector<2048x128xf32>
    %mul3A_37 = arith.mulf %sub3A_26, %mul3A_36 : vector<2048x128xf32>
    %mul3A_38 = vector.broadcast %get3A_19 : vector<1x128xf32> to vector<2048x128xf32>
    %mul3A_39 = arith.mulf %mul3A_37, %mul3A_38 : vector<2048x128xf32>
    %add3A_40 = vector.broadcast %get3A_22 : vector<1x128xf32> to vector<2048x128xf32>
    %add3A_41 = arith.addf %mul3A_39, %add3A_40 : vector<2048x128xf32>
    %get3A_42 = arith.constant 0 : index
    %get3A_43 = arith.constant 0 : index
    %get3A_44 = vector.load %arg2[%get3A_42, %get3A_43] : memref<2048x8xf32, #tpu.memory_space<vmem>>, vector<2048x8xf32>
    %get3A_45 = arith.constant 0 : index
    %get3A_46 = arith.constant 0 : index
    %get3A_47 = vector.load %arg8[%get3A_45, %get3A_46] : memref<8x128xf32, #tpu.memory_space<vmem>>, vector<8x128xf32>
    %dot_general3A_48 = arith.constant dense<0.000000e+00> : vector<2048x128xf32>
    %dot_general3A_49 = tpu.matmul %get3A_44, %get3A_47, %dot_general3A_48 {dimension_numbers = #tpu.dot_dimension_numbers<[1], [0], [0], [1], [0, 0, 1, 1], [], []>, transpose_lhs_hint = false} : vector<2048x8xf32>, vector<8x128xf32>, vector<2048x128xf32> -> vector<2048x128xf32>
    %get3A_50 = arith.constant 0 : index
    %get3A_51 = arith.constant 0 : index
    %get3A_52 = vector.load %arg9[%get3A_50, %get3A_51] : memref<1x128xf32, #tpu.memory_space<vmem>>, vector<1x128xf32>
    %add3A_53 = vector.broadcast %get3A_52 : vector<1x128xf32> to vector<2048x128xf32>
    %add3A_54 = arith.addf %dot_general3A_49, %add3A_53 : vector<2048x128xf32>
    %max3A_55 = arith.constant 0.000000e+00 : f32
    %max3A_56 = vector.broadcast %max3A_55 : f32 to vector<2048x128xf32>
    %max3A_57 = arith.maximumf %add3A_54, %max3A_56 : vector<2048x128xf32>
    %get3A_58 = arith.constant 0 : index
    %get3A_59 = arith.constant 0 : index
    %get3A_60 = vector.load %arg10[%get3A_58, %get3A_59] : memref<128x128xf32, #tpu.memory_space<vmem>>, vector<128x128xf32>
    %dot_general3A_61 = arith.constant dense<0.000000e+00> : vector<2048x128xf32>
    %dot_general3A_62 = tpu.matmul %max3A_57, %get3A_60, %dot_general3A_61 {dimension_numbers = #tpu.dot_dimension_numbers<[1], [0], [0], [1], [0, 0, 1, 1], [], []>, transpose_lhs_hint = false} : vector<2048x128xf32>, vector<128x128xf32>, vector<2048x128xf32> -> vector<2048x128xf32>
    %get3A_63 = arith.constant 0 : index
    %get3A_64 = arith.constant 0 : index
    %get3A_65 = vector.load %arg11[%get3A_63, %get3A_64] : memref<1x128xf32, #tpu.memory_space<vmem>>, vector<1x128xf32>
    %get3A_66 = arith.constant 0 : index
    %get3A_67 = arith.constant 0 : index
    %get3A_68 = vector.load %arg12[%get3A_66, %get3A_67] : memref<1x128xf32, #tpu.memory_space<vmem>>, vector<1x128xf32>
    %reduce_sum3A_69 = arith.constant dense<0.000000e+00> : vector<2048xf32>
    %reduce_sum3A_70 = vector.multi_reduction <add>, %dot_general3A_62, %reduce_sum3A_69 [1] : vector<2048x128xf32> to vector<2048xf32>
    %broadcast_in_dim3A_71 = vector.shape_cast %reduce_sum3A_70 : vector<2048xf32> to vector<2048x1xf32>
    %div3A_72 = arith.constant 1.280000e+02 : f32
    %div3A_73 = vector.broadcast %div3A_72 : f32 to vector<2048x1xf32>
    %div3A_74 = arith.divf %broadcast_in_dim3A_71, %div3A_73 : vector<2048x1xf32>
    %sub3A_75 = vector.broadcast %div3A_74 : vector<2048x1xf32> to vector<2048x128xf32>
    %sub3A_76 = arith.subf %dot_general3A_62, %sub3A_75 : vector<2048x128xf32>
    %mul3A_77 = arith.mulf %sub3A_76, %sub3A_76 : vector<2048x128xf32>
    %reduce_sum3A_78 = arith.constant dense<0.000000e+00> : vector<2048xf32>
    %reduce_sum3A_79 = vector.multi_reduction <add>, %mul3A_77, %reduce_sum3A_78 [1] : vector<2048x128xf32> to vector<2048xf32>
    %broadcast_in_dim3A_80 = vector.shape_cast %reduce_sum3A_79 : vector<2048xf32> to vector<2048x1xf32>
    %div3A_81 = arith.constant 1.280000e+02 : f32
    %div3A_82 = vector.broadcast %div3A_81 : f32 to vector<2048x1xf32>
    %div3A_83 = arith.divf %broadcast_in_dim3A_80, %div3A_82 : vector<2048x1xf32>
    %add3A_84 = arith.constant 9.99999974E-6 : f32
    %add3A_85 = vector.broadcast %add3A_84 : f32 to vector<2048x1xf32>
    %add3A_86 = arith.addf %div3A_83, %add3A_85 : vector<2048x1xf32>
    %rsqrt3A_87 = math.rsqrt %add3A_86 : vector<2048x1xf32>
    %mul3A_88 = vector.broadcast %rsqrt3A_87 : vector<2048x1xf32> to vector<2048x128xf32>
    %mul3A_89 = arith.mulf %sub3A_76, %mul3A_88 : vector<2048x128xf32>
    %mul3A_90 = vector.broadcast %get3A_65 : vector<1x128xf32> to vector<2048x128xf32>
    %mul3A_91 = arith.mulf %mul3A_89, %mul3A_90 : vector<2048x128xf32>
    %add3A_92 = vector.broadcast %get3A_68 : vector<1x128xf32> to vector<2048x128xf32>
    %add3A_93 = arith.addf %mul3A_91, %add3A_92 : vector<2048x128xf32>
    %add3A_94 = arith.addf %add3A_41, %add3A_93 : vector<2048x128xf32>
    %max3A_95 = arith.constant 0.000000e+00 : f32
    %max3A_96 = vector.broadcast %max3A_95 : f32 to vector<2048x128xf32>
    %max3A_97 = arith.maximumf %add3A_94, %max3A_96 : vector<2048x128xf32>
    %swap3A = arith.constant 0 : index
    %swap3A_98 = arith.constant 0 : index
    %swap3A_99 = vector.load %arg13[%swap3A, %swap3A_98] : memref<2048x128xf32, #tpu.memory_space<vmem>>, vector<2048x128xf32>
    tpu.vector_store %arg13[%swap3A, %swap3A_98], %max3A_97 {strides = array<i32>} : memref<2048x128xf32, #tpu.memory_space<vmem>>, vector<2048x128xf32>,
    return
  }
  func.func @transform_0(%arg0: i32) -> (i32, i32) {
    %c0_i32 = arith.constant 0 : i32
    %c0_i32_0 = arith.constant 0 : i32
    return %arg0, %c0_i32 : i32, i32
  }
  func.func @transform_1(%arg0: i32) -> (i32, i32) {
    %c0_i32 = arith.constant 0 : i32
    %c0_i32_0 = arith.constant 0 : i32
    return %arg0, %c0_i32 : i32, i32
  }
  func.func @transform_2(%arg0: i32) -> (i32, i32) {
    %c0_i32 = arith.constant 0 : i32
    %c0_i32_0 = arith.constant 0 : i32
    %c0_i32_1 = arith.constant 0 : i32
    return %c0_i32, %c0_i32_0 : i32, i32
  }
  func.func @transform_3(%arg0: i32) -> (i32, i32) {
    %c0_i32 = arith.constant 0 : i32
    %c0_i32_0 = arith.constant 0 : i32
    %c0_i32_1 = arith.constant 0 : i32
    return %c0_i32, %c0_i32_0 : i32, i32
  }
  func.func @transform_4(%arg0: i32) -> (i32, i32) {
    %c0_i32 = arith.constant 0 : i32
    %c0_i32_0 = arith.constant 0 : i32
    %c0_i32_1 = arith.constant 0 : i32
    return %c0_i32, %c0_i32_0 : i32, i32
  }
  func.func @transform_5(%arg0: i32) -> (i32, i32) {
    %c0_i32 = arith.constant 0 : i32
    %c0_i32_0 = arith.constant 0 : i32
    %c0_i32_1 = arith.constant 0 : i32
    return %c0_i32, %c0_i32_0 : i32, i32
  }
  func.func @transform_6(%arg0: i32) -> (i32, i32) {
    %c0_i32 = arith.constant 0 : i32
    %c0_i32_0 = arith.constant 0 : i32
    %c0_i32_1 = arith.constant 0 : i32
    return %c0_i32, %c0_i32_0 : i32, i32
  }
  func.func @transform_7(%arg0: i32) -> (i32, i32) {
    %c0_i32 = arith.constant 0 : i32
    %c0_i32_0 = arith.constant 0 : i32
    %c0_i32_1 = arith.constant 0 : i32
    return %c0_i32, %c0_i32_0 : i32, i32
  }
  func.func @transform_8(%arg0: i32) -> (i32, i32) {
    %c0_i32 = arith.constant 0 : i32
    %c0_i32_0 = arith.constant 0 : i32
    %c0_i32_1 = arith.constant 0 : i32
    return %c0_i32, %c0_i32_0 : i32, i32
  }
  func.func @transform_9(%arg0: i32) -> (i32, i32) {
    %c0_i32 = arith.constant 0 : i32
    %c0_i32_0 = arith.constant 0 : i32
    %c0_i32_1 = arith.constant 0 : i32
    return %c0_i32, %c0_i32_0 : i32, i32
  }
  func.func @transform_10(%arg0: i32) -> (i32, i32) {
    %c0_i32 = arith.constant 0 : i32
    %c0_i32_0 = arith.constant 0 : i32
    %c0_i32_1 = arith.constant 0 : i32
    return %c0_i32, %c0_i32_0 : i32, i32
  }
  func.func @transform_11(%arg0: i32) -> (i32, i32) {
    %c0_i32 = arith.constant 0 : i32
    %c0_i32_0 = arith.constant 0 : i32
    %c0_i32_1 = arith.constant 0 : i32
    return %c0_i32, %c0_i32_0 : i32, i32
  }
  func.func @transform_12(%arg0: i32) -> (i32, i32) {
    %c0_i32 = arith.constant 0 : i32
    %c0_i32_0 = arith.constant 0 : i32
    return %arg0, %c0_i32 : i32, i32
  }
}

module attributes {stable_mosaic.version = 14 : i64} {
  func.func @_y_body(%arg0: i32, %arg1: i32, %arg2: memref<2048x128xf32, #tpu.memory_space<vmem>>, %arg3: memref<1x128x128xf32, #tpu.memory_space<vmem>>, %arg4: memref<1x2048x128xf32, #tpu.memory_space<vmem>>) attributes {dimension_semantics = [#tpu.dimension_semantics<arbitrary>, #tpu.dimension_semantics<arbitrary>], iteration_bounds = array<i64: 50, 15>, scalar_prefetch = 0 : i64, scratch_operands = 0 : i64, tpu.core_type = #tpu.core_type<tc>, window_params = [{transform_indices = @transform_0, window_bounds = array<i64: 2048, 128>}, {transform_indices = @transform_1, window_bounds = array<i64: 1, 128, 128>}, {transform_indices = @transform_2, window_bounds = array<i64: 1, 2048, 128>}]} {
    %get3A = arith.constant 0 : index
    %get3A_0 = arith.constant 0 : index
    %get3A_1 = vector.load %arg2[%get3A, %get3A_0] : memref<2048x128xf32, #tpu.memory_space<vmem>>, vector<2048x128xf32>
    %get3A_2 = arith.constant 0 : index
    %get3A_3 = arith.constant 0 : index
    %get3A_4 = arith.constant 0 : index
    %get3A_5 = vector.load %arg3[%get3A_2, %get3A_3, %get3A_4] : memref<1x128x128xf32, #tpu.memory_space<vmem>>, vector<1x128x128xf32>
    %get3A_6 = vector.shape_cast %get3A_5 : vector<1x128x128xf32> to vector<128x128xf32>
    %dot_general3A = arith.constant dense<0.000000e+00> : vector<2048x128xf32>
    %dot_general3A_7 = tpu.matmul %get3A_1, %get3A_6, %dot_general3A {dimension_numbers = #tpu.dot_dimension_numbers<[1], [0], [0], [1], [0, 0, 1, 1], [], []>, transpose_lhs_hint = false} : vector<2048x128xf32>, vector<128x128xf32>, vector<2048x128xf32> -> vector<2048x128xf32>
    %broadcast_in_dim3A = vector.shape_cast %dot_general3A_7 : vector<2048x128xf32> to vector<1x2048x128xf32>
    %swap3A = arith.constant 0 : index
    %swap3A_8 = arith.constant 0 : index
    %swap3A_9 = arith.constant 0 : index
    %swap3A_10 = vector.load %arg4[%swap3A, %swap3A_8, %swap3A_9] : memref<1x2048x128xf32, #tpu.memory_space<vmem>>, vector<1x2048x128xf32>
    tpu.vector_store %arg4[%swap3A, %swap3A_8, %swap3A_9], %broadcast_in_dim3A {strides = array<i32>} : memref<1x2048x128xf32, #tpu.memory_space<vmem>>, vector<1x2048x128xf32>,
    return
  }
  func.func @transform_0(%arg0: i32, %arg1: i32) -> (i32, i32) {
    %c0_i32 = arith.constant 0 : i32
    %c0_i32_0 = arith.constant 0 : i32
    return %arg0, %c0_i32 : i32, i32
  }
  func.func @transform_1(%arg0: i32, %arg1: i32) -> (i32, i32, i32) {
    %c0_i32 = arith.constant 0 : i32
    %c0_i32_0 = arith.constant 0 : i32
    %c0_i32_1 = arith.constant 0 : i32
    return %arg1, %c0_i32, %c0_i32_0 : i32, i32, i32
  }
  func.func @transform_2(%arg0: i32, %arg1: i32) -> (i32, i32, i32) {
    %c0_i32 = arith.constant 0 : i32
    %c0_i32_0 = arith.constant 0 : i32
    return %arg1, %arg0, %c0_i32 : i32, i32, i32
  }
}

module attributes {stable_mosaic.version = 14 : i64} {
  func.func @_post_body(%arg0: i32, %arg1: memref<2048x128xf32, #tpu.memory_space<vmem>>, %arg2: memref<2048x128xf32, #tpu.memory_space<vmem>>, %arg3: memref<128x128xf32, #tpu.memory_space<vmem>>, %arg4: memref<1x128xf32, #tpu.memory_space<vmem>>, %arg5: memref<1x128xf32, #tpu.memory_space<vmem>>, %arg6: memref<1x128xf32, #tpu.memory_space<vmem>>, %arg7: memref<1x128xf32, #tpu.memory_space<vmem>>, %arg8: memref<2048x128xf32, #tpu.memory_space<vmem>>) attributes {dimension_semantics = [#tpu.dimension_semantics<arbitrary>], iteration_bounds = array<i64: 50>, scalar_prefetch = 0 : i64, scratch_operands = 0 : i64, tpu.core_type = #tpu.core_type<tc>, window_params = [{transform_indices = @transform_0, window_bounds = array<i64: 2048, 128>}, {transform_indices = @transform_1, window_bounds = array<i64: 2048, 128>}, {pipeline_mode = #tpu.pipeline_mode<synchronous>, transform_indices = @transform_2, window_bounds = array<i64: 128, 128>}, {pipeline_mode = #tpu.pipeline_mode<synchronous>, transform_indices = @transform_3, window_bounds = array<i64: 1, 128>}, {pipeline_mode = #tpu.pipeline_mode<synchronous>, transform_indices = @transform_4, window_bounds = array<i64: 1, 128>}, {pipeline_mode = #tpu.pipeline_mode<synchronous>, transform_indices = @transform_5, window_bounds = array<i64: 1, 128>}, {pipeline_mode = #tpu.pipeline_mode<synchronous>, transform_indices = @transform_6, window_bounds = array<i64: 1, 128>}, {transform_indices = @transform_7, window_bounds = array<i64: 2048, 128>}]} {
    %get3A = arith.constant 0 : index
    %get3A_0 = arith.constant 0 : index
    %get3A_1 = vector.load %arg1[%get3A, %get3A_0] : memref<2048x128xf32, #tpu.memory_space<vmem>>, vector<2048x128xf32>
    %get3A_2 = arith.constant 0 : index
    %get3A_3 = arith.constant 0 : index
    %get3A_4 = vector.load %arg4[%get3A_2, %get3A_3] : memref<1x128xf32, #tpu.memory_space<vmem>>, vector<1x128xf32>
    %get3A_5 = arith.constant 0 : index
    %get3A_6 = arith.constant 0 : index
    %get3A_7 = vector.load %arg5[%get3A_5, %get3A_6] : memref<1x128xf32, #tpu.memory_space<vmem>>, vector<1x128xf32>
    %reduce_sum3A = arith.constant dense<0.000000e+00> : vector<2048xf32>
    %reduce_sum3A_8 = vector.multi_reduction <add>, %get3A_1, %reduce_sum3A [1] : vector<2048x128xf32> to vector<2048xf32>
    %broadcast_in_dim3A = vector.shape_cast %reduce_sum3A_8 : vector<2048xf32> to vector<2048x1xf32>
    %div3A = arith.constant 1.280000e+02 : f32
    %div3A_9 = vector.broadcast %div3A : f32 to vector<2048x1xf32>
    %div3A_10 = arith.divf %broadcast_in_dim3A, %div3A_9 : vector<2048x1xf32>
    %sub3A = vector.broadcast %div3A_10 : vector<2048x1xf32> to vector<2048x128xf32>
    %sub3A_11 = arith.subf %get3A_1, %sub3A : vector<2048x128xf32>
    %mul3A = arith.mulf %sub3A_11, %sub3A_11 : vector<2048x128xf32>
    %reduce_sum3A_12 = arith.constant dense<0.000000e+00> : vector<2048xf32>
    %reduce_sum3A_13 = vector.multi_reduction <add>, %mul3A, %reduce_sum3A_12 [1] : vector<2048x128xf32> to vector<2048xf32>
    %broadcast_in_dim3A_14 = vector.shape_cast %reduce_sum3A_13 : vector<2048xf32> to vector<2048x1xf32>
    %div3A_15 = arith.constant 1.280000e+02 : f32
    %div3A_16 = vector.broadcast %div3A_15 : f32 to vector<2048x1xf32>
    %div3A_17 = arith.divf %broadcast_in_dim3A_14, %div3A_16 : vector<2048x1xf32>
    %add3A = arith.constant 9.99999974E-6 : f32
    %add3A_18 = vector.broadcast %add3A : f32 to vector<2048x1xf32>
    %add3A_19 = arith.addf %div3A_17, %add3A_18 : vector<2048x1xf32>
    %rsqrt3A = math.rsqrt %add3A_19 : vector<2048x1xf32>
    %mul3A_20 = vector.broadcast %rsqrt3A : vector<2048x1xf32> to vector<2048x128xf32>
    %mul3A_21 = arith.mulf %sub3A_11, %mul3A_20 : vector<2048x128xf32>
    %mul3A_22 = vector.broadcast %get3A_4 : vector<1x128xf32> to vector<2048x128xf32>
    %mul3A_23 = arith.mulf %mul3A_21, %mul3A_22 : vector<2048x128xf32>
    %add3A_24 = vector.broadcast %get3A_7 : vector<1x128xf32> to vector<2048x128xf32>
    %add3A_25 = arith.addf %mul3A_23, %add3A_24 : vector<2048x128xf32>
    %max3A = arith.constant 0.000000e+00 : f32
    %max3A_26 = vector.broadcast %max3A : f32 to vector<2048x128xf32>
    %max3A_27 = arith.maximumf %add3A_25, %max3A_26 : vector<2048x128xf32>
    %get3A_28 = arith.constant 0 : index
    %get3A_29 = arith.constant 0 : index
    %get3A_30 = vector.load %arg3[%get3A_28, %get3A_29] : memref<128x128xf32, #tpu.memory_space<vmem>>, vector<128x128xf32>
    %dot_general3A = arith.constant dense<0.000000e+00> : vector<2048x128xf32>
    %dot_general3A_31 = tpu.matmul %max3A_27, %get3A_30, %dot_general3A {dimension_numbers = #tpu.dot_dimension_numbers<[1], [0], [0], [1], [0, 0, 1, 1], [], []>, transpose_lhs_hint = false} : vector<2048x128xf32>, vector<128x128xf32>, vector<2048x128xf32> -> vector<2048x128xf32>
    %get3A_32 = arith.constant 0 : index
    %get3A_33 = arith.constant 0 : index
    %get3A_34 = vector.load %arg6[%get3A_32, %get3A_33] : memref<1x128xf32, #tpu.memory_space<vmem>>, vector<1x128xf32>
    %get3A_35 = arith.constant 0 : index
    %get3A_36 = arith.constant 0 : index
    %get3A_37 = vector.load %arg7[%get3A_35, %get3A_36] : memref<1x128xf32, #tpu.memory_space<vmem>>, vector<1x128xf32>
    %reduce_sum3A_38 = arith.constant dense<0.000000e+00> : vector<2048xf32>
    %reduce_sum3A_39 = vector.multi_reduction <add>, %dot_general3A_31, %reduce_sum3A_38 [1] : vector<2048x128xf32> to vector<2048xf32>
    %broadcast_in_dim3A_40 = vector.shape_cast %reduce_sum3A_39 : vector<2048xf32> to vector<2048x1xf32>
    %div3A_41 = arith.constant 1.280000e+02 : f32
    %div3A_42 = vector.broadcast %div3A_41 : f32 to vector<2048x1xf32>
    %div3A_43 = arith.divf %broadcast_in_dim3A_40, %div3A_42 : vector<2048x1xf32>
    %sub3A_44 = vector.broadcast %div3A_43 : vector<2048x1xf32> to vector<2048x128xf32>
    %sub3A_45 = arith.subf %dot_general3A_31, %sub3A_44 : vector<2048x128xf32>
    %mul3A_46 = arith.mulf %sub3A_45, %sub3A_45 : vector<2048x128xf32>
    %reduce_sum3A_47 = arith.constant dense<0.000000e+00> : vector<2048xf32>
    %reduce_sum3A_48 = vector.multi_reduction <add>, %mul3A_46, %reduce_sum3A_47 [1] : vector<2048x128xf32> to vector<2048xf32>
    %broadcast_in_dim3A_49 = vector.shape_cast %reduce_sum3A_48 : vector<2048xf32> to vector<2048x1xf32>
    %div3A_50 = arith.constant 1.280000e+02 : f32
    %div3A_51 = vector.broadcast %div3A_50 : f32 to vector<2048x1xf32>
    %div3A_52 = arith.divf %broadcast_in_dim3A_49, %div3A_51 : vector<2048x1xf32>
    %add3A_53 = arith.constant 9.99999974E-6 : f32
    %add3A_54 = vector.broadcast %add3A_53 : f32 to vector<2048x1xf32>
    %add3A_55 = arith.addf %div3A_52, %add3A_54 : vector<2048x1xf32>
    %rsqrt3A_56 = math.rsqrt %add3A_55 : vector<2048x1xf32>
    %mul3A_57 = vector.broadcast %rsqrt3A_56 : vector<2048x1xf32> to vector<2048x128xf32>
    %mul3A_58 = arith.mulf %sub3A_45, %mul3A_57 : vector<2048x128xf32>
    %mul3A_59 = vector.broadcast %get3A_34 : vector<1x128xf32> to vector<2048x128xf32>
    %mul3A_60 = arith.mulf %mul3A_58, %mul3A_59 : vector<2048x128xf32>
    %add3A_61 = vector.broadcast %get3A_37 : vector<1x128xf32> to vector<2048x128xf32>
    %add3A_62 = arith.addf %mul3A_60, %add3A_61 : vector<2048x128xf32>
    %get3A_63 = arith.constant 0 : index
    %get3A_64 = arith.constant 0 : index
    %get3A_65 = vector.load %arg2[%get3A_63, %get3A_64] : memref<2048x128xf32, #tpu.memory_space<vmem>>, vector<2048x128xf32>
    %add3A_66 = arith.addf %add3A_62, %get3A_65 : vector<2048x128xf32>
    %max3A_67 = arith.constant 0.000000e+00 : f32
    %max3A_68 = vector.broadcast %max3A_67 : f32 to vector<2048x128xf32>
    %max3A_69 = arith.maximumf %add3A_66, %max3A_68 : vector<2048x128xf32>
    %swap3A = arith.constant 0 : index
    %swap3A_70 = arith.constant 0 : index
    %swap3A_71 = vector.load %arg8[%swap3A, %swap3A_70] : memref<2048x128xf32, #tpu.memory_space<vmem>>, vector<2048x128xf32>
    tpu.vector_store %arg8[%swap3A, %swap3A_70], %max3A_69 {strides = array<i32>} : memref<2048x128xf32, #tpu.memory_space<vmem>>, vector<2048x128xf32>,
    return
  }
  func.func @transform_0(%arg0: i32) -> (i32, i32) {
    %c0_i32 = arith.constant 0 : i32
    %c0_i32_0 = arith.constant 0 : i32
    return %arg0, %c0_i32 : i32, i32
  }
  func.func @transform_1(%arg0: i32) -> (i32, i32) {
    %c0_i32 = arith.constant 0 : i32
    %c0_i32_0 = arith.constant 0 : i32
    return %arg0, %c0_i32 : i32, i32
  }
  func.func @transform_2(%arg0: i32) -> (i32, i32) {
    %c0_i32 = arith.constant 0 : i32
    %c0_i32_0 = arith.constant 0 : i32
    %c0_i32_1 = arith.constant 0 : i32
    return %c0_i32, %c0_i32_0 : i32, i32
  }
  func.func @transform_3(%arg0: i32) -> (i32, i32) {
    %c0_i32 = arith.constant 0 : i32
    %c0_i32_0 = arith.constant 0 : i32
    %c0_i32_1 = arith.constant 0 : i32
    return %c0_i32, %c0_i32_0 : i32, i32
  }
  func.func @transform_4(%arg0: i32) -> (i32, i32) {
    %c0_i32 = arith.constant 0 : i32
    %c0_i32_0 = arith.constant 0 : i32
    %c0_i32_1 = arith.constant 0 : i32
    return %c0_i32, %c0_i32_0 : i32, i32
  }
  func.func @transform_5(%arg0: i32) -> (i32, i32) {
    %c0_i32 = arith.constant 0 : i32
    %c0_i32_0 = arith.constant 0 : i32
    %c0_i32_1 = arith.constant 0 : i32
    return %c0_i32, %c0_i32_0 : i32, i32
  }
  func.func @transform_6(%arg0: i32) -> (i32, i32) {
    %c0_i32 = arith.constant 0 : i32
    %c0_i32_0 = arith.constant 0 : i32
    %c0_i32_1 = arith.constant 0 : i32
    return %c0_i32, %c0_i32_0 : i32, i32
  }
  func.func @transform_7(%arg0: i32) -> (i32, i32) {
    %c0_i32 = arith.constant 0 : i32
    %c0_i32_0 = arith.constant 0 : i32
    return %arg0, %c0_i32 : i32, i32
  }
}

</mosaic_0001>

<sc_bundles>
// kernel: gather_offload_async_start.1
scs
__scs_entry_jumppad:
0x0: {  	(pc) =	sbr.rel $0x88, $3  }
0x1: {  	(tag) =	ssettag $0x0;
	lr =	simm.s32 $0x1  }
0x2: {  	[smem:$0x3F6F] =	sst lr;
	_ =	strace $0xD0000000  }
0x3: {  	_ = 	snop  }
0x4: {  	_ = 	snop  }
0x5: {  	_ = 	snop  }
0x6: {  	_ = 	snop  }
0x7: {  	_ = 	snop  }
__scs_overlays_trampoline_lowered:
0x8: {  	[smem:$0x3F7E] =	sst s0  }
0x9: {  	[smem:$0x3F7F] =	sst s1  }
0xa: {  	[smem:$0x3F80] =	sst s2  }
0xb: {  	[smem:$0x3F81] =	sst s3  }
0xc: {  	[smem:$0x3F82] =	sst s4  }
0xd: {  	[smem:$0x3F83] =	sst s5  }
0xe: {  	[smem:$0x3F84] =	sst s6  }
0xf: {  	[smem:$0x3F85] =	sst s7  }
0x10: {  	[smem:$0x3F86] =	sst s8  }
0x11: {  	[smem:$0x3F87] =	sst s9;
	s0 =	simm.s32 @!p0 $0x0  }
0x12: {  	s1 =	sld [smem:$0x3F6D];
	s0 =	simm.s32 @p0 $0x1  }
0x13: {  	[smem:$0x3F88] =	sst s0;
	s0 =	simm.s32 @!p1 $0x0  }
0x14: {  	s2 =	sld [smem:$0x3F6C];
	s0 =	simm.s32 @p1 $0x1  }
0x15: {  	[smem:$0x3F89] =	sst s0;
	s0 =	simm.s32 @!p2 $0x0  }
0x16: {  	s3 =	sld [smem:$0x3FDB];
	s0 =	simm.s32 @p2 $0x1  }
0x17: {  	s4 =	simm.s32 $0x1BF5;
	[smem:$0x3F8B] =	sst s0  }
0x18: {  	s0 =	sld [smem:$0x3F6E];
	_ =	swait.ge [sflag:s4], $0x0  }
0x19: {  	s7 =	sld [smem:$0x3F6F]  }
0x1a: {  	s8 =	sadd.s32 $0xFFFFE003, lr  }
0x1b: {  	s9 =	sadd.s32 $0xFFFFFEF7, lr;
	s5 =	simm.s32 $0xFFFFFFFF;
	p2 =	slt.u32 s8, $0xFFFFF086  }
0x1c: {  	p1 =	slt.u32 s9, $0xF7A;
	s5 =	simm.s32 @!p2 $0x0  }
0x1d: {  	s5 =	simm.s32 @p1 $0x1;
	p0 =	seq.s32 s7, s2  }
0x1e: {  	s7 =	smul.u32 @!p0 $0xF7A, s2;
	p2 =	seq.s32 @!p0 s5, $0x0  }
0x1f: {  	s9 =	smul.u32 $0xF7A, s1;
	s8 =	simm.s32 @!p0 $0x1BF5;
	p2 =	por !p2, p0  }
0x20: {  	[sflag:s8] =	ssyncset.s32 @!p0 $0xFFFFF086;
	s6 =	sadd.s32 @!p0 s3, s7;
	s7 =	simm.s32 @!p0 $0x108  }
0x21: {  	s3 =	sadd.s32 s3, s9;
	s6 =	sadd.s32 @!p0 $0x88, s6;
	s7 =	simm.s32 @p2 $0x1082  }
0x22: {  	[simem:s7], [sflag:s8] =	dma.local @!p0 [hbm:s6], $0xF7A  }
0x23: {  	s9 =	sor.u32 $0xD0000000, s2;
	s6 =	simm.s32 $0x108;
	_ =	swait.ge @!p0 [sflag:s8], $0x0  }
0x24: {  	s3 =	sadd.s32 $0x88, s3;
	s6 =	simm.s32 @!p1 $0x1082;
	[sflag:s4] =	ssyncset.s32 $0xFFFFF086  }
0x25: {  	[simem:s6], [sflag:s4] =	dma.local [hbm:s3], $0xF7A  }
0x26: {  	[smem:$0x3F6F] =	sst s1;
	(tag) =	ssettag s2;
	_ =	strace s9  }
0x27: {  	s1 =	sld [smem:$0x3F7F]  }
0x28: {  	s2 =	sld [smem:$0x3F80]  }
0x29: {  	s4 =	sld [smem:$0x3F82]  }
0x2a: {  	p0 =	seq.s32 s5, $0x0;
	s5 =	sld [smem:$0x3F83]  }
0x2b: {  	s6 =	sld [smem:$0x3F84]  }
0x2c: {  	s7 =	sld [smem:$0x3F85]  }
0x2d: {  	s3 =	simm.s32 $0x108;
	s8 =	sld [smem:$0x3F86]  }
0x2e: {  	s3 =	simm.s32 @!p0 $0x1082;
	s9 =	sld [smem:$0x3F87]  }
0x2f: {  	lr =	sadd.s32 s0, s3;
	s0 =	sld [smem:$0x3F7E]  }
0x30: {  	s3 =	sld [smem:$0x3F81]  }
0x31: {  	[smem:$0x3F8A] =	sst s10  }
0x32: {  	s10 =	sld [smem:$0x3F88];
	_ =	sdelay $0x3  }
0x33: {  	p0 =	seq.s32 s10, $0x1;
	s10 =	sld [smem:$0x3F8A];
	_ =	sdelay $0x3  }
0x34: {  	[smem:$0x3F8A] =	sst s10  }
0x35: {  	s10 =	sld [smem:$0x3F89];
	_ =	sdelay $0x3  }
0x36: {  	p1 =	seq.s32 s10, $0x1;
	s10 =	sld [smem:$0x3F8A];
	_ =	sdelay $0x3  }
0x37: {  	[smem:$0x3F8A] =	sst s10  }
0x38: {  	s10 =	sld [smem:$0x3F8B]  }
0x39: {  	_ = 	snop;
	(pc) =	sbr.ind lr, $3  }
0x3a: {  	_ = 	snop  }
0x3b: {  	_ = 	snop  }
0x3c: {  	p2 =	seq.s32 s10, $0x1;
	s10 =	sld [smem:$0x3F8A]  }
0x3d: {  	_ =	shalt  }
0x3e: {  	_ =	shalt  }
0x3f: {  	_ =	shalt  }
0x40: {  	_ =	shalt  }
0x41: {  	_ =	shalt  }
0x42: {  	_ =	shalt  }
0x43: {  	_ =	shalt  }
0x44: {  	_ =	shalt  }
0x45: {  	_ =	shalt  }
0x46: {  	_ =	shalt  }
0x47: {  	_ =	shalt  }
0x48: {  	_ =	shalt  }
0x49: {  	_ =	shalt  }
0x4a: {  	_ =	shalt  }
0x4b: {  	_ =	shalt  }
0x4c: {  	_ =	shalt  }
0x4d: {  	_ =	shalt  }
0x4e: {  	_ =	shalt  }
0x4f: {  	_ =	shalt  }
0x50: {  	_ =	shalt  }
0x51: {  	_ =	shalt  }
0x52: {  	_ =	shalt  }
0x53: {  	_ =	shalt  }
0x54: {  	_ =	shalt  }
0x55: {  	_ =	shalt  }
0x56: {  	_ =	shalt  }
0x57: {  	_ =	shalt  }
0x58: {  	_ =	shalt  }
0x59: {  	_ =	shalt  }
0x5a: {  	_ =	shalt  }
0x5b: {  	_ =	shalt  }
0x5c: {  	_ =	shalt  }
0x5d: {  	_ =	shalt  }
0x5e: {  	_ =	shalt  }
0x5f: {  	_ =	shalt  }
0x60: {  	_ =	shalt  }
0x61: {  	_ =	shalt  }
0x62: {  	_ =	shalt  }
0x63: {  	_ =	shalt  }
0x64: {  	_ =	shalt  }
0x65: {  	_ =	shalt  }
0x66: {  	_ =	shalt  }
0x67: {  	_ =	shalt  }
0x68: {  	_ =	shalt  }
0x69: {  	_ =	shalt  }
0x6a: {  	_ =	shalt  }
0x6b: {  	_ =	shalt  }
0x6c: {  	_ =	shalt  }
0x6d: {  	_ =	shalt  }
0x6e: {  	_ =	shalt  }
0x6f: {  	_ =	shalt  }
0x70: {  	_ =	shalt  }
0x71: {  	_ =	shalt  }
0x72: {  	_ =	shalt  }
0x73: {  	_ =	shalt  }
0x74: {  	_ =	shalt  }
0x75: {  	_ =	shalt  }
0x76: {  	_ =	shalt  }
0x77: {  	_ =	shalt  }
0x78: {  	_ =	shalt  }
0x79: {  	_ =	shalt  }
0x7a: {  	_ =	shalt  }
0x7b: {  	_ =	shalt  }
0x7c: {  	_ =	shalt  }
0x7d: {  	_ =	shalt  }
0x7e: {  	_ =	shalt  }
0x7f: {  	_ =	shalt  }
0x80: {  	_ =	shalt  }
0x81: {  	_ =	shalt  }
0x82: {  	_ =	shalt  }
0x83: {  	_ =	shalt  }
0x84: {  	_ =	shalt  }
0x85: {  	_ =	shalt  }
0x86: {  	_ =	shalt  }
0x87: {  	_ =	shalt  }
.Lfunc_end0:
.L_simem_size_0:
called_computation.1_lowered:
.L_overlay_start_0:
0x88: {  	s2 =	sld [smem:$0x3FD9]  }
0x89: {  	s3 =	sld [smem:$0x3FFE];
	_ =	sdelay $0x1  }
0x8a: {  	s1 =	srdreg.scid  }
0x8b: {  	s0 =	sand.u32 $0x1, s1  }
0x8c: {  	s17 =	sshll.u32 s0, $0xA;
	s2 =	sadd.s32 s3, s2  }
0x8d: {  	s2 =	sadd.s32 s2, s17  }
0x8e: {  	[smem:$0x3F96] =	sst s2  }
0x8f: {  	_ = 	snop  }
0x90: {  	s2 =	sld [smem:$0x3FD0];
	(tm) =	ssettm $0x1  }
0x91: {  	s18 =	sld [smem:$0x3FFB];
	_ =	sdelay $0x3  }
0x92: {  	_ =	strace s18  }
0x93: {  	s3 =	sld [smem:$0x3FFC];
	_ =	sdelay $0x3  }
0x94: {  	_ =	strace s3  }
0x95: {  	s3 =	sld [smem:$0x3FFD];
	_ =	sdelay $0x3  }
0x96: {  	_ =	strace s3  }
0x97: {  	_ =	strace $0x8FFFFFFF  }
0x98: {  	s19 =	sld [smem:$0x3FDB];
	_ =	sdelay $0x1  }
0x99: {  	s4 =	simm.s32 $_scs_section_size  }
0x9a: {  	s5 =	simm.s32 $_size__tile_overlayer_lowered;
	s6 =	simm.s32 $_tile_overlayer_lowered  }
0x9b: {  	s22 =	simm.s32 $0x1BFF;
	s21 =	sshll.u32 s6, $0x1;
	s3 =	sadd.s32 s4, s19  }
0x9c: {  	s7 =	simm.s32 $0x0;
	s20 =	sshll.u32 s5, $0x1;
	s5 =	sadd.s32 s21, s3  }
0x9d: {  	[timem:s7], [sflag:s22] =	dma.local [hbm:s5], s20  }
0x9e: {  	_ =	swait.ge [sflag:s22], s20  }
0x9f: {  	s4 =	ssub.s32 $0x0, s20;
	[sflag:s22] =	ssyncset.done $0x0  }
0xa0: {  	[sflag:s22] =	ssyncadd.s32 s4;
	_ =	sdelay $0x1  }
0xa1: {  	s23 =	simm.s32 $0x1B8B  }
0xa2: {  	_ =	swait.ge [sflag:s23], $0x1  }
0xa3: {  	[sflag:s23] =	ssyncset.done $0x0  }
0xa4: {  	s25 =	simm.s32 $0x1B8E;
	s24 =	sld [smem:$0x3FFE];
	[sflag:s23] =	ssyncadd.s32 $0xFFFFFFFF  }
0xa5: {  	s26 =	simm.s32 $execute0_lowered;
	[smem:$0x3FD2] =	sst s25  }
0xa6: {  	s5 =	sshll.u32 s26, $0x1;
	_ =	strace $0x80000046;
	[dreg:$0x1] =	wrdreg $0xFFFFFFFF  }
0xa7: {  	s28 =	simm.s32 $_size_execute0_lowered;
	s3 =	sadd.s32 s3, s5;
	[dreg:$0x0] =	wrdreg $0x0  }
0xa8: {  	s5 =	sshll.u32 s28, $0x1;
	[dreg:$0x2] =	wrdreg s3  }
0xa9: {  	[dreg:$0x3] =	wrdreg s5  }
0xaa: {  	[dreg:$0x4] =	wrdreg $0xC0  }
0xab: {  	_ =	task [dreg:s7], $0x5FFFF  }
0xac: {  	[dreg:$0x1] =	wrdreg $0xFFFFFFFF  }
0xad: {  	[dreg:$0x0] =	wrdreg $0x60  }
0xae: {  	[dreg:$0x2] =	wrdreg s24  }
0xaf: {  	[dreg:$0x3] =	wrdreg s2  }
0xb0: {  	[dreg:$0x4] =	wrdreg $0xA  }
0xb1: {  	_ =	task.clear_ibuf [dreg:s7], $0x5FFFF;
	_ =	strace $0x90000046  }
0xb2: {  	s29 =	simm.s32 $0xA;
	_ =	strace $0x80000048  }
0xb3: {  	_ =	swait.ge [sflag:s29], $0x1  }
0xb4: {  	[sflag:s29] =	ssyncadd.s32 $0xFFFFFFFF  }
0xb5: {  	_ =	strace $0x90000048  }
0xb6: {  	_ =	sfence  }
0xb7: {  	s30 =	sld [smem:$0x0];
	_ =	sdelay $0x2  }
0xb8: {  	s31 =	sshll.u32 s1, $0xD;
	s1 =	sshrl.u32 s1, $0x2  }
0xb9: {  	s3 =	sand.u32 $0x4000, s31;
	s1 =	sadd.s32 s1, s30  }
0xba: {  	s0 =	sor.u32 s3, s0;
	s1 =	sshll.u32 s1, $0x11  }
0xbb: {  	s0 =	sor.u32 s1, s0  }
0xbc: {  	s0 =	sadd.s32 $0x8F2B, s0  }
0xbd: {  	[sflag:s0] =	ssyncadd.remote.s32 $0x1  }
0xbe: {  	_ =	sfence.sel $0xFFFF  }
0xbf: {  	[dreg:$0x0] =	wrdreg $0xFFFFFFFF;
	(pc) =	sbr.abs _section_cstart, $3  }
0xc0: {  	[dreg:$0x1] =	wrdreg $0xFFFFFFFF  }
0xc1: {  	_ =	task.clear_ibuf [dreg:s7], $0x2FFFF;
	_ =	strace $0x9FFFFFFF  }
0xc2: {  	(tm) =	ssettm $0x7FFFFFFF  }
0xc3: {  	_ =	shalt  }
tec
execute0_lowered:
.L_overlay_start_1:
0x0: {  	(tag) =	ssettag $0x1  }
0x1: {  	s8 =	rddreg [dreg:$0x0];
	s0 =	stileid.u32  }
0x2: {  	s1 =	srdreg.scid;
	s2 =	rddreg [dreg:$0x1]  }
0x3: {  	s5 =	simm.s32 $0x1;
	s9 =	simm.s32 $0x1;
	s10 =	simm.s32 $0x3  }
0x4: {  	s13 =	simm.s32 $0x0;
	s3 =	sand.u32 $0x1, s1;
	s4 =	sshll.u32 s0, $0x1  }
0x5: {  	s12 =	simm.s32 $0x0;
	s1 =	rddreg [dreg:$0x2];
	s6 =	sor.u32 s4, s3  }
0x6: {  	_ =	strace $0x80000047;
	s3 =	sadd.s32 $0xA400, s8;
	s4 =	smul.u32 $0x2C00, s6  }
0x7: {  	[sflag:s5] =	ssyncpa.u1 $0x0;
	p0 =	slt.u32 s6, $0x9;
	s6 =	simm.s32 $0x58000  }
.Ltmp0:
0x8: {  	s6 =	simm.s32 @!p0 $0x0;
	s7 =	ssub.s32 $0x6E000, s4;
	(pc) =	sbr.rel .LBB2_1-.Ltmp0, $4  }
0x9: {  	s9 =	simm.s32 @!p0 $0x0;
	p0 =	sne.s32 s7, s6;
	s7 =	simm.s32 $0x1  }
0xa: {  	s8 =	sadd.s32 $0x40400, s8;
	s6 =	simm.s32 $0x2;
	s7 =	simm.s32 @!p0 $0x0  }
0xb: {  	s11 =	smov.u32 s4;
	[sflag:s6] =	ssyncpa.u1 $0x0;
	s7 =	sadd.s32 s9, s7  }
0xc: {  	vm0 =	vmmov $0xffff;
	[sflag:s10] =	ssyncpa.u1 $0x0;
	s10 =	simm.s32 $0x0;
	s9 =	sadd.s32 $0x1, s7  }
.LBB2_4:
0xd: {  	v2 =	vnsel vm1, $0x0, v2  }
0xe: {  	vm1 =	vgt.s32 v0, $0x0;
	v2 =	vmin.u32 v2, $0x69E55  }
0xf: {  	v0 =	vnsel vm1, $0x0, v0  }
0x10: {  	v0 =	vmin.u32 v0, $0x69E55  }
0x11: {  	[tilespmem:s18], [sflag:$0x1] =	stream.indirect_vreg.gather [hbm4b:s3+s10], $0x1, v1, vm0, $0x4038;
	[tilespmem:$0xB000] =	vst v63  }
0x12: {  	(ifvalue) =	ssetifvalue $0x7FFFFFFF  }
0x13: {  	[tilespmem:s15], [sflag:$0x1] =	stream.indirect_vreg.gather [hbm4b:s3+s10], $0x1, v2, vm0, $0x4038;
	[tilespmem:$0xB000] =	vst v63  }
0x14: {  	s29 =	sadd.s32 $0x10, s15;
	(ifvalue) =	ssetifvalue $0x7FFFFFFF  }
0x15: {  	[tilespmem:s29], [sflag:$0x1] =	stream.indirect_vreg.gather [hbm4b:s3+s10], $0x1, v0, vm0, $0x4038;
	[tilespmem:$0xB000] =	vst v63  }
0x16: {  	_ =	swait.ge [sflag:s5], $0x2C00  }
0x17: {  	s30 =	sshrl.u32 s13, $0x3;
	[sflag:s5] =	ssyncset.done $0x0  }
0x18: {  	s31 =	sand.u32 $0x7, s13;
	s15 =	sadd.s32 s2, s30;
	[sflag:s5] =	ssyncadd.s32 $0xFFFFD400  }
0x19: {  	[hbm4b:s15+s31] =	stream.linear.scatter [tilespmem:s14], [sflag:$0x3], $0x2C00, $0x38;
	[tilespmem:$0xB000] =	vst v63  }
.LBB2_5:
0x1a: {  	s15 =	sadd.s32 $0x58000, s11  }
0x1b: {  	p1 =	sgt.s32 s15, $0x6DFFF  }
0x1c: {  	s15 =	smov.u32 @p1 s4;
	p1 =	sne.s32 s12, s9  }
.Ltmp1:
0x1d: {  	p0 =	slt.u32 s12, $0x2;
	(pc) =	sbr.rel @!p1 .LBB2_6-.Ltmp1, $4  }
0x1e: {  	s14 =	simm.s32 @!p0 $0x3  }
0x1f: {  	_ =	swait.ge @!p0 [sflag:s14], $0x2C00  }
0x20: {  	s16 =	sadd.s32 $0x1, s12;
	s13 =	smov.u32 s11;
	[sflag:s14] =	ssyncset.done @!p0 $0x0  }
0x21: {  	s12 =	smov.u32 s16;
	s11 =	smov.u32 s15;
	[sflag:s14] =	ssyncadd.s32 @!p0 $0xFFFFD400  }
.LBB2_1:
0x22: {  	p0 =	sge.u32 s12, s7  }
0x23: {  	s14 =	sxor.u32 @!p0 $0x1, s12  }
0x24: {  	s14 =	smul.u32 @!p0 $0xB000, s14  }
0x25: {  	s31 =	sadd.s32 $0xFFFFFFFF, s12;
	s15 =	sshrl.u32 @!p0 s11, $0x3  }
0x26: {  	s16 =	sand.u32 @!p0 $0x7, s11;
	s15 =	sadd.s32 @!p0 s8, s15;
	s14 =	sshra.s32 @!p0 s14, $0x2  }
0x27: {  	[tilespmem:s14], [sflag:$0x2] =	stream.linear.gather @!p0 [hbm4b:s15+s16], $0x2C00, $0x38;
	[tilespmem:$0xB000] =	vst v63  }
0x28: {  	p0 =	sge.u32 s31, s7  }
.Ltmp2:
0x29: {  	_ = 	snop;
	(pc) =	sbr.rel @p0 .LBB2_5-.Ltmp2, $1  }
0x2a: {  	_ =	sdelay $0x3  }
0x2b: {  	s14 =	sand.u32 $0x1, s12  }
0x2c: {  	_ =	swait.ge [sflag:s6], $0x2C00;
	p0 =	seq.s32 s14, $0x1;
	s14 =	simm.s32 $0x2C00  }
0x2d: {  	[sflag:s6] =	ssyncset.done $0x0;
	s14 =	simm.s32 @!p0 $0x0  }
0x2e: {  	[sflag:s6] =	ssyncadd.s32 $0xFFFFD400;
	(ifvalue) =	ssetifvalue $0x7FFFFFFF;
	v0 =	vld.msk [tilespmem:s14+$0x0 ss:$0x1], $0xffff;
	_ =	sdelay $0x4  }
0x2f: {  	s15 =	sadd.s32 $0x10, s14;
	vm1 =	vgt.s32 v0, $0x0  }
0x30: {  	v2 =	vld.msk [tilespmem:s15+$0x0 ss:$0x1], $0xffff;
	v1 =	vnsel vm1, $0x0, v0  }
0x31: {  	v1 =	vmin.u32 v1, $0x69E55;
	_ =	sdelay $0x2  }
0x32: {  	s17 =	simm.s32 $0x20;
	s14 =	sadd.s32 $0x5800, s14;
	s16 =	sadd.s32 $0x10, s15  }
0x33: {  	s15 =	sadd.s32 $0x10, s14;
	s18 =	smov.u32 s14;
	v0 =	vld.msk [tilespmem:s16+$0x0 ss:$0x1], $0xffff;
	vm1 =	vgt.s32 v2, $0x0;
	(ifvalue) =	ssetifvalue $0x7FFFFFFF  }
.LBB2_3:
0x34: {  	[tilespmem:s18], [sflag:$0x1] =	stream.indirect_vreg.gather [hbm4b:s3+s10], $0x1, v1, vm0, $0x4038;
	[tilespmem:$0xB000] =	vst v63  }
0x35: {  	s17 =	sadd.s32 $0x10, s17  }
0x36: {  	v2 =	vnsel vm1, $0x0, v2;
	p0 =	slt.u32 s17, $0x2BF0  }
.Ltmp3:
0x37: {  	s18 =	smov.u32 s15;
	v1 =	vmin.u32 v2, $0x69E55;
	(pc) =	sbr.rel @p0 .LBB2_3-.Ltmp3, $3  }
0x38: {  	_ =	sdelay $0x1  }
0x39: {  	s16 =	sadd.s32 $0x10, s16  }
0x3a: {  	vm1 =	vgt.s32 v0, $0x0;
	s15 =	sadd.s32 $0x10, s15;
	v2 =	vmov v0;
	(ifvalue) =	ssetifvalue $0x7FFFFFFF;
	v0 =	vld.msk [tilespmem:s16+$0x0 ss:$0x1], $0xffff  }
.Ltmp4:
0x3b: {  	_ = 	snop;
	(pc) =	sbr.rel .LBB2_4-.Ltmp4, $1  }
0x3c: {  	_ =	sdelay $0x3  }
.LBB2_6:
0x3d: {  	_ =	sfence.sel $0x180000  }
0x3e: {  	s2 =	simm.s32 $0x2;
	[bflag:$0x0] =	sbarrier.arrive $0xFFFF  }
0x3f: {  	s30 =	simm.s32 $0x3;
	[sflag:s2] =	ssyncpa.u1 $0x1  }
0x40: {  	s31 =	simm.s32 $0x1;
	[sflag:s30] =	ssyncpa.u1 $0x1  }
0x41: {  	[sflag:s31] =	ssyncpa.u1 $0x1  }
0x42: {  	p0 =	sne.s32 s0, $0x0;
	_ =	strace $0x90000047  }
0x43: {  	s0 =	sadd.s32 @!p0 $0x100000, s1;
	[bflag:$0x2] =	sbarrier.arrive $0xFFFF  }
0x44: {  	[sflag:s0] =	ssyncadd.tile.s32 @!p0 $0x1;
	_ =	shalt  }
.Lfunc_end2:
_tile_overlayer_lowered:
.L_overlay_start_2:
0x45: {  	(tag) =	ssettag $0x2  }
0x46: {  	s0 =	rddreg [dreg:$0x0];
	s2 =	stileid.u32  }
0x47: {  	s1 =	rddreg [dreg:$0x1];
	p0 =	sne.s32 s2, $0x0  }
0x48: {  	s3 =	rddreg [dreg:$0x2];
	[bflag:$0x3] =	sbarrier.arrive $0xFFFF;
	s2 =	simm.s32 @!p0 $0x1C01  }
0x49: {  	[timem:s3], [sflag:s2] =	dma.local @!p0 [hbm:s0], s1  }
0x4a: {  	s0 =	simm.s32 @!p0 $0x1  }
0x4b: {  	_ =	swait.ge @!p0 [sflag:s0], s1  }
0x4c: {  	s1 =	ssub.s32 @!p0 $0x0, s1;
	[sflag:s0] =	ssyncset.done @!p0 $0x0  }
0x4d: {  	[sflag:s0] =	ssyncadd.s32 @!p0 s1  }
0x4e: {  	[bflag:$0x3] =	sbarrier.arrive $0xFFFF  }
0x4f: {  	_ =	shalt  }

// kernel: gather_offload_async_start
scs
__scs_entry_jumppad:
0x0: {  	(pc) =	sbr.rel $0x88, $3  }
0x1: {  	(tag) =	ssettag $0x0;
	lr =	simm.s32 $0x1  }
0x2: {  	[smem:$0x3F6F] =	sst lr;
	_ =	strace $0xD0000000  }
0x3: {  	_ = 	snop  }
0x4: {  	_ = 	snop  }
0x5: {  	_ = 	snop  }
0x6: {  	_ = 	snop  }
0x7: {  	_ = 	snop  }
__scs_overlays_trampoline_lowered:
0x8: {  	[smem:$0x3F7E] =	sst s0  }
0x9: {  	[smem:$0x3F7F] =	sst s1  }
0xa: {  	[smem:$0x3F80] =	sst s2  }
0xb: {  	[smem:$0x3F81] =	sst s3  }
0xc: {  	[smem:$0x3F82] =	sst s4  }
0xd: {  	[smem:$0x3F83] =	sst s5  }
0xe: {  	[smem:$0x3F84] =	sst s6  }
0xf: {  	[smem:$0x3F85] =	sst s7  }
0x10: {  	[smem:$0x3F86] =	sst s8  }
0x11: {  	[smem:$0x3F87] =	sst s9;
	s0 =	simm.s32 @!p0 $0x0  }
0x12: {  	s1 =	sld [smem:$0x3F6D];
	s0 =	simm.s32 @p0 $0x1  }
0x13: {  	[smem:$0x3F88] =	sst s0;
	s0 =	simm.s32 @!p1 $0x0  }
0x14: {  	s2 =	sld [smem:$0x3F6C];
	s0 =	simm.s32 @p1 $0x1  }
0x15: {  	[smem:$0x3F89] =	sst s0;
	s0 =	simm.s32 @!p2 $0x0  }
0x16: {  	s3 =	sld [smem:$0x3FDB];
	s0 =	simm.s32 @p2 $0x1  }
0x17: {  	s4 =	simm.s32 $0x1BF5;
	[smem:$0x3F8B] =	sst s0  }
0x18: {  	s0 =	sld [smem:$0x3F6E];
	_ =	swait.ge [sflag:s4], $0x0  }
0x19: {  	s7 =	sld [smem:$0x3F6F]  }
0x1a: {  	s8 =	sadd.s32 $0xFFFFE003, lr  }
0x1b: {  	s9 =	sadd.s32 $0xFFFFFEF7, lr;
	s5 =	simm.s32 $0xFFFFFFFF;
	p2 =	slt.u32 s8, $0xFFFFF086  }
0x1c: {  	p1 =	slt.u32 s9, $0xF7A;
	s5 =	simm.s32 @!p2 $0x0  }
0x1d: {  	s5 =	simm.s32 @p1 $0x1;
	p0 =	seq.s32 s7, s2  }
0x1e: {  	s7 =	smul.u32 @!p0 $0xF7A, s2;
	p2 =	seq.s32 @!p0 s5, $0x0  }
0x1f: {  	s9 =	smul.u32 $0xF7A, s1;
	s8 =	simm.s32 @!p0 $0x1BF5;
	p2 =	por !p2, p0  }
0x20: {  	[sflag:s8] =	ssyncset.s32 @!p0 $0xFFFFF086;
	s6 =	sadd.s32 @!p0 s3, s7;
	s7 =	simm.s32 @!p0 $0x108  }
0x21: {  	s3 =	sadd.s32 s3, s9;
	s6 =	sadd.s32 @!p0 $0x88, s6;
	s7 =	simm.s32 @p2 $0x1082  }
0x22: {  	[simem:s7], [sflag:s8] =	dma.local @!p0 [hbm:s6], $0xF7A  }
0x23: {  	s9 =	sor.u32 $0xD0000000, s2;
	s6 =	simm.s32 $0x108;
	_ =	swait.ge @!p0 [sflag:s8], $0x0  }
0x24: {  	s3 =	sadd.s32 $0x88, s3;
	s6 =	simm.s32 @!p1 $0x1082;
	[sflag:s4] =	ssyncset.s32 $0xFFFFF086  }
0x25: {  	[simem:s6], [sflag:s4] =	dma.local [hbm:s3], $0xF7A  }
0x26: {  	[smem:$0x3F6F] =	sst s1;
	(tag) =	ssettag s2;
	_ =	strace s9  }
0x27: {  	s1 =	sld [smem:$0x3F7F]  }
0x28: {  	s2 =	sld [smem:$0x3F80]  }
0x29: {  	s4 =	sld [smem:$0x3F82]  }
0x2a: {  	p0 =	seq.s32 s5, $0x0;
	s5 =	sld [smem:$0x3F83]  }
0x2b: {  	s6 =	sld [smem:$0x3F84]  }
0x2c: {  	s7 =	sld [smem:$0x3F85]  }
0x2d: {  	s3 =	simm.s32 $0x108;
	s8 =	sld [smem:$0x3F86]  }
0x2e: {  	s3 =	simm.s32 @!p0 $0x1082;
	s9 =	sld [smem:$0x3F87]  }
0x2f: {  	lr =	sadd.s32 s0, s3;
	s0 =	sld [smem:$0x3F7E]  }
0x30: {  	s3 =	sld [smem:$0x3F81]  }
0x31: {  	[smem:$0x3F8A] =	sst s10  }
0x32: {  	s10 =	sld [smem:$0x3F88];
	_ =	sdelay $0x3  }
0x33: {  	p0 =	seq.s32 s10, $0x1;
	s10 =	sld [smem:$0x3F8A];
	_ =	sdelay $0x3  }
0x34: {  	[smem:$0x3F8A] =	sst s10  }
0x35: {  	s10 =	sld [smem:$0x3F89];
	_ =	sdelay $0x3  }
0x36: {  	p1 =	seq.s32 s10, $0x1;
	s10 =	sld [smem:$0x3F8A];
	_ =	sdelay $0x3  }
0x37: {  	[smem:$0x3F8A] =	sst s10  }
0x38: {  	s10 =	sld [smem:$0x3F8B]  }
0x39: {  	_ = 	snop;
	(pc) =	sbr.ind lr, $3  }
0x3a: {  	_ = 	snop  }
0x3b: {  	_ = 	snop  }
0x3c: {  	p2 =	seq.s32 s10, $0x1;
	s10 =	sld [smem:$0x3F8A]  }
0x3d: {  	_ =	shalt  }
0x3e: {  	_ =	shalt  }
0x3f: {  	_ =	shalt  }
0x40: {  	_ =	shalt  }
0x41: {  	_ =	shalt  }
0x42: {  	_ =	shalt  }
0x43: {  	_ =	shalt  }
0x44: {  	_ =	shalt  }
0x45: {  	_ =	shalt  }
0x46: {  	_ =	shalt  }
0x47: {  	_ =	shalt  }
0x48: {  	_ =	shalt  }
0x49: {  	_ =	shalt  }
0x4a: {  	_ =	shalt  }
0x4b: {  	_ =	shalt  }
0x4c: {  	_ =	shalt  }
0x4d: {  	_ =	shalt  }
0x4e: {  	_ =	shalt  }
0x4f: {  	_ =	shalt  }
0x50: {  	_ =	shalt  }
0x51: {  	_ =	shalt  }
0x52: {  	_ =	shalt  }
0x53: {  	_ =	shalt  }
0x54: {  	_ =	shalt  }
0x55: {  	_ =	shalt  }
0x56: {  	_ =	shalt  }
0x57: {  	_ =	shalt  }
0x58: {  	_ =	shalt  }
0x59: {  	_ =	shalt  }
0x5a: {  	_ =	shalt  }
0x5b: {  	_ =	shalt  }
0x5c: {  	_ =	shalt  }
0x5d: {  	_ =	shalt  }
0x5e: {  	_ =	shalt  }
0x5f: {  	_ =	shalt  }
0x60: {  	_ =	shalt  }
0x61: {  	_ =	shalt  }
0x62: {  	_ =	shalt  }
0x63: {  	_ =	shalt  }
0x64: {  	_ =	shalt  }
0x65: {  	_ =	shalt  }
0x66: {  	_ =	shalt  }
0x67: {  	_ =	shalt  }
0x68: {  	_ =	shalt  }
0x69: {  	_ =	shalt  }
0x6a: {  	_ =	shalt  }
0x6b: {  	_ =	shalt  }
0x6c: {  	_ =	shalt  }
0x6d: {  	_ =	shalt  }
0x6e: {  	_ =	shalt  }
0x6f: {  	_ =	shalt  }
0x70: {  	_ =	shalt  }
0x71: {  	_ =	shalt  }
0x72: {  	_ =	shalt  }
0x73: {  	_ =	shalt  }
0x74: {  	_ =	shalt  }
0x75: {  	_ =	shalt  }
0x76: {  	_ =	shalt  }
0x77: {  	_ =	shalt  }
0x78: {  	_ =	shalt  }
0x79: {  	_ =	shalt  }
0x7a: {  	_ =	shalt  }
0x7b: {  	_ =	shalt  }
0x7c: {  	_ =	shalt  }
0x7d: {  	_ =	shalt  }
0x7e: {  	_ =	shalt  }
0x7f: {  	_ =	shalt  }
0x80: {  	_ =	shalt  }
0x81: {  	_ =	shalt  }
0x82: {  	_ =	shalt  }
0x83: {  	_ =	shalt  }
0x84: {  	_ =	shalt  }
0x85: {  	_ =	shalt  }
0x86: {  	_ =	shalt  }
0x87: {  	_ =	shalt  }
.Lfunc_end0:
.L_simem_size_0:
called_computation_lowered:
.L_overlay_start_0:
0x88: {  	s2 =	sld [smem:$0x3FD9]  }
0x89: {  	s3 =	sld [smem:$0x3FFE];
	_ =	sdelay $0x1  }
0x8a: {  	s1 =	srdreg.scid  }
0x8b: {  	s0 =	sand.u32 $0x1, s1  }
0x8c: {  	s17 =	sshll.u32 s0, $0xA;
	s2 =	sadd.s32 s3, s2  }
0x8d: {  	s2 =	sadd.s32 s2, s17  }
0x8e: {  	[smem:$0x3F96] =	sst s2  }
0x8f: {  	_ = 	snop  }
0x90: {  	(tm) =	ssettm $0x1  }
0x91: {  	s18 =	sld [smem:$0x3FFB];
	_ =	sdelay $0x3  }
0x92: {  	_ =	strace s18  }
0x93: {  	s2 =	sld [smem:$0x3FFC];
	_ =	sdelay $0x3  }
0x94: {  	_ =	strace s2  }
0x95: {  	s2 =	sld [smem:$0x3FFD];
	_ =	sdelay $0x3  }
0x96: {  	_ =	strace s2  }
0x97: {  	_ =	strace $0x8FFFFFFF  }
0x98: {  	s19 =	sld [smem:$0x3FDB];
	_ =	sdelay $0x1  }
0x99: {  	s20 =	simm.s32 $_scs_section_size  }
0x9a: {  	s4 =	simm.s32 $_size__tile_overlayer_lowered;
	s5 =	simm.s32 $_tile_overlayer_lowered  }
0x9b: {  	s6 =	simm.s32 $0x1BFF;
	s21 =	sshll.u32 s5, $0x1;
	s3 =	sadd.s32 s20, s19  }
0x9c: {  	s22 =	simm.s32 $0x0;
	s4 =	sshll.u32 s4, $0x1;
	s5 =	sadd.s32 s21, s3  }
0x9d: {  	[timem:s22], [sflag:s6] =	dma.local [hbm:s5], s4  }
0x9e: {  	_ =	swait.ge [sflag:s6], s4  }
0x9f: {  	s4 =	ssub.s32 $0x0, s4;
	[sflag:s6] =	ssyncset.done $0x0  }
0xa0: {  	[sflag:s6] =	ssyncadd.s32 s4;
	_ =	sdelay $0x1  }
0xa1: {  	s23 =	simm.s32 $0x1B8B  }
0xa2: {  	_ =	swait.ge [sflag:s23], $0x1  }
0xa3: {  	[sflag:s23] =	ssyncset.done $0x0  }
0xa4: {  	[sflag:s23] =	ssyncadd.s32 $0xFFFFFFFF  }
0xa5: {  	s4 =	sld [smem:$0x0]  }
0xa6: {  	s5 =	sand.u32 $0xFFFFFFFE, s1  }
0xa7: {  	p0 =	sne.s32 s1, s5  }
0xa8: {  	s5 =	sshll.u32 @p0 s5, $0xE  }
0xa9: {  	s5 =	sadd.s32 @p0 $0x11B8D, s5;
	s6 =	sshll.u32 @p0 s4, $0x11  }
0xaa: {  	s5 =	sor.u32 @p0 s6, s5  }
0xab: {  	[sflag:s5] =	ssyncadd.remote.s32 @p0 $0x1;
	_ =	sdelay $0x1  }
0xac: {  	s5 =	simm.s32 @p0 $0x1B8D  }
0xad: {  	_ =	swait.eq @p0 [sflag:s5], $0x1  }
0xae: {  	[sflag:s5] =	ssyncadd.s32 @p0 $0xFFFFFFFF  }
0xaf: {  	s6 =	sshll.u32 @!p0 s1, $0xE  }
0xb0: {  	s6 =	sor.u32 @!p0 $0x4000, s6;
	s5 =	simm.s32 @!p0 $0x1B8D  }
0xb1: {  	s4 =	sshll.u32 @!p0 s4, $0x11;
	s6 =	sadd.s32 @!p0 $0x11B8D, s6;
	_ =	swait.eq @!p0 [sflag:s5], $0x1  }
0xb2: {  	s4 =	sor.u32 @!p0 s4, s6;
	[sflag:s5] =	ssyncadd.s32 @!p0 $0xFFFFFFFF  }
0xb3: {  	s25 =	simm.s32 $0x1B8E;
	s24 =	sld [smem:$0x3FFE];
	[sflag:s4] =	ssyncadd.remote.s32 @!p0 $0x1  }
0xb4: {  	s26 =	simm.s32 $execute0_lowered;
	[smem:$0x3FD2] =	sst s25  }
0xb5: {  	s5 =	sshll.u32 s26, $0x1;
	_ =	strace $0x80000049;
	[dreg:$0x1] =	wrdreg $0xFFFFFFFF  }
0xb6: {  	s28 =	simm.s32 $_size_execute0_lowered;
	s3 =	sadd.s32 s3, s5;
	[dreg:$0x0] =	wrdreg $0x0  }
0xb7: {  	s5 =	sshll.u32 s28, $0x1;
	[dreg:$0x2] =	wrdreg s3  }
0xb8: {  	[dreg:$0x3] =	wrdreg s5  }
0xb9: {  	[dreg:$0x4] =	wrdreg $0xC0  }
0xba: {  	_ =	task [dreg:s22], $0x5FFFF  }
0xbb: {  	[dreg:$0x1] =	wrdreg $0xFFFFFFFF  }
0xbc: {  	[dreg:$0x0] =	wrdreg $0x60  }
0xbd: {  	[dreg:$0x2] =	wrdreg s24  }
0xbe: {  	[dreg:$0x3] =	wrdreg $0x9  }
0xbf: {  	_ =	task.clear_ibuf [dreg:s22], $0x4FFFF;
	_ =	strace $0x90000049  }
0xc0: {  	s29 =	simm.s32 $0x9;
	_ =	strace $0x8000004B  }
0xc1: {  	_ =	swait.ge [sflag:s29], $0x1  }
0xc2: {  	[sflag:s29] =	ssyncadd.s32 $0xFFFFFFFF  }
0xc3: {  	_ =	strace $0x9000004B  }
0xc4: {  	_ =	sfence  }
0xc5: {  	s30 =	sld [smem:$0x0];
	_ =	sdelay $0x2  }
0xc6: {  	s31 =	sshll.u32 s1, $0xD;
	s1 =	sshrl.u32 s1, $0x2  }
0xc7: {  	s4 =	sand.u32 $0x4000, s31;
	s1 =	sadd.s32 s1, s30  }
0xc8: {  	s0 =	sor.u32 s4, s0;
	s1 =	sshll.u32 s1, $0x11  }
0xc9: {  	s0 =	sor.u32 s1, s0  }
0xca: {  	s0 =	sadd.s32 $0x8F2B, s0  }
0xcb: {  	[sflag:s0] =	ssyncadd.remote.s32 $0x1  }
0xcc: {  	_ =	sfence.sel $0xFFFF  }
0xcd: {  	[dreg:$0x0] =	wrdreg $0xFFFFFFFF;
	(pc) =	sbr.abs _section_cstart, $3  }
0xce: {  	[dreg:$0x1] =	wrdreg $0xFFFFFFFF  }
0xcf: {  	_ =	task.clear_ibuf [dreg:s22], $0x2FFFF;
	_ =	strace $0x9FFFFFFF  }
0xd0: {  	(tm) =	ssettm $0x7FFFFFFF  }
0xd1: {  	_ =	shalt  }
tec
execute0_lowered:
.L_overlay_start_1:
0x0: {  	(tag) =	ssettag $0x1  }
0x1: {  	s8 =	rddreg [dreg:$0x0];
	s1 =	stileid.u32  }
0x2: {  	s2 =	srdreg.scid;
	s0 =	rddreg [dreg:$0x1]  }
0x3: {  	_ =	strace $0x8000004A;
	s5 =	simm.s32 $0x1;
	s9 =	simm.s32 $0x1  }
0x4: {  	s10 =	simm.s32 $0x3;
	s2 =	sand.u32 $0x1, s2;
	s3 =	sshll.u32 s1, $0x1  }
0x5: {  	s13 =	simm.s32 $0x0;
	s12 =	simm.s32 $0x0;
	s6 =	sor.u32 s3, s2  }
0x6: {  	[sflag:s5] =	ssyncpa.u1 $0x0;
	s2 =	sadd.s32 $0x17800, s8;
	s4 =	smul.u32 $0x2C00, s6  }
0x7: {  	s3 =	sadd.s32 $0x40400, s8;
	p0 =	slt.u32 s6, $0x9;
	s6 =	simm.s32 $0x58000  }
.Ltmp0:
0x8: {  	s6 =	simm.s32 @!p0 $0x0;
	s7 =	ssub.s32 $0x6E000, s4;
	(pc) =	sbr.rel .LBB2_1-.Ltmp0, $4  }
0x9: {  	s9 =	simm.s32 @!p0 $0x0;
	p0 =	sne.s32 s7, s6;
	s7 =	simm.s32 $0x1  }
0xa: {  	s8 =	sadd.s32 $0x64800, s8;
	s6 =	simm.s32 $0x2;
	s7 =	simm.s32 @!p0 $0x0  }
0xb: {  	s11 =	smov.u32 s4;
	[sflag:s6] =	ssyncpa.u1 $0x0;
	s7 =	sadd.s32 s9, s7  }
0xc: {  	vm0 =	vmmov $0xffff;
	[sflag:s10] =	ssyncpa.u1 $0x0;
	s10 =	simm.s32 $0x0;
	s9 =	sadd.s32 $0x1, s7  }
.LBB2_4:
0xd: {  	v2 =	vnsel vm1, $0x0, v2  }
0xe: {  	vm1 =	vgt.s32 v0, $0x0;
	v2 =	vmin.u32 v2, $0x69E55  }
0xf: {  	v0 =	vnsel vm1, $0x0, v0  }
0x10: {  	v0 =	vmin.u32 v0, $0x69E55  }
0x11: {  	[tilespmem:s18], [sflag:$0x1] =	stream.indirect_vreg.gather [hbm4b:s2+s10], $0x1, v1, vm0, $0x4038;
	[tilespmem:$0xB000] =	vst v63  }
0x12: {  	(ifvalue) =	ssetifvalue $0x7FFFFFFF  }
0x13: {  	[tilespmem:s15], [sflag:$0x1] =	stream.indirect_vreg.gather [hbm4b:s2+s10], $0x1, v2, vm0, $0x4038;
	[tilespmem:$0xB000] =	vst v63  }
0x14: {  	s29 =	sadd.s32 $0x10, s15;
	(ifvalue) =	ssetifvalue $0x7FFFFFFF  }
0x15: {  	[tilespmem:s29], [sflag:$0x1] =	stream.indirect_vreg.gather [hbm4b:s2+s10], $0x1, v0, vm0, $0x4038;
	[tilespmem:$0xB000] =	vst v63  }
0x16: {  	_ =	swait.ge [sflag:s5], $0x2C00  }
0x17: {  	s30 =	sshrl.u32 s13, $0x3;
	[sflag:s5] =	ssyncset.done $0x0  }
0x18: {  	s31 =	sand.u32 $0x7, s13;
	s15 =	sadd.s32 s8, s30;
	[sflag:s5] =	ssyncadd.s32 $0xFFFFD400  }
0x19: {  	[hbm4b:s15+s31] =	stream.linear.scatter [tilespmem:s14], [sflag:$0x3], $0x2C00, $0x38;
	[tilespmem:$0xB000] =	vst v63  }
.LBB2_5:
0x1a: {  	s15 =	sadd.s32 $0x58000, s11  }
0x1b: {  	p1 =	sgt.s32 s15, $0x6DFFF  }
0x1c: {  	s15 =	smov.u32 @p1 s4;
	p1 =	sne.s32 s12, s9  }
.Ltmp1:
0x1d: {  	p0 =	slt.u32 s12, $0x2;
	(pc) =	sbr.rel @!p1 .LBB2_6-.Ltmp1, $4  }
0x1e: {  	s14 =	simm.s32 @!p0 $0x3  }
0x1f: {  	_ =	swait.ge @!p0 [sflag:s14], $0x2C00  }
0x20: {  	s16 =	sadd.s32 $0x1, s12;
	s13 =	smov.u32 s11;
	[sflag:s14] =	ssyncset.done @!p0 $0x0  }
0x21: {  	s12 =	smov.u32 s16;
	s11 =	smov.u32 s15;
	[sflag:s14] =	ssyncadd.s32 @!p0 $0xFFFFD400  }
.LBB2_1:
0x22: {  	p0 =	sge.u32 s12, s7  }
0x23: {  	s14 =	sxor.u32 @!p0 $0x1, s12  }
0x24: {  	s14 =	smul.u32 @!p0 $0xB000, s14  }
0x25: {  	s31 =	sadd.s32 $0xFFFFFFFF, s12;
	s15 =	sshrl.u32 @!p0 s11, $0x3  }
0x26: {  	s16 =	sand.u32 @!p0 $0x7, s11;
	s15 =	sadd.s32 @!p0 s3, s15;
	s14 =	sshra.s32 @!p0 s14, $0x2  }
0x27: {  	[tilespmem:s14], [sflag:$0x2] =	stream.linear.gather @!p0 [hbm4b:s15+s16], $0x2C00, $0x38;
	[tilespmem:$0xB000] =	vst v63  }
0x28: {  	p0 =	sge.u32 s31, s7  }
.Ltmp2:
0x29: {  	_ = 	snop;
	(pc) =	sbr.rel @p0 .LBB2_5-.Ltmp2, $1  }
0x2a: {  	_ =	sdelay $0x3  }
0x2b: {  	s14 =	sand.u32 $0x1, s12  }
0x2c: {  	_ =	swait.ge [sflag:s6], $0x2C00;
	p0 =	seq.s32 s14, $0x1;
	s14 =	simm.s32 $0x2C00  }
0x2d: {  	[sflag:s6] =	ssyncset.done $0x0;
	s14 =	simm.s32 @!p0 $0x0  }
0x2e: {  	[sflag:s6] =	ssyncadd.s32 $0xFFFFD400;
	(ifvalue) =	ssetifvalue $0x7FFFFFFF;
	v0 =	vld.msk [tilespmem:s14+$0x0 ss:$0x1], $0xffff;
	_ =	sdelay $0x4  }
0x2f: {  	s15 =	sadd.s32 $0x10, s14;
	vm1 =	vgt.s32 v0, $0x0  }
0x30: {  	v2 =	vld.msk [tilespmem:s15+$0x0 ss:$0x1], $0xffff;
	v1 =	vnsel vm1, $0x0, v0  }
0x31: {  	v1 =	vmin.u32 v1, $0x69E55;
	_ =	sdelay $0x2  }
0x32: {  	s17 =	simm.s32 $0x20;
	s14 =	sadd.s32 $0x5800, s14;
	s16 =	sadd.s32 $0x10, s15  }
0x33: {  	s15 =	sadd.s32 $0x10, s14;
	s18 =	smov.u32 s14;
	v0 =	vld.msk [tilespmem:s16+$0x0 ss:$0x1], $0xffff;
	vm1 =	vgt.s32 v2, $0x0;
	(ifvalue) =	ssetifvalue $0x7FFFFFFF  }
.LBB2_3:
0x34: {  	[tilespmem:s18], [sflag:$0x1] =	stream.indirect_vreg.gather [hbm4b:s2+s10], $0x1, v1, vm0, $0x4038;
	[tilespmem:$0xB000] =	vst v63  }
0x35: {  	s17 =	sadd.s32 $0x10, s17  }
0x36: {  	v2 =	vnsel vm1, $0x0, v2;
	p0 =	slt.u32 s17, $0x2BF0  }
.Ltmp3:
0x37: {  	s18 =	smov.u32 s15;
	v1 =	vmin.u32 v2, $0x69E55;
	(pc) =	sbr.rel @p0 .LBB2_3-.Ltmp3, $3  }
0x38: {  	_ =	sdelay $0x1  }
0x39: {  	s16 =	sadd.s32 $0x10, s16  }
0x3a: {  	vm1 =	vgt.s32 v0, $0x0;
	s15 =	sadd.s32 $0x10, s15;
	v2 =	vmov v0;
	(ifvalue) =	ssetifvalue $0x7FFFFFFF;
	v0 =	vld.msk [tilespmem:s16+$0x0 ss:$0x1], $0xffff  }
.Ltmp4:
0x3b: {  	_ = 	snop;
	(pc) =	sbr.rel .LBB2_4-.Ltmp4, $1  }
0x3c: {  	_ =	sdelay $0x3  }
.LBB2_6:
0x3d: {  	_ =	sfence.sel $0x180000  }
0x3e: {  	s2 =	simm.s32 $0x2;
	[bflag:$0x0] =	sbarrier.arrive $0xFFFF  }
0x3f: {  	s30 =	simm.s32 $0x3;
	[sflag:s2] =	ssyncpa.u1 $0x1  }
0x40: {  	s31 =	simm.s32 $0x1;
	[sflag:s30] =	ssyncpa.u1 $0x1  }
0x41: {  	[sflag:s31] =	ssyncpa.u1 $0x1  }
0x42: {  	p0 =	sne.s32 s1, $0x0;
	_ =	strace $0x9000004A  }
0x43: {  	s0 =	sadd.s32 @!p0 $0x100000, s0;
	[bflag:$0x2] =	sbarrier.arrive $0xFFFF  }
0x44: {  	[sflag:s0] =	ssyncadd.tile.s32 @!p0 $0x1;
	_ =	shalt  }
.Lfunc_end2:
_tile_overlayer_lowered:
.L_overlay_start_2:
0x45: {  	(tag) =	ssettag $0x2  }
0x46: {  	s0 =	rddreg [dreg:$0x0];
	s2 =	stileid.u32  }
0x47: {  	s1 =	rddreg [dreg:$0x1];
	p0 =	sne.s32 s2, $0x0  }
0x48: {  	s3 =	rddreg [dreg:$0x2];
	[bflag:$0x3] =	sbarrier.arrive $0xFFFF;
	s2 =	simm.s32 @!p0 $0x1C01  }
0x49: {  	[timem:s3], [sflag:s2] =	dma.local @!p0 [hbm:s0], s1  }
0x4a: {  	s0 =	simm.s32 @!p0 $0x1  }
0x4b: {  	_ =	swait.ge @!p0 [sflag:s0], s1  }
0x4c: {  	s1 =	ssub.s32 @!p0 $0x0, s1;
	[sflag:s0] =	ssyncset.done @!p0 $0x0  }
0x4d: {  	[sflag:s0] =	ssyncadd.s32 @!p0 s1  }
0x4e: {  	[bflag:$0x3] =	sbarrier.arrive $0xFFFF  }
0x4f: {  	_ =	shalt  }

// kernel: kernel.15.cloned.1.call-start
scs
__scs_entry_jumppad:
0x0: {  	(pc) =	sbr.rel $0x88, $3  }
0x1: {  	(tag) =	ssettag $0x0;
	lr =	simm.s32 $0x1  }
0x2: {  	[smem:$0x3F6F] =	sst lr;
	_ =	strace $0xD0000000  }
0x3: {  	_ = 	snop  }
0x4: {  	_ = 	snop  }
0x5: {  	_ = 	snop  }
0x6: {  	_ = 	snop  }
0x7: {  	_ = 	snop  }
__scs_overlays_trampoline_lowered:
0x8: {  	[smem:$0x3F7E] =	sst s0  }
0x9: {  	[smem:$0x3F7F] =	sst s1  }
0xa: {  	[smem:$0x3F80] =	sst s2  }
0xb: {  	[smem:$0x3F81] =	sst s3  }
0xc: {  	[smem:$0x3F82] =	sst s4  }
0xd: {  	[smem:$0x3F83] =	sst s5  }
0xe: {  	[smem:$0x3F84] =	sst s6  }
0xf: {  	[smem:$0x3F85] =	sst s7  }
0x10: {  	[smem:$0x3F86] =	sst s8  }
0x11: {  	[smem:$0x3F87] =	sst s9;
	s0 =	simm.s32 @!p0 $0x0  }
0x12: {  	s1 =	sld [smem:$0x3F6D];
	s0 =	simm.s32 @p0 $0x1  }
0x13: {  	[smem:$0x3F88] =	sst s0;
	s0 =	simm.s32 @!p1 $0x0  }
0x14: {  	s2 =	sld [smem:$0x3F6C];
	s0 =	simm.s32 @p1 $0x1  }
0x15: {  	[smem:$0x3F89] =	sst s0;
	s0 =	simm.s32 @!p2 $0x0  }
0x16: {  	s3 =	sld [smem:$0x3FDB];
	s0 =	simm.s32 @p2 $0x1  }
0x17: {  	s4 =	simm.s32 $0x1BF5;
	[smem:$0x3F8B] =	sst s0  }
0x18: {  	s0 =	sld [smem:$0x3F6E];
	_ =	swait.ge [sflag:s4], $0x0  }
0x19: {  	s7 =	sld [smem:$0x3F6F]  }
0x1a: {  	s8 =	sadd.s32 $0xFFFFE003, lr  }
0x1b: {  	s9 =	sadd.s32 $0xFFFFFEF7, lr;
	s5 =	simm.s32 $0xFFFFFFFF;
	p2 =	slt.u32 s8, $0xFFFFF086  }
0x1c: {  	p1 =	slt.u32 s9, $0xF7A;
	s5 =	simm.s32 @!p2 $0x0  }
0x1d: {  	s5 =	simm.s32 @p1 $0x1;
	p0 =	seq.s32 s7, s2  }
0x1e: {  	s7 =	smul.u32 @!p0 $0xF7A, s2;
	p2 =	seq.s32 @!p0 s5, $0x0  }
0x1f: {  	s9 =	smul.u32 $0xF7A, s1;
	s8 =	simm.s32 @!p0 $0x1BF5;
	p2 =	por !p2, p0  }
0x20: {  	[sflag:s8] =	ssyncset.s32 @!p0 $0xFFFFF086;
	s6 =	sadd.s32 @!p0 s3, s7;
	s7 =	simm.s32 @!p0 $0x108  }
0x21: {  	s3 =	sadd.s32 s3, s9;
	s6 =	sadd.s32 @!p0 $0x88, s6;
	s7 =	simm.s32 @p2 $0x1082  }
0x22: {  	[simem:s7], [sflag:s8] =	dma.local @!p0 [hbm:s6], $0xF7A  }
0x23: {  	s9 =	sor.u32 $0xD0000000, s2;
	s6 =	simm.s32 $0x108;
	_ =	swait.ge @!p0 [sflag:s8], $0x0  }
0x24: {  	s3 =	sadd.s32 $0x88, s3;
	s6 =	simm.s32 @!p1 $0x1082;
	[sflag:s4] =	ssyncset.s32 $0xFFFFF086  }
0x25: {  	[simem:s6], [sflag:s4] =	dma.local [hbm:s3], $0xF7A  }
0x26: {  	[smem:$0x3F6F] =	sst s1;
	(tag) =	ssettag s2;
	_ =	strace s9  }
0x27: {  	s1 =	sld [smem:$0x3F7F]  }
0x28: {  	s2 =	sld [smem:$0x3F80]  }
0x29: {  	s4 =	sld [smem:$0x3F82]  }
0x2a: {  	p0 =	seq.s32 s5, $0x0;
	s5 =	sld [smem:$0x3F83]  }
0x2b: {  	s6 =	sld [smem:$0x3F84]  }
0x2c: {  	s7 =	sld [smem:$0x3F85]  }
0x2d: {  	s3 =	simm.s32 $0x108;
	s8 =	sld [smem:$0x3F86]  }
0x2e: {  	s3 =	simm.s32 @!p0 $0x1082;
	s9 =	sld [smem:$0x3F87]  }
0x2f: {  	lr =	sadd.s32 s0, s3;
	s0 =	sld [smem:$0x3F7E]  }
0x30: {  	s3 =	sld [smem:$0x3F81]  }
0x31: {  	[smem:$0x3F8A] =	sst s10  }
0x32: {  	s10 =	sld [smem:$0x3F88];
	_ =	sdelay $0x3  }
0x33: {  	p0 =	seq.s32 s10, $0x1;
	s10 =	sld [smem:$0x3F8A];
	_ =	sdelay $0x3  }
0x34: {  	[smem:$0x3F8A] =	sst s10  }
0x35: {  	s10 =	sld [smem:$0x3F89];
	_ =	sdelay $0x3  }
0x36: {  	p1 =	seq.s32 s10, $0x1;
	s10 =	sld [smem:$0x3F8A];
	_ =	sdelay $0x3  }
0x37: {  	[smem:$0x3F8A] =	sst s10  }
0x38: {  	s10 =	sld [smem:$0x3F8B]  }
0x39: {  	_ = 	snop;
	(pc) =	sbr.ind lr, $3  }
0x3a: {  	_ = 	snop  }
0x3b: {  	_ = 	snop  }
0x3c: {  	p2 =	seq.s32 s10, $0x1;
	s10 =	sld [smem:$0x3F8A]  }
0x3d: {  	_ =	shalt  }
0x3e: {  	_ =	shalt  }
0x3f: {  	_ =	shalt  }
0x40: {  	_ =	shalt  }
0x41: {  	_ =	shalt  }
0x42: {  	_ =	shalt  }
0x43: {  	_ =	shalt  }
0x44: {  	_ =	shalt  }
0x45: {  	_ =	shalt  }
0x46: {  	_ =	shalt  }
0x47: {  	_ =	shalt  }
0x48: {  	_ =	shalt  }
0x49: {  	_ =	shalt  }
0x4a: {  	_ =	shalt  }
0x4b: {  	_ =	shalt  }
0x4c: {  	_ =	shalt  }
0x4d: {  	_ =	shalt  }
0x4e: {  	_ =	shalt  }
0x4f: {  	_ =	shalt  }
0x50: {  	_ =	shalt  }
0x51: {  	_ =	shalt  }
0x52: {  	_ =	shalt  }
0x53: {  	_ =	shalt  }
0x54: {  	_ =	shalt  }
0x55: {  	_ =	shalt  }
0x56: {  	_ =	shalt  }
0x57: {  	_ =	shalt  }
0x58: {  	_ =	shalt  }
0x59: {  	_ =	shalt  }
0x5a: {  	_ =	shalt  }
0x5b: {  	_ =	shalt  }
0x5c: {  	_ =	shalt  }
0x5d: {  	_ =	shalt  }
0x5e: {  	_ =	shalt  }
0x5f: {  	_ =	shalt  }
0x60: {  	_ =	shalt  }
0x61: {  	_ =	shalt  }
0x62: {  	_ =	shalt  }
0x63: {  	_ =	shalt  }
0x64: {  	_ =	shalt  }
0x65: {  	_ =	shalt  }
0x66: {  	_ =	shalt  }
0x67: {  	_ =	shalt  }
0x68: {  	_ =	shalt  }
0x69: {  	_ =	shalt  }
0x6a: {  	_ =	shalt  }
0x6b: {  	_ =	shalt  }
0x6c: {  	_ =	shalt  }
0x6d: {  	_ =	shalt  }
0x6e: {  	_ =	shalt  }
0x6f: {  	_ =	shalt  }
0x70: {  	_ =	shalt  }
0x71: {  	_ =	shalt  }
0x72: {  	_ =	shalt  }
0x73: {  	_ =	shalt  }
0x74: {  	_ =	shalt  }
0x75: {  	_ =	shalt  }
0x76: {  	_ =	shalt  }
0x77: {  	_ =	shalt  }
0x78: {  	_ =	shalt  }
0x79: {  	_ =	shalt  }
0x7a: {  	_ =	shalt  }
0x7b: {  	_ =	shalt  }
0x7c: {  	_ =	shalt  }
0x7d: {  	_ =	shalt  }
0x7e: {  	_ =	shalt  }
0x7f: {  	_ =	shalt  }
0x80: {  	_ =	shalt  }
0x81: {  	_ =	shalt  }
0x82: {  	_ =	shalt  }
0x83: {  	_ =	shalt  }
0x84: {  	_ =	shalt  }
0x85: {  	_ =	shalt  }
0x86: {  	_ =	shalt  }
0x87: {  	_ =	shalt  }
.Lfunc_end0:
.L_simem_size_0:
called_computation.2_lowered:
.L_overlay_start_0:
0x88: {  	s2 =	sld [smem:$0x3FD9]  }
0x89: {  	s3 =	sld [smem:$0x3FFE];
	_ =	sdelay $0x1  }
0x8a: {  	s1 =	srdreg.scid  }
0x8b: {  	s0 =	sand.u32 $0x1, s1  }
0x8c: {  	s17 =	sshll.u32 s0, $0xA;
	s2 =	sadd.s32 s3, s2  }
0x8d: {  	s2 =	sadd.s32 s2, s17  }
0x8e: {  	[smem:$0x3F96] =	sst s2  }
0x8f: {  	_ = 	snop  }
0x90: {  	s2 =	sld [smem:$0x3FD0];
	(tm) =	ssettm $0x1  }
0x91: {  	s18 =	sld [smem:$0x3FFB];
	_ =	sdelay $0x3  }
0x92: {  	_ =	strace s18  }
0x93: {  	s3 =	sld [smem:$0x3FFC];
	_ =	sdelay $0x3  }
0x94: {  	_ =	strace s3  }
0x95: {  	s3 =	sld [smem:$0x3FFD];
	_ =	sdelay $0x3  }
0x96: {  	_ =	strace s3  }
0x97: {  	_ =	strace $0x8FFFFFFF  }
0x98: {  	s19 =	sld [smem:$0x3FDB];
	_ =	sdelay $0x1  }
0x99: {  	s4 =	simm.s32 $_scs_section_size  }
0x9a: {  	s5 =	simm.s32 $_size__tile_overlayer_lowered;
	s6 =	simm.s32 $_tile_overlayer_lowered  }
0x9b: {  	s22 =	simm.s32 $0x1BFF;
	s21 =	sshll.u32 s6, $0x1;
	s3 =	sadd.s32 s4, s19  }
0x9c: {  	s7 =	simm.s32 $0x0;
	s20 =	sshll.u32 s5, $0x1;
	s5 =	sadd.s32 s21, s3  }
0x9d: {  	[timem:s7], [sflag:s22] =	dma.local [hbm:s5], s20  }
0x9e: {  	_ =	swait.ge [sflag:s22], s20  }
0x9f: {  	s4 =	ssub.s32 $0x0, s20;
	[sflag:s22] =	ssyncset.done $0x0  }
0xa0: {  	[sflag:s22] =	ssyncadd.s32 s4;
	_ =	sdelay $0x1  }
0xa1: {  	s23 =	simm.s32 $0x1B8B  }
0xa2: {  	_ =	swait.ge [sflag:s23], $0x1  }
0xa3: {  	[sflag:s23] =	ssyncset.done $0x0  }
0xa4: {  	s25 =	simm.s32 $0x1B8E;
	s24 =	sld [smem:$0x3FFE];
	[sflag:s23] =	ssyncadd.s32 $0xFFFFFFFF  }
0xa5: {  	s26 =	simm.s32 $execute0_lowered;
	[smem:$0x3FD2] =	sst s25  }
0xa6: {  	s5 =	sshll.u32 s26, $0x1;
	_ =	strace $0x8000004C;
	[dreg:$0x1] =	wrdreg $0xFFFFFFFF  }
0xa7: {  	s28 =	simm.s32 $_size_execute0_lowered;
	s3 =	sadd.s32 s3, s5;
	[dreg:$0x0] =	wrdreg $0x0  }
0xa8: {  	s5 =	sshll.u32 s28, $0x1;
	[dreg:$0x2] =	wrdreg s3  }
0xa9: {  	[dreg:$0x3] =	wrdreg s5  }
0xaa: {  	[dreg:$0x4] =	wrdreg $0xC0  }
0xab: {  	_ =	task [dreg:s7], $0x5FFFF  }
0xac: {  	[dreg:$0x1] =	wrdreg $0xFFFFFFFF  }
0xad: {  	[dreg:$0x0] =	wrdreg $0x60  }
0xae: {  	[dreg:$0x2] =	wrdreg s24  }
0xaf: {  	[dreg:$0x3] =	wrdreg s2  }
0xb0: {  	[dreg:$0x4] =	wrdreg $0x0  }
0xb1: {  	[dreg:$0x5] =	wrdreg $0x9  }
0xb2: {  	_ =	task.clear_ibuf [dreg:s7], $0x6FFFF;
	_ =	strace $0x9000004C  }
0xb3: {  	s29 =	simm.s32 $0x9;
	_ =	strace $0x8000004E  }
0xb4: {  	_ =	swait.ge [sflag:s29], $0x1  }
0xb5: {  	[sflag:s29] =	ssyncadd.s32 $0xFFFFFFFF  }
0xb6: {  	_ =	strace $0x9000004E  }
0xb7: {  	_ =	sfence  }
0xb8: {  	s30 =	sld [smem:$0x0];
	_ =	sdelay $0x2  }
0xb9: {  	s31 =	sshll.u32 s1, $0xD;
	s1 =	sshrl.u32 s1, $0x2  }
0xba: {  	s3 =	sand.u32 $0x4000, s31;
	s1 =	sadd.s32 s1, s30  }
0xbb: {  	s0 =	sor.u32 s3, s0;
	s1 =	sshll.u32 s1, $0x11  }
0xbc: {  	s0 =	sor.u32 s1, s0  }
0xbd: {  	s0 =	sadd.s32 $0x8F2B, s0  }
0xbe: {  	[sflag:s0] =	ssyncadd.remote.s32 $0x1  }
0xbf: {  	_ =	sfence.sel $0xFFFF  }
0xc0: {  	[dreg:$0x0] =	wrdreg $0xFFFFFFFF;
	(pc) =	sbr.abs _section_cstart, $3  }
0xc1: {  	[dreg:$0x1] =	wrdreg $0xFFFFFFFF  }
0xc2: {  	_ =	task.clear_ibuf [dreg:s7], $0x2FFFF;
	_ =	strace $0x9FFFFFFF  }
0xc3: {  	(tm) =	ssettm $0x7FFFFFFF  }
tec
execute0_lowered:
.L_overlay_start_1:
0x0: {  	(tag) =	ssettag $0x1  }
0x1: {  	s0 =	rddreg [dreg:$0x0]  }
0x2: {  	s1 =	rddreg [dreg:$0x1]  }
0x3: {  	s2 =	rddreg [dreg:$0x2];
	s3 =	simm.s32 $0x0  }
0x4: {  	s4 =	srdreg.scid;
	s19 =	stileid.u32;
	s21 =	simm.s32 $0x2  }
0x5: {  	s22 =	simm.s32 $0x1D040;
	s28 =	simm.s32 $0x80;
	s29 =	simm.s32 $0x19040  }
0x6: {  	s30 =	simm.s32 $0x1;
	s31 =	simm.s32 $0x0;
	[smem:$0x7FF] =	sst s3  }
0x7: {  	s5 =	sadd.s32 $0x684A00, s0;
	s4 =	sand.u32 $0x1, s4;
	s9 =	smul.u32 $0x320, s19  }
0x8: {  	s6 =	sadd.s32 $0xA400, s0;
	s8 =	sadd.s32 $0x18000, s0;
	s10 =	smul.u32 $0x64000, s19  }
0x9: {  	s0 =	sadd.s32 $0x64800, s0;
	s19 =	sshll.u32 s19, $0x7;
	_ =	strace $0x8000004D  }
0xa: {  	s7 =	ssub.s32 $0x2, s4;
	[dreg:$0x4] =	wrdreg s8;
	s11 =	smul.u32 $0xC800, s4  }
0xb: {  	s12 =	sshll.u32 s4, $0x2;
	s8 =	sshll.u32 s4, $0x9;
	s4 =	sshllo.u32 s4, $0x2  }
0xc: {  	s23 =	sshrl.u32 s7, $0x1;
	s10 =	sshrl.u32 s10, $0x2;
	s13 =	sor.u32 $0x1, s12  }
0xd: {  	s15 =	sor.u32 $0x2, s12;
	s16 =	smul.u32 $0x3200, s4;
	s4 =	sshll.u32 s4, $0x9  }
0xe: {  	s7 =	ssub.s32 s7, s23;
	s10 =	sadd.s32 s10, s2;
	s14 =	smul.u32 $0x3200, s13  }
0xf: {  	s24 =	sadd.s32 s9, s11;
	s12 =	smul.u32 $0x3200, s15;
	s20 =	sshll.u32 s13, $0x9  }
0x10: {  	[dreg:$0x5] =	wrdreg s10;
	s11 =	sshll.u32 s24, $0x4;
	s24 =	sshll.u32 s15, $0x9  }
0x11: {  	s18 =	smax.u32 s7, $0x1;
	s23 =	sshrl.u32 s20, $0x2;
	s10 =	sadd.s32 s5, s11  }
0x12: {  	s11 =	sadd.s32 s0, s11;
	s25 =	sadd.s32 s9, s14;
	s26 =	sadd.s32 s9, s12  }
.Ltmp0:
0x13: {  	s9 =	sadd.s32 s9, s16;
	s24 =	sshrl.u32 s24, $0x2;
	(pc) =	sbr.rel .LBB2_1-.Ltmp0, $4  }
0x14: {  	[dreg:$0x6] =	wrdreg s10;
	s13 =	sshll.u32 s25, $0x4;
	s17 =	sshll.u32 s26, $0x4  }
0x15: {  	s9 =	sshll.u32 s9, $0x4;
	s25 =	sshrl.u32 s4, $0x2;
	s26 =	simm.s32 $0x1D0C0  }
0x16: {  	s12 =	sadd.s32 s5, s13;
	s13 =	sadd.s32 s0, s13;
	s14 =	sadd.s32 s5, s17  }
0x17: {  	s15 =	sadd.s32 s0, s17;
	s16 =	sadd.s32 s5, s9;
	s17 =	sadd.s32 s0, s9  }
.LBB2_20:
0x18: {  	s4 =	sadd.s32 s6, s9;
	[sflag:s21] =	ssyncadd.s32 @p0 $0xFFFFC000  }
0x19: {  	[tilespmem:s22], [sflag:$0x2] =	stream.linear.gather [hbm4b:s4+s3], $0x80, $0x38;
	[tilespmem:$0x1D940] =	vst v63  }
0x1a: {  	_ =	swait.ge [sflag:s21], $0x80  }
0x1b: {  	[sflag:s21] =	ssyncset.done $0x0  }
0x1c: {  	s10 =	sadd.s32 s1, s9;
	[sflag:s21] =	ssyncadd.s32 $0xFFFFFF80  }
0x1d: {  	[tilespmem:s26], [sflag:$0x2] =	stream.linear.gather [hbm4b:s10+s3], $0x80, $0x38;
	[tilespmem:$0x1D940] =	vst v63  }
0x1e: {  	_ =	swait.ge [sflag:s21], $0x80  }
0x1f: {  	[sflag:s21] =	ssyncset.done $0x0  }
0x20: {  	[sflag:s21] =	ssyncadd.s32 $0xFFFFFF80  }
0x21: {  	[tilespmem:s29], [sflag:$0x1] =	stream.indirect.gather [hbm4b:s5+s28], $0x80, s22, s28, $0xb8;
	[tilespmem:$0x1D940] =	vst v63  }
0x22: {  	_ =	swait.ge [sflag:s30], $0x4000  }
0x23: {  	[sflag:s30] =	ssyncset.done $0x0  }
0x24: {  	[sflag:s30] =	ssyncadd.s32 $0xFFFFC000  }
0x25: {  	[spmem:s2] =	stream.indirect.scatter.add.f32 [tilespmem:s29], [sflag:$0x2], $0x80, s26, s28, $0xb8;
	[tilespmem:$0x1D940] =	vst v63  }
0x26: {  	_ =	swait.ge [sflag:s21], $0x4000  }
0x27: {  	[sflag:s21] =	ssyncset.done $0x0  }
0x28: {  	[sflag:s21] =	ssyncadd.s32 $0xFFFFC000  }
.LBB2_21:
0x29: {  	[bflag:$0x0] =	sbarrier.arrive $0xFFFF;
	s31 =	sadd.s32 $0x1, s31  }
0x2a: {  	[hbm:s17], [sflag:s0] =	dma.local [spmem:s20], $0x3200  }
0x2b: {  	p0 =	sne.s32 s31, s18  }
.Ltmp1:
0x2c: {  	_ =	swait.ge [sflag:s21], $0x3200;
	(pc) =	sbr.rel @!p0 .LBB2_22-.Ltmp1, $3  }
0x2d: {  	[sflag:s21] =	ssyncset.done $0x0  }
0x2e: {  	[sflag:s21] =	ssyncadd.s32 $0xFFFFCE00  }
0x2f: {  	[bflag:$0x0] =	sbarrier.arrive $0xFFFF;
	_ =	sdelay $0x1  }
.LBB2_1:
0x30: {  	s0 =	rddreg [dreg:$0x4];
	s4 =	simm.s32 $0x1D140  }
0x31: {  	[tilespmem:s4], [sflag:$0x2] =	stream.linear.gather [hbm4b:s0+s3], $0x800, $0x38;
	[tilespmem:$0x1D940] =	vst v63  }
0x32: {  	_ =	swait.ge [sflag:s21], $0x800  }
0x33: {  	[sflag:s21] =	ssyncset.done $0x0  }
0x34: {  	[sflag:s21] =	ssyncadd.s32 $0xFFFFF800  }
0x35: {  	v0 =	vld [tilespmem:s8+$0x1D140]  }
0x36: {  	v1 =	vld [tilespmem:s8+$0x1D540];
	_ =	sdelay $0x3  }
0x37: {  	(v2sf) =	vpush v0, $0x0  }
0x38: {  	(v2sf) =	vpush v1, $0x0;
	_ =	sdelay $0xb  }
0x39: {  	s9 =	stileid.u32  }
0x3a: {  	s0 =	sshll.u32 s9, $0x6  }
0x3b: {  	s0 =	sor.u32 $0x1C02, s0;
	s9 =	rddreg [dreg:$0x5];
	s4 =	spop (v2sf)  }
0x3c: {  	s10 =	rddreg [dreg:$0x6];
	s20 =	sshrl.u32 s9, $0x3;
	s7 =	spop (v2sf)  }
0x3d: {  	[spmem:s20], [sflag:s0] =	dma.local [hbm:s10], $0x3200  }
0x3e: {  	p0 =	slt.s32 s7, $0x1  }
.Ltmp2:
0x3f: {  	_ =	swait.ge [sflag:s21], $0x3200;
	(pc) =	sbr.rel @p0 .LBB2_6-.Ltmp2, $3  }
0x40: {  	[sflag:s21] =	ssyncset.done $0x0  }
0x41: {  	[sflag:s21] =	ssyncadd.s32 $0xFFFFCE00  }
0x42: {  	[bflag:$0x0] =	sbarrier.arrive $0xFFFF;
	_ =	sdelay $0x1  }
0x43: {  	s9 =	smul.u32 s7, s19;
	p1 =	sne.s32 s7, $0x1  }
.Ltmp3:
0x44: {  	_ = 	snop;
	(pc) =	sbr.rel @!p1 .LBB2_5-.Ltmp3, $4  }
0x45: {  	_ = 	snop  }
0x46: {  	s4 =	sadd.s32 s9, s4  }
0x47: {  	s9 =	sshrl.u32 s4, $0x3  }
0x48: {  	s7 =	sadd.s32 $0xFFFFFFFF, s7;
	p0 =	por $0x0, $0x0;
	s9 =	sand.u32 $0x1FFFFFF0, s9  }
0x49: {  	s10 =	sadd.s32 s6, s9  }
0x4a: {  	[tilespmem:s22], [sflag:$0x2] =	stream.linear.gather [hbm4b:s10+s3], $0x80, $0x38;
	[tilespmem:$0x1D940] =	vst v63  }
0x4b: {  	_ =	swait.ge [sflag:s21], $0x80  }
0x4c: {  	[sflag:s21] =	ssyncset.done $0x0  }
0x4d: {  	s10 =	sadd.s32 s1, s9;
	[sflag:s21] =	ssyncadd.s32 $0xFFFFFF80  }
0x4e: {  	[tilespmem:s26], [sflag:$0x2] =	stream.linear.gather [hbm4b:s10+s3], $0x80, $0x38;
	[tilespmem:$0x1D940] =	vst v63  }
0x4f: {  	_ =	swait.ge [sflag:s21], $0x80  }
0x50: {  	[sflag:s21] =	ssyncset.done $0x0  }
0x51: {  	[sflag:s21] =	ssyncadd.s32 $0xFFFFFF80  }
0x52: {  	[tilespmem:s29], [sflag:$0x1] =	stream.indirect.gather [hbm4b:s5+s28], $0x80, s22, s28, $0xb8;
	[tilespmem:$0x1D940] =	vst v63  }
0x53: {  	p1 =	sne.s32 s7, $0x1;
	_ =	swait.ge [sflag:s30], $0x4000  }
.Ltmp4:
0x54: {  	[sflag:s30] =	ssyncset.done $0x0;
	(pc) =	sbr.rel @!p1 .LBB2_5-.Ltmp4, $4  }
0x55: {  	s4 =	sadd.s32 $0x80, s4;
	[sflag:s30] =	ssyncadd.s32 $0xFFFFC000  }
0x56: {  	[spmem:s2] =	stream.indirect.scatter.add.f32 [tilespmem:s29], [sflag:$0x2], $0x80, s26, s28, $0xb8;
	[tilespmem:$0x1D940] =	vst v63  }
0x57: {  	s7 =	sadd.s32 $0xFFFFFFFF, s7;
	s10 =	sshrl.u32 s4, $0x3;
	_ =	swait.ge [sflag:s21], $0x4000  }
0x58: {  	p0 =	por $0x1, $0x1;
	s9 =	sand.u32 $0x1FFFFFF0, s10;
	[sflag:s21] =	ssyncset.done $0x0  }
.LBB2_4:
0x59: {  	p1 =	sne.s32 s7, $0x1;
	s10 =	sadd.s32 s6, s9;
	[sflag:s21] =	ssyncadd.s32 $0xFFFFC000  }
0x5a: {  	[tilespmem:s22], [sflag:$0x2] =	stream.linear.gather [hbm4b:s10+s3], $0x80, $0x38;
	[tilespmem:$0x1D940] =	vst v63  }
0x5b: {  	s7 =	sadd.s32 $0xFFFFFFFF, s7;
	_ =	swait.ge [sflag:s21], $0x80  }
0x5c: {  	[sflag:s21] =	ssyncset.done $0x0  }
0x5d: {  	s9 =	sadd.s32 s1, s9;
	[sflag:s21] =	ssyncadd.s32 $0xFFFFFF80  }
0x5e: {  	[tilespmem:s26], [sflag:$0x2] =	stream.linear.gather [hbm4b:s9+s3], $0x80, $0x38;
	[tilespmem:$0x1D940] =	vst v63  }
0x5f: {  	_ =	swait.ge [sflag:s21], $0x80  }
0x60: {  	[sflag:s21] =	ssyncset.done $0x0  }
0x61: {  	[sflag:s21] =	ssyncadd.s32 $0xFFFFFF80  }
0x62: {  	[tilespmem:s29], [sflag:$0x1] =	stream.indirect.gather [hbm4b:s5+s28], $0x80, s22, s28, $0xb8;
	[tilespmem:$0x1D940] =	vst v63  }
0x63: {  	_ =	swait.ge [sflag:s30], $0x4000  }
.Ltmp5:
0x64: {  	[sflag:s30] =	ssyncset.done $0x0;
	(pc) =	sbr.rel @p1 .LBB2_4-.Ltmp5, $4  }
0x65: {  	s4 =	sadd.s32 $0x80, s4;
	[sflag:s30] =	ssyncadd.s32 $0xFFFFC000  }
0x66: {  	[spmem:s2] =	stream.indirect.scatter.add.f32 [tilespmem:s29], [sflag:$0x2], $0x80, s26, s28, $0xb8;
	[tilespmem:$0x1D940] =	vst v63  }
0x67: {  	s9 =	sshrl.u32 s4, $0x3;
	_ =	swait.ge [sflag:s21], $0x4000  }
0x68: {  	s9 =	sand.u32 $0x1FFFFFF0, s9;
	[sflag:s21] =	ssyncset.done $0x0  }
.LBB2_5:
0x69: {  	s4 =	sadd.s32 s6, s9;
	[sflag:s21] =	ssyncadd.s32 @p0 $0xFFFFC000  }
0x6a: {  	[tilespmem:s22], [sflag:$0x2] =	stream.linear.gather [hbm4b:s4+s3], $0x80, $0x38;
	[tilespmem:$0x1D940] =	vst v63  }
0x6b: {  	_ =	swait.ge [sflag:s21], $0x80  }
0x6c: {  	[sflag:s21] =	ssyncset.done $0x0  }
0x6d: {  	s10 =	sadd.s32 s1, s9;
	[sflag:s21] =	ssyncadd.s32 $0xFFFFFF80  }
0x6e: {  	[tilespmem:s26], [sflag:$0x2] =	stream.linear.gather [hbm4b:s10+s3], $0x80, $0x38;
	[tilespmem:$0x1D940] =	vst v63  }
0x6f: {  	_ =	swait.ge [sflag:s21], $0x80  }
0x70: {  	[sflag:s21] =	ssyncset.done $0x0  }
0x71: {  	[sflag:s21] =	ssyncadd.s32 $0xFFFFFF80  }
0x72: {  	[tilespmem:s29], [sflag:$0x1] =	stream.indirect.gather [hbm4b:s5+s28], $0x80, s22, s28, $0xb8;
	[tilespmem:$0x1D940] =	vst v63  }
0x73: {  	_ =	swait.ge [sflag:s30], $0x4000  }
0x74: {  	[sflag:s30] =	ssyncset.done $0x0  }
0x75: {  	[sflag:s30] =	ssyncadd.s32 $0xFFFFC000  }
0x76: {  	[spmem:s2] =	stream.indirect.scatter.add.f32 [tilespmem:s29], [sflag:$0x2], $0x80, s26, s28, $0xb8;
	[tilespmem:$0x1D940] =	vst v63  }
0x77: {  	_ =	swait.ge [sflag:s21], $0x4000  }
0x78: {  	[sflag:s21] =	ssyncset.done $0x0  }
0x79: {  	[sflag:s21] =	ssyncadd.s32 $0xFFFFC000  }
.LBB2_6:
0x7a: {  	[bflag:$0x0] =	sbarrier.arrive $0xFFFF  }
0x7b: {  	[hbm:s11], [sflag:s0] =	dma.local [spmem:s20], $0x3200  }
0x7c: {  	_ =	swait.ge [sflag:s21], $0x3200  }
0x7d: {  	[sflag:s21] =	ssyncset.done $0x0  }
0x7e: {  	[sflag:s21] =	ssyncadd.s32 $0xFFFFCE00  }
0x7f: {  	[bflag:$0x0] =	sbarrier.arrive $0xFFFF  }
0x80: {  	v0 =	vld [tilespmem:s23+$0x1D140]  }
0x81: {  	v1 =	vld [tilespmem:s8+$0x1D5C0];
	_ =	sdelay $0x3  }
0x82: {  	(v2sf) =	vpush v0, $0x0  }
0x83: {  	(v2sf) =	vpush v1, $0x0;
	_ =	sdelay $0xd  }
0x84: {  	s4 =	spop (v2sf)  }
0x85: {  	s7 =	spop (v2sf)  }
0x86: {  	[spmem:s20], [sflag:s0] =	dma.local [hbm:s12], $0x3200  }
0x87: {  	p0 =	slt.s32 s7, $0x1  }
.Ltmp6:
0x88: {  	_ =	swait.ge [sflag:s21], $0x3200;
	(pc) =	sbr.rel @p0 .LBB2_11-.Ltmp6, $3  }
0x89: {  	[sflag:s21] =	ssyncset.done $0x0  }
0x8a: {  	[sflag:s21] =	ssyncadd.s32 $0xFFFFCE00  }
0x8b: {  	[bflag:$0x0] =	sbarrier.arrive $0xFFFF;
	_ =	sdelay $0x1  }
0x8c: {  	s9 =	smul.u32 s7, s19;
	p1 =	sne.s32 s7, $0x1  }
.Ltmp7:
0x8d: {  	_ = 	snop;
	(pc) =	sbr.rel @!p1 .LBB2_10-.Ltmp7, $4  }
0x8e: {  	_ = 	snop  }
0x8f: {  	s4 =	sadd.s32 s9, s4  }
0x90: {  	s9 =	sshrl.u32 s4, $0x3  }
0x91: {  	s7 =	sadd.s32 $0xFFFFFFFF, s7;
	p0 =	por $0x0, $0x0;
	s9 =	sand.u32 $0x1FFFFFF0, s9  }
0x92: {  	s10 =	sadd.s32 s6, s9  }
0x93: {  	[tilespmem:s22], [sflag:$0x2] =	stream.linear.gather [hbm4b:s10+s3], $0x80, $0x38;
	[tilespmem:$0x1D940] =	vst v63  }
0x94: {  	_ =	swait.ge [sflag:s21], $0x80  }
0x95: {  	[sflag:s21] =	ssyncset.done $0x0  }
0x96: {  	s10 =	sadd.s32 s1, s9;
	[sflag:s21] =	ssyncadd.s32 $0xFFFFFF80  }
0x97: {  	[tilespmem:s26], [sflag:$0x2] =	stream.linear.gather [hbm4b:s10+s3], $0x80, $0x38;
	[tilespmem:$0x1D940] =	vst v63  }
0x98: {  	_ =	swait.ge [sflag:s21], $0x80  }
0x99: {  	[sflag:s21] =	ssyncset.done $0x0  }
0x9a: {  	[sflag:s21] =	ssyncadd.s32 $0xFFFFFF80  }
0x9b: {  	[tilespmem:s29], [sflag:$0x1] =	stream.indirect.gather [hbm4b:s5+s28], $0x80, s22, s28, $0xb8;
	[tilespmem:$0x1D940] =	vst v63  }
0x9c: {  	p1 =	sne.s32 s7, $0x1;
	_ =	swait.ge [sflag:s30], $0x4000  }
.Ltmp8:
0x9d: {  	[sflag:s30] =	ssyncset.done $0x0;
	(pc) =	sbr.rel @!p1 .LBB2_10-.Ltmp8, $4  }
0x9e: {  	s4 =	sadd.s32 $0x80, s4;
	[sflag:s30] =	ssyncadd.s32 $0xFFFFC000  }
0x9f: {  	[spmem:s2] =	stream.indirect.scatter.add.f32 [tilespmem:s29], [sflag:$0x2], $0x80, s26, s28, $0xb8;
	[tilespmem:$0x1D940] =	vst v63  }
0xa0: {  	s7 =	sadd.s32 $0xFFFFFFFF, s7;
	s10 =	sshrl.u32 s4, $0x3;
	_ =	swait.ge [sflag:s21], $0x4000  }
0xa1: {  	p0 =	por $0x1, $0x1;
	s9 =	sand.u32 $0x1FFFFFF0, s10;
	[sflag:s21] =	ssyncset.done $0x0  }
.LBB2_9:
0xa2: {  	p1 =	sne.s32 s7, $0x1;
	s10 =	sadd.s32 s6, s9;
	[sflag:s21] =	ssyncadd.s32 $0xFFFFC000  }
0xa3: {  	[tilespmem:s22], [sflag:$0x2] =	stream.linear.gather [hbm4b:s10+s3], $0x80, $0x38;
	[tilespmem:$0x1D940] =	vst v63  }
0xa4: {  	s7 =	sadd.s32 $0xFFFFFFFF, s7;
	_ =	swait.ge [sflag:s21], $0x80  }
0xa5: {  	[sflag:s21] =	ssyncset.done $0x0  }
0xa6: {  	s9 =	sadd.s32 s1, s9;
	[sflag:s21] =	ssyncadd.s32 $0xFFFFFF80  }
0xa7: {  	[tilespmem:s26], [sflag:$0x2] =	stream.linear.gather [hbm4b:s9+s3], $0x80, $0x38;
	[tilespmem:$0x1D940] =	vst v63  }
0xa8: {  	_ =	swait.ge [sflag:s21], $0x80  }
0xa9: {  	[sflag:s21] =	ssyncset.done $0x0  }
0xaa: {  	[sflag:s21] =	ssyncadd.s32 $0xFFFFFF80  }
0xab: {  	[tilespmem:s29], [sflag:$0x1] =	stream.indirect.gather [hbm4b:s5+s28], $0x80, s22, s28, $0xb8;
	[tilespmem:$0x1D940] =	vst v63  }
0xac: {  	_ =	swait.ge [sflag:s30], $0x4000  }
.Ltmp9:
0xad: {  	[sflag:s30] =	ssyncset.done $0x0;
	(pc) =	sbr.rel @p1 .LBB2_9-.Ltmp9, $4  }
0xae: {  	s4 =	sadd.s32 $0x80, s4;
	[sflag:s30] =	ssyncadd.s32 $0xFFFFC000  }
0xaf: {  	[spmem:s2] =	stream.indirect.scatter.add.f32 [tilespmem:s29], [sflag:$0x2], $0x80, s26, s28, $0xb8;
	[tilespmem:$0x1D940] =	vst v63  }
0xb0: {  	s9 =	sshrl.u32 s4, $0x3;
	_ =	swait.ge [sflag:s21], $0x4000  }
0xb1: {  	s9 =	sand.u32 $0x1FFFFFF0, s9;
	[sflag:s21] =	ssyncset.done $0x0  }
.LBB2_10:
0xb2: {  	s4 =	sadd.s32 s6, s9;
	[sflag:s21] =	ssyncadd.s32 @p0 $0xFFFFC000  }
0xb3: {  	[tilespmem:s22], [sflag:$0x2] =	stream.linear.gather [hbm4b:s4+s3], $0x80, $0x38;
	[tilespmem:$0x1D940] =	vst v63  }
0xb4: {  	_ =	swait.ge [sflag:s21], $0x80  }
0xb5: {  	[sflag:s21] =	ssyncset.done $0x0  }
0xb6: {  	s10 =	sadd.s32 s1, s9;
	[sflag:s21] =	ssyncadd.s32 $0xFFFFFF80  }
0xb7: {  	[tilespmem:s26], [sflag:$0x2] =	stream.linear.gather [hbm4b:s10+s3], $0x80, $0x38;
	[tilespmem:$0x1D940] =	vst v63  }
0xb8: {  	_ =	swait.ge [sflag:s21], $0x80  }
0xb9: {  	[sflag:s21] =	ssyncset.done $0x0  }
0xba: {  	[sflag:s21] =	ssyncadd.s32 $0xFFFFFF80  }
0xbb: {  	[tilespmem:s29], [sflag:$0x1] =	stream.indirect.gather [hbm4b:s5+s28], $0x80, s22, s28, $0xb8;
	[tilespmem:$0x1D940] =	vst v63  }
0xbc: {  	_ =	swait.ge [sflag:s30], $0x4000  }
0xbd: {  	[sflag:s30] =	ssyncset.done $0x0  }
0xbe: {  	[sflag:s30] =	ssyncadd.s32 $0xFFFFC000  }
0xbf: {  	[spmem:s2] =	stream.indirect.scatter.add.f32 [tilespmem:s29], [sflag:$0x2], $0x80, s26, s28, $0xb8;
	[tilespmem:$0x1D940] =	vst v63  }
0xc0: {  	_ =	swait.ge [sflag:s21], $0x4000  }
0xc1: {  	[sflag:s21] =	ssyncset.done $0x0  }
0xc2: {  	[sflag:s21] =	ssyncadd.s32 $0xFFFFC000  }
.LBB2_11:
0xc3: {  	[bflag:$0x0] =	sbarrier.arrive $0xFFFF  }
0xc4: {  	[hbm:s13], [sflag:s0] =	dma.local [spmem:s20], $0x3200  }
0xc5: {  	_ =	swait.ge [sflag:s21], $0x3200  }
0xc6: {  	[sflag:s21] =	ssyncset.done $0x0  }
0xc7: {  	[sflag:s21] =	ssyncadd.s32 $0xFFFFCE00  }
0xc8: {  	[bflag:$0x0] =	sbarrier.arrive $0xFFFF  }
0xc9: {  	v0 =	vld [tilespmem:s24+$0x1D140]  }
0xca: {  	v1 =	vld [tilespmem:s8+$0x1D640];
	_ =	sdelay $0x3  }
0xcb: {  	(v2sf) =	vpush v0, $0x0  }
0xcc: {  	(v2sf) =	vpush v1, $0x0;
	_ =	sdelay $0xd  }
0xcd: {  	s4 =	spop (v2sf)  }
0xce: {  	s7 =	spop (v2sf)  }
0xcf: {  	[spmem:s20], [sflag:s0] =	dma.local [hbm:s14], $0x3200  }
0xd0: {  	p0 =	slt.s32 s7, $0x1  }
.Ltmp10:
0xd1: {  	_ =	swait.ge [sflag:s21], $0x3200;
	(pc) =	sbr.rel @p0 .LBB2_16-.Ltmp10, $3  }
0xd2: {  	[sflag:s21] =	ssyncset.done $0x0  }
0xd3: {  	[sflag:s21] =	ssyncadd.s32 $0xFFFFCE00  }
0xd4: {  	[bflag:$0x0] =	sbarrier.arrive $0xFFFF;
	_ =	sdelay $0x1  }
0xd5: {  	s9 =	smul.u32 s7, s19;
	p1 =	sne.s32 s7, $0x1  }
.Ltmp11:
0xd6: {  	_ = 	snop;
	(pc) =	sbr.rel @!p1 .LBB2_15-.Ltmp11, $4  }
0xd7: {  	_ = 	snop  }
0xd8: {  	s4 =	sadd.s32 s9, s4  }
0xd9: {  	s9 =	sshrl.u32 s4, $0x3  }
0xda: {  	s7 =	sadd.s32 $0xFFFFFFFF, s7;
	p0 =	por $0x0, $0x0;
	s9 =	sand.u32 $0x1FFFFFF0, s9  }
0xdb: {  	s10 =	sadd.s32 s6, s9  }
0xdc: {  	[tilespmem:s22], [sflag:$0x2] =	stream.linear.gather [hbm4b:s10+s3], $0x80, $0x38;
	[tilespmem:$0x1D940] =	vst v63  }
0xdd: {  	_ =	swait.ge [sflag:s21], $0x80  }
0xde: {  	[sflag:s21] =	ssyncset.done $0x0  }
0xdf: {  	s10 =	sadd.s32 s1, s9;
	[sflag:s21] =	ssyncadd.s32 $0xFFFFFF80  }
0xe0: {  	[tilespmem:s26], [sflag:$0x2] =	stream.linear.gather [hbm4b:s10+s3], $0x80, $0x38;
	[tilespmem:$0x1D940] =	vst v63  }
0xe1: {  	_ =	swait.ge [sflag:s21], $0x80  }
0xe2: {  	[sflag:s21] =	ssyncset.done $0x0  }
0xe3: {  	[sflag:s21] =	ssyncadd.s32 $0xFFFFFF80  }
0xe4: {  	[tilespmem:s29], [sflag:$0x1] =	stream.indirect.gather [hbm4b:s5+s28], $0x80, s22, s28, $0xb8;
	[tilespmem:$0x1D940] =	vst v63  }
0xe5: {  	p1 =	sne.s32 s7, $0x1;
	_ =	swait.ge [sflag:s30], $0x4000  }
.Ltmp12:
0xe6: {  	[sflag:s30] =	ssyncset.done $0x0;
	(pc) =	sbr.rel @!p1 .LBB2_15-.Ltmp12, $4  }
0xe7: {  	s4 =	sadd.s32 $0x80, s4;
	[sflag:s30] =	ssyncadd.s32 $0xFFFFC000  }
0xe8: {  	[spmem:s2] =	stream.indirect.scatter.add.f32 [tilespmem:s29], [sflag:$0x2], $0x80, s26, s28, $0xb8;
	[tilespmem:$0x1D940] =	vst v63  }
0xe9: {  	s7 =	sadd.s32 $0xFFFFFFFF, s7;
	s10 =	sshrl.u32 s4, $0x3;
	_ =	swait.ge [sflag:s21], $0x4000  }
0xea: {  	p0 =	por $0x1, $0x1;
	s9 =	sand.u32 $0x1FFFFFF0, s10;
	[sflag:s21] =	ssyncset.done $0x0  }
.LBB2_14:
0xeb: {  	p1 =	sne.s32 s7, $0x1;
	s10 =	sadd.s32 s6, s9;
	[sflag:s21] =	ssyncadd.s32 $0xFFFFC000  }
0xec: {  	[tilespmem:s22], [sflag:$0x2] =	stream.linear.gather [hbm4b:s10+s3], $0x80, $0x38;
	[tilespmem:$0x1D940] =	vst v63  }
0xed: {  	s7 =	sadd.s32 $0xFFFFFFFF, s7;
	_ =	swait.ge [sflag:s21], $0x80  }
0xee: {  	[sflag:s21] =	ssyncset.done $0x0  }
0xef: {  	s9 =	sadd.s32 s1, s9;
	[sflag:s21] =	ssyncadd.s32 $0xFFFFFF80  }
0xf0: {  	[tilespmem:s26], [sflag:$0x2] =	stream.linear.gather [hbm4b:s9+s3], $0x80, $0x38;
	[tilespmem:$0x1D940] =	vst v63  }
0xf1: {  	_ =	swait.ge [sflag:s21], $0x80  }
0xf2: {  	[sflag:s21] =	ssyncset.done $0x0  }
0xf3: {  	[sflag:s21] =	ssyncadd.s32 $0xFFFFFF80  }
0xf4: {  	[tilespmem:s29], [sflag:$0x1] =	stream.indirect.gather [hbm4b:s5+s28], $0x80, s22, s28, $0xb8;
	[tilespmem:$0x1D940] =	vst v63  }
0xf5: {  	_ =	swait.ge [sflag:s30], $0x4000  }
.Ltmp13:
0xf6: {  	[sflag:s30] =	ssyncset.done $0x0;
	(pc) =	sbr.rel @p1 .LBB2_14-.Ltmp13, $4  }
0xf7: {  	s4 =	sadd.s32 $0x80, s4;
	[sflag:s30] =	ssyncadd.s32 $0xFFFFC000  }
0xf8: {  	[spmem:s2] =	stream.indirect.scatter.add.f32 [tilespmem:s29], [sflag:$0x2], $0x80, s26, s28, $0xb8;
	[tilespmem:$0x1D940] =	vst v63  }
0xf9: {  	s9 =	sshrl.u32 s4, $0x3;
	_ =	swait.ge [sflag:s21], $0x4000  }
0xfa: {  	s9 =	sand.u32 $0x1FFFFFF0, s9;
	[sflag:s21] =	ssyncset.done $0x0  }
.LBB2_15:
0xfb: {  	s4 =	sadd.s32 s6, s9;
	[sflag:s21] =	ssyncadd.s32 @p0 $0xFFFFC000  }
0xfc: {  	[tilespmem:s22], [sflag:$0x2] =	stream.linear.gather [hbm4b:s4+s3], $0x80, $0x38;
	[tilespmem:$0x1D940] =	vst v63  }
0xfd: {  	_ =	swait.ge [sflag:s21], $0x80  }
0xfe: {  	[sflag:s21] =	ssyncset.done $0x0  }
0xff: {  	s10 =	sadd.s32 s1, s9;
	[sflag:s21] =	ssyncadd.s32 $0xFFFFFF80  }
0x100: {  	[tilespmem:s26], [sflag:$0x2] =	stream.linear.gather [hbm4b:s10+s3], $0x80, $0x38;
	[tilespmem:$0x1D940] =	vst v63  }
0x101: {  	_ =	swait.ge [sflag:s21], $0x80  }
0x102: {  	[sflag:s21] =	ssyncset.done $0x0  }
0x103: {  	[sflag:s21] =	ssyncadd.s32 $0xFFFFFF80  }
0x104: {  	[tilespmem:s29], [sflag:$0x1] =	stream.indirect.gather [hbm4b:s5+s28], $0x80, s22, s28, $0xb8;
	[tilespmem:$0x1D940] =	vst v63  }
0x105: {  	_ =	swait.ge [sflag:s30], $0x4000  }
0x106: {  	[sflag:s30] =	ssyncset.done $0x0  }
0x107: {  	[sflag:s30] =	ssyncadd.s32 $0xFFFFC000  }
0x108: {  	[spmem:s2] =	stream.indirect.scatter.add.f32 [tilespmem:s29], [sflag:$0x2], $0x80, s26, s28, $0xb8;
	[tilespmem:$0x1D940] =	vst v63  }
0x109: {  	_ =	swait.ge [sflag:s21], $0x4000  }
0x10a: {  	[sflag:s21] =	ssyncset.done $0x0  }
0x10b: {  	[sflag:s21] =	ssyncadd.s32 $0xFFFFC000  }
.LBB2_16:
0x10c: {  	[bflag:$0x0] =	sbarrier.arrive $0xFFFF  }
0x10d: {  	[hbm:s15], [sflag:s0] =	dma.local [spmem:s20], $0x3200  }
0x10e: {  	_ =	swait.ge [sflag:s21], $0x3200  }
0x10f: {  	[sflag:s21] =	ssyncset.done $0x0  }
0x110: {  	[sflag:s21] =	ssyncadd.s32 $0xFFFFCE00  }
0x111: {  	[bflag:$0x0] =	sbarrier.arrive $0xFFFF  }
0x112: {  	v0 =	vld [tilespmem:s25+$0x1D140]  }
0x113: {  	v1 =	vld [tilespmem:s8+$0x1D6C0];
	_ =	sdelay $0x3  }
0x114: {  	(v2sf) =	vpush v0, $0x0  }
0x115: {  	(v2sf) =	vpush v1, $0x0;
	_ =	sdelay $0xd  }
0x116: {  	s4 =	spop (v2sf)  }
0x117: {  	s7 =	spop (v2sf)  }
0x118: {  	[spmem:s20], [sflag:s0] =	dma.local [hbm:s16], $0x3200  }
0x119: {  	p0 =	slt.s32 s7, $0x1  }
.Ltmp14:
0x11a: {  	_ =	swait.ge [sflag:s21], $0x3200;
	(pc) =	sbr.rel @p0 .LBB2_21-.Ltmp14, $3  }
0x11b: {  	[sflag:s21] =	ssyncset.done $0x0  }
0x11c: {  	[sflag:s21] =	ssyncadd.s32 $0xFFFFCE00  }
0x11d: {  	[bflag:$0x0] =	sbarrier.arrive $0xFFFF;
	_ =	sdelay $0x1  }
0x11e: {  	s9 =	smul.u32 s7, s19;
	p1 =	sne.s32 s7, $0x1  }
.Ltmp15:
0x11f: {  	_ = 	snop;
	(pc) =	sbr.rel @!p1 .LBB2_20-.Ltmp15, $4  }
0x120: {  	_ = 	snop  }
0x121: {  	s4 =	sadd.s32 s9, s4  }
0x122: {  	s9 =	sshrl.u32 s4, $0x3  }
0x123: {  	s7 =	sadd.s32 $0xFFFFFFFF, s7;
	p0 =	por $0x0, $0x0;
	s9 =	sand.u32 $0x1FFFFFF0, s9  }
0x124: {  	s10 =	sadd.s32 s6, s9  }
0x125: {  	[tilespmem:s22], [sflag:$0x2] =	stream.linear.gather [hbm4b:s10+s3], $0x80, $0x38;
	[tilespmem:$0x1D940] =	vst v63  }
0x126: {  	_ =	swait.ge [sflag:s21], $0x80  }
0x127: {  	[sflag:s21] =	ssyncset.done $0x0  }
0x128: {  	s10 =	sadd.s32 s1, s9;
	[sflag:s21] =	ssyncadd.s32 $0xFFFFFF80  }
0x129: {  	[tilespmem:s26], [sflag:$0x2] =	stream.linear.gather [hbm4b:s10+s3], $0x80, $0x38;
	[tilespmem:$0x1D940] =	vst v63  }
0x12a: {  	_ =	swait.ge [sflag:s21], $0x80  }
0x12b: {  	[sflag:s21] =	ssyncset.done $0x0  }
0x12c: {  	[sflag:s21] =	ssyncadd.s32 $0xFFFFFF80  }
0x12d: {  	[tilespmem:s29], [sflag:$0x1] =	stream.indirect.gather [hbm4b:s5+s28], $0x80, s22, s28, $0xb8;
	[tilespmem:$0x1D940] =	vst v63  }
0x12e: {  	p1 =	sne.s32 s7, $0x1;
	_ =	swait.ge [sflag:s30], $0x4000  }
.Ltmp16:
0x12f: {  	[sflag:s30] =	ssyncset.done $0x0;
	(pc) =	sbr.rel @!p1 .LBB2_20-.Ltmp16, $4  }
0x130: {  	s4 =	sadd.s32 $0x80, s4;
	[sflag:s30] =	ssyncadd.s32 $0xFFFFC000  }
0x131: {  	[spmem:s2] =	stream.indirect.scatter.add.f32 [tilespmem:s29], [sflag:$0x2], $0x80, s26, s28, $0xb8;
	[tilespmem:$0x1D940] =	vst v63  }
0x132: {  	s7 =	sadd.s32 $0xFFFFFFFF, s7;
	s10 =	sshrl.u32 s4, $0x3;
	_ =	swait.ge [sflag:s21], $0x4000  }
0x133: {  	p0 =	por $0x1, $0x1;
	s9 =	sand.u32 $0x1FFFFFF0, s10;
	[sflag:s21] =	ssyncset.done $0x0  }
.LBB2_19:
0x134: {  	p1 =	sne.s32 s7, $0x1;
	s10 =	sadd.s32 s6, s9;
	[sflag:s21] =	ssyncadd.s32 $0xFFFFC000  }
0x135: {  	[tilespmem:s22], [sflag:$0x2] =	stream.linear.gather [hbm4b:s10+s3], $0x80, $0x38;
	[tilespmem:$0x1D940] =	vst v63  }
0x136: {  	s7 =	sadd.s32 $0xFFFFFFFF, s7;
	_ =	swait.ge [sflag:s21], $0x80  }
0x137: {  	[sflag:s21] =	ssyncset.done $0x0  }
0x138: {  	s9 =	sadd.s32 s1, s9;
	[sflag:s21] =	ssyncadd.s32 $0xFFFFFF80  }
0x139: {  	[tilespmem:s26], [sflag:$0x2] =	stream.linear.gather [hbm4b:s9+s3], $0x80, $0x38;
	[tilespmem:$0x1D940] =	vst v63  }
0x13a: {  	_ =	swait.ge [sflag:s21], $0x80  }
0x13b: {  	[sflag:s21] =	ssyncset.done $0x0  }
0x13c: {  	[sflag:s21] =	ssyncadd.s32 $0xFFFFFF80  }
0x13d: {  	[tilespmem:s29], [sflag:$0x1] =	stream.indirect.gather [hbm4b:s5+s28], $0x80, s22, s28, $0xb8;
	[tilespmem:$0x1D940] =	vst v63  }
0x13e: {  	_ =	swait.ge [sflag:s30], $0x4000  }
.Ltmp17:
0x13f: {  	[sflag:s30] =	ssyncset.done $0x0;
	(pc) =	sbr.rel @p1 .LBB2_19-.Ltmp17, $4  }
0x140: {  	s4 =	sadd.s32 $0x80, s4;
	[sflag:s30] =	ssyncadd.s32 $0xFFFFC000  }
0x141: {  	[spmem:s2] =	stream.indirect.scatter.add.f32 [tilespmem:s29], [sflag:$0x2], $0x80, s26, s28, $0xb8;
	[tilespmem:$0x1D940] =	vst v63  }
0x142: {  	s9 =	sshrl.u32 s4, $0x3;
	_ =	swait.ge [sflag:s21], $0x4000  }
0x143: {  	s9 =	sand.u32 $0x1FFFFFF0, s9;
	[sflag:s21] =	ssyncset.done $0x0  }
.Ltmp18:
0x144: {  	_ = 	snop;
	(pc) =	sbr.rel .LBB2_20-.Ltmp18, $1  }
0x145: {  	_ =	sdelay $0x3  }
.LBB2_22:
0x146: {  	_ =	sfence.sel $0x180000  }
0x147: {  	[bflag:$0x0] =	sbarrier.arrive $0xFFFF  }
0x148: {  	_ =	strace $0x9000004D  }
0x149: {  	s0 =	stileid.u32;
	[bflag:$0x2] =	sbarrier.arrive $0xFFFF  }
0x14a: {  	p0 =	sne.s32 s0, $0x0;
	s0 =	rddreg [dreg:$0x3]  }
0x14b: {  	s0 =	sadd.s32 @!p0 $0x100000, s0  }
0x14c: {  	[sflag:s0] =	ssyncadd.tile.s32 @!p0 $0x1;
	_ =	shalt  }
.Lfunc_end2:
_tile_overlayer_lowered:
.L_overlay_start_2:
0x14d: {  	(tag) =	ssettag $0x2  }
0x14e: {  	s0 =	rddreg [dreg:$0x0];
	s2 =	stileid.u32  }
0x14f: {  	s1 =	rddreg [dreg:$0x1];
	p0 =	sne.s32 s2, $0x0  }
0x150: {  	s3 =	rddreg [dreg:$0x2];
	[bflag:$0x3] =	sbarrier.arrive $0xFFFF;
	s2 =	simm.s32 @!p0 $0x1C02  }
0x151: {  	[timem:s3], [sflag:s2] =	dma.local @!p0 [hbm:s0], s1  }
0x152: {  	s0 =	simm.s32 @!p0 $0x2  }
0x153: {  	_ =	swait.ge @!p0 [sflag:s0], s1  }
0x154: {  	s1 =	ssub.s32 @!p0 $0x0, s1;
	[sflag:s0] =	ssyncset.done @!p0 $0x0  }
0x155: {  	[sflag:s0] =	ssyncadd.s32 @!p0 s1  }
0x156: {  	[bflag:$0x3] =	sbarrier.arrive $0xFFFF  }
0x157: {  	_ =	shalt  }

// kernel: kernel.18.cloned.1.call-start
scs
__scs_entry_jumppad:
0x0: {  	(pc) =	sbr.rel $0x88, $3  }
0x1: {  	(tag) =	ssettag $0x0;
	lr =	simm.s32 $0x1  }
0x2: {  	[smem:$0x3F6F] =	sst lr;
	_ =	strace $0xD0000000  }
0x3: {  	_ = 	snop  }
0x4: {  	_ = 	snop  }
0x5: {  	_ = 	snop  }
0x6: {  	_ = 	snop  }
0x7: {  	_ = 	snop  }
__scs_overlays_trampoline_lowered:
0x8: {  	[smem:$0x3F7E] =	sst s0  }
0x9: {  	[smem:$0x3F7F] =	sst s1  }
0xa: {  	[smem:$0x3F80] =	sst s2  }
0xb: {  	[smem:$0x3F81] =	sst s3  }
0xc: {  	[smem:$0x3F82] =	sst s4  }
0xd: {  	[smem:$0x3F83] =	sst s5  }
0xe: {  	[smem:$0x3F84] =	sst s6  }
0xf: {  	[smem:$0x3F85] =	sst s7  }
0x10: {  	[smem:$0x3F86] =	sst s8  }
0x11: {  	[smem:$0x3F87] =	sst s9;
	s0 =	simm.s32 @!p0 $0x0  }
0x12: {  	s1 =	sld [smem:$0x3F6D];
	s0 =	simm.s32 @p0 $0x1  }
0x13: {  	[smem:$0x3F88] =	sst s0;
	s0 =	simm.s32 @!p1 $0x0  }
0x14: {  	s2 =	sld [smem:$0x3F6C];
	s0 =	simm.s32 @p1 $0x1  }
0x15: {  	[smem:$0x3F89] =	sst s0;
	s0 =	simm.s32 @!p2 $0x0  }
0x16: {  	s3 =	sld [smem:$0x3FDB];
	s0 =	simm.s32 @p2 $0x1  }
0x17: {  	s4 =	simm.s32 $0x1BF5;
	[smem:$0x3F8B] =	sst s0  }
0x18: {  	s0 =	sld [smem:$0x3F6E];
	_ =	swait.ge [sflag:s4], $0x0  }
0x19: {  	s7 =	sld [smem:$0x3F6F]  }
0x1a: {  	s8 =	sadd.s32 $0xFFFFE003, lr  }
0x1b: {  	s9 =	sadd.s32 $0xFFFFFEF7, lr;
	s5 =	simm.s32 $0xFFFFFFFF;
	p2 =	slt.u32 s8, $0xFFFFF086  }
0x1c: {  	p1 =	slt.u32 s9, $0xF7A;
	s5 =	simm.s32 @!p2 $0x0  }
0x1d: {  	s5 =	simm.s32 @p1 $0x1;
	p0 =	seq.s32 s7, s2  }
0x1e: {  	s7 =	smul.u32 @!p0 $0xF7A, s2;
	p2 =	seq.s32 @!p0 s5, $0x0  }
0x1f: {  	s9 =	smul.u32 $0xF7A, s1;
	s8 =	simm.s32 @!p0 $0x1BF5;
	p2 =	por !p2, p0  }
0x20: {  	[sflag:s8] =	ssyncset.s32 @!p0 $0xFFFFF086;
	s6 =	sadd.s32 @!p0 s3, s7;
	s7 =	simm.s32 @!p0 $0x108  }
0x21: {  	s3 =	sadd.s32 s3, s9;
	s6 =	sadd.s32 @!p0 $0x88, s6;
	s7 =	simm.s32 @p2 $0x1082  }
0x22: {  	[simem:s7], [sflag:s8] =	dma.local @!p0 [hbm:s6], $0xF7A  }
0x23: {  	s9 =	sor.u32 $0xD0000000, s2;
	s6 =	simm.s32 $0x108;
	_ =	swait.ge @!p0 [sflag:s8], $0x0  }
0x24: {  	s3 =	sadd.s32 $0x88, s3;
	s6 =	simm.s32 @!p1 $0x1082;
	[sflag:s4] =	ssyncset.s32 $0xFFFFF086  }
0x25: {  	[simem:s6], [sflag:s4] =	dma.local [hbm:s3], $0xF7A  }
0x26: {  	[smem:$0x3F6F] =	sst s1;
	(tag) =	ssettag s2;
	_ =	strace s9  }
0x27: {  	s1 =	sld [smem:$0x3F7F]  }
0x28: {  	s2 =	sld [smem:$0x3F80]  }
0x29: {  	s4 =	sld [smem:$0x3F82]  }
0x2a: {  	p0 =	seq.s32 s5, $0x0;
	s5 =	sld [smem:$0x3F83]  }
0x2b: {  	s6 =	sld [smem:$0x3F84]  }
0x2c: {  	s7 =	sld [smem:$0x3F85]  }
0x2d: {  	s3 =	simm.s32 $0x108;
	s8 =	sld [smem:$0x3F86]  }
0x2e: {  	s3 =	simm.s32 @!p0 $0x1082;
	s9 =	sld [smem:$0x3F87]  }
0x2f: {  	lr =	sadd.s32 s0, s3;
	s0 =	sld [smem:$0x3F7E]  }
0x30: {  	s3 =	sld [smem:$0x3F81]  }
0x31: {  	[smem:$0x3F8A] =	sst s10  }
0x32: {  	s10 =	sld [smem:$0x3F88];
	_ =	sdelay $0x3  }
0x33: {  	p0 =	seq.s32 s10, $0x1;
	s10 =	sld [smem:$0x3F8A];
	_ =	sdelay $0x3  }
0x34: {  	[smem:$0x3F8A] =	sst s10  }
0x35: {  	s10 =	sld [smem:$0x3F89];
	_ =	sdelay $0x3  }
0x36: {  	p1 =	seq.s32 s10, $0x1;
	s10 =	sld [smem:$0x3F8A];
	_ =	sdelay $0x3  }
0x37: {  	[smem:$0x3F8A] =	sst s10  }
0x38: {  	s10 =	sld [smem:$0x3F8B]  }
0x39: {  	_ = 	snop;
	(pc) =	sbr.ind lr, $3  }
0x3a: {  	_ = 	snop  }
0x3b: {  	_ = 	snop  }
0x3c: {  	p2 =	seq.s32 s10, $0x1;
	s10 =	sld [smem:$0x3F8A]  }
0x3d: {  	_ =	shalt  }
0x3e: {  	_ =	shalt  }
0x3f: {  	_ =	shalt  }
0x40: {  	_ =	shalt  }
0x41: {  	_ =	shalt  }
0x42: {  	_ =	shalt  }
0x43: {  	_ =	shalt  }
0x44: {  	_ =	shalt  }
0x45: {  	_ =	shalt  }
0x46: {  	_ =	shalt  }
0x47: {  	_ =	shalt  }
0x48: {  	_ =	shalt  }
0x49: {  	_ =	shalt  }
0x4a: {  	_ =	shalt  }
0x4b: {  	_ =	shalt  }
0x4c: {  	_ =	shalt  }
0x4d: {  	_ =	shalt  }
0x4e: {  	_ =	shalt  }
0x4f: {  	_ =	shalt  }
0x50: {  	_ =	shalt  }
0x51: {  	_ =	shalt  }
0x52: {  	_ =	shalt  }
0x53: {  	_ =	shalt  }
0x54: {  	_ =	shalt  }
0x55: {  	_ =	shalt  }
0x56: {  	_ =	shalt  }
0x57: {  	_ =	shalt  }
0x58: {  	_ =	shalt  }
0x59: {  	_ =	shalt  }
0x5a: {  	_ =	shalt  }
0x5b: {  	_ =	shalt  }
0x5c: {  	_ =	shalt  }
0x5d: {  	_ =	shalt  }
0x5e: {  	_ =	shalt  }
0x5f: {  	_ =	shalt  }
0x60: {  	_ =	shalt  }
0x61: {  	_ =	shalt  }
0x62: {  	_ =	shalt  }
0x63: {  	_ =	shalt  }
0x64: {  	_ =	shalt  }
0x65: {  	_ =	shalt  }
0x66: {  	_ =	shalt  }
0x67: {  	_ =	shalt  }
0x68: {  	_ =	shalt  }
0x69: {  	_ =	shalt  }
0x6a: {  	_ =	shalt  }
0x6b: {  	_ =	shalt  }
0x6c: {  	_ =	shalt  }
0x6d: {  	_ =	shalt  }
0x6e: {  	_ =	shalt  }
0x6f: {  	_ =	shalt  }
0x70: {  	_ =	shalt  }
0x71: {  	_ =	shalt  }
0x72: {  	_ =	shalt  }
0x73: {  	_ =	shalt  }
0x74: {  	_ =	shalt  }
0x75: {  	_ =	shalt  }
0x76: {  	_ =	shalt  }
0x77: {  	_ =	shalt  }
0x78: {  	_ =	shalt  }
0x79: {  	_ =	shalt  }
0x7a: {  	_ =	shalt  }
0x7b: {  	_ =	shalt  }
0x7c: {  	_ =	shalt  }
0x7d: {  	_ =	shalt  }
0x7e: {  	_ =	shalt  }
0x7f: {  	_ =	shalt  }
0x80: {  	_ =	shalt  }
0x81: {  	_ =	shalt  }
0x82: {  	_ =	shalt  }
0x83: {  	_ =	shalt  }
0x84: {  	_ =	shalt  }
0x85: {  	_ =	shalt  }
0x86: {  	_ =	shalt  }
0x87: {  	_ =	shalt  }
.Lfunc_end0:
.L_simem_size_0:
called_computation.3_lowered:
.L_overlay_start_0:
0x88: {  	s2 =	sld [smem:$0x3FD9]  }
0x89: {  	s3 =	sld [smem:$0x3FFE];
	_ =	sdelay $0x1  }
0x8a: {  	s1 =	srdreg.scid  }
0x8b: {  	s0 =	sand.u32 $0x1, s1  }
0x8c: {  	s17 =	sshll.u32 s0, $0xA;
	s2 =	sadd.s32 s3, s2  }
0x8d: {  	s2 =	sadd.s32 s2, s17  }
0x8e: {  	[smem:$0x3F96] =	sst s2  }
0x8f: {  	_ = 	snop  }
0x90: {  	s2 =	sld [smem:$0x3FD0];
	(tm) =	ssettm $0x1  }
0x91: {  	s18 =	sld [smem:$0x3FFB];
	_ =	sdelay $0x3  }
0x92: {  	_ =	strace s18  }
0x93: {  	s3 =	sld [smem:$0x3FFC];
	_ =	sdelay $0x3  }
0x94: {  	_ =	strace s3  }
0x95: {  	s3 =	sld [smem:$0x3FFD];
	_ =	sdelay $0x3  }
0x96: {  	_ =	strace s3  }
0x97: {  	_ =	strace $0x8FFFFFFF  }
0x98: {  	s19 =	sld [smem:$0x3FDB];
	_ =	sdelay $0x1  }
0x99: {  	s4 =	simm.s32 $_scs_section_size  }
0x9a: {  	s5 =	simm.s32 $_size__tile_overlayer_lowered;
	s6 =	simm.s32 $_tile_overlayer_lowered  }
0x9b: {  	s22 =	simm.s32 $0x1BFF;
	s21 =	sshll.u32 s6, $0x1;
	s3 =	sadd.s32 s4, s19  }
0x9c: {  	s7 =	simm.s32 $0x0;
	s20 =	sshll.u32 s5, $0x1;
	s5 =	sadd.s32 s21, s3  }
0x9d: {  	[timem:s7], [sflag:s22] =	dma.local [hbm:s5], s20  }
0x9e: {  	_ =	swait.ge [sflag:s22], s20  }
0x9f: {  	s4 =	ssub.s32 $0x0, s20;
	[sflag:s22] =	ssyncset.done $0x0  }
0xa0: {  	[sflag:s22] =	ssyncadd.s32 s4;
	_ =	sdelay $0x1  }
0xa1: {  	s23 =	simm.s32 $0x1B8B  }
0xa2: {  	_ =	swait.ge [sflag:s23], $0x1  }
0xa3: {  	[sflag:s23] =	ssyncset.done $0x0  }
0xa4: {  	s25 =	simm.s32 $0x1B8E;
	s24 =	sld [smem:$0x3FFE];
	[sflag:s23] =	ssyncadd.s32 $0xFFFFFFFF  }
0xa5: {  	s26 =	simm.s32 $execute0_lowered;
	[smem:$0x3FD2] =	sst s25  }
0xa6: {  	s5 =	sshll.u32 s26, $0x1;
	_ =	strace $0x8000004F;
	[dreg:$0x1] =	wrdreg $0xFFFFFFFF  }
0xa7: {  	s28 =	simm.s32 $_size_execute0_lowered;
	s3 =	sadd.s32 s3, s5;
	[dreg:$0x0] =	wrdreg $0x0  }
0xa8: {  	s5 =	sshll.u32 s28, $0x1;
	[dreg:$0x2] =	wrdreg s3  }
0xa9: {  	[dreg:$0x3] =	wrdreg s5  }
0xaa: {  	[dreg:$0x4] =	wrdreg $0xC0  }
0xab: {  	_ =	task [dreg:s7], $0x5FFFF  }
0xac: {  	[dreg:$0x1] =	wrdreg $0xFFFFFFFF  }
0xad: {  	[dreg:$0x0] =	wrdreg $0x60  }
0xae: {  	[dreg:$0x2] =	wrdreg s24  }
0xaf: {  	[dreg:$0x3] =	wrdreg s2  }
0xb0: {  	[dreg:$0x4] =	wrdreg $0x0  }
0xb1: {  	[dreg:$0x5] =	wrdreg $0x9  }
0xb2: {  	_ =	task.clear_ibuf [dreg:s7], $0x6FFFF;
	_ =	strace $0x9000004F  }
0xb3: {  	s29 =	simm.s32 $0x9;
	_ =	strace $0x80000051  }
0xb4: {  	_ =	swait.ge [sflag:s29], $0x1  }
0xb5: {  	[sflag:s29] =	ssyncadd.s32 $0xFFFFFFFF  }
0xb6: {  	_ =	strace $0x90000051  }
0xb7: {  	_ =	sfence  }
0xb8: {  	s30 =	sld [smem:$0x0];
	_ =	sdelay $0x2  }
0xb9: {  	s31 =	sshll.u32 s1, $0xD;
	s1 =	sshrl.u32 s1, $0x2  }
0xba: {  	s3 =	sand.u32 $0x4000, s31;
	s1 =	sadd.s32 s1, s30  }
0xbb: {  	s0 =	sor.u32 s3, s0;
	s1 =	sshll.u32 s1, $0x11  }
0xbc: {  	s0 =	sor.u32 s1, s0  }
0xbd: {  	s0 =	sadd.s32 $0x8F2B, s0  }
0xbe: {  	[sflag:s0] =	ssyncadd.remote.s32 $0x1  }
0xbf: {  	_ =	sfence.sel $0xFFFF  }
0xc0: {  	[dreg:$0x0] =	wrdreg $0xFFFFFFFF;
	(pc) =	sbr.abs _section_cstart, $3  }
0xc1: {  	[dreg:$0x1] =	wrdreg $0xFFFFFFFF  }
0xc2: {  	_ =	task.clear_ibuf [dreg:s7], $0x2FFFF;
	_ =	strace $0x9FFFFFFF  }
0xc3: {  	(tm) =	ssettm $0x7FFFFFFF  }
tec
execute0_lowered:
.L_overlay_start_1:
0x0: {  	(tag) =	ssettag $0x1  }
0x1: {  	s0 =	rddreg [dreg:$0x0]  }
0x2: {  	s1 =	rddreg [dreg:$0x1]  }
0x3: {  	s2 =	rddreg [dreg:$0x2];
	s3 =	simm.s32 $0x0  }
0x4: {  	s4 =	srdreg.scid;
	s19 =	stileid.u32;
	s21 =	simm.s32 $0x2  }
0x5: {  	s22 =	simm.s32 $0x1D040;
	s28 =	simm.s32 $0x80;
	s29 =	simm.s32 $0x19040  }
0x6: {  	s30 =	simm.s32 $0x1;
	s31 =	simm.s32 $0x0;
	[smem:$0x7FF] =	sst s3  }
0x7: {  	s5 =	sadd.s32 $0x384800, s0;
	s4 =	sand.u32 $0x1, s4;
	s9 =	smul.u32 $0x320, s19  }
0x8: {  	s6 =	sadd.s32 $0xA400, s0;
	s8 =	sadd.s32 $0x18000, s0;
	s10 =	smul.u32 $0x64000, s19  }
0x9: {  	s0 =	sadd.s32 $0x5D000, s0;
	s19 =	sshll.u32 s19, $0x7;
	_ =	strace $0x80000050  }
0xa: {  	s7 =	ssub.s32 $0x2, s4;
	[dreg:$0x4] =	wrdreg s8;
	s11 =	smul.u32 $0xC800, s4  }
0xb: {  	s12 =	sshll.u32 s4, $0x2;
	s8 =	sshll.u32 s4, $0x9;
	s4 =	sshllo.u32 s4, $0x2  }
0xc: {  	s23 =	sshrl.u32 s7, $0x1;
	s10 =	sshrl.u32 s10, $0x2;
	s13 =	sor.u32 $0x1, s12  }
0xd: {  	s15 =	sor.u32 $0x2, s12;
	s16 =	smul.u32 $0x3200, s4;
	s4 =	sshll.u32 s4, $0x9  }
0xe: {  	s7 =	ssub.s32 s7, s23;
	s10 =	sadd.s32 s10, s2;
	s14 =	smul.u32 $0x3200, s13  }
0xf: {  	s24 =	sadd.s32 s9, s11;
	s12 =	smul.u32 $0x3200, s15;
	s20 =	sshll.u32 s13, $0x9  }
0x10: {  	[dreg:$0x5] =	wrdreg s10;
	s11 =	sshll.u32 s24, $0x4;
	s24 =	sshll.u32 s15, $0x9  }
0x11: {  	s18 =	smax.u32 s7, $0x1;
	s23 =	sshrl.u32 s20, $0x2;
	s10 =	sadd.s32 s5, s11  }
0x12: {  	s11 =	sadd.s32 s0, s11;
	s25 =	sadd.s32 s9, s14;
	s26 =	sadd.s32 s9, s12  }
.Ltmp0:
0x13: {  	s9 =	sadd.s32 s9, s16;
	s24 =	sshrl.u32 s24, $0x2;
	(pc) =	sbr.rel .LBB2_1-.Ltmp0, $4  }
0x14: {  	[dreg:$0x6] =	wrdreg s10;
	s13 =	sshll.u32 s25, $0x4;
	s17 =	sshll.u32 s26, $0x4  }
0x15: {  	s9 =	sshll.u32 s9, $0x4;
	s25 =	sshrl.u32 s4, $0x2;
	s26 =	simm.s32 $0x1D0C0  }
0x16: {  	s12 =	sadd.s32 s5, s13;
	s13 =	sadd.s32 s0, s13;
	s14 =	sadd.s32 s5, s17  }
0x17: {  	s15 =	sadd.s32 s0, s17;
	s16 =	sadd.s32 s5, s9;
	s17 =	sadd.s32 s0, s9  }
.LBB2_20:
0x18: {  	s4 =	sadd.s32 s6, s9;
	[sflag:s21] =	ssyncadd.s32 @p0 $0xFFFFC000  }
0x19: {  	[tilespmem:s22], [sflag:$0x2] =	stream.linear.gather [hbm4b:s4+s3], $0x80, $0x38;
	[tilespmem:$0x1D940] =	vst v63  }
0x1a: {  	_ =	swait.ge [sflag:s21], $0x80  }
0x1b: {  	[sflag:s21] =	ssyncset.done $0x0  }
0x1c: {  	s10 =	sadd.s32 s1, s9;
	[sflag:s21] =	ssyncadd.s32 $0xFFFFFF80  }
0x1d: {  	[tilespmem:s26], [sflag:$0x2] =	stream.linear.gather [hbm4b:s10+s3], $0x80, $0x38;
	[tilespmem:$0x1D940] =	vst v63  }
0x1e: {  	_ =	swait.ge [sflag:s21], $0x80  }
0x1f: {  	[sflag:s21] =	ssyncset.done $0x0  }
0x20: {  	[sflag:s21] =	ssyncadd.s32 $0xFFFFFF80  }
0x21: {  	[tilespmem:s29], [sflag:$0x1] =	stream.indirect.gather [hbm4b:s5+s28], $0x80, s22, s28, $0xb8;
	[tilespmem:$0x1D940] =	vst v63  }
0x22: {  	_ =	swait.ge [sflag:s30], $0x4000  }
0x23: {  	[sflag:s30] =	ssyncset.done $0x0  }
0x24: {  	[sflag:s30] =	ssyncadd.s32 $0xFFFFC000  }
0x25: {  	[spmem:s2] =	stream.indirect.scatter.add.f32 [tilespmem:s29], [sflag:$0x2], $0x80, s26, s28, $0xb8;
	[tilespmem:$0x1D940] =	vst v63  }
0x26: {  	_ =	swait.ge [sflag:s21], $0x4000  }
0x27: {  	[sflag:s21] =	ssyncset.done $0x0  }
0x28: {  	[sflag:s21] =	ssyncadd.s32 $0xFFFFC000  }
.LBB2_21:
0x29: {  	[bflag:$0x0] =	sbarrier.arrive $0xFFFF;
	s31 =	sadd.s32 $0x1, s31  }
0x2a: {  	[hbm:s17], [sflag:s0] =	dma.local [spmem:s20], $0x3200  }
0x2b: {  	p0 =	sne.s32 s31, s18  }
.Ltmp1:
0x2c: {  	_ =	swait.ge [sflag:s21], $0x3200;
	(pc) =	sbr.rel @!p0 .LBB2_22-.Ltmp1, $3  }
0x2d: {  	[sflag:s21] =	ssyncset.done $0x0  }
0x2e: {  	[sflag:s21] =	ssyncadd.s32 $0xFFFFCE00  }
0x2f: {  	[bflag:$0x0] =	sbarrier.arrive $0xFFFF;
	_ =	sdelay $0x1  }
.LBB2_1:
0x30: {  	s0 =	rddreg [dreg:$0x4];
	s4 =	simm.s32 $0x1D140  }
0x31: {  	[tilespmem:s4], [sflag:$0x2] =	stream.linear.gather [hbm4b:s0+s3], $0x800, $0x38;
	[tilespmem:$0x1D940] =	vst v63  }
0x32: {  	_ =	swait.ge [sflag:s21], $0x800  }
0x33: {  	[sflag:s21] =	ssyncset.done $0x0  }
0x34: {  	[sflag:s21] =	ssyncadd.s32 $0xFFFFF800  }
0x35: {  	v0 =	vld [tilespmem:s8+$0x1D140]  }
0x36: {  	v1 =	vld [tilespmem:s8+$0x1D540];
	_ =	sdelay $0x3  }
0x37: {  	(v2sf) =	vpush v0, $0x0  }
0x38: {  	(v2sf) =	vpush v1, $0x0;
	_ =	sdelay $0xb  }
0x39: {  	s9 =	stileid.u32  }
0x3a: {  	s0 =	sshll.u32 s9, $0x6  }
0x3b: {  	s0 =	sor.u32 $0x1C02, s0;
	s9 =	rddreg [dreg:$0x5];
	s4 =	spop (v2sf)  }
0x3c: {  	s10 =	rddreg [dreg:$0x6];
	s20 =	sshrl.u32 s9, $0x3;
	s7 =	spop (v2sf)  }
0x3d: {  	[spmem:s20], [sflag:s0] =	dma.local [hbm:s10], $0x3200  }
0x3e: {  	p0 =	slt.s32 s7, $0x1  }
.Ltmp2:
0x3f: {  	_ =	swait.ge [sflag:s21], $0x3200;
	(pc) =	sbr.rel @p0 .LBB2_6-.Ltmp2, $3  }
0x40: {  	[sflag:s21] =	ssyncset.done $0x0  }
0x41: {  	[sflag:s21] =	ssyncadd.s32 $0xFFFFCE00  }
0x42: {  	[bflag:$0x0] =	sbarrier.arrive $0xFFFF;
	_ =	sdelay $0x1  }
0x43: {  	s9 =	smul.u32 s7, s19;
	p1 =	sne.s32 s7, $0x1  }
.Ltmp3:
0x44: {  	_ = 	snop;
	(pc) =	sbr.rel @!p1 .LBB2_5-.Ltmp3, $4  }
0x45: {  	_ = 	snop  }
0x46: {  	s4 =	sadd.s32 s9, s4  }
0x47: {  	s9 =	sshrl.u32 s4, $0x3  }
0x48: {  	s7 =	sadd.s32 $0xFFFFFFFF, s7;
	p0 =	por $0x0, $0x0;
	s9 =	sand.u32 $0x1FFFFFF0, s9  }
0x49: {  	s10 =	sadd.s32 s6, s9  }
0x4a: {  	[tilespmem:s22], [sflag:$0x2] =	stream.linear.gather [hbm4b:s10+s3], $0x80, $0x38;
	[tilespmem:$0x1D940] =	vst v63  }
0x4b: {  	_ =	swait.ge [sflag:s21], $0x80  }
0x4c: {  	[sflag:s21] =	ssyncset.done $0x0  }
0x4d: {  	s10 =	sadd.s32 s1, s9;
	[sflag:s21] =	ssyncadd.s32 $0xFFFFFF80  }
0x4e: {  	[tilespmem:s26], [sflag:$0x2] =	stream.linear.gather [hbm4b:s10+s3], $0x80, $0x38;
	[tilespmem:$0x1D940] =	vst v63  }
0x4f: {  	_ =	swait.ge [sflag:s21], $0x80  }
0x50: {  	[sflag:s21] =	ssyncset.done $0x0  }
0x51: {  	[sflag:s21] =	ssyncadd.s32 $0xFFFFFF80  }
0x52: {  	[tilespmem:s29], [sflag:$0x1] =	stream.indirect.gather [hbm4b:s5+s28], $0x80, s22, s28, $0xb8;
	[tilespmem:$0x1D940] =	vst v63  }
0x53: {  	p1 =	sne.s32 s7, $0x1;
	_ =	swait.ge [sflag:s30], $0x4000  }
.Ltmp4:
0x54: {  	[sflag:s30] =	ssyncset.done $0x0;
	(pc) =	sbr.rel @!p1 .LBB2_5-.Ltmp4, $4  }
0x55: {  	s4 =	sadd.s32 $0x80, s4;
	[sflag:s30] =	ssyncadd.s32 $0xFFFFC000  }
0x56: {  	[spmem:s2] =	stream.indirect.scatter.add.f32 [tilespmem:s29], [sflag:$0x2], $0x80, s26, s28, $0xb8;
	[tilespmem:$0x1D940] =	vst v63  }
0x57: {  	s7 =	sadd.s32 $0xFFFFFFFF, s7;
	s10 =	sshrl.u32 s4, $0x3;
	_ =	swait.ge [sflag:s21], $0x4000  }
0x58: {  	p0 =	por $0x1, $0x1;
	s9 =	sand.u32 $0x1FFFFFF0, s10;
	[sflag:s21] =	ssyncset.done $0x0  }
.LBB2_4:
0x59: {  	p1 =	sne.s32 s7, $0x1;
	s10 =	sadd.s32 s6, s9;
	[sflag:s21] =	ssyncadd.s32 $0xFFFFC000  }
0x5a: {  	[tilespmem:s22], [sflag:$0x2] =	stream.linear.gather [hbm4b:s10+s3], $0x80, $0x38;
	[tilespmem:$0x1D940] =	vst v63  }
0x5b: {  	s7 =	sadd.s32 $0xFFFFFFFF, s7;
	_ =	swait.ge [sflag:s21], $0x80  }
0x5c: {  	[sflag:s21] =	ssyncset.done $0x0  }
0x5d: {  	s9 =	sadd.s32 s1, s9;
	[sflag:s21] =	ssyncadd.s32 $0xFFFFFF80  }
0x5e: {  	[tilespmem:s26], [sflag:$0x2] =	stream.linear.gather [hbm4b:s9+s3], $0x80, $0x38;
	[tilespmem:$0x1D940] =	vst v63  }
0x5f: {  	_ =	swait.ge [sflag:s21], $0x80  }
0x60: {  	[sflag:s21] =	ssyncset.done $0x0  }
0x61: {  	[sflag:s21] =	ssyncadd.s32 $0xFFFFFF80  }
0x62: {  	[tilespmem:s29], [sflag:$0x1] =	stream.indirect.gather [hbm4b:s5+s28], $0x80, s22, s28, $0xb8;
	[tilespmem:$0x1D940] =	vst v63  }
0x63: {  	_ =	swait.ge [sflag:s30], $0x4000  }
.Ltmp5:
0x64: {  	[sflag:s30] =	ssyncset.done $0x0;
	(pc) =	sbr.rel @p1 .LBB2_4-.Ltmp5, $4  }
0x65: {  	s4 =	sadd.s32 $0x80, s4;
	[sflag:s30] =	ssyncadd.s32 $0xFFFFC000  }
0x66: {  	[spmem:s2] =	stream.indirect.scatter.add.f32 [tilespmem:s29], [sflag:$0x2], $0x80, s26, s28, $0xb8;
	[tilespmem:$0x1D940] =	vst v63  }
0x67: {  	s9 =	sshrl.u32 s4, $0x3;
	_ =	swait.ge [sflag:s21], $0x4000  }
0x68: {  	s9 =	sand.u32 $0x1FFFFFF0, s9;
	[sflag:s21] =	ssyncset.done $0x0  }
.LBB2_5:
0x69: {  	s4 =	sadd.s32 s6, s9;
	[sflag:s21] =	ssyncadd.s32 @p0 $0xFFFFC000  }
0x6a: {  	[tilespmem:s22], [sflag:$0x2] =	stream.linear.gather [hbm4b:s4+s3], $0x80, $0x38;
	[tilespmem:$0x1D940] =	vst v63  }
0x6b: {  	_ =	swait.ge [sflag:s21], $0x80  }
0x6c: {  	[sflag:s21] =	ssyncset.done $0x0  }
0x6d: {  	s10 =	sadd.s32 s1, s9;
	[sflag:s21] =	ssyncadd.s32 $0xFFFFFF80  }
0x6e: {  	[tilespmem:s26], [sflag:$0x2] =	stream.linear.gather [hbm4b:s10+s3], $0x80, $0x38;
	[tilespmem:$0x1D940] =	vst v63  }
0x6f: {  	_ =	swait.ge [sflag:s21], $0x80  }
0x70: {  	[sflag:s21] =	ssyncset.done $0x0  }
0x71: {  	[sflag:s21] =	ssyncadd.s32 $0xFFFFFF80  }
0x72: {  	[tilespmem:s29], [sflag:$0x1] =	stream.indirect.gather [hbm4b:s5+s28], $0x80, s22, s28, $0xb8;
	[tilespmem:$0x1D940] =	vst v63  }
0x73: {  	_ =	swait.ge [sflag:s30], $0x4000  }
0x74: {  	[sflag:s30] =	ssyncset.done $0x0  }
0x75: {  	[sflag:s30] =	ssyncadd.s32 $0xFFFFC000  }
0x76: {  	[spmem:s2] =	stream.indirect.scatter.add.f32 [tilespmem:s29], [sflag:$0x2], $0x80, s26, s28, $0xb8;
	[tilespmem:$0x1D940] =	vst v63  }
0x77: {  	_ =	swait.ge [sflag:s21], $0x4000  }
0x78: {  	[sflag:s21] =	ssyncset.done $0x0  }
0x79: {  	[sflag:s21] =	ssyncadd.s32 $0xFFFFC000  }
.LBB2_6:
0x7a: {  	[bflag:$0x0] =	sbarrier.arrive $0xFFFF  }
0x7b: {  	[hbm:s11], [sflag:s0] =	dma.local [spmem:s20], $0x3200  }
0x7c: {  	_ =	swait.ge [sflag:s21], $0x3200  }
0x7d: {  	[sflag:s21] =	ssyncset.done $0x0  }
0x7e: {  	[sflag:s21] =	ssyncadd.s32 $0xFFFFCE00  }
0x7f: {  	[bflag:$0x0] =	sbarrier.arrive $0xFFFF  }
0x80: {  	v0 =	vld [tilespmem:s23+$0x1D140]  }
0x81: {  	v1 =	vld [tilespmem:s8+$0x1D5C0];
	_ =	sdelay $0x3  }
0x82: {  	(v2sf) =	vpush v0, $0x0  }
0x83: {  	(v2sf) =	vpush v1, $0x0;
	_ =	sdelay $0xd  }
0x84: {  	s4 =	spop (v2sf)  }
0x85: {  	s7 =	spop (v2sf)  }
0x86: {  	[spmem:s20], [sflag:s0] =	dma.local [hbm:s12], $0x3200  }
0x87: {  	p0 =	slt.s32 s7, $0x1  }
.Ltmp6:
0x88: {  	_ =	swait.ge [sflag:s21], $0x3200;
	(pc) =	sbr.rel @p0 .LBB2_11-.Ltmp6, $3  }
0x89: {  	[sflag:s21] =	ssyncset.done $0x0  }
0x8a: {  	[sflag:s21] =	ssyncadd.s32 $0xFFFFCE00  }
0x8b: {  	[bflag:$0x0] =	sbarrier.arrive $0xFFFF;
	_ =	sdelay $0x1  }
0x8c: {  	s9 =	smul.u32 s7, s19;
	p1 =	sne.s32 s7, $0x1  }
.Ltmp7:
0x8d: {  	_ = 	snop;
	(pc) =	sbr.rel @!p1 .LBB2_10-.Ltmp7, $4  }
0x8e: {  	_ = 	snop  }
0x8f: {  	s4 =	sadd.s32 s9, s4  }
0x90: {  	s9 =	sshrl.u32 s4, $0x3  }
0x91: {  	s7 =	sadd.s32 $0xFFFFFFFF, s7;
	p0 =	por $0x0, $0x0;
	s9 =	sand.u32 $0x1FFFFFF0, s9  }
0x92: {  	s10 =	sadd.s32 s6, s9  }
0x93: {  	[tilespmem:s22], [sflag:$0x2] =	stream.linear.gather [hbm4b:s10+s3], $0x80, $0x38;
	[tilespmem:$0x1D940] =	vst v63  }
0x94: {  	_ =	swait.ge [sflag:s21], $0x80  }
0x95: {  	[sflag:s21] =	ssyncset.done $0x0  }
0x96: {  	s10 =	sadd.s32 s1, s9;
	[sflag:s21] =	ssyncadd.s32 $0xFFFFFF80  }
0x97: {  	[tilespmem:s26], [sflag:$0x2] =	stream.linear.gather [hbm4b:s10+s3], $0x80, $0x38;
	[tilespmem:$0x1D940] =	vst v63  }
0x98: {  	_ =	swait.ge [sflag:s21], $0x80  }
0x99: {  	[sflag:s21] =	ssyncset.done $0x0  }
0x9a: {  	[sflag:s21] =	ssyncadd.s32 $0xFFFFFF80  }
0x9b: {  	[tilespmem:s29], [sflag:$0x1] =	stream.indirect.gather [hbm4b:s5+s28], $0x80, s22, s28, $0xb8;
	[tilespmem:$0x1D940] =	vst v63  }
0x9c: {  	p1 =	sne.s32 s7, $0x1;
	_ =	swait.ge [sflag:s30], $0x4000  }
.Ltmp8:
0x9d: {  	[sflag:s30] =	ssyncset.done $0x0;
	(pc) =	sbr.rel @!p1 .LBB2_10-.Ltmp8, $4  }
0x9e: {  	s4 =	sadd.s32 $0x80, s4;
	[sflag:s30] =	ssyncadd.s32 $0xFFFFC000  }
0x9f: {  	[spmem:s2] =	stream.indirect.scatter.add.f32 [tilespmem:s29], [sflag:$0x2], $0x80, s26, s28, $0xb8;
	[tilespmem:$0x1D940] =	vst v63  }
0xa0: {  	s7 =	sadd.s32 $0xFFFFFFFF, s7;
	s10 =	sshrl.u32 s4, $0x3;
	_ =	swait.ge [sflag:s21], $0x4000  }
0xa1: {  	p0 =	por $0x1, $0x1;
	s9 =	sand.u32 $0x1FFFFFF0, s10;
	[sflag:s21] =	ssyncset.done $0x0  }
.LBB2_9:
0xa2: {  	p1 =	sne.s32 s7, $0x1;
	s10 =	sadd.s32 s6, s9;
	[sflag:s21] =	ssyncadd.s32 $0xFFFFC000  }
0xa3: {  	[tilespmem:s22], [sflag:$0x2] =	stream.linear.gather [hbm4b:s10+s3], $0x80, $0x38;
	[tilespmem:$0x1D940] =	vst v63  }
0xa4: {  	s7 =	sadd.s32 $0xFFFFFFFF, s7;
	_ =	swait.ge [sflag:s21], $0x80  }
0xa5: {  	[sflag:s21] =	ssyncset.done $0x0  }
0xa6: {  	s9 =	sadd.s32 s1, s9;
	[sflag:s21] =	ssyncadd.s32 $0xFFFFFF80  }
0xa7: {  	[tilespmem:s26], [sflag:$0x2] =	stream.linear.gather [hbm4b:s9+s3], $0x80, $0x38;
	[tilespmem:$0x1D940] =	vst v63  }
0xa8: {  	_ =	swait.ge [sflag:s21], $0x80  }
0xa9: {  	[sflag:s21] =	ssyncset.done $0x0  }
0xaa: {  	[sflag:s21] =	ssyncadd.s32 $0xFFFFFF80  }
0xab: {  	[tilespmem:s29], [sflag:$0x1] =	stream.indirect.gather [hbm4b:s5+s28], $0x80, s22, s28, $0xb8;
	[tilespmem:$0x1D940] =	vst v63  }
0xac: {  	_ =	swait.ge [sflag:s30], $0x4000  }
.Ltmp9:
0xad: {  	[sflag:s30] =	ssyncset.done $0x0;
	(pc) =	sbr.rel @p1 .LBB2_9-.Ltmp9, $4  }
0xae: {  	s4 =	sadd.s32 $0x80, s4;
	[sflag:s30] =	ssyncadd.s32 $0xFFFFC000  }
0xaf: {  	[spmem:s2] =	stream.indirect.scatter.add.f32 [tilespmem:s29], [sflag:$0x2], $0x80, s26, s28, $0xb8;
	[tilespmem:$0x1D940] =	vst v63  }
0xb0: {  	s9 =	sshrl.u32 s4, $0x3;
	_ =	swait.ge [sflag:s21], $0x4000  }
0xb1: {  	s9 =	sand.u32 $0x1FFFFFF0, s9;
	[sflag:s21] =	ssyncset.done $0x0  }
.LBB2_10:
0xb2: {  	s4 =	sadd.s32 s6, s9;
	[sflag:s21] =	ssyncadd.s32 @p0 $0xFFFFC000  }
0xb3: {  	[tilespmem:s22], [sflag:$0x2] =	stream.linear.gather [hbm4b:s4+s3], $0x80, $0x38;
	[tilespmem:$0x1D940] =	vst v63  }
0xb4: {  	_ =	swait.ge [sflag:s21], $0x80  }
0xb5: {  	[sflag:s21] =	ssyncset.done $0x0  }
0xb6: {  	s10 =	sadd.s32 s1, s9;
	[sflag:s21] =	ssyncadd.s32 $0xFFFFFF80  }
0xb7: {  	[tilespmem:s26], [sflag:$0x2] =	stream.linear.gather [hbm4b:s10+s3], $0x80, $0x38;
	[tilespmem:$0x1D940] =	vst v63  }
0xb8: {  	_ =	swait.ge [sflag:s21], $0x80  }
0xb9: {  	[sflag:s21] =	ssyncset.done $0x0  }
0xba: {  	[sflag:s21] =	ssyncadd.s32 $0xFFFFFF80  }
0xbb: {  	[tilespmem:s29], [sflag:$0x1] =	stream.indirect.gather [hbm4b:s5+s28], $0x80, s22, s28, $0xb8;
	[tilespmem:$0x1D940] =	vst v63  }
0xbc: {  	_ =	swait.ge [sflag:s30], $0x4000  }
0xbd: {  	[sflag:s30] =	ssyncset.done $0x0  }
0xbe: {  	[sflag:s30] =	ssyncadd.s32 $0xFFFFC000  }
0xbf: {  	[spmem:s2] =	stream.indirect.scatter.add.f32 [tilespmem:s29], [sflag:$0x2], $0x80, s26, s28, $0xb8;
	[tilespmem:$0x1D940] =	vst v63  }
0xc0: {  	_ =	swait.ge [sflag:s21], $0x4000  }
0xc1: {  	[sflag:s21] =	ssyncset.done $0x0  }
0xc2: {  	[sflag:s21] =	ssyncadd.s32 $0xFFFFC000  }
.LBB2_11:
0xc3: {  	[bflag:$0x0] =	sbarrier.arrive $0xFFFF  }
0xc4: {  	[hbm:s13], [sflag:s0] =	dma.local [spmem:s20], $0x3200  }
0xc5: {  	_ =	swait.ge [sflag:s21], $0x3200  }
0xc6: {  	[sflag:s21] =	ssyncset.done $0x0  }
0xc7: {  	[sflag:s21] =	ssyncadd.s32 $0xFFFFCE00  }
0xc8: {  	[bflag:$0x0] =	sbarrier.arrive $0xFFFF  }
0xc9: {  	v0 =	vld [tilespmem:s24+$0x1D140]  }
0xca: {  	v1 =	vld [tilespmem:s8+$0x1D640];
	_ =	sdelay $0x3  }
0xcb: {  	(v2sf) =	vpush v0, $0x0  }
0xcc: {  	(v2sf) =	vpush v1, $0x0;
	_ =	sdelay $0xd  }
0xcd: {  	s4 =	spop (v2sf)  }
0xce: {  	s7 =	spop (v2sf)  }
0xcf: {  	[spmem:s20], [sflag:s0] =	dma.local [hbm:s14], $0x3200  }
0xd0: {  	p0 =	slt.s32 s7, $0x1  }
.Ltmp10:
0xd1: {  	_ =	swait.ge [sflag:s21], $0x3200;
	(pc) =	sbr.rel @p0 .LBB2_16-.Ltmp10, $3  }
0xd2: {  	[sflag:s21] =	ssyncset.done $0x0  }
0xd3: {  	[sflag:s21] =	ssyncadd.s32 $0xFFFFCE00  }
0xd4: {  	[bflag:$0x0] =	sbarrier.arrive $0xFFFF;
	_ =	sdelay $0x1  }
0xd5: {  	s9 =	smul.u32 s7, s19;
	p1 =	sne.s32 s7, $0x1  }
.Ltmp11:
0xd6: {  	_ = 	snop;
	(pc) =	sbr.rel @!p1 .LBB2_15-.Ltmp11, $4  }
0xd7: {  	_ = 	snop  }
0xd8: {  	s4 =	sadd.s32 s9, s4  }
0xd9: {  	s9 =	sshrl.u32 s4, $0x3  }
0xda: {  	s7 =	sadd.s32 $0xFFFFFFFF, s7;
	p0 =	por $0x0, $0x0;
	s9 =	sand.u32 $0x1FFFFFF0, s9  }
0xdb: {  	s10 =	sadd.s32 s6, s9  }
0xdc: {  	[tilespmem:s22], [sflag:$0x2] =	stream.linear.gather [hbm4b:s10+s3], $0x80, $0x38;
	[tilespmem:$0x1D940] =	vst v63  }
0xdd: {  	_ =	swait.ge [sflag:s21], $0x80  }
0xde: {  	[sflag:s21] =	ssyncset.done $0x0  }
0xdf: {  	s10 =	sadd.s32 s1, s9;
	[sflag:s21] =	ssyncadd.s32 $0xFFFFFF80  }
0xe0: {  	[tilespmem:s26], [sflag:$0x2] =	stream.linear.gather [hbm4b:s10+s3], $0x80, $0x38;
	[tilespmem:$0x1D940] =	vst v63  }
0xe1: {  	_ =	swait.ge [sflag:s21], $0x80  }
0xe2: {  	[sflag:s21] =	ssyncset.done $0x0  }
0xe3: {  	[sflag:s21] =	ssyncadd.s32 $0xFFFFFF80  }
0xe4: {  	[tilespmem:s29], [sflag:$0x1] =	stream.indirect.gather [hbm4b:s5+s28], $0x80, s22, s28, $0xb8;
	[tilespmem:$0x1D940] =	vst v63  }
0xe5: {  	p1 =	sne.s32 s7, $0x1;
	_ =	swait.ge [sflag:s30], $0x4000  }
.Ltmp12:
0xe6: {  	[sflag:s30] =	ssyncset.done $0x0;
	(pc) =	sbr.rel @!p1 .LBB2_15-.Ltmp12, $4  }
0xe7: {  	s4 =	sadd.s32 $0x80, s4;
	[sflag:s30] =	ssyncadd.s32 $0xFFFFC000  }
0xe8: {  	[spmem:s2] =	stream.indirect.scatter.add.f32 [tilespmem:s29], [sflag:$0x2], $0x80, s26, s28, $0xb8;
	[tilespmem:$0x1D940] =	vst v63  }
0xe9: {  	s7 =	sadd.s32 $0xFFFFFFFF, s7;
	s10 =	sshrl.u32 s4, $0x3;
	_ =	swait.ge [sflag:s21], $0x4000  }
0xea: {  	p0 =	por $0x1, $0x1;
	s9 =	sand.u32 $0x1FFFFFF0, s10;
	[sflag:s21] =	ssyncset.done $0x0  }
.LBB2_14:
0xeb: {  	p1 =	sne.s32 s7, $0x1;
	s10 =	sadd.s32 s6, s9;
	[sflag:s21] =	ssyncadd.s32 $0xFFFFC000  }
0xec: {  	[tilespmem:s22], [sflag:$0x2] =	stream.linear.gather [hbm4b:s10+s3], $0x80, $0x38;
	[tilespmem:$0x1D940] =	vst v63  }
0xed: {  	s7 =	sadd.s32 $0xFFFFFFFF, s7;
	_ =	swait.ge [sflag:s21], $0x80  }
0xee: {  	[sflag:s21] =	ssyncset.done $0x0  }
0xef: {  	s9 =	sadd.s32 s1, s9;
	[sflag:s21] =	ssyncadd.s32 $0xFFFFFF80  }
0xf0: {  	[tilespmem:s26], [sflag:$0x2] =	stream.linear.gather [hbm4b:s9+s3], $0x80, $0x38;
	[tilespmem:$0x1D940] =	vst v63  }
0xf1: {  	_ =	swait.ge [sflag:s21], $0x80  }
0xf2: {  	[sflag:s21] =	ssyncset.done $0x0  }
0xf3: {  	[sflag:s21] =	ssyncadd.s32 $0xFFFFFF80  }
0xf4: {  	[tilespmem:s29], [sflag:$0x1] =	stream.indirect.gather [hbm4b:s5+s28], $0x80, s22, s28, $0xb8;
	[tilespmem:$0x1D940] =	vst v63  }
0xf5: {  	_ =	swait.ge [sflag:s30], $0x4000  }
.Ltmp13:
0xf6: {  	[sflag:s30] =	ssyncset.done $0x0;
	(pc) =	sbr.rel @p1 .LBB2_14-.Ltmp13, $4  }
0xf7: {  	s4 =	sadd.s32 $0x80, s4;
	[sflag:s30] =	ssyncadd.s32 $0xFFFFC000  }
0xf8: {  	[spmem:s2] =	stream.indirect.scatter.add.f32 [tilespmem:s29], [sflag:$0x2], $0x80, s26, s28, $0xb8;
	[tilespmem:$0x1D940] =	vst v63  }
0xf9: {  	s9 =	sshrl.u32 s4, $0x3;
	_ =	swait.ge [sflag:s21], $0x4000  }
0xfa: {  	s9 =	sand.u32 $0x1FFFFFF0, s9;
	[sflag:s21] =	ssyncset.done $0x0  }
.LBB2_15:
0xfb: {  	s4 =	sadd.s32 s6, s9;
	[sflag:s21] =	ssyncadd.s32 @p0 $0xFFFFC000  }
0xfc: {  	[tilespmem:s22], [sflag:$0x2] =	stream.linear.gather [hbm4b:s4+s3], $0x80, $0x38;
	[tilespmem:$0x1D940] =	vst v63  }
0xfd: {  	_ =	swait.ge [sflag:s21], $0x80  }
0xfe: {  	[sflag:s21] =	ssyncset.done $0x0  }
0xff: {  	s10 =	sadd.s32 s1, s9;
	[sflag:s21] =	ssyncadd.s32 $0xFFFFFF80  }
0x100: {  	[tilespmem:s26], [sflag:$0x2] =	stream.linear.gather [hbm4b:s10+s3], $0x80, $0x38;
	[tilespmem:$0x1D940] =	vst v63  }
0x101: {  	_ =	swait.ge [sflag:s21], $0x80  }
0x102: {  	[sflag:s21] =	ssyncset.done $0x0  }
0x103: {  	[sflag:s21] =	ssyncadd.s32 $0xFFFFFF80  }
0x104: {  	[tilespmem:s29], [sflag:$0x1] =	stream.indirect.gather [hbm4b:s5+s28], $0x80, s22, s28, $0xb8;
	[tilespmem:$0x1D940] =	vst v63  }
0x105: {  	_ =	swait.ge [sflag:s30], $0x4000  }
0x106: {  	[sflag:s30] =	ssyncset.done $0x0  }
0x107: {  	[sflag:s30] =	ssyncadd.s32 $0xFFFFC000  }
0x108: {  	[spmem:s2] =	stream.indirect.scatter.add.f32 [tilespmem:s29], [sflag:$0x2], $0x80, s26, s28, $0xb8;
	[tilespmem:$0x1D940] =	vst v63  }
0x109: {  	_ =	swait.ge [sflag:s21], $0x4000  }
0x10a: {  	[sflag:s21] =	ssyncset.done $0x0  }
0x10b: {  	[sflag:s21] =	ssyncadd.s32 $0xFFFFC000  }
.LBB2_16:
0x10c: {  	[bflag:$0x0] =	sbarrier.arrive $0xFFFF  }
0x10d: {  	[hbm:s15], [sflag:s0] =	dma.local [spmem:s20], $0x3200  }
0x10e: {  	_ =	swait.ge [sflag:s21], $0x3200  }
0x10f: {  	[sflag:s21] =	ssyncset.done $0x0  }
0x110: {  	[sflag:s21] =	ssyncadd.s32 $0xFFFFCE00  }
0x111: {  	[bflag:$0x0] =	sbarrier.arrive $0xFFFF  }
0x112: {  	v0 =	vld [tilespmem:s25+$0x1D140]  }
0x113: {  	v1 =	vld [tilespmem:s8+$0x1D6C0];
	_ =	sdelay $0x3  }
0x114: {  	(v2sf) =	vpush v0, $0x0  }
0x115: {  	(v2sf) =	vpush v1, $0x0;
	_ =	sdelay $0xd  }
0x116: {  	s4 =	spop (v2sf)  }
0x117: {  	s7 =	spop (v2sf)  }
0x118: {  	[spmem:s20], [sflag:s0] =	dma.local [hbm:s16], $0x3200  }
0x119: {  	p0 =	slt.s32 s7, $0x1  }
.Ltmp14:
0x11a: {  	_ =	swait.ge [sflag:s21], $0x3200;
	(pc) =	sbr.rel @p0 .LBB2_21-.Ltmp14, $3  }
0x11b: {  	[sflag:s21] =	ssyncset.done $0x0  }
0x11c: {  	[sflag:s21] =	ssyncadd.s32 $0xFFFFCE00  }
0x11d: {  	[bflag:$0x0] =	sbarrier.arrive $0xFFFF;
	_ =	sdelay $0x1  }
0x11e: {  	s9 =	smul.u32 s7, s19;
	p1 =	sne.s32 s7, $0x1  }
.Ltmp15:
0x11f: {  	_ = 	snop;
	(pc) =	sbr.rel @!p1 .LBB2_20-.Ltmp15, $4  }
0x120: {  	_ = 	snop  }
0x121: {  	s4 =	sadd.s32 s9, s4  }
0x122: {  	s9 =	sshrl.u32 s4, $0x3  }
0x123: {  	s7 =	sadd.s32 $0xFFFFFFFF, s7;
	p0 =	por $0x0, $0x0;
	s9 =	sand.u32 $0x1FFFFFF0, s9  }
0x124: {  	s10 =	sadd.s32 s6, s9  }
0x125: {  	[tilespmem:s22], [sflag:$0x2] =	stream.linear.gather [hbm4b:s10+s3], $0x80, $0x38;
	[tilespmem:$0x1D940] =	vst v63  }
0x126: {  	_ =	swait.ge [sflag:s21], $0x80  }
0x127: {  	[sflag:s21] =	ssyncset.done $0x0  }
0x128: {  	s10 =	sadd.s32 s1, s9;
	[sflag:s21] =	ssyncadd.s32 $0xFFFFFF80  }
0x129: {  	[tilespmem:s26], [sflag:$0x2] =	stream.linear.gather [hbm4b:s10+s3], $0x80, $0x38;
	[tilespmem:$0x1D940] =	vst v63  }
0x12a: {  	_ =	swait.ge [sflag:s21], $0x80  }
0x12b: {  	[sflag:s21] =	ssyncset.done $0x0  }
0x12c: {  	[sflag:s21] =	ssyncadd.s32 $0xFFFFFF80  }
0x12d: {  	[tilespmem:s29], [sflag:$0x1] =	stream.indirect.gather [hbm4b:s5+s28], $0x80, s22, s28, $0xb8;
	[tilespmem:$0x1D940] =	vst v63  }
0x12e: {  	p1 =	sne.s32 s7, $0x1;
	_ =	swait.ge [sflag:s30], $0x4000  }
.Ltmp16:
0x12f: {  	[sflag:s30] =	ssyncset.done $0x0;
	(pc) =	sbr.rel @!p1 .LBB2_20-.Ltmp16, $4  }
0x130: {  	s4 =	sadd.s32 $0x80, s4;
	[sflag:s30] =	ssyncadd.s32 $0xFFFFC000  }
0x131: {  	[spmem:s2] =	stream.indirect.scatter.add.f32 [tilespmem:s29], [sflag:$0x2], $0x80, s26, s28, $0xb8;
	[tilespmem:$0x1D940] =	vst v63  }
0x132: {  	s7 =	sadd.s32 $0xFFFFFFFF, s7;
	s10 =	sshrl.u32 s4, $0x3;
	_ =	swait.ge [sflag:s21], $0x4000  }
0x133: {  	p0 =	por $0x1, $0x1;
	s9 =	sand.u32 $0x1FFFFFF0, s10;
	[sflag:s21] =	ssyncset.done $0x0  }
.LBB2_19:
0x134: {  	p1 =	sne.s32 s7, $0x1;
	s10 =	sadd.s32 s6, s9;
	[sflag:s21] =	ssyncadd.s32 $0xFFFFC000  }
0x135: {  	[tilespmem:s22], [sflag:$0x2] =	stream.linear.gather [hbm4b:s10+s3], $0x80, $0x38;
	[tilespmem:$0x1D940] =	vst v63  }
0x136: {  	s7 =	sadd.s32 $0xFFFFFFFF, s7;
	_ =	swait.ge [sflag:s21], $0x80  }
0x137: {  	[sflag:s21] =	ssyncset.done $0x0  }
0x138: {  	s9 =	sadd.s32 s1, s9;
	[sflag:s21] =	ssyncadd.s32 $0xFFFFFF80  }
0x139: {  	[tilespmem:s26], [sflag:$0x2] =	stream.linear.gather [hbm4b:s9+s3], $0x80, $0x38;
	[tilespmem:$0x1D940] =	vst v63  }
0x13a: {  	_ =	swait.ge [sflag:s21], $0x80  }
0x13b: {  	[sflag:s21] =	ssyncset.done $0x0  }
0x13c: {  	[sflag:s21] =	ssyncadd.s32 $0xFFFFFF80  }
0x13d: {  	[tilespmem:s29], [sflag:$0x1] =	stream.indirect.gather [hbm4b:s5+s28], $0x80, s22, s28, $0xb8;
	[tilespmem:$0x1D940] =	vst v63  }
0x13e: {  	_ =	swait.ge [sflag:s30], $0x4000  }
.Ltmp17:
0x13f: {  	[sflag:s30] =	ssyncset.done $0x0;
	(pc) =	sbr.rel @p1 .LBB2_19-.Ltmp17, $4  }
0x140: {  	s4 =	sadd.s32 $0x80, s4;
	[sflag:s30] =	ssyncadd.s32 $0xFFFFC000  }
0x141: {  	[spmem:s2] =	stream.indirect.scatter.add.f32 [tilespmem:s29], [sflag:$0x2], $0x80, s26, s28, $0xb8;
	[tilespmem:$0x1D940] =	vst v63  }
0x142: {  	s9 =	sshrl.u32 s4, $0x3;
	_ =	swait.ge [sflag:s21], $0x4000  }
0x143: {  	s9 =	sand.u32 $0x1FFFFFF0, s9;
	[sflag:s21] =	ssyncset.done $0x0  }
.Ltmp18:
0x144: {  	_ = 	snop;
	(pc) =	sbr.rel .LBB2_20-.Ltmp18, $1  }
0x145: {  	_ =	sdelay $0x3  }
.LBB2_22:
0x146: {  	_ =	sfence.sel $0x180000  }
0x147: {  	[bflag:$0x0] =	sbarrier.arrive $0xFFFF  }
0x148: {  	_ =	strace $0x90000050  }
0x149: {  	s0 =	stileid.u32;
	[bflag:$0x2] =	sbarrier.arrive $0xFFFF  }
0x14a: {  	p0 =	sne.s32 s0, $0x0;
	s0 =	rddreg [dreg:$0x3]  }
0x14b: {  	s0 =	sadd.s32 @!p0 $0x100000, s0  }
0x14c: {  	[sflag:s0] =	ssyncadd.tile.s32 @!p0 $0x1;
	_ =	shalt  }
.Lfunc_end2:
_tile_overlayer_lowered:
.L_overlay_start_2:
0x14d: {  	(tag) =	ssettag $0x2  }
0x14e: {  	s0 =	rddreg [dreg:$0x0];
	s2 =	stileid.u32  }
0x14f: {  	s1 =	rddreg [dreg:$0x1];
	p0 =	sne.s32 s2, $0x0  }
0x150: {  	s3 =	rddreg [dreg:$0x2];
	[bflag:$0x3] =	sbarrier.arrive $0xFFFF;
	s2 =	simm.s32 @!p0 $0x1C02  }
0x151: {  	[timem:s3], [sflag:s2] =	dma.local @!p0 [hbm:s0], s1  }
0x152: {  	s0 =	simm.s32 @!p0 $0x2  }
0x153: {  	_ =	swait.ge @!p0 [sflag:s0], s1  }
0x154: {  	s1 =	ssub.s32 @!p0 $0x0, s1;
	[sflag:s0] =	ssyncset.done @!p0 $0x0  }
0x155: {  	[sflag:s0] =	ssyncadd.s32 @!p0 s1  }
0x156: {  	[bflag:$0x3] =	sbarrier.arrive $0xFFFF  }
0x157: {  	_ =	shalt  }

// kernel: kernel.21.cloned.1.call-start
scs
__scs_entry_jumppad:
0x0: {  	(pc) =	sbr.rel $0x88, $3  }
0x1: {  	(tag) =	ssettag $0x0;
	lr =	simm.s32 $0x1  }
0x2: {  	[smem:$0x3F6F] =	sst lr;
	_ =	strace $0xD0000000  }
0x3: {  	_ = 	snop  }
0x4: {  	_ = 	snop  }
0x5: {  	_ = 	snop  }
0x6: {  	_ = 	snop  }
0x7: {  	_ = 	snop  }
__scs_overlays_trampoline_lowered:
0x8: {  	[smem:$0x3F7E] =	sst s0  }
0x9: {  	[smem:$0x3F7F] =	sst s1  }
0xa: {  	[smem:$0x3F80] =	sst s2  }
0xb: {  	[smem:$0x3F81] =	sst s3  }
0xc: {  	[smem:$0x3F82] =	sst s4  }
0xd: {  	[smem:$0x3F83] =	sst s5  }
0xe: {  	[smem:$0x3F84] =	sst s6  }
0xf: {  	[smem:$0x3F85] =	sst s7  }
0x10: {  	[smem:$0x3F86] =	sst s8  }
0x11: {  	[smem:$0x3F87] =	sst s9;
	s0 =	simm.s32 @!p0 $0x0  }
0x12: {  	s1 =	sld [smem:$0x3F6D];
	s0 =	simm.s32 @p0 $0x1  }
0x13: {  	[smem:$0x3F88] =	sst s0;
	s0 =	simm.s32 @!p1 $0x0  }
0x14: {  	s2 =	sld [smem:$0x3F6C];
	s0 =	simm.s32 @p1 $0x1  }
0x15: {  	[smem:$0x3F89] =	sst s0;
	s0 =	simm.s32 @!p2 $0x0  }
0x16: {  	s3 =	sld [smem:$0x3FDB];
	s0 =	simm.s32 @p2 $0x1  }
0x17: {  	s4 =	simm.s32 $0x1BF5;
	[smem:$0x3F8B] =	sst s0  }
0x18: {  	s0 =	sld [smem:$0x3F6E];
	_ =	swait.ge [sflag:s4], $0x0  }
0x19: {  	s7 =	sld [smem:$0x3F6F]  }
0x1a: {  	s8 =	sadd.s32 $0xFFFFE003, lr  }
0x1b: {  	s9 =	sadd.s32 $0xFFFFFEF7, lr;
	s5 =	simm.s32 $0xFFFFFFFF;
	p2 =	slt.u32 s8, $0xFFFFF086  }
0x1c: {  	p1 =	slt.u32 s9, $0xF7A;
	s5 =	simm.s32 @!p2 $0x0  }
0x1d: {  	s5 =	simm.s32 @p1 $0x1;
	p0 =	seq.s32 s7, s2  }
0x1e: {  	s7 =	smul.u32 @!p0 $0xF7A, s2;
	p2 =	seq.s32 @!p0 s5, $0x0  }
0x1f: {  	s9 =	smul.u32 $0xF7A, s1;
	s8 =	simm.s32 @!p0 $0x1BF5;
	p2 =	por !p2, p0  }
0x20: {  	[sflag:s8] =	ssyncset.s32 @!p0 $0xFFFFF086;
	s6 =	sadd.s32 @!p0 s3, s7;
	s7 =	simm.s32 @!p0 $0x108  }
0x21: {  	s3 =	sadd.s32 s3, s9;
	s6 =	sadd.s32 @!p0 $0x88, s6;
	s7 =	simm.s32 @p2 $0x1082  }
0x22: {  	[simem:s7], [sflag:s8] =	dma.local @!p0 [hbm:s6], $0xF7A  }
0x23: {  	s9 =	sor.u32 $0xD0000000, s2;
	s6 =	simm.s32 $0x108;
	_ =	swait.ge @!p0 [sflag:s8], $0x0  }
0x24: {  	s3 =	sadd.s32 $0x88, s3;
	s6 =	simm.s32 @!p1 $0x1082;
	[sflag:s4] =	ssyncset.s32 $0xFFFFF086  }
0x25: {  	[simem:s6], [sflag:s4] =	dma.local [hbm:s3], $0xF7A  }
0x26: {  	[smem:$0x3F6F] =	sst s1;
	(tag) =	ssettag s2;
	_ =	strace s9  }
0x27: {  	s1 =	sld [smem:$0x3F7F]  }
0x28: {  	s2 =	sld [smem:$0x3F80]  }
0x29: {  	s4 =	sld [smem:$0x3F82]  }
0x2a: {  	p0 =	seq.s32 s5, $0x0;
	s5 =	sld [smem:$0x3F83]  }
0x2b: {  	s6 =	sld [smem:$0x3F84]  }
0x2c: {  	s7 =	sld [smem:$0x3F85]  }
0x2d: {  	s3 =	simm.s32 $0x108;
	s8 =	sld [smem:$0x3F86]  }
0x2e: {  	s3 =	simm.s32 @!p0 $0x1082;
	s9 =	sld [smem:$0x3F87]  }
0x2f: {  	lr =	sadd.s32 s0, s3;
	s0 =	sld [smem:$0x3F7E]  }
0x30: {  	s3 =	sld [smem:$0x3F81]  }
0x31: {  	[smem:$0x3F8A] =	sst s10  }
0x32: {  	s10 =	sld [smem:$0x3F88];
	_ =	sdelay $0x3  }
0x33: {  	p0 =	seq.s32 s10, $0x1;
	s10 =	sld [smem:$0x3F8A];
	_ =	sdelay $0x3  }
0x34: {  	[smem:$0x3F8A] =	sst s10  }
0x35: {  	s10 =	sld [smem:$0x3F89];
	_ =	sdelay $0x3  }
0x36: {  	p1 =	seq.s32 s10, $0x1;
	s10 =	sld [smem:$0x3F8A];
	_ =	sdelay $0x3  }
0x37: {  	[smem:$0x3F8A] =	sst s10  }
0x38: {  	s10 =	sld [smem:$0x3F8B]  }
0x39: {  	_ = 	snop;
	(pc) =	sbr.ind lr, $3  }
0x3a: {  	_ = 	snop  }
0x3b: {  	_ = 	snop  }
0x3c: {  	p2 =	seq.s32 s10, $0x1;
	s10 =	sld [smem:$0x3F8A]  }
0x3d: {  	_ =	shalt  }
0x3e: {  	_ =	shalt  }
0x3f: {  	_ =	shalt  }
0x40: {  	_ =	shalt  }
0x41: {  	_ =	shalt  }
0x42: {  	_ =	shalt  }
0x43: {  	_ =	shalt  }
0x44: {  	_ =	shalt  }
0x45: {  	_ =	shalt  }
0x46: {  	_ =	shalt  }
0x47: {  	_ =	shalt  }
0x48: {  	_ =	shalt  }
0x49: {  	_ =	shalt  }
0x4a: {  	_ =	shalt  }
0x4b: {  	_ =	shalt  }
0x4c: {  	_ =	shalt  }
0x4d: {  	_ =	shalt  }
0x4e: {  	_ =	shalt  }
0x4f: {  	_ =	shalt  }
0x50: {  	_ =	shalt  }
0x51: {  	_ =	shalt  }
0x52: {  	_ =	shalt  }
0x53: {  	_ =	shalt  }
0x54: {  	_ =	shalt  }
0x55: {  	_ =	shalt  }
0x56: {  	_ =	shalt  }
0x57: {  	_ =	shalt  }
0x58: {  	_ =	shalt  }
0x59: {  	_ =	shalt  }
0x5a: {  	_ =	shalt  }
0x5b: {  	_ =	shalt  }
0x5c: {  	_ =	shalt  }
0x5d: {  	_ =	shalt  }
0x5e: {  	_ =	shalt  }
0x5f: {  	_ =	shalt  }
0x60: {  	_ =	shalt  }
0x61: {  	_ =	shalt  }
0x62: {  	_ =	shalt  }
0x63: {  	_ =	shalt  }
0x64: {  	_ =	shalt  }
0x65: {  	_ =	shalt  }
0x66: {  	_ =	shalt  }
0x67: {  	_ =	shalt  }
0x68: {  	_ =	shalt  }
0x69: {  	_ =	shalt  }
0x6a: {  	_ =	shalt  }
0x6b: {  	_ =	shalt  }
0x6c: {  	_ =	shalt  }
0x6d: {  	_ =	shalt  }
0x6e: {  	_ =	shalt  }
0x6f: {  	_ =	shalt  }
0x70: {  	_ =	shalt  }
0x71: {  	_ =	shalt  }
0x72: {  	_ =	shalt  }
0x73: {  	_ =	shalt  }
0x74: {  	_ =	shalt  }
0x75: {  	_ =	shalt  }
0x76: {  	_ =	shalt  }
0x77: {  	_ =	shalt  }
0x78: {  	_ =	shalt  }
0x79: {  	_ =	shalt  }
0x7a: {  	_ =	shalt  }
0x7b: {  	_ =	shalt  }
0x7c: {  	_ =	shalt  }
0x7d: {  	_ =	shalt  }
0x7e: {  	_ =	shalt  }
0x7f: {  	_ =	shalt  }
0x80: {  	_ =	shalt  }
0x81: {  	_ =	shalt  }
0x82: {  	_ =	shalt  }
0x83: {  	_ =	shalt  }
0x84: {  	_ =	shalt  }
0x85: {  	_ =	shalt  }
0x86: {  	_ =	shalt  }
0x87: {  	_ =	shalt  }
.Lfunc_end0:
.L_simem_size_0:
called_computation.4_lowered:
.L_overlay_start_0:
0x88: {  	s2 =	sld [smem:$0x3FD9]  }
0x89: {  	s3 =	sld [smem:$0x3FFE];
	_ =	sdelay $0x1  }
0x8a: {  	s1 =	srdreg.scid  }
0x8b: {  	s0 =	sand.u32 $0x1, s1  }
0x8c: {  	s17 =	sshll.u32 s0, $0xA;
	s2 =	sadd.s32 s3, s2  }
0x8d: {  	s2 =	sadd.s32 s2, s17  }
0x8e: {  	[smem:$0x3F96] =	sst s2  }
0x8f: {  	_ = 	snop  }
0x90: {  	s2 =	sld [smem:$0x3FD0];
	(tm) =	ssettm $0x1  }
0x91: {  	s18 =	sld [smem:$0x3FFB];
	_ =	sdelay $0x3  }
0x92: {  	_ =	strace s18  }
0x93: {  	s3 =	sld [smem:$0x3FFC];
	_ =	sdelay $0x3  }
0x94: {  	_ =	strace s3  }
0x95: {  	s3 =	sld [smem:$0x3FFD];
	_ =	sdelay $0x3  }
0x96: {  	_ =	strace s3  }
0x97: {  	_ =	strace $0x8FFFFFFF  }
0x98: {  	s19 =	sld [smem:$0x3FDB];
	_ =	sdelay $0x1  }
0x99: {  	s4 =	simm.s32 $_scs_section_size  }
0x9a: {  	s5 =	simm.s32 $_size__tile_overlayer_lowered;
	s6 =	simm.s32 $_tile_overlayer_lowered  }
0x9b: {  	s22 =	simm.s32 $0x1BFF;
	s21 =	sshll.u32 s6, $0x1;
	s3 =	sadd.s32 s4, s19  }
0x9c: {  	s7 =	simm.s32 $0x0;
	s20 =	sshll.u32 s5, $0x1;
	s5 =	sadd.s32 s21, s3  }
0x9d: {  	[timem:s7], [sflag:s22] =	dma.local [hbm:s5], s20  }
0x9e: {  	_ =	swait.ge [sflag:s22], s20  }
0x9f: {  	s4 =	ssub.s32 $0x0, s20;
	[sflag:s22] =	ssyncset.done $0x0  }
0xa0: {  	[sflag:s22] =	ssyncadd.s32 s4;
	_ =	sdelay $0x1  }
0xa1: {  	s23 =	simm.s32 $0x1B8B  }
0xa2: {  	_ =	swait.ge [sflag:s23], $0x1  }
0xa3: {  	[sflag:s23] =	ssyncset.done $0x0  }
0xa4: {  	s25 =	simm.s32 $0x1B8E;
	s24 =	sld [smem:$0x3FFE];
	[sflag:s23] =	ssyncadd.s32 $0xFFFFFFFF  }
0xa5: {  	s26 =	simm.s32 $execute0_lowered;
	[smem:$0x3FD2] =	sst s25  }
0xa6: {  	s5 =	sshll.u32 s26, $0x1;
	_ =	strace $0x80000052;
	[dreg:$0x1] =	wrdreg $0xFFFFFFFF  }
0xa7: {  	s28 =	simm.s32 $_size_execute0_lowered;
	s3 =	sadd.s32 s3, s5;
	[dreg:$0x0] =	wrdreg $0x0  }
0xa8: {  	s5 =	sshll.u32 s28, $0x1;
	[dreg:$0x2] =	wrdreg s3  }
0xa9: {  	[dreg:$0x3] =	wrdreg s5  }
0xaa: {  	[dreg:$0x4] =	wrdreg $0xC0  }
0xab: {  	_ =	task [dreg:s7], $0x5FFFF  }
0xac: {  	[dreg:$0x1] =	wrdreg $0xFFFFFFFF  }
0xad: {  	[dreg:$0x0] =	wrdreg $0x60  }
0xae: {  	[dreg:$0x2] =	wrdreg s24  }
0xaf: {  	[dreg:$0x3] =	wrdreg s2  }
0xb0: {  	[dreg:$0x4] =	wrdreg $0x0  }
0xb1: {  	[dreg:$0x5] =	wrdreg $0x9  }
0xb2: {  	_ =	task.clear_ibuf [dreg:s7], $0x6FFFF;
	_ =	strace $0x90000052  }
0xb3: {  	s29 =	simm.s32 $0x9;
	_ =	strace $0x80000054  }
0xb4: {  	_ =	swait.ge [sflag:s29], $0x1  }
0xb5: {  	[sflag:s29] =	ssyncadd.s32 $0xFFFFFFFF  }
0xb6: {  	_ =	strace $0x90000054  }
0xb7: {  	_ =	sfence  }
0xb8: {  	s30 =	sld [smem:$0x0];
	_ =	sdelay $0x2  }
0xb9: {  	s31 =	sshll.u32 s1, $0xD;
	s1 =	sshrl.u32 s1, $0x2  }
0xba: {  	s3 =	sand.u32 $0x4000, s31;
	s1 =	sadd.s32 s1, s30  }
0xbb: {  	s0 =	sor.u32 s3, s0;
	s1 =	sshll.u32 s1, $0x11  }
0xbc: {  	s0 =	sor.u32 s1, s0  }
0xbd: {  	s0 =	sadd.s32 $0x8F2B, s0  }
0xbe: {  	[sflag:s0] =	ssyncadd.remote.s32 $0x1  }
0xbf: {  	_ =	sfence.sel $0xFFFF  }
0xc0: {  	[dreg:$0x0] =	wrdreg $0xFFFFFFFF;
	(pc) =	sbr.abs _section_cstart, $3  }
0xc1: {  	[dreg:$0x1] =	wrdreg $0xFFFFFFFF  }
0xc2: {  	_ =	task.clear_ibuf [dreg:s7], $0x2FFFF;
	_ =	strace $0x9FFFFFFF  }
0xc3: {  	(tm) =	ssettm $0x7FFFFFFF  }
tec
execute0_lowered:
.L_overlay_start_1:
0x0: {  	(tag) =	ssettag $0x1  }
0x1: {  	s0 =	rddreg [dreg:$0x0]  }
0x2: {  	s1 =	rddreg [dreg:$0x1]  }
0x3: {  	s2 =	rddreg [dreg:$0x2];
	s3 =	simm.s32 $0x0  }
0x4: {  	s4 =	srdreg.scid;
	s19 =	stileid.u32;
	s21 =	simm.s32 $0x2  }
0x5: {  	s22 =	simm.s32 $0x1D040;
	s28 =	simm.s32 $0x80;
	s29 =	simm.s32 $0x19040  }
0x6: {  	s30 =	simm.s32 $0x1;
	s31 =	simm.s32 $0x0;
	[smem:$0x7FF] =	sst s3  }
0x7: {  	s5 =	sadd.s32 $0x514800, s0;
	s4 =	sand.u32 $0x1, s4;
	s9 =	smul.u32 $0x320, s19  }
0x8: {  	s6 =	sadd.s32 $0xA400, s0;
	s8 =	sadd.s32 $0x18000, s0;
	s10 =	smul.u32 $0x64000, s19  }
0x9: {  	s0 =	sadd.s32 $0x55800, s0;
	s19 =	sshll.u32 s19, $0x7;
	_ =	strace $0x80000053  }
0xa: {  	s7 =	ssub.s32 $0x2, s4;
	[dreg:$0x4] =	wrdreg s8;
	s11 =	smul.u32 $0xC800, s4  }
0xb: {  	s12 =	sshll.u32 s4, $0x2;
	s8 =	sshll.u32 s4, $0x9;
	s4 =	sshllo.u32 s4, $0x2  }
0xc: {  	s23 =	sshrl.u32 s7, $0x1;
	s10 =	sshrl.u32 s10, $0x2;
	s13 =	sor.u32 $0x1, s12  }
0xd: {  	s15 =	sor.u32 $0x2, s12;
	s16 =	smul.u32 $0x3200, s4;
	s4 =	sshll.u32 s4, $0x9  }
0xe: {  	s7 =	ssub.s32 s7, s23;
	s10 =	sadd.s32 s10, s2;
	s14 =	smul.u32 $0x3200, s13  }
0xf: {  	s24 =	sadd.s32 s9, s11;
	s12 =	smul.u32 $0x3200, s15;
	s20 =	sshll.u32 s13, $0x9  }
0x10: {  	[dreg:$0x5] =	wrdreg s10;
	s11 =	sshll.u32 s24, $0x4;
	s24 =	sshll.u32 s15, $0x9  }
0x11: {  	s18 =	smax.u32 s7, $0x1;
	s23 =	sshrl.u32 s20, $0x2;
	s10 =	sadd.s32 s5, s11  }
0x12: {  	s11 =	sadd.s32 s0, s11;
	s25 =	sadd.s32 s9, s14;
	s26 =	sadd.s32 s9, s12  }
.Ltmp0:
0x13: {  	s9 =	sadd.s32 s9, s16;
	s24 =	sshrl.u32 s24, $0x2;
	(pc) =	sbr.rel .LBB2_1-.Ltmp0, $4  }
0x14: {  	[dreg:$0x6] =	wrdreg s10;
	s13 =	sshll.u32 s25, $0x4;
	s17 =	sshll.u32 s26, $0x4  }
0x15: {  	s9 =	sshll.u32 s9, $0x4;
	s25 =	sshrl.u32 s4, $0x2;
	s26 =	simm.s32 $0x1D0C0  }
0x16: {  	s12 =	sadd.s32 s5, s13;
	s13 =	sadd.s32 s0, s13;
	s14 =	sadd.s32 s5, s17  }
0x17: {  	s15 =	sadd.s32 s0, s17;
	s16 =	sadd.s32 s5, s9;
	s17 =	sadd.s32 s0, s9  }
.LBB2_20:
0x18: {  	s4 =	sadd.s32 s6, s9;
	[sflag:s21] =	ssyncadd.s32 @p0 $0xFFFFC000  }
0x19: {  	[tilespmem:s22], [sflag:$0x2] =	stream.linear.gather [hbm4b:s4+s3], $0x80, $0x38;
	[tilespmem:$0x1D940] =	vst v63  }
0x1a: {  	_ =	swait.ge [sflag:s21], $0x80  }
0x1b: {  	[sflag:s21] =	ssyncset.done $0x0  }
0x1c: {  	s10 =	sadd.s32 s1, s9;
	[sflag:s21] =	ssyncadd.s32 $0xFFFFFF80  }
0x1d: {  	[tilespmem:s26], [sflag:$0x2] =	stream.linear.gather [hbm4b:s10+s3], $0x80, $0x38;
	[tilespmem:$0x1D940] =	vst v63  }
0x1e: {  	_ =	swait.ge [sflag:s21], $0x80  }
0x1f: {  	[sflag:s21] =	ssyncset.done $0x0  }
0x20: {  	[sflag:s21] =	ssyncadd.s32 $0xFFFFFF80  }
0x21: {  	[tilespmem:s29], [sflag:$0x1] =	stream.indirect.gather [hbm4b:s5+s28], $0x80, s22, s28, $0xb8;
	[tilespmem:$0x1D940] =	vst v63  }
0x22: {  	_ =	swait.ge [sflag:s30], $0x4000  }
0x23: {  	[sflag:s30] =	ssyncset.done $0x0  }
0x24: {  	[sflag:s30] =	ssyncadd.s32 $0xFFFFC000  }
0x25: {  	[spmem:s2] =	stream.indirect.scatter.add.f32 [tilespmem:s29], [sflag:$0x2], $0x80, s26, s28, $0xb8;
	[tilespmem:$0x1D940] =	vst v63  }
0x26: {  	_ =	swait.ge [sflag:s21], $0x4000  }
0x27: {  	[sflag:s21] =	ssyncset.done $0x0  }
0x28: {  	[sflag:s21] =	ssyncadd.s32 $0xFFFFC000  }
.LBB2_21:
0x29: {  	[bflag:$0x0] =	sbarrier.arrive $0xFFFF;
	s31 =	sadd.s32 $0x1, s31  }
0x2a: {  	[hbm:s17], [sflag:s0] =	dma.local [spmem:s20], $0x3200  }
0x2b: {  	p0 =	sne.s32 s31, s18  }
.Ltmp1:
0x2c: {  	_ =	swait.ge [sflag:s21], $0x3200;
	(pc) =	sbr.rel @!p0 .LBB2_22-.Ltmp1, $3  }
0x2d: {  	[sflag:s21] =	ssyncset.done $0x0  }
0x2e: {  	[sflag:s21] =	ssyncadd.s32 $0xFFFFCE00  }
0x2f: {  	[bflag:$0x0] =	sbarrier.arrive $0xFFFF;
	_ =	sdelay $0x1  }
.LBB2_1:
0x30: {  	s0 =	rddreg [dreg:$0x4];
	s4 =	simm.s32 $0x1D140  }
0x31: {  	[tilespmem:s4], [sflag:$0x2] =	stream.linear.gather [hbm4b:s0+s3], $0x800, $0x38;
	[tilespmem:$0x1D940] =	vst v63  }
0x32: {  	_ =	swait.ge [sflag:s21], $0x800  }
0x33: {  	[sflag:s21] =	ssyncset.done $0x0  }
0x34: {  	[sflag:s21] =	ssyncadd.s32 $0xFFFFF800  }
0x35: {  	v0 =	vld [tilespmem:s8+$0x1D140]  }
0x36: {  	v1 =	vld [tilespmem:s8+$0x1D540];
	_ =	sdelay $0x3  }
0x37: {  	(v2sf) =	vpush v0, $0x0  }
0x38: {  	(v2sf) =	vpush v1, $0x0;
	_ =	sdelay $0xb  }
0x39: {  	s9 =	stileid.u32  }
0x3a: {  	s0 =	sshll.u32 s9, $0x6  }
0x3b: {  	s0 =	sor.u32 $0x1C02, s0;
	s9 =	rddreg [dreg:$0x5];
	s4 =	spop (v2sf)  }
0x3c: {  	s10 =	rddreg [dreg:$0x6];
	s20 =	sshrl.u32 s9, $0x3;
	s7 =	spop (v2sf)  }
0x3d: {  	[spmem:s20], [sflag:s0] =	dma.local [hbm:s10], $0x3200  }
0x3e: {  	p0 =	slt.s32 s7, $0x1  }
.Ltmp2:
0x3f: {  	_ =	swait.ge [sflag:s21], $0x3200;
	(pc) =	sbr.rel @p0 .LBB2_6-.Ltmp2, $3  }
0x40: {  	[sflag:s21] =	ssyncset.done $0x0  }
0x41: {  	[sflag:s21] =	ssyncadd.s32 $0xFFFFCE00  }
0x42: {  	[bflag:$0x0] =	sbarrier.arrive $0xFFFF;
	_ =	sdelay $0x1  }
0x43: {  	s9 =	smul.u32 s7, s19;
	p1 =	sne.s32 s7, $0x1  }
.Ltmp3:
0x44: {  	_ = 	snop;
	(pc) =	sbr.rel @!p1 .LBB2_5-.Ltmp3, $4  }
0x45: {  	_ = 	snop  }
0x46: {  	s4 =	sadd.s32 s9, s4  }
0x47: {  	s9 =	sshrl.u32 s4, $0x3  }
0x48: {  	s7 =	sadd.s32 $0xFFFFFFFF, s7;
	p0 =	por $0x0, $0x0;
	s9 =	sand.u32 $0x1FFFFFF0, s9  }
0x49: {  	s10 =	sadd.s32 s6, s9  }
0x4a: {  	[tilespmem:s22], [sflag:$0x2] =	stream.linear.gather [hbm4b:s10+s3], $0x80, $0x38;
	[tilespmem:$0x1D940] =	vst v63  }
0x4b: {  	_ =	swait.ge [sflag:s21], $0x80  }
0x4c: {  	[sflag:s21] =	ssyncset.done $0x0  }
0x4d: {  	s10 =	sadd.s32 s1, s9;
	[sflag:s21] =	ssyncadd.s32 $0xFFFFFF80  }
0x4e: {  	[tilespmem:s26], [sflag:$0x2] =	stream.linear.gather [hbm4b:s10+s3], $0x80, $0x38;
	[tilespmem:$0x1D940] =	vst v63  }
0x4f: {  	_ =	swait.ge [sflag:s21], $0x80  }
0x50: {  	[sflag:s21] =	ssyncset.done $0x0  }
0x51: {  	[sflag:s21] =	ssyncadd.s32 $0xFFFFFF80  }
0x52: {  	[tilespmem:s29], [sflag:$0x1] =	stream.indirect.gather [hbm4b:s5+s28], $0x80, s22, s28, $0xb8;
	[tilespmem:$0x1D940] =	vst v63  }
0x53: {  	p1 =	sne.s32 s7, $0x1;
	_ =	swait.ge [sflag:s30], $0x4000  }
.Ltmp4:
0x54: {  	[sflag:s30] =	ssyncset.done $0x0;
	(pc) =	sbr.rel @!p1 .LBB2_5-.Ltmp4, $4  }
0x55: {  	s4 =	sadd.s32 $0x80, s4;
	[sflag:s30] =	ssyncadd.s32 $0xFFFFC000  }
0x56: {  	[spmem:s2] =	stream.indirect.scatter.add.f32 [tilespmem:s29], [sflag:$0x2], $0x80, s26, s28, $0xb8;
	[tilespmem:$0x1D940] =	vst v63  }
0x57: {  	s7 =	sadd.s32 $0xFFFFFFFF, s7;
	s10 =	sshrl.u32 s4, $0x3;
	_ =	swait.ge [sflag:s21], $0x4000  }
0x58: {  	p0 =	por $0x1, $0x1;
	s9 =	sand.u32 $0x1FFFFFF0, s10;
	[sflag:s21] =	ssyncset.done $0x0  }
.LBB2_4:
0x59: {  	p1 =	sne.s32 s7, $0x1;
	s10 =	sadd.s32 s6, s9;
	[sflag:s21] =	ssyncadd.s32 $0xFFFFC000  }
0x5a: {  	[tilespmem:s22], [sflag:$0x2] =	stream.linear.gather [hbm4b:s10+s3], $0x80, $0x38;
	[tilespmem:$0x1D940] =	vst v63  }
0x5b: {  	s7 =	sadd.s32 $0xFFFFFFFF, s7;
	_ =	swait.ge [sflag:s21], $0x80  }
0x5c: {  	[sflag:s21] =	ssyncset.done $0x0  }
0x5d: {  	s9 =	sadd.s32 s1, s9;
	[sflag:s21] =	ssyncadd.s32 $0xFFFFFF80  }
0x5e: {  	[tilespmem:s26], [sflag:$0x2] =	stream.linear.gather [hbm4b:s9+s3], $0x80, $0x38;
	[tilespmem:$0x1D940] =	vst v63  }
0x5f: {  	_ =	swait.ge [sflag:s21], $0x80  }
0x60: {  	[sflag:s21] =	ssyncset.done $0x0  }
0x61: {  	[sflag:s21] =	ssyncadd.s32 $0xFFFFFF80  }
0x62: {  	[tilespmem:s29], [sflag:$0x1] =	stream.indirect.gather [hbm4b:s5+s28], $0x80, s22, s28, $0xb8;
	[tilespmem:$0x1D940] =	vst v63  }
0x63: {  	_ =	swait.ge [sflag:s30], $0x4000  }
.Ltmp5:
0x64: {  	[sflag:s30] =	ssyncset.done $0x0;
	(pc) =	sbr.rel @p1 .LBB2_4-.Ltmp5, $4  }
0x65: {  	s4 =	sadd.s32 $0x80, s4;
	[sflag:s30] =	ssyncadd.s32 $0xFFFFC000  }
0x66: {  	[spmem:s2] =	stream.indirect.scatter.add.f32 [tilespmem:s29], [sflag:$0x2], $0x80, s26, s28, $0xb8;
	[tilespmem:$0x1D940] =	vst v63  }
0x67: {  	s9 =	sshrl.u32 s4, $0x3;
	_ =	swait.ge [sflag:s21], $0x4000  }
0x68: {  	s9 =	sand.u32 $0x1FFFFFF0, s9;
	[sflag:s21] =	ssyncset.done $0x0  }
.LBB2_5:
0x69: {  	s4 =	sadd.s32 s6, s9;
	[sflag:s21] =	ssyncadd.s32 @p0 $0xFFFFC000  }
0x6a: {  	[tilespmem:s22], [sflag:$0x2] =	stream.linear.gather [hbm4b:s4+s3], $0x80, $0x38;
	[tilespmem:$0x1D940] =	vst v63  }
0x6b: {  	_ =	swait.ge [sflag:s21], $0x80  }
0x6c: {  	[sflag:s21] =	ssyncset.done $0x0  }
0x6d: {  	s10 =	sadd.s32 s1, s9;
	[sflag:s21] =	ssyncadd.s32 $0xFFFFFF80  }
0x6e: {  	[tilespmem:s26], [sflag:$0x2] =	stream.linear.gather [hbm4b:s10+s3], $0x80, $0x38;
	[tilespmem:$0x1D940] =	vst v63  }
0x6f: {  	_ =	swait.ge [sflag:s21], $0x80  }
0x70: {  	[sflag:s21] =	ssyncset.done $0x0  }
0x71: {  	[sflag:s21] =	ssyncadd.s32 $0xFFFFFF80  }
0x72: {  	[tilespmem:s29], [sflag:$0x1] =	stream.indirect.gather [hbm4b:s5+s28], $0x80, s22, s28, $0xb8;
	[tilespmem:$0x1D940] =	vst v63  }
0x73: {  	_ =	swait.ge [sflag:s30], $0x4000  }
0x74: {  	[sflag:s30] =	ssyncset.done $0x0  }
0x75: {  	[sflag:s30] =	ssyncadd.s32 $0xFFFFC000  }
0x76: {  	[spmem:s2] =	stream.indirect.scatter.add.f32 [tilespmem:s29], [sflag:$0x2], $0x80, s26, s28, $0xb8;
	[tilespmem:$0x1D940] =	vst v63  }
0x77: {  	_ =	swait.ge [sflag:s21], $0x4000  }
0x78: {  	[sflag:s21] =	ssyncset.done $0x0  }
0x79: {  	[sflag:s21] =	ssyncadd.s32 $0xFFFFC000  }
.LBB2_6:
0x7a: {  	[bflag:$0x0] =	sbarrier.arrive $0xFFFF  }
0x7b: {  	[hbm:s11], [sflag:s0] =	dma.local [spmem:s20], $0x3200  }
0x7c: {  	_ =	swait.ge [sflag:s21], $0x3200  }
0x7d: {  	[sflag:s21] =	ssyncset.done $0x0  }
0x7e: {  	[sflag:s21] =	ssyncadd.s32 $0xFFFFCE00  }
0x7f: {  	[bflag:$0x0] =	sbarrier.arrive $0xFFFF  }
0x80: {  	v0 =	vld [tilespmem:s23+$0x1D140]  }
0x81: {  	v1 =	vld [tilespmem:s8+$0x1D5C0];
	_ =	sdelay $0x3  }
0x82: {  	(v2sf) =	vpush v0, $0x0  }
0x83: {  	(v2sf) =	vpush v1, $0x0;
	_ =	sdelay $0xd  }
0x84: {  	s4 =	spop (v2sf)  }
0x85: {  	s7 =	spop (v2sf)  }
0x86: {  	[spmem:s20], [sflag:s0] =	dma.local [hbm:s12], $0x3200  }
0x87: {  	p0 =	slt.s32 s7, $0x1  }
.Ltmp6:
0x88: {  	_ =	swait.ge [sflag:s21], $0x3200;
	(pc) =	sbr.rel @p0 .LBB2_11-.Ltmp6, $3  }
0x89: {  	[sflag:s21] =	ssyncset.done $0x0  }
0x8a: {  	[sflag:s21] =	ssyncadd.s32 $0xFFFFCE00  }
0x8b: {  	[bflag:$0x0] =	sbarrier.arrive $0xFFFF;
	_ =	sdelay $0x1  }
0x8c: {  	s9 =	smul.u32 s7, s19;
	p1 =	sne.s32 s7, $0x1  }
.Ltmp7:
0x8d: {  	_ = 	snop;
	(pc) =	sbr.rel @!p1 .LBB2_10-.Ltmp7, $4  }
0x8e: {  	_ = 	snop  }
0x8f: {  	s4 =	sadd.s32 s9, s4  }
0x90: {  	s9 =	sshrl.u32 s4, $0x3  }
0x91: {  	s7 =	sadd.s32 $0xFFFFFFFF, s7;
	p0 =	por $0x0, $0x0;
	s9 =	sand.u32 $0x1FFFFFF0, s9  }
0x92: {  	s10 =	sadd.s32 s6, s9  }
0x93: {  	[tilespmem:s22], [sflag:$0x2] =	stream.linear.gather [hbm4b:s10+s3], $0x80, $0x38;
	[tilespmem:$0x1D940] =	vst v63  }
0x94: {  	_ =	swait.ge [sflag:s21], $0x80  }
0x95: {  	[sflag:s21] =	ssyncset.done $0x0  }
0x96: {  	s10 =	sadd.s32 s1, s9;
	[sflag:s21] =	ssyncadd.s32 $0xFFFFFF80  }
0x97: {  	[tilespmem:s26], [sflag:$0x2] =	stream.linear.gather [hbm4b:s10+s3], $0x80, $0x38;
	[tilespmem:$0x1D940] =	vst v63  }
0x98: {  	_ =	swait.ge [sflag:s21], $0x80  }
0x99: {  	[sflag:s21] =	ssyncset.done $0x0  }
0x9a: {  	[sflag:s21] =	ssyncadd.s32 $0xFFFFFF80  }
0x9b: {  	[tilespmem:s29], [sflag:$0x1] =	stream.indirect.gather [hbm4b:s5+s28], $0x80, s22, s28, $0xb8;
	[tilespmem:$0x1D940] =	vst v63  }
0x9c: {  	p1 =	sne.s32 s7, $0x1;
	_ =	swait.ge [sflag:s30], $0x4000  }
.Ltmp8:
0x9d: {  	[sflag:s30] =	ssyncset.done $0x0;
	(pc) =	sbr.rel @!p1 .LBB2_10-.Ltmp8, $4  }
0x9e: {  	s4 =	sadd.s32 $0x80, s4;
	[sflag:s30] =	ssyncadd.s32 $0xFFFFC000  }
0x9f: {  	[spmem:s2] =	stream.indirect.scatter.add.f32 [tilespmem:s29], [sflag:$0x2], $0x80, s26, s28, $0xb8;
	[tilespmem:$0x1D940] =	vst v63  }
0xa0: {  	s7 =	sadd.s32 $0xFFFFFFFF, s7;
	s10 =	sshrl.u32 s4, $0x3;
	_ =	swait.ge [sflag:s21], $0x4000  }
0xa1: {  	p0 =	por $0x1, $0x1;
	s9 =	sand.u32 $0x1FFFFFF0, s10;
	[sflag:s21] =	ssyncset.done $0x0  }
.LBB2_9:
0xa2: {  	p1 =	sne.s32 s7, $0x1;
	s10 =	sadd.s32 s6, s9;
	[sflag:s21] =	ssyncadd.s32 $0xFFFFC000  }
0xa3: {  	[tilespmem:s22], [sflag:$0x2] =	stream.linear.gather [hbm4b:s10+s3], $0x80, $0x38;
	[tilespmem:$0x1D940] =	vst v63  }
0xa4: {  	s7 =	sadd.s32 $0xFFFFFFFF, s7;
	_ =	swait.ge [sflag:s21], $0x80  }
0xa5: {  	[sflag:s21] =	ssyncset.done $0x0  }
0xa6: {  	s9 =	sadd.s32 s1, s9;
	[sflag:s21] =	ssyncadd.s32 $0xFFFFFF80  }
0xa7: {  	[tilespmem:s26], [sflag:$0x2] =	stream.linear.gather [hbm4b:s9+s3], $0x80, $0x38;
	[tilespmem:$0x1D940] =	vst v63  }
0xa8: {  	_ =	swait.ge [sflag:s21], $0x80  }
0xa9: {  	[sflag:s21] =	ssyncset.done $0x0  }
0xaa: {  	[sflag:s21] =	ssyncadd.s32 $0xFFFFFF80  }
0xab: {  	[tilespmem:s29], [sflag:$0x1] =	stream.indirect.gather [hbm4b:s5+s28], $0x80, s22, s28, $0xb8;
	[tilespmem:$0x1D940] =	vst v63  }
0xac: {  	_ =	swait.ge [sflag:s30], $0x4000  }
.Ltmp9:
0xad: {  	[sflag:s30] =	ssyncset.done $0x0;
	(pc) =	sbr.rel @p1 .LBB2_9-.Ltmp9, $4  }
0xae: {  	s4 =	sadd.s32 $0x80, s4;
	[sflag:s30] =	ssyncadd.s32 $0xFFFFC000  }
0xaf: {  	[spmem:s2] =	stream.indirect.scatter.add.f32 [tilespmem:s29], [sflag:$0x2], $0x80, s26, s28, $0xb8;
	[tilespmem:$0x1D940] =	vst v63  }
0xb0: {  	s9 =	sshrl.u32 s4, $0x3;
	_ =	swait.ge [sflag:s21], $0x4000  }
0xb1: {  	s9 =	sand.u32 $0x1FFFFFF0, s9;
	[sflag:s21] =	ssyncset.done $0x0  }
.LBB2_10:
0xb2: {  	s4 =	sadd.s32 s6, s9;
	[sflag:s21] =	ssyncadd.s32 @p0 $0xFFFFC000  }
0xb3: {  	[tilespmem:s22], [sflag:$0x2] =	stream.linear.gather [hbm4b:s4+s3], $0x80, $0x38;
	[tilespmem:$0x1D940] =	vst v63  }
0xb4: {  	_ =	swait.ge [sflag:s21], $0x80  }
0xb5: {  	[sflag:s21] =	ssyncset.done $0x0  }
0xb6: {  	s10 =	sadd.s32 s1, s9;
	[sflag:s21] =	ssyncadd.s32 $0xFFFFFF80  }
0xb7: {  	[tilespmem:s26], [sflag:$0x2] =	stream.linear.gather [hbm4b:s10+s3], $0x80, $0x38;
	[tilespmem:$0x1D940] =	vst v63  }
0xb8: {  	_ =	swait.ge [sflag:s21], $0x80  }
0xb9: {  	[sflag:s21] =	ssyncset.done $0x0  }
0xba: {  	[sflag:s21] =	ssyncadd.s32 $0xFFFFFF80  }
0xbb: {  	[tilespmem:s29], [sflag:$0x1] =	stream.indirect.gather [hbm4b:s5+s28], $0x80, s22, s28, $0xb8;
	[tilespmem:$0x1D940] =	vst v63  }
0xbc: {  	_ =	swait.ge [sflag:s30], $0x4000  }
0xbd: {  	[sflag:s30] =	ssyncset.done $0x0  }
0xbe: {  	[sflag:s30] =	ssyncadd.s32 $0xFFFFC000  }
0xbf: {  	[spmem:s2] =	stream.indirect.scatter.add.f32 [tilespmem:s29], [sflag:$0x2], $0x80, s26, s28, $0xb8;
	[tilespmem:$0x1D940] =	vst v63  }
0xc0: {  	_ =	swait.ge [sflag:s21], $0x4000  }
0xc1: {  	[sflag:s21] =	ssyncset.done $0x0  }
0xc2: {  	[sflag:s21] =	ssyncadd.s32 $0xFFFFC000  }
.LBB2_11:
0xc3: {  	[bflag:$0x0] =	sbarrier.arrive $0xFFFF  }
0xc4: {  	[hbm:s13], [sflag:s0] =	dma.local [spmem:s20], $0x3200  }
0xc5: {  	_ =	swait.ge [sflag:s21], $0x3200  }
0xc6: {  	[sflag:s21] =	ssyncset.done $0x0  }
0xc7: {  	[sflag:s21] =	ssyncadd.s32 $0xFFFFCE00  }
0xc8: {  	[bflag:$0x0] =	sbarrier.arrive $0xFFFF  }
0xc9: {  	v0 =	vld [tilespmem:s24+$0x1D140]  }
0xca: {  	v1 =	vld [tilespmem:s8+$0x1D640];
	_ =	sdelay $0x3  }
0xcb: {  	(v2sf) =	vpush v0, $0x0  }
0xcc: {  	(v2sf) =	vpush v1, $0x0;
	_ =	sdelay $0xd  }
0xcd: {  	s4 =	spop (v2sf)  }
0xce: {  	s7 =	spop (v2sf)  }
0xcf: {  	[spmem:s20], [sflag:s0] =	dma.local [hbm:s14], $0x3200  }
0xd0: {  	p0 =	slt.s32 s7, $0x1  }
.Ltmp10:
0xd1: {  	_ =	swait.ge [sflag:s21], $0x3200;
	(pc) =	sbr.rel @p0 .LBB2_16-.Ltmp10, $3  }
0xd2: {  	[sflag:s21] =	ssyncset.done $0x0  }
0xd3: {  	[sflag:s21] =	ssyncadd.s32 $0xFFFFCE00  }
0xd4: {  	[bflag:$0x0] =	sbarrier.arrive $0xFFFF;
	_ =	sdelay $0x1  }
0xd5: {  	s9 =	smul.u32 s7, s19;
	p1 =	sne.s32 s7, $0x1  }
.Ltmp11:
0xd6: {  	_ = 	snop;
	(pc) =	sbr.rel @!p1 .LBB2_15-.Ltmp11, $4  }
0xd7: {  	_ = 	snop  }
0xd8: {  	s4 =	sadd.s32 s9, s4  }
0xd9: {  	s9 =	sshrl.u32 s4, $0x3  }
0xda: {  	s7 =	sadd.s32 $0xFFFFFFFF, s7;
	p0 =	por $0x0, $0x0;
	s9 =	sand.u32 $0x1FFFFFF0, s9  }
0xdb: {  	s10 =	sadd.s32 s6, s9  }
0xdc: {  	[tilespmem:s22], [sflag:$0x2] =	stream.linear.gather [hbm4b:s10+s3], $0x80, $0x38;
	[tilespmem:$0x1D940] =	vst v63  }
0xdd: {  	_ =	swait.ge [sflag:s21], $0x80  }
0xde: {  	[sflag:s21] =	ssyncset.done $0x0  }
0xdf: {  	s10 =	sadd.s32 s1, s9;
	[sflag:s21] =	ssyncadd.s32 $0xFFFFFF80  }
0xe0: {  	[tilespmem:s26], [sflag:$0x2] =	stream.linear.gather [hbm4b:s10+s3], $0x80, $0x38;
	[tilespmem:$0x1D940] =	vst v63  }
0xe1: {  	_ =	swait.ge [sflag:s21], $0x80  }
0xe2: {  	[sflag:s21] =	ssyncset.done $0x0  }
0xe3: {  	[sflag:s21] =	ssyncadd.s32 $0xFFFFFF80  }
0xe4: {  	[tilespmem:s29], [sflag:$0x1] =	stream.indirect.gather [hbm4b:s5+s28], $0x80, s22, s28, $0xb8;
	[tilespmem:$0x1D940] =	vst v63  }
0xe5: {  	p1 =	sne.s32 s7, $0x1;
	_ =	swait.ge [sflag:s30], $0x4000  }
.Ltmp12:
0xe6: {  	[sflag:s30] =	ssyncset.done $0x0;
	(pc) =	sbr.rel @!p1 .LBB2_15-.Ltmp12, $4  }
0xe7: {  	s4 =	sadd.s32 $0x80, s4;
	[sflag:s30] =	ssyncadd.s32 $0xFFFFC000  }
0xe8: {  	[spmem:s2] =	stream.indirect.scatter.add.f32 [tilespmem:s29], [sflag:$0x2], $0x80, s26, s28, $0xb8;
	[tilespmem:$0x1D940] =	vst v63  }
0xe9: {  	s7 =	sadd.s32 $0xFFFFFFFF, s7;
	s10 =	sshrl.u32 s4, $0x3;
	_ =	swait.ge [sflag:s21], $0x4000  }
0xea: {  	p0 =	por $0x1, $0x1;
	s9 =	sand.u32 $0x1FFFFFF0, s10;
	[sflag:s21] =	ssyncset.done $0x0  }
.LBB2_14:
0xeb: {  	p1 =	sne.s32 s7, $0x1;
	s10 =	sadd.s32 s6, s9;
	[sflag:s21] =	ssyncadd.s32 $0xFFFFC000  }
0xec: {  	[tilespmem:s22], [sflag:$0x2] =	stream.linear.gather [hbm4b:s10+s3], $0x80, $0x38;
	[tilespmem:$0x1D940] =	vst v63  }
0xed: {  	s7 =	sadd.s32 $0xFFFFFFFF, s7;
	_ =	swait.ge [sflag:s21], $0x80  }
0xee: {  	[sflag:s21] =	ssyncset.done $0x0  }
0xef: {  	s9 =	sadd.s32 s1, s9;
	[sflag:s21] =	ssyncadd.s32 $0xFFFFFF80  }
0xf0: {  	[tilespmem:s26], [sflag:$0x2] =	stream.linear.gather [hbm4b:s9+s3], $0x80, $0x38;
	[tilespmem:$0x1D940] =	vst v63  }
0xf1: {  	_ =	swait.ge [sflag:s21], $0x80  }
0xf2: {  	[sflag:s21] =	ssyncset.done $0x0  }
0xf3: {  	[sflag:s21] =	ssyncadd.s32 $0xFFFFFF80  }
0xf4: {  	[tilespmem:s29], [sflag:$0x1] =	stream.indirect.gather [hbm4b:s5+s28], $0x80, s22, s28, $0xb8;
	[tilespmem:$0x1D940] =	vst v63  }
0xf5: {  	_ =	swait.ge [sflag:s30], $0x4000  }
.Ltmp13:
0xf6: {  	[sflag:s30] =	ssyncset.done $0x0;
	(pc) =	sbr.rel @p1 .LBB2_14-.Ltmp13, $4  }
0xf7: {  	s4 =	sadd.s32 $0x80, s4;
	[sflag:s30] =	ssyncadd.s32 $0xFFFFC000  }
0xf8: {  	[spmem:s2] =	stream.indirect.scatter.add.f32 [tilespmem:s29], [sflag:$0x2], $0x80, s26, s28, $0xb8;
	[tilespmem:$0x1D940] =	vst v63  }
0xf9: {  	s9 =	sshrl.u32 s4, $0x3;
	_ =	swait.ge [sflag:s21], $0x4000  }
0xfa: {  	s9 =	sand.u32 $0x1FFFFFF0, s9;
	[sflag:s21] =	ssyncset.done $0x0  }
.LBB2_15:
0xfb: {  	s4 =	sadd.s32 s6, s9;
	[sflag:s21] =	ssyncadd.s32 @p0 $0xFFFFC000  }
0xfc: {  	[tilespmem:s22], [sflag:$0x2] =	stream.linear.gather [hbm4b:s4+s3], $0x80, $0x38;
	[tilespmem:$0x1D940] =	vst v63  }
0xfd: {  	_ =	swait.ge [sflag:s21], $0x80  }
0xfe: {  	[sflag:s21] =	ssyncset.done $0x0  }
0xff: {  	s10 =	sadd.s32 s1, s9;
	[sflag:s21] =	ssyncadd.s32 $0xFFFFFF80  }
0x100: {  	[tilespmem:s26], [sflag:$0x2] =	stream.linear.gather [hbm4b:s10+s3], $0x80, $0x38;
	[tilespmem:$0x1D940] =	vst v63  }
0x101: {  	_ =	swait.ge [sflag:s21], $0x80  }
0x102: {  	[sflag:s21] =	ssyncset.done $0x0  }
0x103: {  	[sflag:s21] =	ssyncadd.s32 $0xFFFFFF80  }
0x104: {  	[tilespmem:s29], [sflag:$0x1] =	stream.indirect.gather [hbm4b:s5+s28], $0x80, s22, s28, $0xb8;
	[tilespmem:$0x1D940] =	vst v63  }
0x105: {  	_ =	swait.ge [sflag:s30], $0x4000  }
0x106: {  	[sflag:s30] =	ssyncset.done $0x0  }
0x107: {  	[sflag:s30] =	ssyncadd.s32 $0xFFFFC000  }
0x108: {  	[spmem:s2] =	stream.indirect.scatter.add.f32 [tilespmem:s29], [sflag:$0x2], $0x80, s26, s28, $0xb8;
	[tilespmem:$0x1D940] =	vst v63  }
0x109: {  	_ =	swait.ge [sflag:s21], $0x4000  }
0x10a: {  	[sflag:s21] =	ssyncset.done $0x0  }
0x10b: {  	[sflag:s21] =	ssyncadd.s32 $0xFFFFC000  }
.LBB2_16:
0x10c: {  	[bflag:$0x0] =	sbarrier.arrive $0xFFFF  }
0x10d: {  	[hbm:s15], [sflag:s0] =	dma.local [spmem:s20], $0x3200  }
0x10e: {  	_ =	swait.ge [sflag:s21], $0x3200  }
0x10f: {  	[sflag:s21] =	ssyncset.done $0x0  }
0x110: {  	[sflag:s21] =	ssyncadd.s32 $0xFFFFCE00  }
0x111: {  	[bflag:$0x0] =	sbarrier.arrive $0xFFFF  }
0x112: {  	v0 =	vld [tilespmem:s25+$0x1D140]  }
0x113: {  	v1 =	vld [tilespmem:s8+$0x1D6C0];
	_ =	sdelay $0x3  }
0x114: {  	(v2sf) =	vpush v0, $0x0  }
0x115: {  	(v2sf) =	vpush v1, $0x0;
	_ =	sdelay $0xd  }
0x116: {  	s4 =	spop (v2sf)  }
0x117: {  	s7 =	spop (v2sf)  }
0x118: {  	[spmem:s20], [sflag:s0] =	dma.local [hbm:s16], $0x3200  }
0x119: {  	p0 =	slt.s32 s7, $0x1  }
.Ltmp14:
0x11a: {  	_ =	swait.ge [sflag:s21], $0x3200;
	(pc) =	sbr.rel @p0 .LBB2_21-.Ltmp14, $3  }
0x11b: {  	[sflag:s21] =	ssyncset.done $0x0  }
0x11c: {  	[sflag:s21] =	ssyncadd.s32 $0xFFFFCE00  }
0x11d: {  	[bflag:$0x0] =	sbarrier.arrive $0xFFFF;
	_ =	sdelay $0x1  }
0x11e: {  	s9 =	smul.u32 s7, s19;
	p1 =	sne.s32 s7, $0x1  }
.Ltmp15:
0x11f: {  	_ = 	snop;
	(pc) =	sbr.rel @!p1 .LBB2_20-.Ltmp15, $4  }
0x120: {  	_ = 	snop  }
0x121: {  	s4 =	sadd.s32 s9, s4  }
0x122: {  	s9 =	sshrl.u32 s4, $0x3  }
0x123: {  	s7 =	sadd.s32 $0xFFFFFFFF, s7;
	p0 =	por $0x0, $0x0;
	s9 =	sand.u32 $0x1FFFFFF0, s9  }
0x124: {  	s10 =	sadd.s32 s6, s9  }
0x125: {  	[tilespmem:s22], [sflag:$0x2] =	stream.linear.gather [hbm4b:s10+s3], $0x80, $0x38;
	[tilespmem:$0x1D940] =	vst v63  }
0x126: {  	_ =	swait.ge [sflag:s21], $0x80  }
0x127: {  	[sflag:s21] =	ssyncset.done $0x0  }
0x128: {  	s10 =	sadd.s32 s1, s9;
	[sflag:s21] =	ssyncadd.s32 $0xFFFFFF80  }
0x129: {  	[tilespmem:s26], [sflag:$0x2] =	stream.linear.gather [hbm4b:s10+s3], $0x80, $0x38;
	[tilespmem:$0x1D940] =	vst v63  }
0x12a: {  	_ =	swait.ge [sflag:s21], $0x80  }
0x12b: {  	[sflag:s21] =	ssyncset.done $0x0  }
0x12c: {  	[sflag:s21] =	ssyncadd.s32 $0xFFFFFF80  }
0x12d: {  	[tilespmem:s29], [sflag:$0x1] =	stream.indirect.gather [hbm4b:s5+s28], $0x80, s22, s28, $0xb8;
	[tilespmem:$0x1D940] =	vst v63  }
0x12e: {  	p1 =	sne.s32 s7, $0x1;
	_ =	swait.ge [sflag:s30], $0x4000  }
.Ltmp16:
0x12f: {  	[sflag:s30] =	ssyncset.done $0x0;
	(pc) =	sbr.rel @!p1 .LBB2_20-.Ltmp16, $4  }
0x130: {  	s4 =	sadd.s32 $0x80, s4;
	[sflag:s30] =	ssyncadd.s32 $0xFFFFC000  }
0x131: {  	[spmem:s2] =	stream.indirect.scatter.add.f32 [tilespmem:s29], [sflag:$0x2], $0x80, s26, s28, $0xb8;
	[tilespmem:$0x1D940] =	vst v63  }
0x132: {  	s7 =	sadd.s32 $0xFFFFFFFF, s7;
	s10 =	sshrl.u32 s4, $0x3;
	_ =	swait.ge [sflag:s21], $0x4000  }
0x133: {  	p0 =	por $0x1, $0x1;
	s9 =	sand.u32 $0x1FFFFFF0, s10;
	[sflag:s21] =	ssyncset.done $0x0  }
.LBB2_19:
0x134: {  	p1 =	sne.s32 s7, $0x1;
	s10 =	sadd.s32 s6, s9;
	[sflag:s21] =	ssyncadd.s32 $0xFFFFC000  }
0x135: {  	[tilespmem:s22], [sflag:$0x2] =	stream.linear.gather [hbm4b:s10+s3], $0x80, $0x38;
	[tilespmem:$0x1D940] =	vst v63  }
0x136: {  	s7 =	sadd.s32 $0xFFFFFFFF, s7;
	_ =	swait.ge [sflag:s21], $0x80  }
0x137: {  	[sflag:s21] =	ssyncset.done $0x0  }
0x138: {  	s9 =	sadd.s32 s1, s9;
	[sflag:s21] =	ssyncadd.s32 $0xFFFFFF80  }
0x139: {  	[tilespmem:s26], [sflag:$0x2] =	stream.linear.gather [hbm4b:s9+s3], $0x80, $0x38;
	[tilespmem:$0x1D940] =	vst v63  }
0x13a: {  	_ =	swait.ge [sflag:s21], $0x80  }
0x13b: {  	[sflag:s21] =	ssyncset.done $0x0  }
0x13c: {  	[sflag:s21] =	ssyncadd.s32 $0xFFFFFF80  }
0x13d: {  	[tilespmem:s29], [sflag:$0x1] =	stream.indirect.gather [hbm4b:s5+s28], $0x80, s22, s28, $0xb8;
	[tilespmem:$0x1D940] =	vst v63  }
0x13e: {  	_ =	swait.ge [sflag:s30], $0x4000  }
.Ltmp17:
0x13f: {  	[sflag:s30] =	ssyncset.done $0x0;
	(pc) =	sbr.rel @p1 .LBB2_19-.Ltmp17, $4  }
0x140: {  	s4 =	sadd.s32 $0x80, s4;
	[sflag:s30] =	ssyncadd.s32 $0xFFFFC000  }
0x141: {  	[spmem:s2] =	stream.indirect.scatter.add.f32 [tilespmem:s29], [sflag:$0x2], $0x80, s26, s28, $0xb8;
	[tilespmem:$0x1D940] =	vst v63  }
0x142: {  	s9 =	sshrl.u32 s4, $0x3;
	_ =	swait.ge [sflag:s21], $0x4000  }
0x143: {  	s9 =	sand.u32 $0x1FFFFFF0, s9;
	[sflag:s21] =	ssyncset.done $0x0  }
.Ltmp18:
0x144: {  	_ = 	snop;
	(pc) =	sbr.rel .LBB2_20-.Ltmp18, $1  }
0x145: {  	_ =	sdelay $0x3  }
.LBB2_22:
0x146: {  	_ =	sfence.sel $0x180000  }
0x147: {  	[bflag:$0x0] =	sbarrier.arrive $0xFFFF  }
0x148: {  	_ =	strace $0x90000053  }
0x149: {  	s0 =	stileid.u32;
	[bflag:$0x2] =	sbarrier.arrive $0xFFFF  }
0x14a: {  	p0 =	sne.s32 s0, $0x0;
	s0 =	rddreg [dreg:$0x3]  }
0x14b: {  	s0 =	sadd.s32 @!p0 $0x100000, s0  }
0x14c: {  	[sflag:s0] =	ssyncadd.tile.s32 @!p0 $0x1;
	_ =	shalt  }
.Lfunc_end2:
_tile_overlayer_lowered:
.L_overlay_start_2:
0x14d: {  	(tag) =	ssettag $0x2  }
0x14e: {  	s0 =	rddreg [dreg:$0x0];
	s2 =	stileid.u32  }
0x14f: {  	s1 =	rddreg [dreg:$0x1];
	p0 =	sne.s32 s2, $0x0  }
0x150: {  	s3 =	rddreg [dreg:$0x2];
	[bflag:$0x3] =	sbarrier.arrive $0xFFFF;
	s2 =	simm.s32 @!p0 $0x1C02  }
0x151: {  	[timem:s3], [sflag:s2] =	dma.local @!p0 [hbm:s0], s1  }
0x152: {  	s0 =	simm.s32 @!p0 $0x2  }
0x153: {  	_ =	swait.ge @!p0 [sflag:s0], s1  }
0x154: {  	s1 =	ssub.s32 @!p0 $0x0, s1;
	[sflag:s0] =	ssyncset.done @!p0 $0x0  }
0x155: {  	[sflag:s0] =	ssyncadd.s32 @!p0 s1  }
0x156: {  	[bflag:$0x3] =	sbarrier.arrive $0xFFFF  }
0x157: {  	_ =	shalt  }

// kernel: kernel.24.cloned.1.call-start
scs
__scs_entry_jumppad:
0x0: {  	(pc) =	sbr.rel $0x88, $3  }
0x1: {  	(tag) =	ssettag $0x0;
	lr =	simm.s32 $0x1  }
0x2: {  	[smem:$0x3F6F] =	sst lr;
	_ =	strace $0xD0000000  }
0x3: {  	_ = 	snop  }
0x4: {  	_ = 	snop  }
0x5: {  	_ = 	snop  }
0x6: {  	_ = 	snop  }
0x7: {  	_ = 	snop  }
__scs_overlays_trampoline_lowered:
0x8: {  	[smem:$0x3F7E] =	sst s0  }
0x9: {  	[smem:$0x3F7F] =	sst s1  }
0xa: {  	[smem:$0x3F80] =	sst s2  }
0xb: {  	[smem:$0x3F81] =	sst s3  }
0xc: {  	[smem:$0x3F82] =	sst s4  }
0xd: {  	[smem:$0x3F83] =	sst s5  }
0xe: {  	[smem:$0x3F84] =	sst s6  }
0xf: {  	[smem:$0x3F85] =	sst s7  }
0x10: {  	[smem:$0x3F86] =	sst s8  }
0x11: {  	[smem:$0x3F87] =	sst s9;
	s0 =	simm.s32 @!p0 $0x0  }
0x12: {  	s1 =	sld [smem:$0x3F6D];
	s0 =	simm.s32 @p0 $0x1  }
0x13: {  	[smem:$0x3F88] =	sst s0;
	s0 =	simm.s32 @!p1 $0x0  }
0x14: {  	s2 =	sld [smem:$0x3F6C];
	s0 =	simm.s32 @p1 $0x1  }
0x15: {  	[smem:$0x3F89] =	sst s0;
	s0 =	simm.s32 @!p2 $0x0  }
0x16: {  	s3 =	sld [smem:$0x3FDB];
	s0 =	simm.s32 @p2 $0x1  }
0x17: {  	s4 =	simm.s32 $0x1BF5;
	[smem:$0x3F8B] =	sst s0  }
0x18: {  	s0 =	sld [smem:$0x3F6E];
	_ =	swait.ge [sflag:s4], $0x0  }
0x19: {  	s7 =	sld [smem:$0x3F6F]  }
0x1a: {  	s8 =	sadd.s32 $0xFFFFE003, lr  }
0x1b: {  	s9 =	sadd.s32 $0xFFFFFEF7, lr;
	s5 =	simm.s32 $0xFFFFFFFF;
	p2 =	slt.u32 s8, $0xFFFFF086  }
0x1c: {  	p1 =	slt.u32 s9, $0xF7A;
	s5 =	simm.s32 @!p2 $0x0  }
0x1d: {  	s5 =	simm.s32 @p1 $0x1;
	p0 =	seq.s32 s7, s2  }
0x1e: {  	s7 =	smul.u32 @!p0 $0xF7A, s2;
	p2 =	seq.s32 @!p0 s5, $0x0  }
0x1f: {  	s9 =	smul.u32 $0xF7A, s1;
	s8 =	simm.s32 @!p0 $0x1BF5;
	p2 =	por !p2, p0  }
0x20: {  	[sflag:s8] =	ssyncset.s32 @!p0 $0xFFFFF086;
	s6 =	sadd.s32 @!p0 s3, s7;
	s7 =	simm.s32 @!p0 $0x108  }
0x21: {  	s3 =	sadd.s32 s3, s9;
	s6 =	sadd.s32 @!p0 $0x88, s6;
	s7 =	simm.s32 @p2 $0x1082  }
0x22: {  	[simem:s7], [sflag:s8] =	dma.local @!p0 [hbm:s6], $0xF7A  }
0x23: {  	s9 =	sor.u32 $0xD0000000, s2;
	s6 =	simm.s32 $0x108;
	_ =	swait.ge @!p0 [sflag:s8], $0x0  }
0x24: {  	s3 =	sadd.s32 $0x88, s3;
	s6 =	simm.s32 @!p1 $0x1082;
	[sflag:s4] =	ssyncset.s32 $0xFFFFF086  }
0x25: {  	[simem:s6], [sflag:s4] =	dma.local [hbm:s3], $0xF7A  }
0x26: {  	[smem:$0x3F6F] =	sst s1;
	(tag) =	ssettag s2;
	_ =	strace s9  }
0x27: {  	s1 =	sld [smem:$0x3F7F]  }
0x28: {  	s2 =	sld [smem:$0x3F80]  }
0x29: {  	s4 =	sld [smem:$0x3F82]  }
0x2a: {  	p0 =	seq.s32 s5, $0x0;
	s5 =	sld [smem:$0x3F83]  }
0x2b: {  	s6 =	sld [smem:$0x3F84]  }
0x2c: {  	s7 =	sld [smem:$0x3F85]  }
0x2d: {  	s3 =	simm.s32 $0x108;
	s8 =	sld [smem:$0x3F86]  }
0x2e: {  	s3 =	simm.s32 @!p0 $0x1082;
	s9 =	sld [smem:$0x3F87]  }
0x2f: {  	lr =	sadd.s32 s0, s3;
	s0 =	sld [smem:$0x3F7E]  }
0x30: {  	s3 =	sld [smem:$0x3F81]  }
0x31: {  	[smem:$0x3F8A] =	sst s10  }
0x32: {  	s10 =	sld [smem:$0x3F88];
	_ =	sdelay $0x3  }
0x33: {  	p0 =	seq.s32 s10, $0x1;
	s10 =	sld [smem:$0x3F8A];
	_ =	sdelay $0x3  }
0x34: {  	[smem:$0x3F8A] =	sst s10  }
0x35: {  	s10 =	sld [smem:$0x3F89];
	_ =	sdelay $0x3  }
0x36: {  	p1 =	seq.s32 s10, $0x1;
	s10 =	sld [smem:$0x3F8A];
	_ =	sdelay $0x3  }
0x37: {  	[smem:$0x3F8A] =	sst s10  }
0x38: {  	s10 =	sld [smem:$0x3F8B]  }
0x39: {  	_ = 	snop;
	(pc) =	sbr.ind lr, $3  }
0x3a: {  	_ = 	snop  }
0x3b: {  	_ = 	snop  }
0x3c: {  	p2 =	seq.s32 s10, $0x1;
	s10 =	sld [smem:$0x3F8A]  }
0x3d: {  	_ =	shalt  }
0x3e: {  	_ =	shalt  }
0x3f: {  	_ =	shalt  }
0x40: {  	_ =	shalt  }
0x41: {  	_ =	shalt  }
0x42: {  	_ =	shalt  }
0x43: {  	_ =	shalt  }
0x44: {  	_ =	shalt  }
0x45: {  	_ =	shalt  }
0x46: {  	_ =	shalt  }
0x47: {  	_ =	shalt  }
0x48: {  	_ =	shalt  }
0x49: {  	_ =	shalt  }
0x4a: {  	_ =	shalt  }
0x4b: {  	_ =	shalt  }
0x4c: {  	_ =	shalt  }
0x4d: {  	_ =	shalt  }
0x4e: {  	_ =	shalt  }
0x4f: {  	_ =	shalt  }
0x50: {  	_ =	shalt  }
0x51: {  	_ =	shalt  }
0x52: {  	_ =	shalt  }
0x53: {  	_ =	shalt  }
0x54: {  	_ =	shalt  }
0x55: {  	_ =	shalt  }
0x56: {  	_ =	shalt  }
0x57: {  	_ =	shalt  }
0x58: {  	_ =	shalt  }
0x59: {  	_ =	shalt  }
0x5a: {  	_ =	shalt  }
0x5b: {  	_ =	shalt  }
0x5c: {  	_ =	shalt  }
0x5d: {  	_ =	shalt  }
0x5e: {  	_ =	shalt  }
0x5f: {  	_ =	shalt  }
0x60: {  	_ =	shalt  }
0x61: {  	_ =	shalt  }
0x62: {  	_ =	shalt  }
0x63: {  	_ =	shalt  }
0x64: {  	_ =	shalt  }
0x65: {  	_ =	shalt  }
0x66: {  	_ =	shalt  }
0x67: {  	_ =	shalt  }
0x68: {  	_ =	shalt  }
0x69: {  	_ =	shalt  }
0x6a: {  	_ =	shalt  }
0x6b: {  	_ =	shalt  }
0x6c: {  	_ =	shalt  }
0x6d: {  	_ =	shalt  }
0x6e: {  	_ =	shalt  }
0x6f: {  	_ =	shalt  }
0x70: {  	_ =	shalt  }
0x71: {  	_ =	shalt  }
0x72: {  	_ =	shalt  }
0x73: {  	_ =	shalt  }
0x74: {  	_ =	shalt  }
0x75: {  	_ =	shalt  }
0x76: {  	_ =	shalt  }
0x77: {  	_ =	shalt  }
0x78: {  	_ =	shalt  }
0x79: {  	_ =	shalt  }
0x7a: {  	_ =	shalt  }
0x7b: {  	_ =	shalt  }
0x7c: {  	_ =	shalt  }
0x7d: {  	_ =	shalt  }
0x7e: {  	_ =	shalt  }
0x7f: {  	_ =	shalt  }
0x80: {  	_ =	shalt  }
0x81: {  	_ =	shalt  }
0x82: {  	_ =	shalt  }
0x83: {  	_ =	shalt  }
0x84: {  	_ =	shalt  }
0x85: {  	_ =	shalt  }
0x86: {  	_ =	shalt  }
0x87: {  	_ =	shalt  }
.Lfunc_end0:
.L_simem_size_0:
called_computation.5_lowered:
.L_overlay_start_0:
0x88: {  	s2 =	sld [smem:$0x3FD9]  }
0x89: {  	s3 =	sld [smem:$0x3FFE];
	_ =	sdelay $0x1  }
0x8a: {  	s1 =	srdreg.scid  }
0x8b: {  	s0 =	sand.u32 $0x1, s1  }
0x8c: {  	s17 =	sshll.u32 s0, $0xA;
	s2 =	sadd.s32 s3, s2  }
0x8d: {  	s2 =	sadd.s32 s2, s17  }
0x8e: {  	[smem:$0x3F96] =	sst s2  }
0x8f: {  	_ = 	snop  }
0x90: {  	s2 =	sld [smem:$0x3FD0];
	(tm) =	ssettm $0x1  }
0x91: {  	s18 =	sld [smem:$0x3FFB];
	_ =	sdelay $0x3  }
0x92: {  	_ =	strace s18  }
0x93: {  	s3 =	sld [smem:$0x3FFC];
	_ =	sdelay $0x3  }
0x94: {  	_ =	strace s3  }
0x95: {  	s3 =	sld [smem:$0x3FFD];
	_ =	sdelay $0x3  }
0x96: {  	_ =	strace s3  }
0x97: {  	_ =	strace $0x8FFFFFFF  }
0x98: {  	s19 =	sld [smem:$0x3FDB];
	_ =	sdelay $0x1  }
0x99: {  	s4 =	simm.s32 $_scs_section_size  }
0x9a: {  	s5 =	simm.s32 $_size__tile_overlayer_lowered;
	s6 =	simm.s32 $_tile_overlayer_lowered  }
0x9b: {  	s22 =	simm.s32 $0x1BFF;
	s21 =	sshll.u32 s6, $0x1;
	s3 =	sadd.s32 s4, s19  }
0x9c: {  	s7 =	simm.s32 $0x0;
	s20 =	sshll.u32 s5, $0x1;
	s5 =	sadd.s32 s21, s3  }
0x9d: {  	[timem:s7], [sflag:s22] =	dma.local [hbm:s5], s20  }
0x9e: {  	_ =	swait.ge [sflag:s22], s20  }
0x9f: {  	s4 =	ssub.s32 $0x0, s20;
	[sflag:s22] =	ssyncset.done $0x0  }
0xa0: {  	[sflag:s22] =	ssyncadd.s32 s4;
	_ =	sdelay $0x1  }
0xa1: {  	s23 =	simm.s32 $0x1B8B  }
0xa2: {  	_ =	swait.ge [sflag:s23], $0x1  }
0xa3: {  	[sflag:s23] =	ssyncset.done $0x0  }
0xa4: {  	s25 =	simm.s32 $0x1B8E;
	s24 =	sld [smem:$0x3FFE];
	[sflag:s23] =	ssyncadd.s32 $0xFFFFFFFF  }
0xa5: {  	s26 =	simm.s32 $execute0_lowered;
	[smem:$0x3FD2] =	sst s25  }
0xa6: {  	s5 =	sshll.u32 s26, $0x1;
	_ =	strace $0x80000055;
	[dreg:$0x1] =	wrdreg $0xFFFFFFFF  }
0xa7: {  	s28 =	simm.s32 $_size_execute0_lowered;
	s3 =	sadd.s32 s3, s5;
	[dreg:$0x0] =	wrdreg $0x0  }
0xa8: {  	s5 =	sshll.u32 s28, $0x1;
	[dreg:$0x2] =	wrdreg s3  }
0xa9: {  	[dreg:$0x3] =	wrdreg s5  }
0xaa: {  	[dreg:$0x4] =	wrdreg $0xC0  }
0xab: {  	_ =	task [dreg:s7], $0x5FFFF  }
0xac: {  	[dreg:$0x1] =	wrdreg $0xFFFFFFFF  }
0xad: {  	[dreg:$0x0] =	wrdreg $0x60  }
0xae: {  	[dreg:$0x2] =	wrdreg s24  }
0xaf: {  	[dreg:$0x3] =	wrdreg s2  }
0xb0: {  	[dreg:$0x4] =	wrdreg $0x0  }
0xb1: {  	[dreg:$0x5] =	wrdreg $0x9  }
0xb2: {  	_ =	task.clear_ibuf [dreg:s7], $0x6FFFF;
	_ =	strace $0x90000055  }
0xb3: {  	s29 =	simm.s32 $0x9;
	_ =	strace $0x80000057  }
0xb4: {  	_ =	swait.ge [sflag:s29], $0x1  }
0xb5: {  	[sflag:s29] =	ssyncadd.s32 $0xFFFFFFFF  }
0xb6: {  	_ =	strace $0x90000057  }
0xb7: {  	_ =	sfence  }
0xb8: {  	s30 =	sld [smem:$0x0];
	_ =	sdelay $0x2  }
0xb9: {  	s31 =	sshll.u32 s1, $0xD;
	s1 =	sshrl.u32 s1, $0x2  }
0xba: {  	s3 =	sand.u32 $0x4000, s31;
	s1 =	sadd.s32 s1, s30  }
0xbb: {  	s0 =	sor.u32 s3, s0;
	s1 =	sshll.u32 s1, $0x11  }
0xbc: {  	s0 =	sor.u32 s1, s0  }
0xbd: {  	s0 =	sadd.s32 $0x8F2B, s0  }
0xbe: {  	[sflag:s0] =	ssyncadd.remote.s32 $0x1  }
0xbf: {  	_ =	sfence.sel $0xFFFF  }
0xc0: {  	[dreg:$0x0] =	wrdreg $0xFFFFFFFF;
	(pc) =	sbr.abs _section_cstart, $3  }
0xc1: {  	[dreg:$0x1] =	wrdreg $0xFFFFFFFF  }
0xc2: {  	_ =	task.clear_ibuf [dreg:s7], $0x2FFFF;
	_ =	strace $0x9FFFFFFF  }
0xc3: {  	(tm) =	ssettm $0x7FFFFFFF  }
tec
execute0_lowered:
.L_overlay_start_1:
0x0: {  	(tag) =	ssettag $0x1  }
0x1: {  	s0 =	rddreg [dreg:$0x0]  }
0x2: {  	s1 =	rddreg [dreg:$0x1]  }
0x3: {  	s2 =	rddreg [dreg:$0x2];
	s3 =	simm.s32 $0x0  }
0x4: {  	s4 =	srdreg.scid;
	s19 =	stileid.u32;
	s21 =	simm.s32 $0x2  }
0x5: {  	s22 =	simm.s32 $0x1D040;
	s28 =	simm.s32 $0x80;
	s29 =	simm.s32 $0x19040  }
0x6: {  	s30 =	simm.s32 $0x1;
	s31 =	simm.s32 $0x0;
	[smem:$0x7FF] =	sst s3  }
0x7: {  	s5 =	sadd.s32 $0x375800, s0;
	s4 =	sand.u32 $0x1, s4;
	s9 =	smul.u32 $0x320, s19  }
0x8: {  	s6 =	sadd.s32 $0xA400, s0;
	s8 =	sadd.s32 $0x18000, s0;
	s10 =	smul.u32 $0x64000, s19  }
0x9: {  	s0 =	sadd.s32 $0x1B000, s0;
	s19 =	sshll.u32 s19, $0x7;
	_ =	strace $0x80000056  }
0xa: {  	s7 =	ssub.s32 $0x2, s4;
	[dreg:$0x4] =	wrdreg s8;
	s11 =	smul.u32 $0xC800, s4  }
0xb: {  	s12 =	sshll.u32 s4, $0x2;
	s8 =	sshll.u32 s4, $0x9;
	s4 =	sshllo.u32 s4, $0x2  }
0xc: {  	s23 =	sshrl.u32 s7, $0x1;
	s10 =	sshrl.u32 s10, $0x2;
	s13 =	sor.u32 $0x1, s12  }
0xd: {  	s15 =	sor.u32 $0x2, s12;
	s16 =	smul.u32 $0x3200, s4;
	s4 =	sshll.u32 s4, $0x9  }
0xe: {  	s7 =	ssub.s32 s7, s23;
	s10 =	sadd.s32 s10, s2;
	s14 =	smul.u32 $0x3200, s13  }
0xf: {  	s24 =	sadd.s32 s9, s11;
	s12 =	smul.u32 $0x3200, s15;
	s20 =	sshll.u32 s13, $0x9  }
0x10: {  	[dreg:$0x5] =	wrdreg s10;
	s11 =	sshll.u32 s24, $0x4;
	s24 =	sshll.u32 s15, $0x9  }
0x11: {  	s18 =	smax.u32 s7, $0x1;
	s23 =	sshrl.u32 s20, $0x2;
	s10 =	sadd.s32 s5, s11  }
0x12: {  	s11 =	sadd.s32 s0, s11;
	s25 =	sadd.s32 s9, s14;
	s26 =	sadd.s32 s9, s12  }
.Ltmp0:
0x13: {  	s9 =	sadd.s32 s9, s16;
	s24 =	sshrl.u32 s24, $0x2;
	(pc) =	sbr.rel .LBB2_1-.Ltmp0, $4  }
0x14: {  	[dreg:$0x6] =	wrdreg s10;
	s13 =	sshll.u32 s25, $0x4;
	s17 =	sshll.u32 s26, $0x4  }
0x15: {  	s9 =	sshll.u32 s9, $0x4;
	s25 =	sshrl.u32 s4, $0x2;
	s26 =	simm.s32 $0x1D0C0  }
0x16: {  	s12 =	sadd.s32 s5, s13;
	s13 =	sadd.s32 s0, s13;
	s14 =	sadd.s32 s5, s17  }
0x17: {  	s15 =	sadd.s32 s0, s17;
	s16 =	sadd.s32 s5, s9;
	s17 =	sadd.s32 s0, s9  }
.LBB2_20:
0x18: {  	s4 =	sadd.s32 s6, s9;
	[sflag:s21] =	ssyncadd.s32 @p0 $0xFFFFC000  }
0x19: {  	[tilespmem:s22], [sflag:$0x2] =	stream.linear.gather [hbm4b:s4+s3], $0x80, $0x38;
	[tilespmem:$0x1D940] =	vst v63  }
0x1a: {  	_ =	swait.ge [sflag:s21], $0x80  }
0x1b: {  	[sflag:s21] =	ssyncset.done $0x0  }
0x1c: {  	s10 =	sadd.s32 s1, s9;
	[sflag:s21] =	ssyncadd.s32 $0xFFFFFF80  }
0x1d: {  	[tilespmem:s26], [sflag:$0x2] =	stream.linear.gather [hbm4b:s10+s3], $0x80, $0x38;
	[tilespmem:$0x1D940] =	vst v63  }
0x1e: {  	_ =	swait.ge [sflag:s21], $0x80  }
0x1f: {  	[sflag:s21] =	ssyncset.done $0x0  }
0x20: {  	[sflag:s21] =	ssyncadd.s32 $0xFFFFFF80  }
0x21: {  	[tilespmem:s29], [sflag:$0x1] =	stream.indirect.gather [hbm4b:s5+s28], $0x80, s22, s28, $0xb8;
	[tilespmem:$0x1D940] =	vst v63  }
0x22: {  	_ =	swait.ge [sflag:s30], $0x4000  }
0x23: {  	[sflag:s30] =	ssyncset.done $0x0  }
0x24: {  	[sflag:s30] =	ssyncadd.s32 $0xFFFFC000  }
0x25: {  	[spmem:s2] =	stream.indirect.scatter.add.f32 [tilespmem:s29], [sflag:$0x2], $0x80, s26, s28, $0xb8;
	[tilespmem:$0x1D940] =	vst v63  }
0x26: {  	_ =	swait.ge [sflag:s21], $0x4000  }
0x27: {  	[sflag:s21] =	ssyncset.done $0x0  }
0x28: {  	[sflag:s21] =	ssyncadd.s32 $0xFFFFC000  }
.LBB2_21:
0x29: {  	[bflag:$0x0] =	sbarrier.arrive $0xFFFF;
	s31 =	sadd.s32 $0x1, s31  }
0x2a: {  	[hbm:s17], [sflag:s0] =	dma.local [spmem:s20], $0x3200  }
0x2b: {  	p0 =	sne.s32 s31, s18  }
.Ltmp1:
0x2c: {  	_ =	swait.ge [sflag:s21], $0x3200;
	(pc) =	sbr.rel @!p0 .LBB2_22-.Ltmp1, $3  }
0x2d: {  	[sflag:s21] =	ssyncset.done $0x0  }
0x2e: {  	[sflag:s21] =	ssyncadd.s32 $0xFFFFCE00  }
0x2f: {  	[bflag:$0x0] =	sbarrier.arrive $0xFFFF;
	_ =	sdelay $0x1  }
.LBB2_1:
0x30: {  	s0 =	rddreg [dreg:$0x4];
	s4 =	simm.s32 $0x1D140  }
0x31: {  	[tilespmem:s4], [sflag:$0x2] =	stream.linear.gather [hbm4b:s0+s3], $0x800, $0x38;
	[tilespmem:$0x1D940] =	vst v63  }
0x32: {  	_ =	swait.ge [sflag:s21], $0x800  }
0x33: {  	[sflag:s21] =	ssyncset.done $0x0  }
0x34: {  	[sflag:s21] =	ssyncadd.s32 $0xFFFFF800  }
0x35: {  	v0 =	vld [tilespmem:s8+$0x1D140]  }
0x36: {  	v1 =	vld [tilespmem:s8+$0x1D540];
	_ =	sdelay $0x3  }
0x37: {  	(v2sf) =	vpush v0, $0x0  }
0x38: {  	(v2sf) =	vpush v1, $0x0;
	_ =	sdelay $0xb  }
0x39: {  	s9 =	stileid.u32  }
0x3a: {  	s0 =	sshll.u32 s9, $0x6  }
0x3b: {  	s0 =	sor.u32 $0x1C02, s0;
	s9 =	rddreg [dreg:$0x5];
	s4 =	spop (v2sf)  }
0x3c: {  	s10 =	rddreg [dreg:$0x6];
	s20 =	sshrl.u32 s9, $0x3;
	s7 =	spop (v2sf)  }
0x3d: {  	[spmem:s20], [sflag:s0] =	dma.local [hbm:s10], $0x3200  }
0x3e: {  	p0 =	slt.s32 s7, $0x1  }
.Ltmp2:
0x3f: {  	_ =	swait.ge [sflag:s21], $0x3200;
	(pc) =	sbr.rel @p0 .LBB2_6-.Ltmp2, $3  }
0x40: {  	[sflag:s21] =	ssyncset.done $0x0  }
0x41: {  	[sflag:s21] =	ssyncadd.s32 $0xFFFFCE00  }
0x42: {  	[bflag:$0x0] =	sbarrier.arrive $0xFFFF;
	_ =	sdelay $0x1  }
0x43: {  	s9 =	smul.u32 s7, s19;
	p1 =	sne.s32 s7, $0x1  }
.Ltmp3:
0x44: {  	_ = 	snop;
	(pc) =	sbr.rel @!p1 .LBB2_5-.Ltmp3, $4  }
0x45: {  	_ = 	snop  }
0x46: {  	s4 =	sadd.s32 s9, s4  }
0x47: {  	s9 =	sshrl.u32 s4, $0x3  }
0x48: {  	s7 =	sadd.s32 $0xFFFFFFFF, s7;
	p0 =	por $0x0, $0x0;
	s9 =	sand.u32 $0x1FFFFFF0, s9  }
0x49: {  	s10 =	sadd.s32 s6, s9  }
0x4a: {  	[tilespmem:s22], [sflag:$0x2] =	stream.linear.gather [hbm4b:s10+s3], $0x80, $0x38;
	[tilespmem:$0x1D940] =	vst v63  }
0x4b: {  	_ =	swait.ge [sflag:s21], $0x80  }
0x4c: {  	[sflag:s21] =	ssyncset.done $0x0  }
0x4d: {  	s10 =	sadd.s32 s1, s9;
	[sflag:s21] =	ssyncadd.s32 $0xFFFFFF80  }
0x4e: {  	[tilespmem:s26], [sflag:$0x2] =	stream.linear.gather [hbm4b:s10+s3], $0x80, $0x38;
	[tilespmem:$0x1D940] =	vst v63  }
0x4f: {  	_ =	swait.ge [sflag:s21], $0x80  }
0x50: {  	[sflag:s21] =	ssyncset.done $0x0  }
0x51: {  	[sflag:s21] =	ssyncadd.s32 $0xFFFFFF80  }
0x52: {  	[tilespmem:s29], [sflag:$0x1] =	stream.indirect.gather [hbm4b:s5+s28], $0x80, s22, s28, $0xb8;
	[tilespmem:$0x1D940] =	vst v63  }
0x53: {  	p1 =	sne.s32 s7, $0x1;
	_ =	swait.ge [sflag:s30], $0x4000  }
.Ltmp4:
0x54: {  	[sflag:s30] =	ssyncset.done $0x0;
	(pc) =	sbr.rel @!p1 .LBB2_5-.Ltmp4, $4  }
0x55: {  	s4 =	sadd.s32 $0x80, s4;
	[sflag:s30] =	ssyncadd.s32 $0xFFFFC000  }
0x56: {  	[spmem:s2] =	stream.indirect.scatter.add.f32 [tilespmem:s29], [sflag:$0x2], $0x80, s26, s28, $0xb8;
	[tilespmem:$0x1D940] =	vst v63  }
0x57: {  	s7 =	sadd.s32 $0xFFFFFFFF, s7;
	s10 =	sshrl.u32 s4, $0x3;
	_ =	swait.ge [sflag:s21], $0x4000  }
0x58: {  	p0 =	por $0x1, $0x1;
	s9 =	sand.u32 $0x1FFFFFF0, s10;
	[sflag:s21] =	ssyncset.done $0x0  }
.LBB2_4:
0x59: {  	p1 =	sne.s32 s7, $0x1;
	s10 =	sadd.s32 s6, s9;
	[sflag:s21] =	ssyncadd.s32 $0xFFFFC000  }
0x5a: {  	[tilespmem:s22], [sflag:$0x2] =	stream.linear.gather [hbm4b:s10+s3], $0x80, $0x38;
	[tilespmem:$0x1D940] =	vst v63  }
0x5b: {  	s7 =	sadd.s32 $0xFFFFFFFF, s7;
	_ =	swait.ge [sflag:s21], $0x80  }
0x5c: {  	[sflag:s21] =	ssyncset.done $0x0  }
0x5d: {  	s9 =	sadd.s32 s1, s9;
	[sflag:s21] =	ssyncadd.s32 $0xFFFFFF80  }
0x5e: {  	[tilespmem:s26], [sflag:$0x2] =	stream.linear.gather [hbm4b:s9+s3], $0x80, $0x38;
	[tilespmem:$0x1D940] =	vst v63  }
0x5f: {  	_ =	swait.ge [sflag:s21], $0x80  }
0x60: {  	[sflag:s21] =	ssyncset.done $0x0  }
0x61: {  	[sflag:s21] =	ssyncadd.s32 $0xFFFFFF80  }
0x62: {  	[tilespmem:s29], [sflag:$0x1] =	stream.indirect.gather [hbm4b:s5+s28], $0x80, s22, s28, $0xb8;
	[tilespmem:$0x1D940] =	vst v63  }
0x63: {  	_ =	swait.ge [sflag:s30], $0x4000  }
.Ltmp5:
0x64: {  	[sflag:s30] =	ssyncset.done $0x0;
	(pc) =	sbr.rel @p1 .LBB2_4-.Ltmp5, $4  }
0x65: {  	s4 =	sadd.s32 $0x80, s4;
	[sflag:s30] =	ssyncadd.s32 $0xFFFFC000  }
0x66: {  	[spmem:s2] =	stream.indirect.scatter.add.f32 [tilespmem:s29], [sflag:$0x2], $0x80, s26, s28, $0xb8;
	[tilespmem:$0x1D940] =	vst v63  }
0x67: {  	s9 =	sshrl.u32 s4, $0x3;
	_ =	swait.ge [sflag:s21], $0x4000  }
0x68: {  	s9 =	sand.u32 $0x1FFFFFF0, s9;
	[sflag:s21] =	ssyncset.done $0x0  }
.LBB2_5:
0x69: {  	s4 =	sadd.s32 s6, s9;
	[sflag:s21] =	ssyncadd.s32 @p0 $0xFFFFC000  }
0x6a: {  	[tilespmem:s22], [sflag:$0x2] =	stream.linear.gather [hbm4b:s4+s3], $0x80, $0x38;
	[tilespmem:$0x1D940] =	vst v63  }
0x6b: {  	_ =	swait.ge [sflag:s21], $0x80  }
0x6c: {  	[sflag:s21] =	ssyncset.done $0x0  }
0x6d: {  	s10 =	sadd.s32 s1, s9;
	[sflag:s21] =	ssyncadd.s32 $0xFFFFFF80  }
0x6e: {  	[tilespmem:s26], [sflag:$0x2] =	stream.linear.gather [hbm4b:s10+s3], $0x80, $0x38;
	[tilespmem:$0x1D940] =	vst v63  }
0x6f: {  	_ =	swait.ge [sflag:s21], $0x80  }
0x70: {  	[sflag:s21] =	ssyncset.done $0x0  }
0x71: {  	[sflag:s21] =	ssyncadd.s32 $0xFFFFFF80  }
0x72: {  	[tilespmem:s29], [sflag:$0x1] =	stream.indirect.gather [hbm4b:s5+s28], $0x80, s22, s28, $0xb8;
	[tilespmem:$0x1D940] =	vst v63  }
0x73: {  	_ =	swait.ge [sflag:s30], $0x4000  }
0x74: {  	[sflag:s30] =	ssyncset.done $0x0  }
0x75: {  	[sflag:s30] =	ssyncadd.s32 $0xFFFFC000  }
0x76: {  	[spmem:s2] =	stream.indirect.scatter.add.f32 [tilespmem:s29], [sflag:$0x2], $0x80, s26, s28, $0xb8;
	[tilespmem:$0x1D940] =	vst v63  }
0x77: {  	_ =	swait.ge [sflag:s21], $0x4000  }
0x78: {  	[sflag:s21] =	ssyncset.done $0x0  }
0x79: {  	[sflag:s21] =	ssyncadd.s32 $0xFFFFC000  }
.LBB2_6:
0x7a: {  	[bflag:$0x0] =	sbarrier.arrive $0xFFFF  }
0x7b: {  	[hbm:s11], [sflag:s0] =	dma.local [spmem:s20], $0x3200  }
0x7c: {  	_ =	swait.ge [sflag:s21], $0x3200  }
0x7d: {  	[sflag:s21] =	ssyncset.done $0x0  }
0x7e: {  	[sflag:s21] =	ssyncadd.s32 $0xFFFFCE00  }
0x7f: {  	[bflag:$0x0] =	sbarrier.arrive $0xFFFF  }
0x80: {  	v0 =	vld [tilespmem:s23+$0x1D140]  }
0x81: {  	v1 =	vld [tilespmem:s8+$0x1D5C0];
	_ =	sdelay $0x3  }
0x82: {  	(v2sf) =	vpush v0, $0x0  }
0x83: {  	(v2sf) =	vpush v1, $0x0;
	_ =	sdelay $0xd  }
0x84: {  	s4 =	spop (v2sf)  }
0x85: {  	s7 =	spop (v2sf)  }
0x86: {  	[spmem:s20], [sflag:s0] =	dma.local [hbm:s12], $0x3200  }
0x87: {  	p0 =	slt.s32 s7, $0x1  }
.Ltmp6:
0x88: {  	_ =	swait.ge [sflag:s21], $0x3200;
	(pc) =	sbr.rel @p0 .LBB2_11-.Ltmp6, $3  }
0x89: {  	[sflag:s21] =	ssyncset.done $0x0  }
0x8a: {  	[sflag:s21] =	ssyncadd.s32 $0xFFFFCE00  }
0x8b: {  	[bflag:$0x0] =	sbarrier.arrive $0xFFFF;
	_ =	sdelay $0x1  }
0x8c: {  	s9 =	smul.u32 s7, s19;
	p1 =	sne.s32 s7, $0x1  }
.Ltmp7:
0x8d: {  	_ = 	snop;
	(pc) =	sbr.rel @!p1 .LBB2_10-.Ltmp7, $4  }
0x8e: {  	_ = 	snop  }
0x8f: {  	s4 =	sadd.s32 s9, s4  }
0x90: {  	s9 =	sshrl.u32 s4, $0x3  }
0x91: {  	s7 =	sadd.s32 $0xFFFFFFFF, s7;
	p0 =	por $0x0, $0x0;
	s9 =	sand.u32 $0x1FFFFFF0, s9  }
0x92: {  	s10 =	sadd.s32 s6, s9  }
0x93: {  	[tilespmem:s22], [sflag:$0x2] =	stream.linear.gather [hbm4b:s10+s3], $0x80, $0x38;
	[tilespmem:$0x1D940] =	vst v63  }
0x94: {  	_ =	swait.ge [sflag:s21], $0x80  }
0x95: {  	[sflag:s21] =	ssyncset.done $0x0  }
0x96: {  	s10 =	sadd.s32 s1, s9;
	[sflag:s21] =	ssyncadd.s32 $0xFFFFFF80  }
0x97: {  	[tilespmem:s26], [sflag:$0x2] =	stream.linear.gather [hbm4b:s10+s3], $0x80, $0x38;
	[tilespmem:$0x1D940] =	vst v63  }
0x98: {  	_ =	swait.ge [sflag:s21], $0x80  }
0x99: {  	[sflag:s21] =	ssyncset.done $0x0  }
0x9a: {  	[sflag:s21] =	ssyncadd.s32 $0xFFFFFF80  }
0x9b: {  	[tilespmem:s29], [sflag:$0x1] =	stream.indirect.gather [hbm4b:s5+s28], $0x80, s22, s28, $0xb8;
	[tilespmem:$0x1D940] =	vst v63  }
0x9c: {  	p1 =	sne.s32 s7, $0x1;
	_ =	swait.ge [sflag:s30], $0x4000  }
.Ltmp8:
0x9d: {  	[sflag:s30] =	ssyncset.done $0x0;
	(pc) =	sbr.rel @!p1 .LBB2_10-.Ltmp8, $4  }
0x9e: {  	s4 =	sadd.s32 $0x80, s4;
	[sflag:s30] =	ssyncadd.s32 $0xFFFFC000  }
0x9f: {  	[spmem:s2] =	stream.indirect.scatter.add.f32 [tilespmem:s29], [sflag:$0x2], $0x80, s26, s28, $0xb8;
	[tilespmem:$0x1D940] =	vst v63  }
0xa0: {  	s7 =	sadd.s32 $0xFFFFFFFF, s7;
	s10 =	sshrl.u32 s4, $0x3;
	_ =	swait.ge [sflag:s21], $0x4000  }
0xa1: {  	p0 =	por $0x1, $0x1;
	s9 =	sand.u32 $0x1FFFFFF0, s10;
	[sflag:s21] =	ssyncset.done $0x0  }
.LBB2_9:
0xa2: {  	p1 =	sne.s32 s7, $0x1;
	s10 =	sadd.s32 s6, s9;
	[sflag:s21] =	ssyncadd.s32 $0xFFFFC000  }
0xa3: {  	[tilespmem:s22], [sflag:$0x2] =	stream.linear.gather [hbm4b:s10+s3], $0x80, $0x38;
	[tilespmem:$0x1D940] =	vst v63  }
0xa4: {  	s7 =	sadd.s32 $0xFFFFFFFF, s7;
	_ =	swait.ge [sflag:s21], $0x80  }
0xa5: {  	[sflag:s21] =	ssyncset.done $0x0  }
0xa6: {  	s9 =	sadd.s32 s1, s9;
	[sflag:s21] =	ssyncadd.s32 $0xFFFFFF80  }
0xa7: {  	[tilespmem:s26], [sflag:$0x2] =	stream.linear.gather [hbm4b:s9+s3], $0x80, $0x38;
	[tilespmem:$0x1D940] =	vst v63  }
0xa8: {  	_ =	swait.ge [sflag:s21], $0x80  }
0xa9: {  	[sflag:s21] =	ssyncset.done $0x0  }
0xaa: {  	[sflag:s21] =	ssyncadd.s32 $0xFFFFFF80  }
0xab: {  	[tilespmem:s29], [sflag:$0x1] =	stream.indirect.gather [hbm4b:s5+s28], $0x80, s22, s28, $0xb8;
	[tilespmem:$0x1D940] =	vst v63  }
0xac: {  	_ =	swait.ge [sflag:s30], $0x4000  }
.Ltmp9:
0xad: {  	[sflag:s30] =	ssyncset.done $0x0;
	(pc) =	sbr.rel @p1 .LBB2_9-.Ltmp9, $4  }
0xae: {  	s4 =	sadd.s32 $0x80, s4;
	[sflag:s30] =	ssyncadd.s32 $0xFFFFC000  }
0xaf: {  	[spmem:s2] =	stream.indirect.scatter.add.f32 [tilespmem:s29], [sflag:$0x2], $0x80, s26, s28, $0xb8;
	[tilespmem:$0x1D940] =	vst v63  }
0xb0: {  	s9 =	sshrl.u32 s4, $0x3;
	_ =	swait.ge [sflag:s21], $0x4000  }
0xb1: {  	s9 =	sand.u32 $0x1FFFFFF0, s9;
	[sflag:s21] =	ssyncset.done $0x0  }
.LBB2_10:
0xb2: {  	s4 =	sadd.s32 s6, s9;
	[sflag:s21] =	ssyncadd.s32 @p0 $0xFFFFC000  }
0xb3: {  	[tilespmem:s22], [sflag:$0x2] =	stream.linear.gather [hbm4b:s4+s3], $0x80, $0x38;
	[tilespmem:$0x1D940] =	vst v63  }
0xb4: {  	_ =	swait.ge [sflag:s21], $0x80  }
0xb5: {  	[sflag:s21] =	ssyncset.done $0x0  }
0xb6: {  	s10 =	sadd.s32 s1, s9;
	[sflag:s21] =	ssyncadd.s32 $0xFFFFFF80  }
0xb7: {  	[tilespmem:s26], [sflag:$0x2] =	stream.linear.gather [hbm4b:s10+s3], $0x80, $0x38;
	[tilespmem:$0x1D940] =	vst v63  }
0xb8: {  	_ =	swait.ge [sflag:s21], $0x80  }
0xb9: {  	[sflag:s21] =	ssyncset.done $0x0  }
0xba: {  	[sflag:s21] =	ssyncadd.s32 $0xFFFFFF80  }
0xbb: {  	[tilespmem:s29], [sflag:$0x1] =	stream.indirect.gather [hbm4b:s5+s28], $0x80, s22, s28, $0xb8;
	[tilespmem:$0x1D940] =	vst v63  }
0xbc: {  	_ =	swait.ge [sflag:s30], $0x4000  }
0xbd: {  	[sflag:s30] =	ssyncset.done $0x0  }
0xbe: {  	[sflag:s30] =	ssyncadd.s32 $0xFFFFC000  }
0xbf: {  	[spmem:s2] =	stream.indirect.scatter.add.f32 [tilespmem:s29], [sflag:$0x2], $0x80, s26, s28, $0xb8;
	[tilespmem:$0x1D940] =	vst v63  }
0xc0: {  	_ =	swait.ge [sflag:s21], $0x4000  }
0xc1: {  	[sflag:s21] =	ssyncset.done $0x0  }
0xc2: {  	[sflag:s21] =	ssyncadd.s32 $0xFFFFC000  }
.LBB2_11:
0xc3: {  	[bflag:$0x0] =	sbarrier.arrive $0xFFFF  }
0xc4: {  	[hbm:s13], [sflag:s0] =	dma.local [spmem:s20], $0x3200  }
0xc5: {  	_ =	swait.ge [sflag:s21], $0x3200  }
0xc6: {  	[sflag:s21] =	ssyncset.done $0x0  }
0xc7: {  	[sflag:s21] =	ssyncadd.s32 $0xFFFFCE00  }
0xc8: {  	[bflag:$0x0] =	sbarrier.arrive $0xFFFF  }
0xc9: {  	v0 =	vld [tilespmem:s24+$0x1D140]  }
0xca: {  	v1 =	vld [tilespmem:s8+$0x1D640];
	_ =	sdelay $0x3  }
0xcb: {  	(v2sf) =	vpush v0, $0x0  }
0xcc: {  	(v2sf) =	vpush v1, $0x0;
	_ =	sdelay $0xd  }
0xcd: {  	s4 =	spop (v2sf)  }
0xce: {  	s7 =	spop (v2sf)  }
0xcf: {  	[spmem:s20], [sflag:s0] =	dma.local [hbm:s14], $0x3200  }
0xd0: {  	p0 =	slt.s32 s7, $0x1  }
.Ltmp10:
0xd1: {  	_ =	swait.ge [sflag:s21], $0x3200;
	(pc) =	sbr.rel @p0 .LBB2_16-.Ltmp10, $3  }
0xd2: {  	[sflag:s21] =	ssyncset.done $0x0  }
0xd3: {  	[sflag:s21] =	ssyncadd.s32 $0xFFFFCE00  }
0xd4: {  	[bflag:$0x0] =	sbarrier.arrive $0xFFFF;
	_ =	sdelay $0x1  }
0xd5: {  	s9 =	smul.u32 s7, s19;
	p1 =	sne.s32 s7, $0x1  }
.Ltmp11:
0xd6: {  	_ = 	snop;
	(pc) =	sbr.rel @!p1 .LBB2_15-.Ltmp11, $4  }
0xd7: {  	_ = 	snop  }
0xd8: {  	s4 =	sadd.s32 s9, s4  }
0xd9: {  	s9 =	sshrl.u32 s4, $0x3  }
0xda: {  	s7 =	sadd.s32 $0xFFFFFFFF, s7;
	p0 =	por $0x0, $0x0;
	s9 =	sand.u32 $0x1FFFFFF0, s9  }
0xdb: {  	s10 =	sadd.s32 s6, s9  }
0xdc: {  	[tilespmem:s22], [sflag:$0x2] =	stream.linear.gather [hbm4b:s10+s3], $0x80, $0x38;
	[tilespmem:$0x1D940] =	vst v63  }
0xdd: {  	_ =	swait.ge [sflag:s21], $0x80  }
0xde: {  	[sflag:s21] =	ssyncset.done $0x0  }
0xdf: {  	s10 =	sadd.s32 s1, s9;
	[sflag:s21] =	ssyncadd.s32 $0xFFFFFF80  }
0xe0: {  	[tilespmem:s26], [sflag:$0x2] =	stream.linear.gather [hbm4b:s10+s3], $0x80, $0x38;
	[tilespmem:$0x1D940] =	vst v63  }
0xe1: {  	_ =	swait.ge [sflag:s21], $0x80  }
0xe2: {  	[sflag:s21] =	ssyncset.done $0x0  }
0xe3: {  	[sflag:s21] =	ssyncadd.s32 $0xFFFFFF80  }
0xe4: {  	[tilespmem:s29], [sflag:$0x1] =	stream.indirect.gather [hbm4b:s5+s28], $0x80, s22, s28, $0xb8;
	[tilespmem:$0x1D940] =	vst v63  }
0xe5: {  	p1 =	sne.s32 s7, $0x1;
	_ =	swait.ge [sflag:s30], $0x4000  }
.Ltmp12:
0xe6: {  	[sflag:s30] =	ssyncset.done $0x0;
	(pc) =	sbr.rel @!p1 .LBB2_15-.Ltmp12, $4  }
0xe7: {  	s4 =	sadd.s32 $0x80, s4;
	[sflag:s30] =	ssyncadd.s32 $0xFFFFC000  }
0xe8: {  	[spmem:s2] =	stream.indirect.scatter.add.f32 [tilespmem:s29], [sflag:$0x2], $0x80, s26, s28, $0xb8;
	[tilespmem:$0x1D940] =	vst v63  }
0xe9: {  	s7 =	sadd.s32 $0xFFFFFFFF, s7;
	s10 =	sshrl.u32 s4, $0x3;
	_ =	swait.ge [sflag:s21], $0x4000  }
0xea: {  	p0 =	por $0x1, $0x1;
	s9 =	sand.u32 $0x1FFFFFF0, s10;
	[sflag:s21] =	ssyncset.done $0x0  }
.LBB2_14:
0xeb: {  	p1 =	sne.s32 s7, $0x1;
	s10 =	sadd.s32 s6, s9;
	[sflag:s21] =	ssyncadd.s32 $0xFFFFC000  }
0xec: {  	[tilespmem:s22], [sflag:$0x2] =	stream.linear.gather [hbm4b:s10+s3], $0x80, $0x38;
	[tilespmem:$0x1D940] =	vst v63  }
0xed: {  	s7 =	sadd.s32 $0xFFFFFFFF, s7;
	_ =	swait.ge [sflag:s21], $0x80  }
0xee: {  	[sflag:s21] =	ssyncset.done $0x0  }
0xef: {  	s9 =	sadd.s32 s1, s9;
	[sflag:s21] =	ssyncadd.s32 $0xFFFFFF80  }
0xf0: {  	[tilespmem:s26], [sflag:$0x2] =	stream.linear.gather [hbm4b:s9+s3], $0x80, $0x38;
	[tilespmem:$0x1D940] =	vst v63  }
0xf1: {  	_ =	swait.ge [sflag:s21], $0x80  }
0xf2: {  	[sflag:s21] =	ssyncset.done $0x0  }
0xf3: {  	[sflag:s21] =	ssyncadd.s32 $0xFFFFFF80  }
0xf4: {  	[tilespmem:s29], [sflag:$0x1] =	stream.indirect.gather [hbm4b:s5+s28], $0x80, s22, s28, $0xb8;
	[tilespmem:$0x1D940] =	vst v63  }
0xf5: {  	_ =	swait.ge [sflag:s30], $0x4000  }
.Ltmp13:
0xf6: {  	[sflag:s30] =	ssyncset.done $0x0;
	(pc) =	sbr.rel @p1 .LBB2_14-.Ltmp13, $4  }
0xf7: {  	s4 =	sadd.s32 $0x80, s4;
	[sflag:s30] =	ssyncadd.s32 $0xFFFFC000  }
0xf8: {  	[spmem:s2] =	stream.indirect.scatter.add.f32 [tilespmem:s29], [sflag:$0x2], $0x80, s26, s28, $0xb8;
	[tilespmem:$0x1D940] =	vst v63  }
0xf9: {  	s9 =	sshrl.u32 s4, $0x3;
	_ =	swait.ge [sflag:s21], $0x4000  }
0xfa: {  	s9 =	sand.u32 $0x1FFFFFF0, s9;
	[sflag:s21] =	ssyncset.done $0x0  }
.LBB2_15:
0xfb: {  	s4 =	sadd.s32 s6, s9;
	[sflag:s21] =	ssyncadd.s32 @p0 $0xFFFFC000  }
0xfc: {  	[tilespmem:s22], [sflag:$0x2] =	stream.linear.gather [hbm4b:s4+s3], $0x80, $0x38;
	[tilespmem:$0x1D940] =	vst v63  }
0xfd: {  	_ =	swait.ge [sflag:s21], $0x80  }
0xfe: {  	[sflag:s21] =	ssyncset.done $0x0  }
0xff: {  	s10 =	sadd.s32 s1, s9;
	[sflag:s21] =	ssyncadd.s32 $0xFFFFFF80  }
0x100: {  	[tilespmem:s26], [sflag:$0x2] =	stream.linear.gather [hbm4b:s10+s3], $0x80, $0x38;
	[tilespmem:$0x1D940] =	vst v63  }
0x101: {  	_ =	swait.ge [sflag:s21], $0x80  }
0x102: {  	[sflag:s21] =	ssyncset.done $0x0  }
0x103: {  	[sflag:s21] =	ssyncadd.s32 $0xFFFFFF80  }
0x104: {  	[tilespmem:s29], [sflag:$0x1] =	stream.indirect.gather [hbm4b:s5+s28], $0x80, s22, s28, $0xb8;
	[tilespmem:$0x1D940] =	vst v63  }
0x105: {  	_ =	swait.ge [sflag:s30], $0x4000  }
0x106: {  	[sflag:s30] =	ssyncset.done $0x0  }
0x107: {  	[sflag:s30] =	ssyncadd.s32 $0xFFFFC000  }
0x108: {  	[spmem:s2] =	stream.indirect.scatter.add.f32 [tilespmem:s29], [sflag:$0x2], $0x80, s26, s28, $0xb8;
	[tilespmem:$0x1D940] =	vst v63  }
0x109: {  	_ =	swait.ge [sflag:s21], $0x4000  }
0x10a: {  	[sflag:s21] =	ssyncset.done $0x0  }
0x10b: {  	[sflag:s21] =	ssyncadd.s32 $0xFFFFC000  }
.LBB2_16:
0x10c: {  	[bflag:$0x0] =	sbarrier.arrive $0xFFFF  }
0x10d: {  	[hbm:s15], [sflag:s0] =	dma.local [spmem:s20], $0x3200  }
0x10e: {  	_ =	swait.ge [sflag:s21], $0x3200  }
0x10f: {  	[sflag:s21] =	ssyncset.done $0x0  }
0x110: {  	[sflag:s21] =	ssyncadd.s32 $0xFFFFCE00  }
0x111: {  	[bflag:$0x0] =	sbarrier.arrive $0xFFFF  }
0x112: {  	v0 =	vld [tilespmem:s25+$0x1D140]  }
0x113: {  	v1 =	vld [tilespmem:s8+$0x1D6C0];
	_ =	sdelay $0x3  }
0x114: {  	(v2sf) =	vpush v0, $0x0  }
0x115: {  	(v2sf) =	vpush v1, $0x0;
	_ =	sdelay $0xd  }
0x116: {  	s4 =	spop (v2sf)  }
0x117: {  	s7 =	spop (v2sf)  }
0x118: {  	[spmem:s20], [sflag:s0] =	dma.local [hbm:s16], $0x3200  }
0x119: {  	p0 =	slt.s32 s7, $0x1  }
.Ltmp14:
0x11a: {  	_ =	swait.ge [sflag:s21], $0x3200;
	(pc) =	sbr.rel @p0 .LBB2_21-.Ltmp14, $3  }
0x11b: {  	[sflag:s21] =	ssyncset.done $0x0  }
0x11c: {  	[sflag:s21] =	ssyncadd.s32 $0xFFFFCE00  }
0x11d: {  	[bflag:$0x0] =	sbarrier.arrive $0xFFFF;
	_ =	sdelay $0x1  }
0x11e: {  	s9 =	smul.u32 s7, s19;
	p1 =	sne.s32 s7, $0x1  }
.Ltmp15:
0x11f: {  	_ = 	snop;
	(pc) =	sbr.rel @!p1 .LBB2_20-.Ltmp15, $4  }
0x120: {  	_ = 	snop  }
0x121: {  	s4 =	sadd.s32 s9, s4  }
0x122: {  	s9 =	sshrl.u32 s4, $0x3  }
0x123: {  	s7 =	sadd.s32 $0xFFFFFFFF, s7;
	p0 =	por $0x0, $0x0;
	s9 =	sand.u32 $0x1FFFFFF0, s9  }
0x124: {  	s10 =	sadd.s32 s6, s9  }
0x125: {  	[tilespmem:s22], [sflag:$0x2] =	stream.linear.gather [hbm4b:s10+s3], $0x80, $0x38;
	[tilespmem:$0x1D940] =	vst v63  }
0x126: {  	_ =	swait.ge [sflag:s21], $0x80  }
0x127: {  	[sflag:s21] =	ssyncset.done $0x0  }
0x128: {  	s10 =	sadd.s32 s1, s9;
	[sflag:s21] =	ssyncadd.s32 $0xFFFFFF80  }
0x129: {  	[tilespmem:s26], [sflag:$0x2] =	stream.linear.gather [hbm4b:s10+s3], $0x80, $0x38;
	[tilespmem:$0x1D940] =	vst v63  }
0x12a: {  	_ =	swait.ge [sflag:s21], $0x80  }
0x12b: {  	[sflag:s21] =	ssyncset.done $0x0  }
0x12c: {  	[sflag:s21] =	ssyncadd.s32 $0xFFFFFF80  }
0x12d: {  	[tilespmem:s29], [sflag:$0x1] =	stream.indirect.gather [hbm4b:s5+s28], $0x80, s22, s28, $0xb8;
	[tilespmem:$0x1D940] =	vst v63  }
0x12e: {  	p1 =	sne.s32 s7, $0x1;
	_ =	swait.ge [sflag:s30], $0x4000  }
.Ltmp16:
0x12f: {  	[sflag:s30] =	ssyncset.done $0x0;
	(pc) =	sbr.rel @!p1 .LBB2_20-.Ltmp16, $4  }
0x130: {  	s4 =	sadd.s32 $0x80, s4;
	[sflag:s30] =	ssyncadd.s32 $0xFFFFC000  }
0x131: {  	[spmem:s2] =	stream.indirect.scatter.add.f32 [tilespmem:s29], [sflag:$0x2], $0x80, s26, s28, $0xb8;
	[tilespmem:$0x1D940] =	vst v63  }
0x132: {  	s7 =	sadd.s32 $0xFFFFFFFF, s7;
	s10 =	sshrl.u32 s4, $0x3;
	_ =	swait.ge [sflag:s21], $0x4000  }
0x133: {  	p0 =	por $0x1, $0x1;
	s9 =	sand.u32 $0x1FFFFFF0, s10;
	[sflag:s21] =	ssyncset.done $0x0  }
.LBB2_19:
0x134: {  	p1 =	sne.s32 s7, $0x1;
	s10 =	sadd.s32 s6, s9;
	[sflag:s21] =	ssyncadd.s32 $0xFFFFC000  }
0x135: {  	[tilespmem:s22], [sflag:$0x2] =	stream.linear.gather [hbm4b:s10+s3], $0x80, $0x38;
	[tilespmem:$0x1D940] =	vst v63  }
0x136: {  	s7 =	sadd.s32 $0xFFFFFFFF, s7;
	_ =	swait.ge [sflag:s21], $0x80  }
0x137: {  	[sflag:s21] =	ssyncset.done $0x0  }
0x138: {  	s9 =	sadd.s32 s1, s9;
	[sflag:s21] =	ssyncadd.s32 $0xFFFFFF80  }
0x139: {  	[tilespmem:s26], [sflag:$0x2] =	stream.linear.gather [hbm4b:s9+s3], $0x80, $0x38;
	[tilespmem:$0x1D940] =	vst v63  }
0x13a: {  	_ =	swait.ge [sflag:s21], $0x80  }
0x13b: {  	[sflag:s21] =	ssyncset.done $0x0  }
0x13c: {  	[sflag:s21] =	ssyncadd.s32 $0xFFFFFF80  }
0x13d: {  	[tilespmem:s29], [sflag:$0x1] =	stream.indirect.gather [hbm4b:s5+s28], $0x80, s22, s28, $0xb8;
	[tilespmem:$0x1D940] =	vst v63  }
0x13e: {  	_ =	swait.ge [sflag:s30], $0x4000  }
.Ltmp17:
0x13f: {  	[sflag:s30] =	ssyncset.done $0x0;
	(pc) =	sbr.rel @p1 .LBB2_19-.Ltmp17, $4  }
0x140: {  	s4 =	sadd.s32 $0x80, s4;
	[sflag:s30] =	ssyncadd.s32 $0xFFFFC000  }
0x141: {  	[spmem:s2] =	stream.indirect.scatter.add.f32 [tilespmem:s29], [sflag:$0x2], $0x80, s26, s28, $0xb8;
	[tilespmem:$0x1D940] =	vst v63  }
0x142: {  	s9 =	sshrl.u32 s4, $0x3;
	_ =	swait.ge [sflag:s21], $0x4000  }
0x143: {  	s9 =	sand.u32 $0x1FFFFFF0, s9;
	[sflag:s21] =	ssyncset.done $0x0  }
.Ltmp18:
0x144: {  	_ = 	snop;
	(pc) =	sbr.rel .LBB2_20-.Ltmp18, $1  }
0x145: {  	_ =	sdelay $0x3  }
.LBB2_22:
0x146: {  	_ =	sfence.sel $0x180000  }
0x147: {  	[bflag:$0x0] =	sbarrier.arrive $0xFFFF  }
0x148: {  	_ =	strace $0x90000056  }
0x149: {  	s0 =	stileid.u32;
	[bflag:$0x2] =	sbarrier.arrive $0xFFFF  }
0x14a: {  	p0 =	sne.s32 s0, $0x0;
	s0 =	rddreg [dreg:$0x3]  }
0x14b: {  	s0 =	sadd.s32 @!p0 $0x100000, s0  }
0x14c: {  	[sflag:s0] =	ssyncadd.tile.s32 @!p0 $0x1;
	_ =	shalt  }
.Lfunc_end2:
_tile_overlayer_lowered:
.L_overlay_start_2:
0x14d: {  	(tag) =	ssettag $0x2  }
0x14e: {  	s0 =	rddreg [dreg:$0x0];
	s2 =	stileid.u32  }
0x14f: {  	s1 =	rddreg [dreg:$0x1];
	p0 =	sne.s32 s2, $0x0  }
0x150: {  	s3 =	rddreg [dreg:$0x2];
	[bflag:$0x3] =	sbarrier.arrive $0xFFFF;
	s2 =	simm.s32 @!p0 $0x1C02  }
0x151: {  	[timem:s3], [sflag:s2] =	dma.local @!p0 [hbm:s0], s1  }
0x152: {  	s0 =	simm.s32 @!p0 $0x2  }
0x153: {  	_ =	swait.ge @!p0 [sflag:s0], s1  }
0x154: {  	s1 =	ssub.s32 @!p0 $0x0, s1;
	[sflag:s0] =	ssyncset.done @!p0 $0x0  }
0x155: {  	[sflag:s0] =	ssyncadd.s32 @!p0 s1  }
0x156: {  	[bflag:$0x3] =	sbarrier.arrive $0xFFFF  }
0x157: {  	_ =	shalt  }

</sc_bundles>
